<compile_context>
chip_gen: v7x
topology: tpu7x:2x2x1
jax: 0.10.2.dev20260603
libtpu: 0.0.44.dev20260713+nightly
codegen_flags: <defaults>
</compile_context>

<pallas_src>
import functools

import jax
import jax.numpy as jnp
from jax import lax
from jax.experimental import pallas as pl
from jax.experimental.pallas import tpu as pltpu
from jax.experimental.pallas import tpu_sc as plsc

NC = 2
NS = 16
NW = NC * NS

IB = 128
SCALE = 8.0


@functools.lru_cache(maxsize=None)
def _build(R, K, D):
    assert D == 64 and R % (NW * IB) == 0, (R, K, D)
    nb = R // (NW * IB)
    n_pairs = K * nb
    NBUF = 4
    assert n_pairs % NBUF == 0

    mesh = plsc.VectorSubcoreMesh(core_axis_name="c", subcore_axis_name="s")

    @functools.partial(
        pl.kernel,
        mesh=mesh,
        compiler_params=pltpu.CompilerParams(use_tc_tiling_on_sc=False,
                                             needs_layout_passes=False),
        out_type=jax.ShapeDtypeStruct((K, D // 8, R // IB, 8, IB), jnp.float32),
        scratch_types=[
            pltpu.VMEM((K, nb * IB), jnp.int32),
            pltpu.VMEM((NBUF * IB, D), jnp.float32),
            pltpu.VMEM((NBUF * D, IB), jnp.float32),
            pltpu.SemaphoreType.DMA,
            pltpu.SemaphoreType.DMA,
            pltpu.SemaphoreType.DMA,
            pltpu.SemaphoreType.DMA,
            pltpu.SemaphoreType.DMA,
            pltpu.SemaphoreType.DMA,
            pltpu.SemaphoreType.DMA,
            pltpu.SemaphoreType.DMA,
            pltpu.SemaphoreType.DMA,
        ],
    )
    def k(xT_hbm, table_hbm, out_hbm, idx_v, g_v, c_v, isem, gsem0, gsem1,
          gsem2, gsem3, osem0, osem1, osem2, osem3):
        wid = lax.axis_index("s") * NC + lax.axis_index("c")
        col0 = wid * (nb * IB)

        icps = [
            pltpu.async_copy(xT_hbm.at[j, pl.ds(col0, nb * IB)],
                             idx_v.at[j], isem)
            for j in range(K)
        ]
        for cp in icps:
            cp.wait()

        gsems = (gsem0, gsem1, gsem2, gsem3)
        osems = (osem0, osem1, osem2, osem3)
        iota = lax.iota(jnp.int32, 16)
        rots = [(iota + r) & 15 for r in range(16)]

        def fire_gather(p, buf):
            j = p // nb
            b = p % nb
            pltpu.async_copy(
                table_hbm.at[idx_v.at[j, pl.ds(b * IB, IB)]],
                g_v.at[pl.ds(buf * IB, IB)], gsems[buf])

        def wait_gather(buf):
            pltpu.make_async_copy(table_hbm.at[pl.ds(0, IB)],
                                  g_v.at[pl.ds(buf * IB, IB)],
                                  gsems[buf]).wait()

        def drain_out(buf):
            pltpu.make_async_copy(table_hbm.at[pl.ds(0, IB)],
                                  g_v.at[pl.ds(buf * IB, IB)],
                                  osems[buf]).wait()

        def process(p, buf):
            wait_gather(buf)

            g_ref = g_v.at[pl.ds(buf * IB, IB)]
            c_ref = c_v.at[pl.ds(buf * D, D)]

            def block(t, carry):
                bi = t // (D // 16)
                bk = t % (D // 16)
                i2 = bi * 16 + iota
                kvs = [bk * 16 + rots[r] for r in range(16)]
                vals = [plsc.load_gather(g_ref, [i2, kvs[r]]) * SCALE
                        for r in range(16)]
                for r in range(16):
                    plsc.store_scatter(c_ref, [kvs[r], i2], vals[r])
                return carry

            lax.fori_loop(0, (IB // 16) * (D // 16), block, 0)

            j = p // nb
            ig = wid * nb + (p % nb)
            for k1 in range(D // 8):
                pltpu.async_copy(c_v.at[pl.ds(buf * D + k1 * 8, 8)],
                                 out_hbm.at[j, k1, ig], osems[buf])

        for b in range(NBUF - 1):
            fire_gather(jnp.int32(b), b)

        def pair4_body(q, carry):
            p0 = NBUF * q
            for u in range(NBUF):
                p = p0 + u
                nxt = (u + NBUF - 1) % NBUF

                @pl.when(p + NBUF - 1 < n_pairs)
                def _():
                    fire_gather(p + NBUF - 1, nxt)

                @pl.when(q > 0)
                def _():
                    drain_out(u)

                process(p, u)
            return carry

        lax.fori_loop(0, n_pairs // NBUF, pair4_body, 0)
        for b in range(NBUF):
            drain_out(b)

    return k


def kernel(x, table):
    R, K = x.shape
    D = table.shape[1]
    xT = jnp.swapaxes(x, 0, 1).astype(jnp.int32)
    out5 = _build(R, K, D)(xT, table)
    return out5.transpose(2, 4, 0, 1, 3).reshape(R, K, D)

# --- scband reference (transcript-rebuilt; emitter-appended) ---
"""Pipeline reference for scband-embedding-6966436954645 (READ-ONLY COPY).

The authoritative reference and input builder live on the scoring server;
editing this copy changes nothing except your own understanding.
"""

import jax, jax.numpy as jnp
import numpy as np
import math

VOCAB = 1000000
EMB = 64

def setup_inputs(seed: int = 0) -> dict:
    key = jax.random.key(seed)
    k1, k2 = jax.random.split(key)
    x = jax.random.randint(k1, (16384, 50), 0, VOCAB, dtype=jnp.int64 if jax.config.jax_enable_x64 else jnp.int32)
    table = jax.random.normal(k2, (VOCAB, EMB), dtype=jnp.float32)
    return {"x": x, "table": table}

def reference(x, table):
    # Embedding lookup followed by scaling by sqrt(emb_size)
    out = jnp.take(table, x, axis=0) * math.sqrt(EMB)
    return out

if __name__ == "__main__":
    import jax
    _d = setup_inputs()
    print(jax.jit(kernel)(*tuple(_d.values())))

</pallas_src>

<mosaic_0001>
#map = affine_map<(d0, d1) -> (0, 0)>
#map1 = affine_map<(d0, d1) -> (0, 0, 0, 0, 0)>
module attributes {stable_mosaic.version = 14 : i64} {
  func.func @k(%arg0: i32, %arg1: i32, %arg2: memref<50x16384xi32, #tpu.memory_space<hbm>>, %arg3: memref<1000000x64xf32, #tpu.memory_space<hbm>>, %arg4: memref<50x8x128x8x128xf32, #tpu.memory_space<hbm>>, %arg5: memref<50x512xi32, #tpu.memory_space<vmem>>, %arg6: memref<512x64xf32, #tpu.memory_space<vmem>>, %arg7: memref<256x128xf32, #tpu.memory_space<vmem>>, %arg8: memref<!tpu.dma_semaphore, #tpu.memory_space<semaphore_mem>>, %arg9: memref<!tpu.dma_semaphore, #tpu.memory_space<semaphore_mem>>, %arg10: memref<!tpu.dma_semaphore, #tpu.memory_space<semaphore_mem>>, %arg11: memref<!tpu.dma_semaphore, #tpu.memory_space<semaphore_mem>>, %arg12: memref<!tpu.dma_semaphore, #tpu.memory_space<semaphore_mem>>, %arg13: memref<!tpu.dma_semaphore, #tpu.memory_space<semaphore_mem>>, %arg14: memref<!tpu.dma_semaphore, #tpu.memory_space<semaphore_mem>>, %arg15: memref<!tpu.dma_semaphore, #tpu.memory_space<semaphore_mem>>, %arg16: memref<!tpu.dma_semaphore, #tpu.memory_space<semaphore_mem>>) attributes {dimension_semantics = [#tpu.dimension_semantics<core_parallel>, #tpu.dimension_semantics<subcore_parallel>], iteration_bounds = array<i64: 2, 16>, scalar_prefetch = 0 : i64, scratch_operands = 12 : i64, tpu.core_type = #tpu.core_type<sc_vector_subcore>, window_params = [{transform_indices = #map}, {transform_indices = #map}, {transform_indices = #map1}]} {
    %mul3A = arith.constant 2 : i32
    %mul3A_0 = arith.muli %arg1, %mul3A : i32
    %add3A = arith.addi %mul3A_0, %arg0 : i32
    %mul3A_1 = arith.constant 512 : i32
    %mul3A_2 = arith.muli %add3A, %mul3A_1 : i32
    %dma_start3A = arith.constant 0 : i32
    %dma_start3A_3 = arith.constant 0 : i32
    %dma_start3A_4 = arith.constant 0 : i32
    %dma_start3A_5 = tpu.memref_slice %arg5[%dma_start3A_3, %dma_start3A_4] : memref<50x512xi32, #tpu.memory_space<vmem>> -> memref<1x512xi32, #tpu.memory_space<vmem>>
    %dma_start3A_6 = tpu.memref_squeeze %dma_start3A_5 : memref<1x512xi32, #tpu.memory_space<vmem>> -> memref<512xi32, #tpu.memory_space<vmem>>
    %dma_start3A_7 = tpu.memref_slice %arg2[%dma_start3A, %mul3A_2] : memref<50x16384xi32, #tpu.memory_space<hbm>> -> memref<1x512xi32, #tpu.memory_space<hbm>>
    %dma_start3A_8 = tpu.memref_squeeze %dma_start3A_7 : memref<1x512xi32, #tpu.memory_space<hbm>> -> memref<512xi32, #tpu.memory_space<hbm>>
    %dma_start3A_9 = arith.constant 0 : i32
    %dma_start3A_10 = tpu.memref_slice %arg5[%dma_start3A_3, %dma_start3A_9] : memref<50x512xi32, #tpu.memory_space<vmem>> -> memref<1x512xi32, #tpu.memory_space<vmem>>
    %dma_start3A_11 = tpu.memref_squeeze %dma_start3A_10 : memref<1x512xi32, #tpu.memory_space<vmem>> -> memref<512xi32, #tpu.memory_space<vmem>>
    %dma_start3A_12 = tpu.memref_slice %arg2[%dma_start3A, %mul3A_2] : memref<50x16384xi32, #tpu.memory_space<hbm>> -> memref<1x512xi32, #tpu.memory_space<hbm>>
    %dma_start3A_13 = tpu.memref_squeeze %dma_start3A_12 : memref<1x512xi32, #tpu.memory_space<hbm>> -> memref<512xi32, #tpu.memory_space<hbm>>
    tpu.enqueue_dma source(%dma_start3A_13 : memref<512xi32, #tpu.memory_space<hbm>>) target(%dma_start3A_11 : memref<512xi32, #tpu.memory_space<vmem>>) target_semaphore(%arg8 : memref<!tpu.dma_semaphore, #tpu.memory_space<semaphore_mem>>)
    %dma_start3A_14 = arith.constant 1 : i32
    %dma_start3A_15 = arith.constant 1 : i32
    %dma_start3A_16 = arith.constant 0 : i32
    %dma_start3A_17 = tpu.memref_slice %arg5[%dma_start3A_15, %dma_start3A_16] : memref<50x512xi32, #tpu.memory_space<vmem>> -> memref<1x512xi32, #tpu.memory_space<vmem>>
    %dma_start3A_18 = tpu.memref_squeeze %dma_start3A_17 : memref<1x512xi32, #tpu.memory_space<vmem>> -> memref<512xi32, #tpu.memory_space<vmem>>
    %dma_start3A_19 = tpu.memref_slice %arg2[%dma_start3A_14, %mul3A_2] : memref<50x16384xi32, #tpu.memory_space<hbm>> -> memref<1x512xi32, #tpu.memory_space<hbm>>
    %dma_start3A_20 = tpu.memref_squeeze %dma_start3A_19 : memref<1x512xi32, #tpu.memory_space<hbm>> -> memref<512xi32, #tpu.memory_space<hbm>>
    %dma_start3A_21 = arith.constant 0 : i32
    %dma_start3A_22 = tpu.memref_slice %arg5[%dma_start3A_15, %dma_start3A_21] : memref<50x512xi32, #tpu.memory_space<vmem>> -> memref<1x512xi32, #tpu.memory_space<vmem>>
    %dma_start3A_23 = tpu.memref_squeeze %dma_start3A_22 : memref<1x512xi32, #tpu.memory_space<vmem>> -> memref<512xi32, #tpu.memory_space<vmem>>
    %dma_start3A_24 = tpu.memref_slice %arg2[%dma_start3A_14, %mul3A_2] : memref<50x16384xi32, #tpu.memory_space<hbm>> -> memref<1x512xi32, #tpu.memory_space<hbm>>
    %dma_start3A_25 = tpu.memref_squeeze %dma_start3A_24 : memref<1x512xi32, #tpu.memory_space<hbm>> -> memref<512xi32, #tpu.memory_space<hbm>>
    tpu.enqueue_dma source(%dma_start3A_25 : memref<512xi32, #tpu.memory_space<hbm>>) target(%dma_start3A_23 : memref<512xi32, #tpu.memory_space<vmem>>) target_semaphore(%arg8 : memref<!tpu.dma_semaphore, #tpu.memory_space<semaphore_mem>>)
    %dma_start3A_26 = arith.constant 2 : i32
    %dma_start3A_27 = arith.constant 2 : i32
    %dma_start3A_28 = arith.constant 0 : i32
    %dma_start3A_29 = tpu.memref_slice %arg5[%dma_start3A_27, %dma_start3A_28] : memref<50x512xi32, #tpu.memory_space<vmem>> -> memref<1x512xi32, #tpu.memory_space<vmem>>
    %dma_start3A_30 = tpu.memref_squeeze %dma_start3A_29 : memref<1x512xi32, #tpu.memory_space<vmem>> -> memref<512xi32, #tpu.memory_space<vmem>>
    %dma_start3A_31 = tpu.memref_slice %arg2[%dma_start3A_26, %mul3A_2] : memref<50x16384xi32, #tpu.memory_space<hbm>> -> memref<1x512xi32, #tpu.memory_space<hbm>>
    %dma_start3A_32 = tpu.memref_squeeze %dma_start3A_31 : memref<1x512xi32, #tpu.memory_space<hbm>> -> memref<512xi32, #tpu.memory_space<hbm>>
    %dma_start3A_33 = arith.constant 0 : i32
    %dma_start3A_34 = tpu.memref_slice %arg5[%dma_start3A_27, %dma_start3A_33] : memref<50x512xi32, #tpu.memory_space<vmem>> -> memref<1x512xi32, #tpu.memory_space<vmem>>
    %dma_start3A_35 = tpu.memref_squeeze %dma_start3A_34 : memref<1x512xi32, #tpu.memory_space<vmem>> -> memref<512xi32, #tpu.memory_space<vmem>>
    %dma_start3A_36 = tpu.memref_slice %arg2[%dma_start3A_26, %mul3A_2] : memref<50x16384xi32, #tpu.memory_space<hbm>> -> memref<1x512xi32, #tpu.memory_space<hbm>>
    %dma_start3A_37 = tpu.memref_squeeze %dma_start3A_36 : memref<1x512xi32, #tpu.memory_space<hbm>> -> memref<512xi32, #tpu.memory_space<hbm>>
    tpu.enqueue_dma source(%dma_start3A_37 : memref<512xi32, #tpu.memory_space<hbm>>) target(%dma_start3A_35 : memref<512xi32, #tpu.memory_space<vmem>>) target_semaphore(%arg8 : memref<!tpu.dma_semaphore, #tpu.memory_space<semaphore_mem>>)
    %dma_start3A_38 = arith.constant 3 : i32
    %dma_start3A_39 = arith.constant 3 : i32
    %dma_start3A_40 = arith.constant 0 : i32
    %dma_start3A_41 = tpu.memref_slice %arg5[%dma_start3A_39, %dma_start3A_40] : memref<50x512xi32, #tpu.memory_space<vmem>> -> memref<1x512xi32, #tpu.memory_space<vmem>>
    %dma_start3A_42 = tpu.memref_squeeze %dma_start3A_41 : memref<1x512xi32, #tpu.memory_space<vmem>> -> memref<512xi32, #tpu.memory_space<vmem>>
    %dma_start3A_43 = tpu.memref_slice %arg2[%dma_start3A_38, %mul3A_2] : memref<50x16384xi32, #tpu.memory_space<hbm>> -> memref<1x512xi32, #tpu.memory_space<hbm>>
    %dma_start3A_44 = tpu.memref_squeeze %dma_start3A_43 : memref<1x512xi32, #tpu.memory_space<hbm>> -> memref<512xi32, #tpu.memory_space<hbm>>
    %dma_start3A_45 = arith.constant 0 : i32
    %dma_start3A_46 = tpu.memref_slice %arg5[%dma_start3A_39, %dma_start3A_45] : memref<50x512xi32, #tpu.memory_space<vmem>> -> memref<1x512xi32, #tpu.memory_space<vmem>>
    %dma_start3A_47 = tpu.memref_squeeze %dma_start3A_46 : memref<1x512xi32, #tpu.memory_space<vmem>> -> memref<512xi32, #tpu.memory_space<vmem>>
    %dma_start3A_48 = tpu.memref_slice %arg2[%dma_start3A_38, %mul3A_2] : memref<50x16384xi32, #tpu.memory_space<hbm>> -> memref<1x512xi32, #tpu.memory_space<hbm>>
    %dma_start3A_49 = tpu.memref_squeeze %dma_start3A_48 : memref<1x512xi32, #tpu.memory_space<hbm>> -> memref<512xi32, #tpu.memory_space<hbm>>
    tpu.enqueue_dma source(%dma_start3A_49 : memref<512xi32, #tpu.memory_space<hbm>>) target(%dma_start3A_47 : memref<512xi32, #tpu.memory_space<vmem>>) target_semaphore(%arg8 : memref<!tpu.dma_semaphore, #tpu.memory_space<semaphore_mem>>)
    %dma_start3A_50 = arith.constant 4 : i32
    %dma_start3A_51 = arith.constant 4 : i32
    %dma_start3A_52 = arith.constant 0 : i32
    %dma_start3A_53 = tpu.memref_slice %arg5[%dma_start3A_51, %dma_start3A_52] : memref<50x512xi32, #tpu.memory_space<vmem>> -> memref<1x512xi32, #tpu.memory_space<vmem>>
    %dma_start3A_54 = tpu.memref_squeeze %dma_start3A_53 : memref<1x512xi32, #tpu.memory_space<vmem>> -> memref<512xi32, #tpu.memory_space<vmem>>
    %dma_start3A_55 = tpu.memref_slice %arg2[%dma_start3A_50, %mul3A_2] : memref<50x16384xi32, #tpu.memory_space<hbm>> -> memref<1x512xi32, #tpu.memory_space<hbm>>
    %dma_start3A_56 = tpu.memref_squeeze %dma_start3A_55 : memref<1x512xi32, #tpu.memory_space<hbm>> -> memref<512xi32, #tpu.memory_space<hbm>>
    %dma_start3A_57 = arith.constant 0 : i32
    %dma_start3A_58 = tpu.memref_slice %arg5[%dma_start3A_51, %dma_start3A_57] : memref<50x512xi32, #tpu.memory_space<vmem>> -> memref<1x512xi32, #tpu.memory_space<vmem>>
    %dma_start3A_59 = tpu.memref_squeeze %dma_start3A_58 : memref<1x512xi32, #tpu.memory_space<vmem>> -> memref<512xi32, #tpu.memory_space<vmem>>
    %dma_start3A_60 = tpu.memref_slice %arg2[%dma_start3A_50, %mul3A_2] : memref<50x16384xi32, #tpu.memory_space<hbm>> -> memref<1x512xi32, #tpu.memory_space<hbm>>
    %dma_start3A_61 = tpu.memref_squeeze %dma_start3A_60 : memref<1x512xi32, #tpu.memory_space<hbm>> -> memref<512xi32, #tpu.memory_space<hbm>>
    tpu.enqueue_dma source(%dma_start3A_61 : memref<512xi32, #tpu.memory_space<hbm>>) target(%dma_start3A_59 : memref<512xi32, #tpu.memory_space<vmem>>) target_semaphore(%arg8 : memref<!tpu.dma_semaphore, #tpu.memory_space<semaphore_mem>>)
    %dma_start3A_62 = arith.constant 5 : i32
    %dma_start3A_63 = arith.constant 5 : i32
    %dma_start3A_64 = arith.constant 0 : i32
    %dma_start3A_65 = tpu.memref_slice %arg5[%dma_start3A_63, %dma_start3A_64] : memref<50x512xi32, #tpu.memory_space<vmem>> -> memref<1x512xi32, #tpu.memory_space<vmem>>
    %dma_start3A_66 = tpu.memref_squeeze %dma_start3A_65 : memref<1x512xi32, #tpu.memory_space<vmem>> -> memref<512xi32, #tpu.memory_space<vmem>>
    %dma_start3A_67 = tpu.memref_slice %arg2[%dma_start3A_62, %mul3A_2] : memref<50x16384xi32, #tpu.memory_space<hbm>> -> memref<1x512xi32, #tpu.memory_space<hbm>>
    %dma_start3A_68 = tpu.memref_squeeze %dma_start3A_67 : memref<1x512xi32, #tpu.memory_space<hbm>> -> memref<512xi32, #tpu.memory_space<hbm>>
    %dma_start3A_69 = arith.constant 0 : i32
    %dma_start3A_70 = tpu.memref_slice %arg5[%dma_start3A_63, %dma_start3A_69] : memref<50x512xi32, #tpu.memory_space<vmem>> -> memref<1x512xi32, #tpu.memory_space<vmem>>
    %dma_start3A_71 = tpu.memref_squeeze %dma_start3A_70 : memref<1x512xi32, #tpu.memory_space<vmem>> -> memref<512xi32, #tpu.memory_space<vmem>>
    %dma_start3A_72 = tpu.memref_slice %arg2[%dma_start3A_62, %mul3A_2] : memref<50x16384xi32, #tpu.memory_space<hbm>> -> memref<1x512xi32, #tpu.memory_space<hbm>>
    %dma_start3A_73 = tpu.memref_squeeze %dma_start3A_72 : memref<1x512xi32, #tpu.memory_space<hbm>> -> memref<512xi32, #tpu.memory_space<hbm>>
    tpu.enqueue_dma source(%dma_start3A_73 : memref<512xi32, #tpu.memory_space<hbm>>) target(%dma_start3A_71 : memref<512xi32, #tpu.memory_space<vmem>>) target_semaphore(%arg8 : memref<!tpu.dma_semaphore, #tpu.memory_space<semaphore_mem>>)
    %dma_start3A_74 = arith.constant 6 : i32
    %dma_start3A_75 = arith.constant 6 : i32
    %dma_start3A_76 = arith.constant 0 : i32
    %dma_start3A_77 = tpu.memref_slice %arg5[%dma_start3A_75, %dma_start3A_76] : memref<50x512xi32, #tpu.memory_space<vmem>> -> memref<1x512xi32, #tpu.memory_space<vmem>>
    %dma_start3A_78 = tpu.memref_squeeze %dma_start3A_77 : memref<1x512xi32, #tpu.memory_space<vmem>> -> memref<512xi32, #tpu.memory_space<vmem>>
    %dma_start3A_79 = tpu.memref_slice %arg2[%dma_start3A_74, %mul3A_2] : memref<50x16384xi32, #tpu.memory_space<hbm>> -> memref<1x512xi32, #tpu.memory_space<hbm>>
    %dma_start3A_80 = tpu.memref_squeeze %dma_start3A_79 : memref<1x512xi32, #tpu.memory_space<hbm>> -> memref<512xi32, #tpu.memory_space<hbm>>
    %dma_start3A_81 = arith.constant 0 : i32
    %dma_start3A_82 = tpu.memref_slice %arg5[%dma_start3A_75, %dma_start3A_81] : memref<50x512xi32, #tpu.memory_space<vmem>> -> memref<1x512xi32, #tpu.memory_space<vmem>>
    %dma_start3A_83 = tpu.memref_squeeze %dma_start3A_82 : memref<1x512xi32, #tpu.memory_space<vmem>> -> memref<512xi32, #tpu.memory_space<vmem>>
    %dma_start3A_84 = tpu.memref_slice %arg2[%dma_start3A_74, %mul3A_2] : memref<50x16384xi32, #tpu.memory_space<hbm>> -> memref<1x512xi32, #tpu.memory_space<hbm>>
    %dma_start3A_85 = tpu.memref_squeeze %dma_start3A_84 : memref<1x512xi32, #tpu.memory_space<hbm>> -> memref<512xi32, #tpu.memory_space<hbm>>
    tpu.enqueue_dma source(%dma_start3A_85 : memref<512xi32, #tpu.memory_space<hbm>>) target(%dma_start3A_83 : memref<512xi32, #tpu.memory_space<vmem>>) target_semaphore(%arg8 : memref<!tpu.dma_semaphore, #tpu.memory_space<semaphore_mem>>)
    %dma_start3A_86 = arith.constant 7 : i32
    %dma_start3A_87 = arith.constant 7 : i32
    %dma_start3A_88 = arith.constant 0 : i32
    %dma_start3A_89 = tpu.memref_slice %arg5[%dma_start3A_87, %dma_start3A_88] : memref<50x512xi32, #tpu.memory_space<vmem>> -> memref<1x512xi32, #tpu.memory_space<vmem>>
    %dma_start3A_90 = tpu.memref_squeeze %dma_start3A_89 : memref<1x512xi32, #tpu.memory_space<vmem>> -> memref<512xi32, #tpu.memory_space<vmem>>
    %dma_start3A_91 = tpu.memref_slice %arg2[%dma_start3A_86, %mul3A_2] : memref<50x16384xi32, #tpu.memory_space<hbm>> -> memref<1x512xi32, #tpu.memory_space<hbm>>
    %dma_start3A_92 = tpu.memref_squeeze %dma_start3A_91 : memref<1x512xi32, #tpu.memory_space<hbm>> -> memref<512xi32, #tpu.memory_space<hbm>>
    %dma_start3A_93 = arith.constant 0 : i32
    %dma_start3A_94 = tpu.memref_slice %arg5[%dma_start3A_87, %dma_start3A_93] : memref<50x512xi32, #tpu.memory_space<vmem>> -> memref<1x512xi32, #tpu.memory_space<vmem>>
    %dma_start3A_95 = tpu.memref_squeeze %dma_start3A_94 : memref<1x512xi32, #tpu.memory_space<vmem>> -> memref<512xi32, #tpu.memory_space<vmem>>
    %dma_start3A_96 = tpu.memref_slice %arg2[%dma_start3A_86, %mul3A_2] : memref<50x16384xi32, #tpu.memory_space<hbm>> -> memref<1x512xi32, #tpu.memory_space<hbm>>
    %dma_start3A_97 = tpu.memref_squeeze %dma_start3A_96 : memref<1x512xi32, #tpu.memory_space<hbm>> -> memref<512xi32, #tpu.memory_space<hbm>>
    tpu.enqueue_dma source(%dma_start3A_97 : memref<512xi32, #tpu.memory_space<hbm>>) target(%dma_start3A_95 : memref<512xi32, #tpu.memory_space<vmem>>) target_semaphore(%arg8 : memref<!tpu.dma_semaphore, #tpu.memory_space<semaphore_mem>>)
    %dma_start3A_98 = arith.constant 8 : i32
    %dma_start3A_99 = arith.constant 8 : i32
    %dma_start3A_100 = arith.constant 0 : i32
    %dma_start3A_101 = tpu.memref_slice %arg5[%dma_start3A_99, %dma_start3A_100] : memref<50x512xi32, #tpu.memory_space<vmem>> -> memref<1x512xi32, #tpu.memory_space<vmem>>
    %dma_start3A_102 = tpu.memref_squeeze %dma_start3A_101 : memref<1x512xi32, #tpu.memory_space<vmem>> -> memref<512xi32, #tpu.memory_space<vmem>>
    %dma_start3A_103 = tpu.memref_slice %arg2[%dma_start3A_98, %mul3A_2] : memref<50x16384xi32, #tpu.memory_space<hbm>> -> memref<1x512xi32, #tpu.memory_space<hbm>>
    %dma_start3A_104 = tpu.memref_squeeze %dma_start3A_103 : memref<1x512xi32, #tpu.memory_space<hbm>> -> memref<512xi32, #tpu.memory_space<hbm>>
    %dma_start3A_105 = arith.constant 0 : i32
    %dma_start3A_106 = tpu.memref_slice %arg5[%dma_start3A_99, %dma_start3A_105] : memref<50x512xi32, #tpu.memory_space<vmem>> -> memref<1x512xi32, #tpu.memory_space<vmem>>
    %dma_start3A_107 = tpu.memref_squeeze %dma_start3A_106 : memref<1x512xi32, #tpu.memory_space<vmem>> -> memref<512xi32, #tpu.memory_space<vmem>>
    %dma_start3A_108 = tpu.memref_slice %arg2[%dma_start3A_98, %mul3A_2] : memref<50x16384xi32, #tpu.memory_space<hbm>> -> memref<1x512xi32, #tpu.memory_space<hbm>>
    %dma_start3A_109 = tpu.memref_squeeze %dma_start3A_108 : memref<1x512xi32, #tpu.memory_space<hbm>> -> memref<512xi32, #tpu.memory_space<hbm>>
    tpu.enqueue_dma source(%dma_start3A_109 : memref<512xi32, #tpu.memory_space<hbm>>) target(%dma_start3A_107 : memref<512xi32, #tpu.memory_space<vmem>>) target_semaphore(%arg8 : memref<!tpu.dma_semaphore, #tpu.memory_space<semaphore_mem>>)
    %dma_start3A_110 = arith.constant 9 : i32
    %dma_start3A_111 = arith.constant 9 : i32
    %dma_start3A_112 = arith.constant 0 : i32
    %dma_start3A_113 = tpu.memref_slice %arg5[%dma_start3A_111, %dma_start3A_112] : memref<50x512xi32, #tpu.memory_space<vmem>> -> memref<1x512xi32, #tpu.memory_space<vmem>>
    %dma_start3A_114 = tpu.memref_squeeze %dma_start3A_113 : memref<1x512xi32, #tpu.memory_space<vmem>> -> memref<512xi32, #tpu.memory_space<vmem>>
    %dma_start3A_115 = tpu.memref_slice %arg2[%dma_start3A_110, %mul3A_2] : memref<50x16384xi32, #tpu.memory_space<hbm>> -> memref<1x512xi32, #tpu.memory_space<hbm>>
    %dma_start3A_116 = tpu.memref_squeeze %dma_start3A_115 : memref<1x512xi32, #tpu.memory_space<hbm>> -> memref<512xi32, #tpu.memory_space<hbm>>
    %dma_start3A_117 = arith.constant 0 : i32
    %dma_start3A_118 = tpu.memref_slice %arg5[%dma_start3A_111, %dma_start3A_117] : memref<50x512xi32, #tpu.memory_space<vmem>> -> memref<1x512xi32, #tpu.memory_space<vmem>>
    %dma_start3A_119 = tpu.memref_squeeze %dma_start3A_118 : memref<1x512xi32, #tpu.memory_space<vmem>> -> memref<512xi32, #tpu.memory_space<vmem>>
    %dma_start3A_120 = tpu.memref_slice %arg2[%dma_start3A_110, %mul3A_2] : memref<50x16384xi32, #tpu.memory_space<hbm>> -> memref<1x512xi32, #tpu.memory_space<hbm>>
    %dma_start3A_121 = tpu.memref_squeeze %dma_start3A_120 : memref<1x512xi32, #tpu.memory_space<hbm>> -> memref<512xi32, #tpu.memory_space<hbm>>
    tpu.enqueue_dma source(%dma_start3A_121 : memref<512xi32, #tpu.memory_space<hbm>>) target(%dma_start3A_119 : memref<512xi32, #tpu.memory_space<vmem>>) target_semaphore(%arg8 : memref<!tpu.dma_semaphore, #tpu.memory_space<semaphore_mem>>)
    %dma_start3A_122 = arith.constant 10 : i32
    %dma_start3A_123 = arith.constant 10 : i32
    %dma_start3A_124 = arith.constant 0 : i32
    %dma_start3A_125 = tpu.memref_slice %arg5[%dma_start3A_123, %dma_start3A_124] : memref<50x512xi32, #tpu.memory_space<vmem>> -> memref<1x512xi32, #tpu.memory_space<vmem>>
    %dma_start3A_126 = tpu.memref_squeeze %dma_start3A_125 : memref<1x512xi32, #tpu.memory_space<vmem>> -> memref<512xi32, #tpu.memory_space<vmem>>
    %dma_start3A_127 = tpu.memref_slice %arg2[%dma_start3A_122, %mul3A_2] : memref<50x16384xi32, #tpu.memory_space<hbm>> -> memref<1x512xi32, #tpu.memory_space<hbm>>
    %dma_start3A_128 = tpu.memref_squeeze %dma_start3A_127 : memref<1x512xi32, #tpu.memory_space<hbm>> -> memref<512xi32, #tpu.memory_space<hbm>>
    %dma_start3A_129 = arith.constant 0 : i32
    %dma_start3A_130 = tpu.memref_slice %arg5[%dma_start3A_123, %dma_start3A_129] : memref<50x512xi32, #tpu.memory_space<vmem>> -> memref<1x512xi32, #tpu.memory_space<vmem>>
    %dma_start3A_131 = tpu.memref_squeeze %dma_start3A_130 : memref<1x512xi32, #tpu.memory_space<vmem>> -> memref<512xi32, #tpu.memory_space<vmem>>
    %dma_start3A_132 = tpu.memref_slice %arg2[%dma_start3A_122, %mul3A_2] : memref<50x16384xi32, #tpu.memory_space<hbm>> -> memref<1x512xi32, #tpu.memory_space<hbm>>
    %dma_start3A_133 = tpu.memref_squeeze %dma_start3A_132 : memref<1x512xi32, #tpu.memory_space<hbm>> -> memref<512xi32, #tpu.memory_space<hbm>>
    tpu.enqueue_dma source(%dma_start3A_133 : memref<512xi32, #tpu.memory_space<hbm>>) target(%dma_start3A_131 : memref<512xi32, #tpu.memory_space<vmem>>) target_semaphore(%arg8 : memref<!tpu.dma_semaphore, #tpu.memory_space<semaphore_mem>>)
    %dma_start3A_134 = arith.constant 11 : i32
    %dma_start3A_135 = arith.constant 11 : i32
    %dma_start3A_136 = arith.constant 0 : i32
    %dma_start3A_137 = tpu.memref_slice %arg5[%dma_start3A_135, %dma_start3A_136] : memref<50x512xi32, #tpu.memory_space<vmem>> -> memref<1x512xi32, #tpu.memory_space<vmem>>
    %dma_start3A_138 = tpu.memref_squeeze %dma_start3A_137 : memref<1x512xi32, #tpu.memory_space<vmem>> -> memref<512xi32, #tpu.memory_space<vmem>>
    %dma_start3A_139 = tpu.memref_slice %arg2[%dma_start3A_134, %mul3A_2] : memref<50x16384xi32, #tpu.memory_space<hbm>> -> memref<1x512xi32, #tpu.memory_space<hbm>>
    %dma_start3A_140 = tpu.memref_squeeze %dma_start3A_139 : memref<1x512xi32, #tpu.memory_space<hbm>> -> memref<512xi32, #tpu.memory_space<hbm>>
    %dma_start3A_141 = arith.constant 0 : i32
    %dma_start3A_142 = tpu.memref_slice %arg5[%dma_start3A_135, %dma_start3A_141] : memref<50x512xi32, #tpu.memory_space<vmem>> -> memref<1x512xi32, #tpu.memory_space<vmem>>
    %dma_start3A_143 = tpu.memref_squeeze %dma_start3A_142 : memref<1x512xi32, #tpu.memory_space<vmem>> -> memref<512xi32, #tpu.memory_space<vmem>>
    %dma_start3A_144 = tpu.memref_slice %arg2[%dma_start3A_134, %mul3A_2] : memref<50x16384xi32, #tpu.memory_space<hbm>> -> memref<1x512xi32, #tpu.memory_space<hbm>>
    %dma_start3A_145 = tpu.memref_squeeze %dma_start3A_144 : memref<1x512xi32, #tpu.memory_space<hbm>> -> memref<512xi32, #tpu.memory_space<hbm>>
    tpu.enqueue_dma source(%dma_start3A_145 : memref<512xi32, #tpu.memory_space<hbm>>) target(%dma_start3A_143 : memref<512xi32, #tpu.memory_space<vmem>>) target_semaphore(%arg8 : memref<!tpu.dma_semaphore, #tpu.memory_space<semaphore_mem>>)
    %dma_start3A_146 = arith.constant 12 : i32
    %dma_start3A_147 = arith.constant 12 : i32
    %dma_start3A_148 = arith.constant 0 : i32
    %dma_start3A_149 = tpu.memref_slice %arg5[%dma_start3A_147, %dma_start3A_148] : memref<50x512xi32, #tpu.memory_space<vmem>> -> memref<1x512xi32, #tpu.memory_space<vmem>>
    %dma_start3A_150 = tpu.memref_squeeze %dma_start3A_149 : memref<1x512xi32, #tpu.memory_space<vmem>> -> memref<512xi32, #tpu.memory_space<vmem>>
    %dma_start3A_151 = tpu.memref_slice %arg2[%dma_start3A_146, %mul3A_2] : memref<50x16384xi32, #tpu.memory_space<hbm>> -> memref<1x512xi32, #tpu.memory_space<hbm>>
    %dma_start3A_152 = tpu.memref_squeeze %dma_start3A_151 : memref<1x512xi32, #tpu.memory_space<hbm>> -> memref<512xi32, #tpu.memory_space<hbm>>
    %dma_start3A_153 = arith.constant 0 : i32
    %dma_start3A_154 = tpu.memref_slice %arg5[%dma_start3A_147, %dma_start3A_153] : memref<50x512xi32, #tpu.memory_space<vmem>> -> memref<1x512xi32, #tpu.memory_space<vmem>>
    %dma_start3A_155 = tpu.memref_squeeze %dma_start3A_154 : memref<1x512xi32, #tpu.memory_space<vmem>> -> memref<512xi32, #tpu.memory_space<vmem>>
    %dma_start3A_156 = tpu.memref_slice %arg2[%dma_start3A_146, %mul3A_2] : memref<50x16384xi32, #tpu.memory_space<hbm>> -> memref<1x512xi32, #tpu.memory_space<hbm>>
    %dma_start3A_157 = tpu.memref_squeeze %dma_start3A_156 : memref<1x512xi32, #tpu.memory_space<hbm>> -> memref<512xi32, #tpu.memory_space<hbm>>
    tpu.enqueue_dma source(%dma_start3A_157 : memref<512xi32, #tpu.memory_space<hbm>>) target(%dma_start3A_155 : memref<512xi32, #tpu.memory_space<vmem>>) target_semaphore(%arg8 : memref<!tpu.dma_semaphore, #tpu.memory_space<semaphore_mem>>)
    %dma_start3A_158 = arith.constant 13 : i32
    %dma_start3A_159 = arith.constant 13 : i32
    %dma_start3A_160 = arith.constant 0 : i32
    %dma_start3A_161 = tpu.memref_slice %arg5[%dma_start3A_159, %dma_start3A_160] : memref<50x512xi32, #tpu.memory_space<vmem>> -> memref<1x512xi32, #tpu.memory_space<vmem>>
    %dma_start3A_162 = tpu.memref_squeeze %dma_start3A_161 : memref<1x512xi32, #tpu.memory_space<vmem>> -> memref<512xi32, #tpu.memory_space<vmem>>
    %dma_start3A_163 = tpu.memref_slice %arg2[%dma_start3A_158, %mul3A_2] : memref<50x16384xi32, #tpu.memory_space<hbm>> -> memref<1x512xi32, #tpu.memory_space<hbm>>
    %dma_start3A_164 = tpu.memref_squeeze %dma_start3A_163 : memref<1x512xi32, #tpu.memory_space<hbm>> -> memref<512xi32, #tpu.memory_space<hbm>>
    %dma_start3A_165 = arith.constant 0 : i32
    %dma_start3A_166 = tpu.memref_slice %arg5[%dma_start3A_159, %dma_start3A_165] : memref<50x512xi32, #tpu.memory_space<vmem>> -> memref<1x512xi32, #tpu.memory_space<vmem>>
    %dma_start3A_167 = tpu.memref_squeeze %dma_start3A_166 : memref<1x512xi32, #tpu.memory_space<vmem>> -> memref<512xi32, #tpu.memory_space<vmem>>
    %dma_start3A_168 = tpu.memref_slice %arg2[%dma_start3A_158, %mul3A_2] : memref<50x16384xi32, #tpu.memory_space<hbm>> -> memref<1x512xi32, #tpu.memory_space<hbm>>
    %dma_start3A_169 = tpu.memref_squeeze %dma_start3A_168 : memref<1x512xi32, #tpu.memory_space<hbm>> -> memref<512xi32, #tpu.memory_space<hbm>>
    tpu.enqueue_dma source(%dma_start3A_169 : memref<512xi32, #tpu.memory_space<hbm>>) target(%dma_start3A_167 : memref<512xi32, #tpu.memory_space<vmem>>) target_semaphore(%arg8 : memref<!tpu.dma_semaphore, #tpu.memory_space<semaphore_mem>>)
    %dma_start3A_170 = arith.constant 14 : i32
    %dma_start3A_171 = arith.constant 14 : i32
    %dma_start3A_172 = arith.constant 0 : i32
    %dma_start3A_173 = tpu.memref_slice %arg5[%dma_start3A_171, %dma_start3A_172] : memref<50x512xi32, #tpu.memory_space<vmem>> -> memref<1x512xi32, #tpu.memory_space<vmem>>
    %dma_start3A_174 = tpu.memref_squeeze %dma_start3A_173 : memref<1x512xi32, #tpu.memory_space<vmem>> -> memref<512xi32, #tpu.memory_space<vmem>>
    %dma_start3A_175 = tpu.memref_slice %arg2[%dma_start3A_170, %mul3A_2] : memref<50x16384xi32, #tpu.memory_space<hbm>> -> memref<1x512xi32, #tpu.memory_space<hbm>>
    %dma_start3A_176 = tpu.memref_squeeze %dma_start3A_175 : memref<1x512xi32, #tpu.memory_space<hbm>> -> memref<512xi32, #tpu.memory_space<hbm>>
    %dma_start3A_177 = arith.constant 0 : i32
    %dma_start3A_178 = tpu.memref_slice %arg5[%dma_start3A_171, %dma_start3A_177] : memref<50x512xi32, #tpu.memory_space<vmem>> -> memref<1x512xi32, #tpu.memory_space<vmem>>
    %dma_start3A_179 = tpu.memref_squeeze %dma_start3A_178 : memref<1x512xi32, #tpu.memory_space<vmem>> -> memref<512xi32, #tpu.memory_space<vmem>>
    %dma_start3A_180 = tpu.memref_slice %arg2[%dma_start3A_170, %mul3A_2] : memref<50x16384xi32, #tpu.memory_space<hbm>> -> memref<1x512xi32, #tpu.memory_space<hbm>>
    %dma_start3A_181 = tpu.memref_squeeze %dma_start3A_180 : memref<1x512xi32, #tpu.memory_space<hbm>> -> memref<512xi32, #tpu.memory_space<hbm>>
    tpu.enqueue_dma source(%dma_start3A_181 : memref<512xi32, #tpu.memory_space<hbm>>) target(%dma_start3A_179 : memref<512xi32, #tpu.memory_space<vmem>>) target_semaphore(%arg8 : memref<!tpu.dma_semaphore, #tpu.memory_space<semaphore_mem>>)
    %dma_start3A_182 = arith.constant 15 : i32
    %dma_start3A_183 = arith.constant 15 : i32
    %dma_start3A_184 = arith.constant 0 : i32
    %dma_start3A_185 = tpu.memref_slice %arg5[%dma_start3A_183, %dma_start3A_184] : memref<50x512xi32, #tpu.memory_space<vmem>> -> memref<1x512xi32, #tpu.memory_space<vmem>>
    %dma_start3A_186 = tpu.memref_squeeze %dma_start3A_185 : memref<1x512xi32, #tpu.memory_space<vmem>> -> memref<512xi32, #tpu.memory_space<vmem>>
    %dma_start3A_187 = tpu.memref_slice %arg2[%dma_start3A_182, %mul3A_2] : memref<50x16384xi32, #tpu.memory_space<hbm>> -> memref<1x512xi32, #tpu.memory_space<hbm>>
    %dma_start3A_188 = tpu.memref_squeeze %dma_start3A_187 : memref<1x512xi32, #tpu.memory_space<hbm>> -> memref<512xi32, #tpu.memory_space<hbm>>
    %dma_start3A_189 = arith.constant 0 : i32
    %dma_start3A_190 = tpu.memref_slice %arg5[%dma_start3A_183, %dma_start3A_189] : memref<50x512xi32, #tpu.memory_space<vmem>> -> memref<1x512xi32, #tpu.memory_space<vmem>>
    %dma_start3A_191 = tpu.memref_squeeze %dma_start3A_190 : memref<1x512xi32, #tpu.memory_space<vmem>> -> memref<512xi32, #tpu.memory_space<vmem>>
    %dma_start3A_192 = tpu.memref_slice %arg2[%dma_start3A_182, %mul3A_2] : memref<50x16384xi32, #tpu.memory_space<hbm>> -> memref<1x512xi32, #tpu.memory_space<hbm>>
    %dma_start3A_193 = tpu.memref_squeeze %dma_start3A_192 : memref<1x512xi32, #tpu.memory_space<hbm>> -> memref<512xi32, #tpu.memory_space<hbm>>
    tpu.enqueue_dma source(%dma_start3A_193 : memref<512xi32, #tpu.memory_space<hbm>>) target(%dma_start3A_191 : memref<512xi32, #tpu.memory_space<vmem>>) target_semaphore(%arg8 : memref<!tpu.dma_semaphore, #tpu.memory_space<semaphore_mem>>)
    %dma_start3A_194 = arith.constant 16 : i32
    %dma_start3A_195 = arith.constant 16 : i32
    %dma_start3A_196 = arith.constant 0 : i32
    %dma_start3A_197 = tpu.memref_slice %arg5[%dma_start3A_195, %dma_start3A_196] : memref<50x512xi32, #tpu.memory_space<vmem>> -> memref<1x512xi32, #tpu.memory_space<vmem>>
    %dma_start3A_198 = tpu.memref_squeeze %dma_start3A_197 : memref<1x512xi32, #tpu.memory_space<vmem>> -> memref<512xi32, #tpu.memory_space<vmem>>
    %dma_start3A_199 = tpu.memref_slice %arg2[%dma_start3A_194, %mul3A_2] : memref<50x16384xi32, #tpu.memory_space<hbm>> -> memref<1x512xi32, #tpu.memory_space<hbm>>
    %dma_start3A_200 = tpu.memref_squeeze %dma_start3A_199 : memref<1x512xi32, #tpu.memory_space<hbm>> -> memref<512xi32, #tpu.memory_space<hbm>>
    %dma_start3A_201 = arith.constant 0 : i32
    %dma_start3A_202 = tpu.memref_slice %arg5[%dma_start3A_195, %dma_start3A_201] : memref<50x512xi32, #tpu.memory_space<vmem>> -> memref<1x512xi32, #tpu.memory_space<vmem>>
    %dma_start3A_203 = tpu.memref_squeeze %dma_start3A_202 : memref<1x512xi32, #tpu.memory_space<vmem>> -> memref<512xi32, #tpu.memory_space<vmem>>
    %dma_start3A_204 = tpu.memref_slice %arg2[%dma_start3A_194, %mul3A_2] : memref<50x16384xi32, #tpu.memory_space<hbm>> -> memref<1x512xi32, #tpu.memory_space<hbm>>
    %dma_start3A_205 = tpu.memref_squeeze %dma_start3A_204 : memref<1x512xi32, #tpu.memory_space<hbm>> -> memref<512xi32, #tpu.memory_space<hbm>>
    tpu.enqueue_dma source(%dma_start3A_205 : memref<512xi32, #tpu.memory_space<hbm>>) target(%dma_start3A_203 : memref<512xi32, #tpu.memory_space<vmem>>) target_semaphore(%arg8 : memref<!tpu.dma_semaphore, #tpu.memory_space<semaphore_mem>>)
    %dma_start3A_206 = arith.constant 17 : i32
    %dma_start3A_207 = arith.constant 17 : i32
    %dma_start3A_208 = arith.constant 0 : i32
    %dma_start3A_209 = tpu.memref_slice %arg5[%dma_start3A_207, %dma_start3A_208] : memref<50x512xi32, #tpu.memory_space<vmem>> -> memref<1x512xi32, #tpu.memory_space<vmem>>
    %dma_start3A_210 = tpu.memref_squeeze %dma_start3A_209 : memref<1x512xi32, #tpu.memory_space<vmem>> -> memref<512xi32, #tpu.memory_space<vmem>>
    %dma_start3A_211 = tpu.memref_slice %arg2[%dma_start3A_206, %mul3A_2] : memref<50x16384xi32, #tpu.memory_space<hbm>> -> memref<1x512xi32, #tpu.memory_space<hbm>>
    %dma_start3A_212 = tpu.memref_squeeze %dma_start3A_211 : memref<1x512xi32, #tpu.memory_space<hbm>> -> memref<512xi32, #tpu.memory_space<hbm>>
    %dma_start3A_213 = arith.constant 0 : i32
    %dma_start3A_214 = tpu.memref_slice %arg5[%dma_start3A_207, %dma_start3A_213] : memref<50x512xi32, #tpu.memory_space<vmem>> -> memref<1x512xi32, #tpu.memory_space<vmem>>
    %dma_start3A_215 = tpu.memref_squeeze %dma_start3A_214 : memref<1x512xi32, #tpu.memory_space<vmem>> -> memref<512xi32, #tpu.memory_space<vmem>>
    %dma_start3A_216 = tpu.memref_slice %arg2[%dma_start3A_206, %mul3A_2] : memref<50x16384xi32, #tpu.memory_space<hbm>> -> memref<1x512xi32, #tpu.memory_space<hbm>>
    %dma_start3A_217 = tpu.memref_squeeze %dma_start3A_216 : memref<1x512xi32, #tpu.memory_space<hbm>> -> memref<512xi32, #tpu.memory_space<hbm>>
    tpu.enqueue_dma source(%dma_start3A_217 : memref<512xi32, #tpu.memory_space<hbm>>) target(%dma_start3A_215 : memref<512xi32, #tpu.memory_space<vmem>>) target_semaphore(%arg8 : memref<!tpu.dma_semaphore, #tpu.memory_space<semaphore_mem>>)
    %dma_start3A_218 = arith.constant 18 : i32
    %dma_start3A_219 = arith.constant 18 : i32
    %dma_start3A_220 = arith.constant 0 : i32
    %dma_start3A_221 = tpu.memref_slice %arg5[%dma_start3A_219, %dma_start3A_220] : memref<50x512xi32, #tpu.memory_space<vmem>> -> memref<1x512xi32, #tpu.memory_space<vmem>>
    %dma_start3A_222 = tpu.memref_squeeze %dma_start3A_221 : memref<1x512xi32, #tpu.memory_space<vmem>> -> memref<512xi32, #tpu.memory_space<vmem>>
    %dma_start3A_223 = tpu.memref_slice %arg2[%dma_start3A_218, %mul3A_2] : memref<50x16384xi32, #tpu.memory_space<hbm>> -> memref<1x512xi32, #tpu.memory_space<hbm>>
    %dma_start3A_224 = tpu.memref_squeeze %dma_start3A_223 : memref<1x512xi32, #tpu.memory_space<hbm>> -> memref<512xi32, #tpu.memory_space<hbm>>
    %dma_start3A_225 = arith.constant 0 : i32
    %dma_start3A_226 = tpu.memref_slice %arg5[%dma_start3A_219, %dma_start3A_225] : memref<50x512xi32, #tpu.memory_space<vmem>> -> memref<1x512xi32, #tpu.memory_space<vmem>>
    %dma_start3A_227 = tpu.memref_squeeze %dma_start3A_226 : memref<1x512xi32, #tpu.memory_space<vmem>> -> memref<512xi32, #tpu.memory_space<vmem>>
    %dma_start3A_228 = tpu.memref_slice %arg2[%dma_start3A_218, %mul3A_2] : memref<50x16384xi32, #tpu.memory_space<hbm>> -> memref<1x512xi32, #tpu.memory_space<hbm>>
    %dma_start3A_229 = tpu.memref_squeeze %dma_start3A_228 : memref<1x512xi32, #tpu.memory_space<hbm>> -> memref<512xi32, #tpu.memory_space<hbm>>
    tpu.enqueue_dma source(%dma_start3A_229 : memref<512xi32, #tpu.memory_space<hbm>>) target(%dma_start3A_227 : memref<512xi32, #tpu.memory_space<vmem>>) target_semaphore(%arg8 : memref<!tpu.dma_semaphore, #tpu.memory_space<semaphore_mem>>)
    %dma_start3A_230 = arith.constant 19 : i32
    %dma_start3A_231 = arith.constant 19 : i32
    %dma_start3A_232 = arith.constant 0 : i32
    %dma_start3A_233 = tpu.memref_slice %arg5[%dma_start3A_231, %dma_start3A_232] : memref<50x512xi32, #tpu.memory_space<vmem>> -> memref<1x512xi32, #tpu.memory_space<vmem>>
    %dma_start3A_234 = tpu.memref_squeeze %dma_start3A_233 : memref<1x512xi32, #tpu.memory_space<vmem>> -> memref<512xi32, #tpu.memory_space<vmem>>
    %dma_start3A_235 = tpu.memref_slice %arg2[%dma_start3A_230, %mul3A_2] : memref<50x16384xi32, #tpu.memory_space<hbm>> -> memref<1x512xi32, #tpu.memory_space<hbm>>
    %dma_start3A_236 = tpu.memref_squeeze %dma_start3A_235 : memref<1x512xi32, #tpu.memory_space<hbm>> -> memref<512xi32, #tpu.memory_space<hbm>>
    %dma_start3A_237 = arith.constant 0 : i32
    %dma_start3A_238 = tpu.memref_slice %arg5[%dma_start3A_231, %dma_start3A_237] : memref<50x512xi32, #tpu.memory_space<vmem>> -> memref<1x512xi32, #tpu.memory_space<vmem>>
    %dma_start3A_239 = tpu.memref_squeeze %dma_start3A_238 : memref<1x512xi32, #tpu.memory_space<vmem>> -> memref<512xi32, #tpu.memory_space<vmem>>
    %dma_start3A_240 = tpu.memref_slice %arg2[%dma_start3A_230, %mul3A_2] : memref<50x16384xi32, #tpu.memory_space<hbm>> -> memref<1x512xi32, #tpu.memory_space<hbm>>
    %dma_start3A_241 = tpu.memref_squeeze %dma_start3A_240 : memref<1x512xi32, #tpu.memory_space<hbm>> -> memref<512xi32, #tpu.memory_space<hbm>>
    tpu.enqueue_dma source(%dma_start3A_241 : memref<512xi32, #tpu.memory_space<hbm>>) target(%dma_start3A_239 : memref<512xi32, #tpu.memory_space<vmem>>) target_semaphore(%arg8 : memref<!tpu.dma_semaphore, #tpu.memory_space<semaphore_mem>>)
    %dma_start3A_242 = arith.constant 20 : i32
    %dma_start3A_243 = arith.constant 20 : i32
    %dma_start3A_244 = arith.constant 0 : i32
    %dma_start3A_245 = tpu.memref_slice %arg5[%dma_start3A_243, %dma_start3A_244] : memref<50x512xi32, #tpu.memory_space<vmem>> -> memref<1x512xi32, #tpu.memory_space<vmem>>
    %dma_start3A_246 = tpu.memref_squeeze %dma_start3A_245 : memref<1x512xi32, #tpu.memory_space<vmem>> -> memref<512xi32, #tpu.memory_space<vmem>>
    %dma_start3A_247 = tpu.memref_slice %arg2[%dma_start3A_242, %mul3A_2] : memref<50x16384xi32, #tpu.memory_space<hbm>> -> memref<1x512xi32, #tpu.memory_space<hbm>>
    %dma_start3A_248 = tpu.memref_squeeze %dma_start3A_247 : memref<1x512xi32, #tpu.memory_space<hbm>> -> memref<512xi32, #tpu.memory_space<hbm>>
    %dma_start3A_249 = arith.constant 0 : i32
    %dma_start3A_250 = tpu.memref_slice %arg5[%dma_start3A_243, %dma_start3A_249] : memref<50x512xi32, #tpu.memory_space<vmem>> -> memref<1x512xi32, #tpu.memory_space<vmem>>
    %dma_start3A_251 = tpu.memref_squeeze %dma_start3A_250 : memref<1x512xi32, #tpu.memory_space<vmem>> -> memref<512xi32, #tpu.memory_space<vmem>>
    %dma_start3A_252 = tpu.memref_slice %arg2[%dma_start3A_242, %mul3A_2] : memref<50x16384xi32, #tpu.memory_space<hbm>> -> memref<1x512xi32, #tpu.memory_space<hbm>>
    %dma_start3A_253 = tpu.memref_squeeze %dma_start3A_252 : memref<1x512xi32, #tpu.memory_space<hbm>> -> memref<512xi32, #tpu.memory_space<hbm>>
    tpu.enqueue_dma source(%dma_start3A_253 : memref<512xi32, #tpu.memory_space<hbm>>) target(%dma_start3A_251 : memref<512xi32, #tpu.memory_space<vmem>>) target_semaphore(%arg8 : memref<!tpu.dma_semaphore, #tpu.memory_space<semaphore_mem>>)
    %dma_start3A_254 = arith.constant 21 : i32
    %dma_start3A_255 = arith.constant 21 : i32
    %dma_start3A_256 = arith.constant 0 : i32
    %dma_start3A_257 = tpu.memref_slice %arg5[%dma_start3A_255, %dma_start3A_256] : memref<50x512xi32, #tpu.memory_space<vmem>> -> memref<1x512xi32, #tpu.memory_space<vmem>>
    %dma_start3A_258 = tpu.memref_squeeze %dma_start3A_257 : memref<1x512xi32, #tpu.memory_space<vmem>> -> memref<512xi32, #tpu.memory_space<vmem>>
    %dma_start3A_259 = tpu.memref_slice %arg2[%dma_start3A_254, %mul3A_2] : memref<50x16384xi32, #tpu.memory_space<hbm>> -> memref<1x512xi32, #tpu.memory_space<hbm>>
    %dma_start3A_260 = tpu.memref_squeeze %dma_start3A_259 : memref<1x512xi32, #tpu.memory_space<hbm>> -> memref<512xi32, #tpu.memory_space<hbm>>
    %dma_start3A_261 = arith.constant 0 : i32
    %dma_start3A_262 = tpu.memref_slice %arg5[%dma_start3A_255, %dma_start3A_261] : memref<50x512xi32, #tpu.memory_space<vmem>> -> memref<1x512xi32, #tpu.memory_space<vmem>>
    %dma_start3A_263 = tpu.memref_squeeze %dma_start3A_262 : memref<1x512xi32, #tpu.memory_space<vmem>> -> memref<512xi32, #tpu.memory_space<vmem>>
    %dma_start3A_264 = tpu.memref_slice %arg2[%dma_start3A_254, %mul3A_2] : memref<50x16384xi32, #tpu.memory_space<hbm>> -> memref<1x512xi32, #tpu.memory_space<hbm>>
    %dma_start3A_265 = tpu.memref_squeeze %dma_start3A_264 : memref<1x512xi32, #tpu.memory_space<hbm>> -> memref<512xi32, #tpu.memory_space<hbm>>
    tpu.enqueue_dma source(%dma_start3A_265 : memref<512xi32, #tpu.memory_space<hbm>>) target(%dma_start3A_263 : memref<512xi32, #tpu.memory_space<vmem>>) target_semaphore(%arg8 : memref<!tpu.dma_semaphore, #tpu.memory_space<semaphore_mem>>)
    %dma_start3A_266 = arith.constant 22 : i32
    %dma_start3A_267 = arith.constant 22 : i32
    %dma_start3A_268 = arith.constant 0 : i32
    %dma_start3A_269 = tpu.memref_slice %arg5[%dma_start3A_267, %dma_start3A_268] : memref<50x512xi32, #tpu.memory_space<vmem>> -> memref<1x512xi32, #tpu.memory_space<vmem>>
    %dma_start3A_270 = tpu.memref_squeeze %dma_start3A_269 : memref<1x512xi32, #tpu.memory_space<vmem>> -> memref<512xi32, #tpu.memory_space<vmem>>
    %dma_start3A_271 = tpu.memref_slice %arg2[%dma_start3A_266, %mul3A_2] : memref<50x16384xi32, #tpu.memory_space<hbm>> -> memref<1x512xi32, #tpu.memory_space<hbm>>
    %dma_start3A_272 = tpu.memref_squeeze %dma_start3A_271 : memref<1x512xi32, #tpu.memory_space<hbm>> -> memref<512xi32, #tpu.memory_space<hbm>>
    %dma_start3A_273 = arith.constant 0 : i32
    %dma_start3A_274 = tpu.memref_slice %arg5[%dma_start3A_267, %dma_start3A_273] : memref<50x512xi32, #tpu.memory_space<vmem>> -> memref<1x512xi32, #tpu.memory_space<vmem>>
    %dma_start3A_275 = tpu.memref_squeeze %dma_start3A_274 : memref<1x512xi32, #tpu.memory_space<vmem>> -> memref<512xi32, #tpu.memory_space<vmem>>
    %dma_start3A_276 = tpu.memref_slice %arg2[%dma_start3A_266, %mul3A_2] : memref<50x16384xi32, #tpu.memory_space<hbm>> -> memref<1x512xi32, #tpu.memory_space<hbm>>
    %dma_start3A_277 = tpu.memref_squeeze %dma_start3A_276 : memref<1x512xi32, #tpu.memory_space<hbm>> -> memref<512xi32, #tpu.memory_space<hbm>>
    tpu.enqueue_dma source(%dma_start3A_277 : memref<512xi32, #tpu.memory_space<hbm>>) target(%dma_start3A_275 : memref<512xi32, #tpu.memory_space<vmem>>) target_semaphore(%arg8 : memref<!tpu.dma_semaphore, #tpu.memory_space<semaphore_mem>>)
    %dma_start3A_278 = arith.constant 23 : i32
    %dma_start3A_279 = arith.constant 23 : i32
    %dma_start3A_280 = arith.constant 0 : i32
    %dma_start3A_281 = tpu.memref_slice %arg5[%dma_start3A_279, %dma_start3A_280] : memref<50x512xi32, #tpu.memory_space<vmem>> -> memref<1x512xi32, #tpu.memory_space<vmem>>
    %dma_start3A_282 = tpu.memref_squeeze %dma_start3A_281 : memref<1x512xi32, #tpu.memory_space<vmem>> -> memref<512xi32, #tpu.memory_space<vmem>>
    %dma_start3A_283 = tpu.memref_slice %arg2[%dma_start3A_278, %mul3A_2] : memref<50x16384xi32, #tpu.memory_space<hbm>> -> memref<1x512xi32, #tpu.memory_space<hbm>>
    %dma_start3A_284 = tpu.memref_squeeze %dma_start3A_283 : memref<1x512xi32, #tpu.memory_space<hbm>> -> memref<512xi32, #tpu.memory_space<hbm>>
    %dma_start3A_285 = arith.constant 0 : i32
    %dma_start3A_286 = tpu.memref_slice %arg5[%dma_start3A_279, %dma_start3A_285] : memref<50x512xi32, #tpu.memory_space<vmem>> -> memref<1x512xi32, #tpu.memory_space<vmem>>
    %dma_start3A_287 = tpu.memref_squeeze %dma_start3A_286 : memref<1x512xi32, #tpu.memory_space<vmem>> -> memref<512xi32, #tpu.memory_space<vmem>>
    %dma_start3A_288 = tpu.memref_slice %arg2[%dma_start3A_278, %mul3A_2] : memref<50x16384xi32, #tpu.memory_space<hbm>> -> memref<1x512xi32, #tpu.memory_space<hbm>>
    %dma_start3A_289 = tpu.memref_squeeze %dma_start3A_288 : memref<1x512xi32, #tpu.memory_space<hbm>> -> memref<512xi32, #tpu.memory_space<hbm>>
    tpu.enqueue_dma source(%dma_start3A_289 : memref<512xi32, #tpu.memory_space<hbm>>) target(%dma_start3A_287 : memref<512xi32, #tpu.memory_space<vmem>>) target_semaphore(%arg8 : memref<!tpu.dma_semaphore, #tpu.memory_space<semaphore_mem>>)
    %dma_start3A_290 = arith.constant 24 : i32
    %dma_start3A_291 = arith.constant 24 : i32
    %dma_start3A_292 = arith.constant 0 : i32
    %dma_start3A_293 = tpu.memref_slice %arg5[%dma_start3A_291, %dma_start3A_292] : memref<50x512xi32, #tpu.memory_space<vmem>> -> memref<1x512xi32, #tpu.memory_space<vmem>>
    %dma_start3A_294 = tpu.memref_squeeze %dma_start3A_293 : memref<1x512xi32, #tpu.memory_space<vmem>> -> memref<512xi32, #tpu.memory_space<vmem>>
    %dma_start3A_295 = tpu.memref_slice %arg2[%dma_start3A_290, %mul3A_2] : memref<50x16384xi32, #tpu.memory_space<hbm>> -> memref<1x512xi32, #tpu.memory_space<hbm>>
    %dma_start3A_296 = tpu.memref_squeeze %dma_start3A_295 : memref<1x512xi32, #tpu.memory_space<hbm>> -> memref<512xi32, #tpu.memory_space<hbm>>
    %dma_start3A_297 = arith.constant 0 : i32
    %dma_start3A_298 = tpu.memref_slice %arg5[%dma_start3A_291, %dma_start3A_297] : memref<50x512xi32, #tpu.memory_space<vmem>> -> memref<1x512xi32, #tpu.memory_space<vmem>>
    %dma_start3A_299 = tpu.memref_squeeze %dma_start3A_298 : memref<1x512xi32, #tpu.memory_space<vmem>> -> memref<512xi32, #tpu.memory_space<vmem>>
    %dma_start3A_300 = tpu.memref_slice %arg2[%dma_start3A_290, %mul3A_2] : memref<50x16384xi32, #tpu.memory_space<hbm>> -> memref<1x512xi32, #tpu.memory_space<hbm>>
    %dma_start3A_301 = tpu.memref_squeeze %dma_start3A_300 : memref<1x512xi32, #tpu.memory_space<hbm>> -> memref<512xi32, #tpu.memory_space<hbm>>
    tpu.enqueue_dma source(%dma_start3A_301 : memref<512xi32, #tpu.memory_space<hbm>>) target(%dma_start3A_299 : memref<512xi32, #tpu.memory_space<vmem>>) target_semaphore(%arg8 : memref<!tpu.dma_semaphore, #tpu.memory_space<semaphore_mem>>)
    %dma_start3A_302 = arith.constant 25 : i32
    %dma_start3A_303 = arith.constant 25 : i32
    %dma_start3A_304 = arith.constant 0 : i32
    %dma_start3A_305 = tpu.memref_slice %arg5[%dma_start3A_303, %dma_start3A_304] : memref<50x512xi32, #tpu.memory_space<vmem>> -> memref<1x512xi32, #tpu.memory_space<vmem>>
    %dma_start3A_306 = tpu.memref_squeeze %dma_start3A_305 : memref<1x512xi32, #tpu.memory_space<vmem>> -> memref<512xi32, #tpu.memory_space<vmem>>
    %dma_start3A_307 = tpu.memref_slice %arg2[%dma_start3A_302, %mul3A_2] : memref<50x16384xi32, #tpu.memory_space<hbm>> -> memref<1x512xi32, #tpu.memory_space<hbm>>
    %dma_start3A_308 = tpu.memref_squeeze %dma_start3A_307 : memref<1x512xi32, #tpu.memory_space<hbm>> -> memref<512xi32, #tpu.memory_space<hbm>>
    %dma_start3A_309 = arith.constant 0 : i32
    %dma_start3A_310 = tpu.memref_slice %arg5[%dma_start3A_303, %dma_start3A_309] : memref<50x512xi32, #tpu.memory_space<vmem>> -> memref<1x512xi32, #tpu.memory_space<vmem>>
    %dma_start3A_311 = tpu.memref_squeeze %dma_start3A_310 : memref<1x512xi32, #tpu.memory_space<vmem>> -> memref<512xi32, #tpu.memory_space<vmem>>
    %dma_start3A_312 = tpu.memref_slice %arg2[%dma_start3A_302, %mul3A_2] : memref<50x16384xi32, #tpu.memory_space<hbm>> -> memref<1x512xi32, #tpu.memory_space<hbm>>
    %dma_start3A_313 = tpu.memref_squeeze %dma_start3A_312 : memref<1x512xi32, #tpu.memory_space<hbm>> -> memref<512xi32, #tpu.memory_space<hbm>>
    tpu.enqueue_dma source(%dma_start3A_313 : memref<512xi32, #tpu.memory_space<hbm>>) target(%dma_start3A_311 : memref<512xi32, #tpu.memory_space<vmem>>) target_semaphore(%arg8 : memref<!tpu.dma_semaphore, #tpu.memory_space<semaphore_mem>>)
    %dma_start3A_314 = arith.constant 26 : i32
    %dma_start3A_315 = arith.constant 26 : i32
    %dma_start3A_316 = arith.constant 0 : i32
    %dma_start3A_317 = tpu.memref_slice %arg5[%dma_start3A_315, %dma_start3A_316] : memref<50x512xi32, #tpu.memory_space<vmem>> -> memref<1x512xi32, #tpu.memory_space<vmem>>
    %dma_start3A_318 = tpu.memref_squeeze %dma_start3A_317 : memref<1x512xi32, #tpu.memory_space<vmem>> -> memref<512xi32, #tpu.memory_space<vmem>>
    %dma_start3A_319 = tpu.memref_slice %arg2[%dma_start3A_314, %mul3A_2] : memref<50x16384xi32, #tpu.memory_space<hbm>> -> memref<1x512xi32, #tpu.memory_space<hbm>>
    %dma_start3A_320 = tpu.memref_squeeze %dma_start3A_319 : memref<1x512xi32, #tpu.memory_space<hbm>> -> memref<512xi32, #tpu.memory_space<hbm>>
    %dma_start3A_321 = arith.constant 0 : i32
    %dma_start3A_322 = tpu.memref_slice %arg5[%dma_start3A_315, %dma_start3A_321] : memref<50x512xi32, #tpu.memory_space<vmem>> -> memref<1x512xi32, #tpu.memory_space<vmem>>
    %dma_start3A_323 = tpu.memref_squeeze %dma_start3A_322 : memref<1x512xi32, #tpu.memory_space<vmem>> -> memref<512xi32, #tpu.memory_space<vmem>>
    %dma_start3A_324 = tpu.memref_slice %arg2[%dma_start3A_314, %mul3A_2] : memref<50x16384xi32, #tpu.memory_space<hbm>> -> memref<1x512xi32, #tpu.memory_space<hbm>>
    %dma_start3A_325 = tpu.memref_squeeze %dma_start3A_324 : memref<1x512xi32, #tpu.memory_space<hbm>> -> memref<512xi32, #tpu.memory_space<hbm>>
    tpu.enqueue_dma source(%dma_start3A_325 : memref<512xi32, #tpu.memory_space<hbm>>) target(%dma_start3A_323 : memref<512xi32, #tpu.memory_space<vmem>>) target_semaphore(%arg8 : memref<!tpu.dma_semaphore, #tpu.memory_space<semaphore_mem>>)
    %dma_start3A_326 = arith.constant 27 : i32
    %dma_start3A_327 = arith.constant 27 : i32
    %dma_start3A_328 = arith.constant 0 : i32
    %dma_start3A_329 = tpu.memref_slice %arg5[%dma_start3A_327, %dma_start3A_328] : memref<50x512xi32, #tpu.memory_space<vmem>> -> memref<1x512xi32, #tpu.memory_space<vmem>>
    %dma_start3A_330 = tpu.memref_squeeze %dma_start3A_329 : memref<1x512xi32, #tpu.memory_space<vmem>> -> memref<512xi32, #tpu.memory_space<vmem>>
    %dma_start3A_331 = tpu.memref_slice %arg2[%dma_start3A_326, %mul3A_2] : memref<50x16384xi32, #tpu.memory_space<hbm>> -> memref<1x512xi32, #tpu.memory_space<hbm>>
    %dma_start3A_332 = tpu.memref_squeeze %dma_start3A_331 : memref<1x512xi32, #tpu.memory_space<hbm>> -> memref<512xi32, #tpu.memory_space<hbm>>
    %dma_start3A_333 = arith.constant 0 : i32
    %dma_start3A_334 = tpu.memref_slice %arg5[%dma_start3A_327, %dma_start3A_333] : memref<50x512xi32, #tpu.memory_space<vmem>> -> memref<1x512xi32, #tpu.memory_space<vmem>>
    %dma_start3A_335 = tpu.memref_squeeze %dma_start3A_334 : memref<1x512xi32, #tpu.memory_space<vmem>> -> memref<512xi32, #tpu.memory_space<vmem>>
    %dma_start3A_336 = tpu.memref_slice %arg2[%dma_start3A_326, %mul3A_2] : memref<50x16384xi32, #tpu.memory_space<hbm>> -> memref<1x512xi32, #tpu.memory_space<hbm>>
    %dma_start3A_337 = tpu.memref_squeeze %dma_start3A_336 : memref<1x512xi32, #tpu.memory_space<hbm>> -> memref<512xi32, #tpu.memory_space<hbm>>
    tpu.enqueue_dma source(%dma_start3A_337 : memref<512xi32, #tpu.memory_space<hbm>>) target(%dma_start3A_335 : memref<512xi32, #tpu.memory_space<vmem>>) target_semaphore(%arg8 : memref<!tpu.dma_semaphore, #tpu.memory_space<semaphore_mem>>)
    %dma_start3A_338 = arith.constant 28 : i32
    %dma_start3A_339 = arith.constant 28 : i32
    %dma_start3A_340 = arith.constant 0 : i32
    %dma_start3A_341 = tpu.memref_slice %arg5[%dma_start3A_339, %dma_start3A_340] : memref<50x512xi32, #tpu.memory_space<vmem>> -> memref<1x512xi32, #tpu.memory_space<vmem>>
    %dma_start3A_342 = tpu.memref_squeeze %dma_start3A_341 : memref<1x512xi32, #tpu.memory_space<vmem>> -> memref<512xi32, #tpu.memory_space<vmem>>
    %dma_start3A_343 = tpu.memref_slice %arg2[%dma_start3A_338, %mul3A_2] : memref<50x16384xi32, #tpu.memory_space<hbm>> -> memref<1x512xi32, #tpu.memory_space<hbm>>
    %dma_start3A_344 = tpu.memref_squeeze %dma_start3A_343 : memref<1x512xi32, #tpu.memory_space<hbm>> -> memref<512xi32, #tpu.memory_space<hbm>>
    %dma_start3A_345 = arith.constant 0 : i32
    %dma_start3A_346 = tpu.memref_slice %arg5[%dma_start3A_339, %dma_start3A_345] : memref<50x512xi32, #tpu.memory_space<vmem>> -> memref<1x512xi32, #tpu.memory_space<vmem>>
    %dma_start3A_347 = tpu.memref_squeeze %dma_start3A_346 : memref<1x512xi32, #tpu.memory_space<vmem>> -> memref<512xi32, #tpu.memory_space<vmem>>
    %dma_start3A_348 = tpu.memref_slice %arg2[%dma_start3A_338, %mul3A_2] : memref<50x16384xi32, #tpu.memory_space<hbm>> -> memref<1x512xi32, #tpu.memory_space<hbm>>
    %dma_start3A_349 = tpu.memref_squeeze %dma_start3A_348 : memref<1x512xi32, #tpu.memory_space<hbm>> -> memref<512xi32, #tpu.memory_space<hbm>>
    tpu.enqueue_dma source(%dma_start3A_349 : memref<512xi32, #tpu.memory_space<hbm>>) target(%dma_start3A_347 : memref<512xi32, #tpu.memory_space<vmem>>) target_semaphore(%arg8 : memref<!tpu.dma_semaphore, #tpu.memory_space<semaphore_mem>>)
    %dma_start3A_350 = arith.constant 29 : i32
    %dma_start3A_351 = arith.constant 29 : i32
    %dma_start3A_352 = arith.constant 0 : i32
    %dma_start3A_353 = tpu.memref_slice %arg5[%dma_start3A_351, %dma_start3A_352] : memref<50x512xi32, #tpu.memory_space<vmem>> -> memref<1x512xi32, #tpu.memory_space<vmem>>
    %dma_start3A_354 = tpu.memref_squeeze %dma_start3A_353 : memref<1x512xi32, #tpu.memory_space<vmem>> -> memref<512xi32, #tpu.memory_space<vmem>>
    %dma_start3A_355 = tpu.memref_slice %arg2[%dma_start3A_350, %mul3A_2] : memref<50x16384xi32, #tpu.memory_space<hbm>> -> memref<1x512xi32, #tpu.memory_space<hbm>>
    %dma_start3A_356 = tpu.memref_squeeze %dma_start3A_355 : memref<1x512xi32, #tpu.memory_space<hbm>> -> memref<512xi32, #tpu.memory_space<hbm>>
    %dma_start3A_357 = arith.constant 0 : i32
    %dma_start3A_358 = tpu.memref_slice %arg5[%dma_start3A_351, %dma_start3A_357] : memref<50x512xi32, #tpu.memory_space<vmem>> -> memref<1x512xi32, #tpu.memory_space<vmem>>
    %dma_start3A_359 = tpu.memref_squeeze %dma_start3A_358 : memref<1x512xi32, #tpu.memory_space<vmem>> -> memref<512xi32, #tpu.memory_space<vmem>>
    %dma_start3A_360 = tpu.memref_slice %arg2[%dma_start3A_350, %mul3A_2] : memref<50x16384xi32, #tpu.memory_space<hbm>> -> memref<1x512xi32, #tpu.memory_space<hbm>>
    %dma_start3A_361 = tpu.memref_squeeze %dma_start3A_360 : memref<1x512xi32, #tpu.memory_space<hbm>> -> memref<512xi32, #tpu.memory_space<hbm>>
    tpu.enqueue_dma source(%dma_start3A_361 : memref<512xi32, #tpu.memory_space<hbm>>) target(%dma_start3A_359 : memref<512xi32, #tpu.memory_space<vmem>>) target_semaphore(%arg8 : memref<!tpu.dma_semaphore, #tpu.memory_space<semaphore_mem>>)
    %dma_start3A_362 = arith.constant 30 : i32
    %dma_start3A_363 = arith.constant 30 : i32
    %dma_start3A_364 = arith.constant 0 : i32
    %dma_start3A_365 = tpu.memref_slice %arg5[%dma_start3A_363, %dma_start3A_364] : memref<50x512xi32, #tpu.memory_space<vmem>> -> memref<1x512xi32, #tpu.memory_space<vmem>>
    %dma_start3A_366 = tpu.memref_squeeze %dma_start3A_365 : memref<1x512xi32, #tpu.memory_space<vmem>> -> memref<512xi32, #tpu.memory_space<vmem>>
    %dma_start3A_367 = tpu.memref_slice %arg2[%dma_start3A_362, %mul3A_2] : memref<50x16384xi32, #tpu.memory_space<hbm>> -> memref<1x512xi32, #tpu.memory_space<hbm>>
    %dma_start3A_368 = tpu.memref_squeeze %dma_start3A_367 : memref<1x512xi32, #tpu.memory_space<hbm>> -> memref<512xi32, #tpu.memory_space<hbm>>
    %dma_start3A_369 = arith.constant 0 : i32
    %dma_start3A_370 = tpu.memref_slice %arg5[%dma_start3A_363, %dma_start3A_369] : memref<50x512xi32, #tpu.memory_space<vmem>> -> memref<1x512xi32, #tpu.memory_space<vmem>>
    %dma_start3A_371 = tpu.memref_squeeze %dma_start3A_370 : memref<1x512xi32, #tpu.memory_space<vmem>> -> memref<512xi32, #tpu.memory_space<vmem>>
    %dma_start3A_372 = tpu.memref_slice %arg2[%dma_start3A_362, %mul3A_2] : memref<50x16384xi32, #tpu.memory_space<hbm>> -> memref<1x512xi32, #tpu.memory_space<hbm>>
    %dma_start3A_373 = tpu.memref_squeeze %dma_start3A_372 : memref<1x512xi32, #tpu.memory_space<hbm>> -> memref<512xi32, #tpu.memory_space<hbm>>
    tpu.enqueue_dma source(%dma_start3A_373 : memref<512xi32, #tpu.memory_space<hbm>>) target(%dma_start3A_371 : memref<512xi32, #tpu.memory_space<vmem>>) target_semaphore(%arg8 : memref<!tpu.dma_semaphore, #tpu.memory_space<semaphore_mem>>)
    %dma_start3A_374 = arith.constant 31 : i32
    %dma_start3A_375 = arith.constant 31 : i32
    %dma_start3A_376 = arith.constant 0 : i32
    %dma_start3A_377 = tpu.memref_slice %arg5[%dma_start3A_375, %dma_start3A_376] : memref<50x512xi32, #tpu.memory_space<vmem>> -> memref<1x512xi32, #tpu.memory_space<vmem>>
    %dma_start3A_378 = tpu.memref_squeeze %dma_start3A_377 : memref<1x512xi32, #tpu.memory_space<vmem>> -> memref<512xi32, #tpu.memory_space<vmem>>
    %dma_start3A_379 = tpu.memref_slice %arg2[%dma_start3A_374, %mul3A_2] : memref<50x16384xi32, #tpu.memory_space<hbm>> -> memref<1x512xi32, #tpu.memory_space<hbm>>
    %dma_start3A_380 = tpu.memref_squeeze %dma_start3A_379 : memref<1x512xi32, #tpu.memory_space<hbm>> -> memref<512xi32, #tpu.memory_space<hbm>>
    %dma_start3A_381 = arith.constant 0 : i32
    %dma_start3A_382 = tpu.memref_slice %arg5[%dma_start3A_375, %dma_start3A_381] : memref<50x512xi32, #tpu.memory_space<vmem>> -> memref<1x512xi32, #tpu.memory_space<vmem>>
    %dma_start3A_383 = tpu.memref_squeeze %dma_start3A_382 : memref<1x512xi32, #tpu.memory_space<vmem>> -> memref<512xi32, #tpu.memory_space<vmem>>
    %dma_start3A_384 = tpu.memref_slice %arg2[%dma_start3A_374, %mul3A_2] : memref<50x16384xi32, #tpu.memory_space<hbm>> -> memref<1x512xi32, #tpu.memory_space<hbm>>
    %dma_start3A_385 = tpu.memref_squeeze %dma_start3A_384 : memref<1x512xi32, #tpu.memory_space<hbm>> -> memref<512xi32, #tpu.memory_space<hbm>>
    tpu.enqueue_dma source(%dma_start3A_385 : memref<512xi32, #tpu.memory_space<hbm>>) target(%dma_start3A_383 : memref<512xi32, #tpu.memory_space<vmem>>) target_semaphore(%arg8 : memref<!tpu.dma_semaphore, #tpu.memory_space<semaphore_mem>>)
    %dma_start3A_386 = arith.constant 32 : i32
    %dma_start3A_387 = arith.constant 32 : i32
    %dma_start3A_388 = arith.constant 0 : i32
    %dma_start3A_389 = tpu.memref_slice %arg5[%dma_start3A_387, %dma_start3A_388] : memref<50x512xi32, #tpu.memory_space<vmem>> -> memref<1x512xi32, #tpu.memory_space<vmem>>
    %dma_start3A_390 = tpu.memref_squeeze %dma_start3A_389 : memref<1x512xi32, #tpu.memory_space<vmem>> -> memref<512xi32, #tpu.memory_space<vmem>>
    %dma_start3A_391 = tpu.memref_slice %arg2[%dma_start3A_386, %mul3A_2] : memref<50x16384xi32, #tpu.memory_space<hbm>> -> memref<1x512xi32, #tpu.memory_space<hbm>>
    %dma_start3A_392 = tpu.memref_squeeze %dma_start3A_391 : memref<1x512xi32, #tpu.memory_space<hbm>> -> memref<512xi32, #tpu.memory_space<hbm>>
    %dma_start3A_393 = arith.constant 0 : i32
    %dma_start3A_394 = tpu.memref_slice %arg5[%dma_start3A_387, %dma_start3A_393] : memref<50x512xi32, #tpu.memory_space<vmem>> -> memref<1x512xi32, #tpu.memory_space<vmem>>
    %dma_start3A_395 = tpu.memref_squeeze %dma_start3A_394 : memref<1x512xi32, #tpu.memory_space<vmem>> -> memref<512xi32, #tpu.memory_space<vmem>>
    %dma_start3A_396 = tpu.memref_slice %arg2[%dma_start3A_386, %mul3A_2] : memref<50x16384xi32, #tpu.memory_space<hbm>> -> memref<1x512xi32, #tpu.memory_space<hbm>>
    %dma_start3A_397 = tpu.memref_squeeze %dma_start3A_396 : memref<1x512xi32, #tpu.memory_space<hbm>> -> memref<512xi32, #tpu.memory_space<hbm>>
    tpu.enqueue_dma source(%dma_start3A_397 : memref<512xi32, #tpu.memory_space<hbm>>) target(%dma_start3A_395 : memref<512xi32, #tpu.memory_space<vmem>>) target_semaphore(%arg8 : memref<!tpu.dma_semaphore, #tpu.memory_space<semaphore_mem>>)
    %dma_start3A_398 = arith.constant 33 : i32
    %dma_start3A_399 = arith.constant 33 : i32
    %dma_start3A_400 = arith.constant 0 : i32
    %dma_start3A_401 = tpu.memref_slice %arg5[%dma_start3A_399, %dma_start3A_400] : memref<50x512xi32, #tpu.memory_space<vmem>> -> memref<1x512xi32, #tpu.memory_space<vmem>>
    %dma_start3A_402 = tpu.memref_squeeze %dma_start3A_401 : memref<1x512xi32, #tpu.memory_space<vmem>> -> memref<512xi32, #tpu.memory_space<vmem>>
    %dma_start3A_403 = tpu.memref_slice %arg2[%dma_start3A_398, %mul3A_2] : memref<50x16384xi32, #tpu.memory_space<hbm>> -> memref<1x512xi32, #tpu.memory_space<hbm>>
    %dma_start3A_404 = tpu.memref_squeeze %dma_start3A_403 : memref<1x512xi32, #tpu.memory_space<hbm>> -> memref<512xi32, #tpu.memory_space<hbm>>
    %dma_start3A_405 = arith.constant 0 : i32
    %dma_start3A_406 = tpu.memref_slice %arg5[%dma_start3A_399, %dma_start3A_405] : memref<50x512xi32, #tpu.memory_space<vmem>> -> memref<1x512xi32, #tpu.memory_space<vmem>>
    %dma_start3A_407 = tpu.memref_squeeze %dma_start3A_406 : memref<1x512xi32, #tpu.memory_space<vmem>> -> memref<512xi32, #tpu.memory_space<vmem>>
    %dma_start3A_408 = tpu.memref_slice %arg2[%dma_start3A_398, %mul3A_2] : memref<50x16384xi32, #tpu.memory_space<hbm>> -> memref<1x512xi32, #tpu.memory_space<hbm>>
    %dma_start3A_409 = tpu.memref_squeeze %dma_start3A_408 : memref<1x512xi32, #tpu.memory_space<hbm>> -> memref<512xi32, #tpu.memory_space<hbm>>
    tpu.enqueue_dma source(%dma_start3A_409 : memref<512xi32, #tpu.memory_space<hbm>>) target(%dma_start3A_407 : memref<512xi32, #tpu.memory_space<vmem>>) target_semaphore(%arg8 : memref<!tpu.dma_semaphore, #tpu.memory_space<semaphore_mem>>)
    %dma_start3A_410 = arith.constant 34 : i32
    %dma_start3A_411 = arith.constant 34 : i32
    %dma_start3A_412 = arith.constant 0 : i32
    %dma_start3A_413 = tpu.memref_slice %arg5[%dma_start3A_411, %dma_start3A_412] : memref<50x512xi32, #tpu.memory_space<vmem>> -> memref<1x512xi32, #tpu.memory_space<vmem>>
    %dma_start3A_414 = tpu.memref_squeeze %dma_start3A_413 : memref<1x512xi32, #tpu.memory_space<vmem>> -> memref<512xi32, #tpu.memory_space<vmem>>
    %dma_start3A_415 = tpu.memref_slice %arg2[%dma_start3A_410, %mul3A_2] : memref<50x16384xi32, #tpu.memory_space<hbm>> -> memref<1x512xi32, #tpu.memory_space<hbm>>
    %dma_start3A_416 = tpu.memref_squeeze %dma_start3A_415 : memref<1x512xi32, #tpu.memory_space<hbm>> -> memref<512xi32, #tpu.memory_space<hbm>>
    %dma_start3A_417 = arith.constant 0 : i32
    %dma_start3A_418 = tpu.memref_slice %arg5[%dma_start3A_411, %dma_start3A_417] : memref<50x512xi32, #tpu.memory_space<vmem>> -> memref<1x512xi32, #tpu.memory_space<vmem>>
    %dma_start3A_419 = tpu.memref_squeeze %dma_start3A_418 : memref<1x512xi32, #tpu.memory_space<vmem>> -> memref<512xi32, #tpu.memory_space<vmem>>
    %dma_start3A_420 = tpu.memref_slice %arg2[%dma_start3A_410, %mul3A_2] : memref<50x16384xi32, #tpu.memory_space<hbm>> -> memref<1x512xi32, #tpu.memory_space<hbm>>
    %dma_start3A_421 = tpu.memref_squeeze %dma_start3A_420 : memref<1x512xi32, #tpu.memory_space<hbm>> -> memref<512xi32, #tpu.memory_space<hbm>>
    tpu.enqueue_dma source(%dma_start3A_421 : memref<512xi32, #tpu.memory_space<hbm>>) target(%dma_start3A_419 : memref<512xi32, #tpu.memory_space<vmem>>) target_semaphore(%arg8 : memref<!tpu.dma_semaphore, #tpu.memory_space<semaphore_mem>>)
    %dma_start3A_422 = arith.constant 35 : i32
    %dma_start3A_423 = arith.constant 35 : i32
    %dma_start3A_424 = arith.constant 0 : i32
    %dma_start3A_425 = tpu.memref_slice %arg5[%dma_start3A_423, %dma_start3A_424] : memref<50x512xi32, #tpu.memory_space<vmem>> -> memref<1x512xi32, #tpu.memory_space<vmem>>
    %dma_start3A_426 = tpu.memref_squeeze %dma_start3A_425 : memref<1x512xi32, #tpu.memory_space<vmem>> -> memref<512xi32, #tpu.memory_space<vmem>>
    %dma_start3A_427 = tpu.memref_slice %arg2[%dma_start3A_422, %mul3A_2] : memref<50x16384xi32, #tpu.memory_space<hbm>> -> memref<1x512xi32, #tpu.memory_space<hbm>>
    %dma_start3A_428 = tpu.memref_squeeze %dma_start3A_427 : memref<1x512xi32, #tpu.memory_space<hbm>> -> memref<512xi32, #tpu.memory_space<hbm>>
    %dma_start3A_429 = arith.constant 0 : i32
    %dma_start3A_430 = tpu.memref_slice %arg5[%dma_start3A_423, %dma_start3A_429] : memref<50x512xi32, #tpu.memory_space<vmem>> -> memref<1x512xi32, #tpu.memory_space<vmem>>
    %dma_start3A_431 = tpu.memref_squeeze %dma_start3A_430 : memref<1x512xi32, #tpu.memory_space<vmem>> -> memref<512xi32, #tpu.memory_space<vmem>>
    %dma_start3A_432 = tpu.memref_slice %arg2[%dma_start3A_422, %mul3A_2] : memref<50x16384xi32, #tpu.memory_space<hbm>> -> memref<1x512xi32, #tpu.memory_space<hbm>>
    %dma_start3A_433 = tpu.memref_squeeze %dma_start3A_432 : memref<1x512xi32, #tpu.memory_space<hbm>> -> memref<512xi32, #tpu.memory_space<hbm>>
    tpu.enqueue_dma source(%dma_start3A_433 : memref<512xi32, #tpu.memory_space<hbm>>) target(%dma_start3A_431 : memref<512xi32, #tpu.memory_space<vmem>>) target_semaphore(%arg8 : memref<!tpu.dma_semaphore, #tpu.memory_space<semaphore_mem>>)
    %dma_start3A_434 = arith.constant 36 : i32
    %dma_start3A_435 = arith.constant 36 : i32
    %dma_start3A_436 = arith.constant 0 : i32
    %dma_start3A_437 = tpu.memref_slice %arg5[%dma_start3A_435, %dma_start3A_436] : memref<50x512xi32, #tpu.memory_space<vmem>> -> memref<1x512xi32, #tpu.memory_space<vmem>>
    %dma_start3A_438 = tpu.memref_squeeze %dma_start3A_437 : memref<1x512xi32, #tpu.memory_space<vmem>> -> memref<512xi32, #tpu.memory_space<vmem>>
    %dma_start3A_439 = tpu.memref_slice %arg2[%dma_start3A_434, %mul3A_2] : memref<50x16384xi32, #tpu.memory_space<hbm>> -> memref<1x512xi32, #tpu.memory_space<hbm>>
    %dma_start3A_440 = tpu.memref_squeeze %dma_start3A_439 : memref<1x512xi32, #tpu.memory_space<hbm>> -> memref<512xi32, #tpu.memory_space<hbm>>
    %dma_start3A_441 = arith.constant 0 : i32
    %dma_start3A_442 = tpu.memref_slice %arg5[%dma_start3A_435, %dma_start3A_441] : memref<50x512xi32, #tpu.memory_space<vmem>> -> memref<1x512xi32, #tpu.memory_space<vmem>>
    %dma_start3A_443 = tpu.memref_squeeze %dma_start3A_442 : memref<1x512xi32, #tpu.memory_space<vmem>> -> memref<512xi32, #tpu.memory_space<vmem>>
    %dma_start3A_444 = tpu.memref_slice %arg2[%dma_start3A_434, %mul3A_2] : memref<50x16384xi32, #tpu.memory_space<hbm>> -> memref<1x512xi32, #tpu.memory_space<hbm>>
    %dma_start3A_445 = tpu.memref_squeeze %dma_start3A_444 : memref<1x512xi32, #tpu.memory_space<hbm>> -> memref<512xi32, #tpu.memory_space<hbm>>
    tpu.enqueue_dma source(%dma_start3A_445 : memref<512xi32, #tpu.memory_space<hbm>>) target(%dma_start3A_443 : memref<512xi32, #tpu.memory_space<vmem>>) target_semaphore(%arg8 : memref<!tpu.dma_semaphore, #tpu.memory_space<semaphore_mem>>)
    %dma_start3A_446 = arith.constant 37 : i32
    %dma_start3A_447 = arith.constant 37 : i32
    %dma_start3A_448 = arith.constant 0 : i32
    %dma_start3A_449 = tpu.memref_slice %arg5[%dma_start3A_447, %dma_start3A_448] : memref<50x512xi32, #tpu.memory_space<vmem>> -> memref<1x512xi32, #tpu.memory_space<vmem>>
    %dma_start3A_450 = tpu.memref_squeeze %dma_start3A_449 : memref<1x512xi32, #tpu.memory_space<vmem>> -> memref<512xi32, #tpu.memory_space<vmem>>
    %dma_start3A_451 = tpu.memref_slice %arg2[%dma_start3A_446, %mul3A_2] : memref<50x16384xi32, #tpu.memory_space<hbm>> -> memref<1x512xi32, #tpu.memory_space<hbm>>
    %dma_start3A_452 = tpu.memref_squeeze %dma_start3A_451 : memref<1x512xi32, #tpu.memory_space<hbm>> -> memref<512xi32, #tpu.memory_space<hbm>>
    %dma_start3A_453 = arith.constant 0 : i32
    %dma_start3A_454 = tpu.memref_slice %arg5[%dma_start3A_447, %dma_start3A_453] : memref<50x512xi32, #tpu.memory_space<vmem>> -> memref<1x512xi32, #tpu.memory_space<vmem>>
    %dma_start3A_455 = tpu.memref_squeeze %dma_start3A_454 : memref<1x512xi32, #tpu.memory_space<vmem>> -> memref<512xi32, #tpu.memory_space<vmem>>
    %dma_start3A_456 = tpu.memref_slice %arg2[%dma_start3A_446, %mul3A_2] : memref<50x16384xi32, #tpu.memory_space<hbm>> -> memref<1x512xi32, #tpu.memory_space<hbm>>
    %dma_start3A_457 = tpu.memref_squeeze %dma_start3A_456 : memref<1x512xi32, #tpu.memory_space<hbm>> -> memref<512xi32, #tpu.memory_space<hbm>>
    tpu.enqueue_dma source(%dma_start3A_457 : memref<512xi32, #tpu.memory_space<hbm>>) target(%dma_start3A_455 : memref<512xi32, #tpu.memory_space<vmem>>) target_semaphore(%arg8 : memref<!tpu.dma_semaphore, #tpu.memory_space<semaphore_mem>>)
    %dma_start3A_458 = arith.constant 38 : i32
    %dma_start3A_459 = arith.constant 38 : i32
    %dma_start3A_460 = arith.constant 0 : i32
    %dma_start3A_461 = tpu.memref_slice %arg5[%dma_start3A_459, %dma_start3A_460] : memref<50x512xi32, #tpu.memory_space<vmem>> -> memref<1x512xi32, #tpu.memory_space<vmem>>
    %dma_start3A_462 = tpu.memref_squeeze %dma_start3A_461 : memref<1x512xi32, #tpu.memory_space<vmem>> -> memref<512xi32, #tpu.memory_space<vmem>>
    %dma_start3A_463 = tpu.memref_slice %arg2[%dma_start3A_458, %mul3A_2] : memref<50x16384xi32, #tpu.memory_space<hbm>> -> memref<1x512xi32, #tpu.memory_space<hbm>>
    %dma_start3A_464 = tpu.memref_squeeze %dma_start3A_463 : memref<1x512xi32, #tpu.memory_space<hbm>> -> memref<512xi32, #tpu.memory_space<hbm>>
    %dma_start3A_465 = arith.constant 0 : i32
    %dma_start3A_466 = tpu.memref_slice %arg5[%dma_start3A_459, %dma_start3A_465] : memref<50x512xi32, #tpu.memory_space<vmem>> -> memref<1x512xi32, #tpu.memory_space<vmem>>
    %dma_start3A_467 = tpu.memref_squeeze %dma_start3A_466 : memref<1x512xi32, #tpu.memory_space<vmem>> -> memref<512xi32, #tpu.memory_space<vmem>>
    %dma_start3A_468 = tpu.memref_slice %arg2[%dma_start3A_458, %mul3A_2] : memref<50x16384xi32, #tpu.memory_space<hbm>> -> memref<1x512xi32, #tpu.memory_space<hbm>>
    %dma_start3A_469 = tpu.memref_squeeze %dma_start3A_468 : memref<1x512xi32, #tpu.memory_space<hbm>> -> memref<512xi32, #tpu.memory_space<hbm>>
    tpu.enqueue_dma source(%dma_start3A_469 : memref<512xi32, #tpu.memory_space<hbm>>) target(%dma_start3A_467 : memref<512xi32, #tpu.memory_space<vmem>>) target_semaphore(%arg8 : memref<!tpu.dma_semaphore, #tpu.memory_space<semaphore_mem>>)
    %dma_start3A_470 = arith.constant 39 : i32
    %dma_start3A_471 = arith.constant 39 : i32
    %dma_start3A_472 = arith.constant 0 : i32
    %dma_start3A_473 = tpu.memref_slice %arg5[%dma_start3A_471, %dma_start3A_472] : memref<50x512xi32, #tpu.memory_space<vmem>> -> memref<1x512xi32, #tpu.memory_space<vmem>>
    %dma_start3A_474 = tpu.memref_squeeze %dma_start3A_473 : memref<1x512xi32, #tpu.memory_space<vmem>> -> memref<512xi32, #tpu.memory_space<vmem>>
    %dma_start3A_475 = tpu.memref_slice %arg2[%dma_start3A_470, %mul3A_2] : memref<50x16384xi32, #tpu.memory_space<hbm>> -> memref<1x512xi32, #tpu.memory_space<hbm>>
    %dma_start3A_476 = tpu.memref_squeeze %dma_start3A_475 : memref<1x512xi32, #tpu.memory_space<hbm>> -> memref<512xi32, #tpu.memory_space<hbm>>
    %dma_start3A_477 = arith.constant 0 : i32
    %dma_start3A_478 = tpu.memref_slice %arg5[%dma_start3A_471, %dma_start3A_477] : memref<50x512xi32, #tpu.memory_space<vmem>> -> memref<1x512xi32, #tpu.memory_space<vmem>>
    %dma_start3A_479 = tpu.memref_squeeze %dma_start3A_478 : memref<1x512xi32, #tpu.memory_space<vmem>> -> memref<512xi32, #tpu.memory_space<vmem>>
    %dma_start3A_480 = tpu.memref_slice %arg2[%dma_start3A_470, %mul3A_2] : memref<50x16384xi32, #tpu.memory_space<hbm>> -> memref<1x512xi32, #tpu.memory_space<hbm>>
    %dma_start3A_481 = tpu.memref_squeeze %dma_start3A_480 : memref<1x512xi32, #tpu.memory_space<hbm>> -> memref<512xi32, #tpu.memory_space<hbm>>
    tpu.enqueue_dma source(%dma_start3A_481 : memref<512xi32, #tpu.memory_space<hbm>>) target(%dma_start3A_479 : memref<512xi32, #tpu.memory_space<vmem>>) target_semaphore(%arg8 : memref<!tpu.dma_semaphore, #tpu.memory_space<semaphore_mem>>)
    %dma_start3A_482 = arith.constant 40 : i32
    %dma_start3A_483 = arith.constant 40 : i32
    %dma_start3A_484 = arith.constant 0 : i32
    %dma_start3A_485 = tpu.memref_slice %arg5[%dma_start3A_483, %dma_start3A_484] : memref<50x512xi32, #tpu.memory_space<vmem>> -> memref<1x512xi32, #tpu.memory_space<vmem>>
    %dma_start3A_486 = tpu.memref_squeeze %dma_start3A_485 : memref<1x512xi32, #tpu.memory_space<vmem>> -> memref<512xi32, #tpu.memory_space<vmem>>
    %dma_start3A_487 = tpu.memref_slice %arg2[%dma_start3A_482, %mul3A_2] : memref<50x16384xi32, #tpu.memory_space<hbm>> -> memref<1x512xi32, #tpu.memory_space<hbm>>
    %dma_start3A_488 = tpu.memref_squeeze %dma_start3A_487 : memref<1x512xi32, #tpu.memory_space<hbm>> -> memref<512xi32, #tpu.memory_space<hbm>>
    %dma_start3A_489 = arith.constant 0 : i32
    %dma_start3A_490 = tpu.memref_slice %arg5[%dma_start3A_483, %dma_start3A_489] : memref<50x512xi32, #tpu.memory_space<vmem>> -> memref<1x512xi32, #tpu.memory_space<vmem>>
    %dma_start3A_491 = tpu.memref_squeeze %dma_start3A_490 : memref<1x512xi32, #tpu.memory_space<vmem>> -> memref<512xi32, #tpu.memory_space<vmem>>
    %dma_start3A_492 = tpu.memref_slice %arg2[%dma_start3A_482, %mul3A_2] : memref<50x16384xi32, #tpu.memory_space<hbm>> -> memref<1x512xi32, #tpu.memory_space<hbm>>
    %dma_start3A_493 = tpu.memref_squeeze %dma_start3A_492 : memref<1x512xi32, #tpu.memory_space<hbm>> -> memref<512xi32, #tpu.memory_space<hbm>>
    tpu.enqueue_dma source(%dma_start3A_493 : memref<512xi32, #tpu.memory_space<hbm>>) target(%dma_start3A_491 : memref<512xi32, #tpu.memory_space<vmem>>) target_semaphore(%arg8 : memref<!tpu.dma_semaphore, #tpu.memory_space<semaphore_mem>>)
    %dma_start3A_494 = arith.constant 41 : i32
    %dma_start3A_495 = arith.constant 41 : i32
    %dma_start3A_496 = arith.constant 0 : i32
    %dma_start3A_497 = tpu.memref_slice %arg5[%dma_start3A_495, %dma_start3A_496] : memref<50x512xi32, #tpu.memory_space<vmem>> -> memref<1x512xi32, #tpu.memory_space<vmem>>
    %dma_start3A_498 = tpu.memref_squeeze %dma_start3A_497 : memref<1x512xi32, #tpu.memory_space<vmem>> -> memref<512xi32, #tpu.memory_space<vmem>>
    %dma_start3A_499 = tpu.memref_slice %arg2[%dma_start3A_494, %mul3A_2] : memref<50x16384xi32, #tpu.memory_space<hbm>> -> memref<1x512xi32, #tpu.memory_space<hbm>>
    %dma_start3A_500 = tpu.memref_squeeze %dma_start3A_499 : memref<1x512xi32, #tpu.memory_space<hbm>> -> memref<512xi32, #tpu.memory_space<hbm>>
    %dma_start3A_501 = arith.constant 0 : i32
    %dma_start3A_502 = tpu.memref_slice %arg5[%dma_start3A_495, %dma_start3A_501] : memref<50x512xi32, #tpu.memory_space<vmem>> -> memref<1x512xi32, #tpu.memory_space<vmem>>
    %dma_start3A_503 = tpu.memref_squeeze %dma_start3A_502 : memref<1x512xi32, #tpu.memory_space<vmem>> -> memref<512xi32, #tpu.memory_space<vmem>>
    %dma_start3A_504 = tpu.memref_slice %arg2[%dma_start3A_494, %mul3A_2] : memref<50x16384xi32, #tpu.memory_space<hbm>> -> memref<1x512xi32, #tpu.memory_space<hbm>>
    %dma_start3A_505 = tpu.memref_squeeze %dma_start3A_504 : memref<1x512xi32, #tpu.memory_space<hbm>> -> memref<512xi32, #tpu.memory_space<hbm>>
    tpu.enqueue_dma source(%dma_start3A_505 : memref<512xi32, #tpu.memory_space<hbm>>) target(%dma_start3A_503 : memref<512xi32, #tpu.memory_space<vmem>>) target_semaphore(%arg8 : memref<!tpu.dma_semaphore, #tpu.memory_space<semaphore_mem>>)
    %dma_start3A_506 = arith.constant 42 : i32
    %dma_start3A_507 = arith.constant 42 : i32
    %dma_start3A_508 = arith.constant 0 : i32
    %dma_start3A_509 = tpu.memref_slice %arg5[%dma_start3A_507, %dma_start3A_508] : memref<50x512xi32, #tpu.memory_space<vmem>> -> memref<1x512xi32, #tpu.memory_space<vmem>>
    %dma_start3A_510 = tpu.memref_squeeze %dma_start3A_509 : memref<1x512xi32, #tpu.memory_space<vmem>> -> memref<512xi32, #tpu.memory_space<vmem>>
    %dma_start3A_511 = tpu.memref_slice %arg2[%dma_start3A_506, %mul3A_2] : memref<50x16384xi32, #tpu.memory_space<hbm>> -> memref<1x512xi32, #tpu.memory_space<hbm>>
    %dma_start3A_512 = tpu.memref_squeeze %dma_start3A_511 : memref<1x512xi32, #tpu.memory_space<hbm>> -> memref<512xi32, #tpu.memory_space<hbm>>
    %dma_start3A_513 = arith.constant 0 : i32
    %dma_start3A_514 = tpu.memref_slice %arg5[%dma_start3A_507, %dma_start3A_513] : memref<50x512xi32, #tpu.memory_space<vmem>> -> memref<1x512xi32, #tpu.memory_space<vmem>>
    %dma_start3A_515 = tpu.memref_squeeze %dma_start3A_514 : memref<1x512xi32, #tpu.memory_space<vmem>> -> memref<512xi32, #tpu.memory_space<vmem>>
    %dma_start3A_516 = tpu.memref_slice %arg2[%dma_start3A_506, %mul3A_2] : memref<50x16384xi32, #tpu.memory_space<hbm>> -> memref<1x512xi32, #tpu.memory_space<hbm>>
    %dma_start3A_517 = tpu.memref_squeeze %dma_start3A_516 : memref<1x512xi32, #tpu.memory_space<hbm>> -> memref<512xi32, #tpu.memory_space<hbm>>
    tpu.enqueue_dma source(%dma_start3A_517 : memref<512xi32, #tpu.memory_space<hbm>>) target(%dma_start3A_515 : memref<512xi32, #tpu.memory_space<vmem>>) target_semaphore(%arg8 : memref<!tpu.dma_semaphore, #tpu.memory_space<semaphore_mem>>)
    %dma_start3A_518 = arith.constant 43 : i32
    %dma_start3A_519 = arith.constant 43 : i32
    %dma_start3A_520 = arith.constant 0 : i32
    %dma_start3A_521 = tpu.memref_slice %arg5[%dma_start3A_519, %dma_start3A_520] : memref<50x512xi32, #tpu.memory_space<vmem>> -> memref<1x512xi32, #tpu.memory_space<vmem>>
    %dma_start3A_522 = tpu.memref_squeeze %dma_start3A_521 : memref<1x512xi32, #tpu.memory_space<vmem>> -> memref<512xi32, #tpu.memory_space<vmem>>
    %dma_start3A_523 = tpu.memref_slice %arg2[%dma_start3A_518, %mul3A_2] : memref<50x16384xi32, #tpu.memory_space<hbm>> -> memref<1x512xi32, #tpu.memory_space<hbm>>
    %dma_start3A_524 = tpu.memref_squeeze %dma_start3A_523 : memref<1x512xi32, #tpu.memory_space<hbm>> -> memref<512xi32, #tpu.memory_space<hbm>>
    %dma_start3A_525 = arith.constant 0 : i32
    %dma_start3A_526 = tpu.memref_slice %arg5[%dma_start3A_519, %dma_start3A_525] : memref<50x512xi32, #tpu.memory_space<vmem>> -> memref<1x512xi32, #tpu.memory_space<vmem>>
    %dma_start3A_527 = tpu.memref_squeeze %dma_start3A_526 : memref<1x512xi32, #tpu.memory_space<vmem>> -> memref<512xi32, #tpu.memory_space<vmem>>
    %dma_start3A_528 = tpu.memref_slice %arg2[%dma_start3A_518, %mul3A_2] : memref<50x16384xi32, #tpu.memory_space<hbm>> -> memref<1x512xi32, #tpu.memory_space<hbm>>
    %dma_start3A_529 = tpu.memref_squeeze %dma_start3A_528 : memref<1x512xi32, #tpu.memory_space<hbm>> -> memref<512xi32, #tpu.memory_space<hbm>>
    tpu.enqueue_dma source(%dma_start3A_529 : memref<512xi32, #tpu.memory_space<hbm>>) target(%dma_start3A_527 : memref<512xi32, #tpu.memory_space<vmem>>) target_semaphore(%arg8 : memref<!tpu.dma_semaphore, #tpu.memory_space<semaphore_mem>>)
    %dma_start3A_530 = arith.constant 44 : i32
    %dma_start3A_531 = arith.constant 44 : i32
    %dma_start3A_532 = arith.constant 0 : i32
    %dma_start3A_533 = tpu.memref_slice %arg5[%dma_start3A_531, %dma_start3A_532] : memref<50x512xi32, #tpu.memory_space<vmem>> -> memref<1x512xi32, #tpu.memory_space<vmem>>
    %dma_start3A_534 = tpu.memref_squeeze %dma_start3A_533 : memref<1x512xi32, #tpu.memory_space<vmem>> -> memref<512xi32, #tpu.memory_space<vmem>>
    %dma_start3A_535 = tpu.memref_slice %arg2[%dma_start3A_530, %mul3A_2] : memref<50x16384xi32, #tpu.memory_space<hbm>> -> memref<1x512xi32, #tpu.memory_space<hbm>>
    %dma_start3A_536 = tpu.memref_squeeze %dma_start3A_535 : memref<1x512xi32, #tpu.memory_space<hbm>> -> memref<512xi32, #tpu.memory_space<hbm>>
    %dma_start3A_537 = arith.constant 0 : i32
    %dma_start3A_538 = tpu.memref_slice %arg5[%dma_start3A_531, %dma_start3A_537] : memref<50x512xi32, #tpu.memory_space<vmem>> -> memref<1x512xi32, #tpu.memory_space<vmem>>
    %dma_start3A_539 = tpu.memref_squeeze %dma_start3A_538 : memref<1x512xi32, #tpu.memory_space<vmem>> -> memref<512xi32, #tpu.memory_space<vmem>>
    %dma_start3A_540 = tpu.memref_slice %arg2[%dma_start3A_530, %mul3A_2] : memref<50x16384xi32, #tpu.memory_space<hbm>> -> memref<1x512xi32, #tpu.memory_space<hbm>>
    %dma_start3A_541 = tpu.memref_squeeze %dma_start3A_540 : memref<1x512xi32, #tpu.memory_space<hbm>> -> memref<512xi32, #tpu.memory_space<hbm>>
    tpu.enqueue_dma source(%dma_start3A_541 : memref<512xi32, #tpu.memory_space<hbm>>) target(%dma_start3A_539 : memref<512xi32, #tpu.memory_space<vmem>>) target_semaphore(%arg8 : memref<!tpu.dma_semaphore, #tpu.memory_space<semaphore_mem>>)
    %dma_start3A_542 = arith.constant 45 : i32
    %dma_start3A_543 = arith.constant 45 : i32
    %dma_start3A_544 = arith.constant 0 : i32
    %dma_start3A_545 = tpu.memref_slice %arg5[%dma_start3A_543, %dma_start3A_544] : memref<50x512xi32, #tpu.memory_space<vmem>> -> memref<1x512xi32, #tpu.memory_space<vmem>>
    %dma_start3A_546 = tpu.memref_squeeze %dma_start3A_545 : memref<1x512xi32, #tpu.memory_space<vmem>> -> memref<512xi32, #tpu.memory_space<vmem>>
    %dma_start3A_547 = tpu.memref_slice %arg2[%dma_start3A_542, %mul3A_2] : memref<50x16384xi32, #tpu.memory_space<hbm>> -> memref<1x512xi32, #tpu.memory_space<hbm>>
    %dma_start3A_548 = tpu.memref_squeeze %dma_start3A_547 : memref<1x512xi32, #tpu.memory_space<hbm>> -> memref<512xi32, #tpu.memory_space<hbm>>
    %dma_start3A_549 = arith.constant 0 : i32
    %dma_start3A_550 = tpu.memref_slice %arg5[%dma_start3A_543, %dma_start3A_549] : memref<50x512xi32, #tpu.memory_space<vmem>> -> memref<1x512xi32, #tpu.memory_space<vmem>>
    %dma_start3A_551 = tpu.memref_squeeze %dma_start3A_550 : memref<1x512xi32, #tpu.memory_space<vmem>> -> memref<512xi32, #tpu.memory_space<vmem>>
    %dma_start3A_552 = tpu.memref_slice %arg2[%dma_start3A_542, %mul3A_2] : memref<50x16384xi32, #tpu.memory_space<hbm>> -> memref<1x512xi32, #tpu.memory_space<hbm>>
    %dma_start3A_553 = tpu.memref_squeeze %dma_start3A_552 : memref<1x512xi32, #tpu.memory_space<hbm>> -> memref<512xi32, #tpu.memory_space<hbm>>
    tpu.enqueue_dma source(%dma_start3A_553 : memref<512xi32, #tpu.memory_space<hbm>>) target(%dma_start3A_551 : memref<512xi32, #tpu.memory_space<vmem>>) target_semaphore(%arg8 : memref<!tpu.dma_semaphore, #tpu.memory_space<semaphore_mem>>)
    %dma_start3A_554 = arith.constant 46 : i32
    %dma_start3A_555 = arith.constant 46 : i32
    %dma_start3A_556 = arith.constant 0 : i32
    %dma_start3A_557 = tpu.memref_slice %arg5[%dma_start3A_555, %dma_start3A_556] : memref<50x512xi32, #tpu.memory_space<vmem>> -> memref<1x512xi32, #tpu.memory_space<vmem>>
    %dma_start3A_558 = tpu.memref_squeeze %dma_start3A_557 : memref<1x512xi32, #tpu.memory_space<vmem>> -> memref<512xi32, #tpu.memory_space<vmem>>
    %dma_start3A_559 = tpu.memref_slice %arg2[%dma_start3A_554, %mul3A_2] : memref<50x16384xi32, #tpu.memory_space<hbm>> -> memref<1x512xi32, #tpu.memory_space<hbm>>
    %dma_start3A_560 = tpu.memref_squeeze %dma_start3A_559 : memref<1x512xi32, #tpu.memory_space<hbm>> -> memref<512xi32, #tpu.memory_space<hbm>>
    %dma_start3A_561 = arith.constant 0 : i32
    %dma_start3A_562 = tpu.memref_slice %arg5[%dma_start3A_555, %dma_start3A_561] : memref<50x512xi32, #tpu.memory_space<vmem>> -> memref<1x512xi32, #tpu.memory_space<vmem>>
    %dma_start3A_563 = tpu.memref_squeeze %dma_start3A_562 : memref<1x512xi32, #tpu.memory_space<vmem>> -> memref<512xi32, #tpu.memory_space<vmem>>
    %dma_start3A_564 = tpu.memref_slice %arg2[%dma_start3A_554, %mul3A_2] : memref<50x16384xi32, #tpu.memory_space<hbm>> -> memref<1x512xi32, #tpu.memory_space<hbm>>
    %dma_start3A_565 = tpu.memref_squeeze %dma_start3A_564 : memref<1x512xi32, #tpu.memory_space<hbm>> -> memref<512xi32, #tpu.memory_space<hbm>>
    tpu.enqueue_dma source(%dma_start3A_565 : memref<512xi32, #tpu.memory_space<hbm>>) target(%dma_start3A_563 : memref<512xi32, #tpu.memory_space<vmem>>) target_semaphore(%arg8 : memref<!tpu.dma_semaphore, #tpu.memory_space<semaphore_mem>>)
    %dma_start3A_566 = arith.constant 47 : i32
    %dma_start3A_567 = arith.constant 47 : i32
    %dma_start3A_568 = arith.constant 0 : i32
    %dma_start3A_569 = tpu.memref_slice %arg5[%dma_start3A_567, %dma_start3A_568] : memref<50x512xi32, #tpu.memory_space<vmem>> -> memref<1x512xi32, #tpu.memory_space<vmem>>
    %dma_start3A_570 = tpu.memref_squeeze %dma_start3A_569 : memref<1x512xi32, #tpu.memory_space<vmem>> -> memref<512xi32, #tpu.memory_space<vmem>>
    %dma_start3A_571 = tpu.memref_slice %arg2[%dma_start3A_566, %mul3A_2] : memref<50x16384xi32, #tpu.memory_space<hbm>> -> memref<1x512xi32, #tpu.memory_space<hbm>>
    %dma_start3A_572 = tpu.memref_squeeze %dma_start3A_571 : memref<1x512xi32, #tpu.memory_space<hbm>> -> memref<512xi32, #tpu.memory_space<hbm>>
    %dma_start3A_573 = arith.constant 0 : i32
    %dma_start3A_574 = tpu.memref_slice %arg5[%dma_start3A_567, %dma_start3A_573] : memref<50x512xi32, #tpu.memory_space<vmem>> -> memref<1x512xi32, #tpu.memory_space<vmem>>
    %dma_start3A_575 = tpu.memref_squeeze %dma_start3A_574 : memref<1x512xi32, #tpu.memory_space<vmem>> -> memref<512xi32, #tpu.memory_space<vmem>>
    %dma_start3A_576 = tpu.memref_slice %arg2[%dma_start3A_566, %mul3A_2] : memref<50x16384xi32, #tpu.memory_space<hbm>> -> memref<1x512xi32, #tpu.memory_space<hbm>>
    %dma_start3A_577 = tpu.memref_squeeze %dma_start3A_576 : memref<1x512xi32, #tpu.memory_space<hbm>> -> memref<512xi32, #tpu.memory_space<hbm>>
    tpu.enqueue_dma source(%dma_start3A_577 : memref<512xi32, #tpu.memory_space<hbm>>) target(%dma_start3A_575 : memref<512xi32, #tpu.memory_space<vmem>>) target_semaphore(%arg8 : memref<!tpu.dma_semaphore, #tpu.memory_space<semaphore_mem>>)
    %dma_start3A_578 = arith.constant 48 : i32
    %dma_start3A_579 = arith.constant 48 : i32
    %dma_start3A_580 = arith.constant 0 : i32
    %dma_start3A_581 = tpu.memref_slice %arg5[%dma_start3A_579, %dma_start3A_580] : memref<50x512xi32, #tpu.memory_space<vmem>> -> memref<1x512xi32, #tpu.memory_space<vmem>>
    %dma_start3A_582 = tpu.memref_squeeze %dma_start3A_581 : memref<1x512xi32, #tpu.memory_space<vmem>> -> memref<512xi32, #tpu.memory_space<vmem>>
    %dma_start3A_583 = tpu.memref_slice %arg2[%dma_start3A_578, %mul3A_2] : memref<50x16384xi32, #tpu.memory_space<hbm>> -> memref<1x512xi32, #tpu.memory_space<hbm>>
    %dma_start3A_584 = tpu.memref_squeeze %dma_start3A_583 : memref<1x512xi32, #tpu.memory_space<hbm>> -> memref<512xi32, #tpu.memory_space<hbm>>
    %dma_start3A_585 = arith.constant 0 : i32
    %dma_start3A_586 = tpu.memref_slice %arg5[%dma_start3A_579, %dma_start3A_585] : memref<50x512xi32, #tpu.memory_space<vmem>> -> memref<1x512xi32, #tpu.memory_space<vmem>>
    %dma_start3A_587 = tpu.memref_squeeze %dma_start3A_586 : memref<1x512xi32, #tpu.memory_space<vmem>> -> memref<512xi32, #tpu.memory_space<vmem>>
    %dma_start3A_588 = tpu.memref_slice %arg2[%dma_start3A_578, %mul3A_2] : memref<50x16384xi32, #tpu.memory_space<hbm>> -> memref<1x512xi32, #tpu.memory_space<hbm>>
    %dma_start3A_589 = tpu.memref_squeeze %dma_start3A_588 : memref<1x512xi32, #tpu.memory_space<hbm>> -> memref<512xi32, #tpu.memory_space<hbm>>
    tpu.enqueue_dma source(%dma_start3A_589 : memref<512xi32, #tpu.memory_space<hbm>>) target(%dma_start3A_587 : memref<512xi32, #tpu.memory_space<vmem>>) target_semaphore(%arg8 : memref<!tpu.dma_semaphore, #tpu.memory_space<semaphore_mem>>)
    %dma_start3A_590 = arith.constant 49 : i32
    %dma_start3A_591 = arith.constant 49 : i32
    %dma_start3A_592 = arith.constant 0 : i32
    %dma_start3A_593 = tpu.memref_slice %arg5[%dma_start3A_591, %dma_start3A_592] : memref<50x512xi32, #tpu.memory_space<vmem>> -> memref<1x512xi32, #tpu.memory_space<vmem>>
    %dma_start3A_594 = tpu.memref_squeeze %dma_start3A_593 : memref<1x512xi32, #tpu.memory_space<vmem>> -> memref<512xi32, #tpu.memory_space<vmem>>
    %dma_start3A_595 = tpu.memref_slice %arg2[%dma_start3A_590, %mul3A_2] : memref<50x16384xi32, #tpu.memory_space<hbm>> -> memref<1x512xi32, #tpu.memory_space<hbm>>
    %dma_start3A_596 = tpu.memref_squeeze %dma_start3A_595 : memref<1x512xi32, #tpu.memory_space<hbm>> -> memref<512xi32, #tpu.memory_space<hbm>>
    %dma_start3A_597 = arith.constant 0 : i32
    %dma_start3A_598 = tpu.memref_slice %arg5[%dma_start3A_591, %dma_start3A_597] : memref<50x512xi32, #tpu.memory_space<vmem>> -> memref<1x512xi32, #tpu.memory_space<vmem>>
    %dma_start3A_599 = tpu.memref_squeeze %dma_start3A_598 : memref<1x512xi32, #tpu.memory_space<vmem>> -> memref<512xi32, #tpu.memory_space<vmem>>
    %dma_start3A_600 = tpu.memref_slice %arg2[%dma_start3A_590, %mul3A_2] : memref<50x16384xi32, #tpu.memory_space<hbm>> -> memref<1x512xi32, #tpu.memory_space<hbm>>
    %dma_start3A_601 = tpu.memref_squeeze %dma_start3A_600 : memref<1x512xi32, #tpu.memory_space<hbm>> -> memref<512xi32, #tpu.memory_space<hbm>>
    tpu.enqueue_dma source(%dma_start3A_601 : memref<512xi32, #tpu.memory_space<hbm>>) target(%dma_start3A_599 : memref<512xi32, #tpu.memory_space<vmem>>) target_semaphore(%arg8 : memref<!tpu.dma_semaphore, #tpu.memory_space<semaphore_mem>>)
    %dma_wait3A = arith.constant 0 : i32
    %dma_wait3A_602 = arith.constant 0 : i32
    %dma_wait3A_603 = arith.constant 0 : i32
    %dma_wait3A_604 = tpu.memref_slice %arg5[%dma_wait3A_602, %dma_wait3A_603] : memref<50x512xi32, #tpu.memory_space<vmem>> -> memref<1x512xi32, #tpu.memory_space<vmem>>
    %dma_wait3A_605 = tpu.memref_squeeze %dma_wait3A_604 : memref<1x512xi32, #tpu.memory_space<vmem>> -> memref<512xi32, #tpu.memory_space<vmem>>
    %dma_wait3A_606 = tpu.memref_slice %arg2[%dma_wait3A, %mul3A_2] : memref<50x16384xi32, #tpu.memory_space<hbm>> -> memref<1x512xi32, #tpu.memory_space<hbm>>
    %dma_wait3A_607 = tpu.memref_squeeze %dma_wait3A_606 : memref<1x512xi32, #tpu.memory_space<hbm>> -> memref<512xi32, #tpu.memory_space<hbm>>
    %dma_wait3A_608 = arith.constant 0 : i32
    %dma_wait3A_609 = tpu.memref_slice %arg5[%dma_wait3A_602, %dma_wait3A_608] : memref<50x512xi32, #tpu.memory_space<vmem>> -> memref<1x512xi32, #tpu.memory_space<vmem>>
    %dma_wait3A_610 = tpu.memref_squeeze %dma_wait3A_609 : memref<1x512xi32, #tpu.memory_space<vmem>> -> memref<512xi32, #tpu.memory_space<vmem>>
    %dma_wait3A_611 = tpu.memref_slice %arg2[%dma_wait3A, %mul3A_2] : memref<50x16384xi32, #tpu.memory_space<hbm>> -> memref<1x512xi32, #tpu.memory_space<hbm>>
    %dma_wait3A_612 = tpu.memref_squeeze %dma_wait3A_611 : memref<1x512xi32, #tpu.memory_space<hbm>> -> memref<512xi32, #tpu.memory_space<hbm>>
    tpu.wait_dma2 semaphore(%arg8 : memref<!tpu.dma_semaphore, #tpu.memory_space<semaphore_mem>>) src(%dma_wait3A_612 : memref<512xi32, #tpu.memory_space<hbm>>) dst(%dma_wait3A_610 : memref<512xi32, #tpu.memory_space<vmem>>)
    %dma_wait3A_613 = arith.constant 1 : i32
    %dma_wait3A_614 = arith.constant 1 : i32
    %dma_wait3A_615 = arith.constant 0 : i32
    %dma_wait3A_616 = tpu.memref_slice %arg5[%dma_wait3A_614, %dma_wait3A_615] : memref<50x512xi32, #tpu.memory_space<vmem>> -> memref<1x512xi32, #tpu.memory_space<vmem>>
    %dma_wait3A_617 = tpu.memref_squeeze %dma_wait3A_616 : memref<1x512xi32, #tpu.memory_space<vmem>> -> memref<512xi32, #tpu.memory_space<vmem>>
    %dma_wait3A_618 = tpu.memref_slice %arg2[%dma_wait3A_613, %mul3A_2] : memref<50x16384xi32, #tpu.memory_space<hbm>> -> memref<1x512xi32, #tpu.memory_space<hbm>>
    %dma_wait3A_619 = tpu.memref_squeeze %dma_wait3A_618 : memref<1x512xi32, #tpu.memory_space<hbm>> -> memref<512xi32, #tpu.memory_space<hbm>>
    %dma_wait3A_620 = arith.constant 0 : i32
    %dma_wait3A_621 = tpu.memref_slice %arg5[%dma_wait3A_614, %dma_wait3A_620] : memref<50x512xi32, #tpu.memory_space<vmem>> -> memref<1x512xi32, #tpu.memory_space<vmem>>
    %dma_wait3A_622 = tpu.memref_squeeze %dma_wait3A_621 : memref<1x512xi32, #tpu.memory_space<vmem>> -> memref<512xi32, #tpu.memory_space<vmem>>
    %dma_wait3A_623 = tpu.memref_slice %arg2[%dma_wait3A_613, %mul3A_2] : memref<50x16384xi32, #tpu.memory_space<hbm>> -> memref<1x512xi32, #tpu.memory_space<hbm>>
    %dma_wait3A_624 = tpu.memref_squeeze %dma_wait3A_623 : memref<1x512xi32, #tpu.memory_space<hbm>> -> memref<512xi32, #tpu.memory_space<hbm>>
    tpu.wait_dma2 semaphore(%arg8 : memref<!tpu.dma_semaphore, #tpu.memory_space<semaphore_mem>>) src(%dma_wait3A_624 : memref<512xi32, #tpu.memory_space<hbm>>) dst(%dma_wait3A_622 : memref<512xi32, #tpu.memory_space<vmem>>)
    %dma_wait3A_625 = arith.constant 2 : i32
    %dma_wait3A_626 = arith.constant 2 : i32
    %dma_wait3A_627 = arith.constant 0 : i32
    %dma_wait3A_628 = tpu.memref_slice %arg5[%dma_wait3A_626, %dma_wait3A_627] : memref<50x512xi32, #tpu.memory_space<vmem>> -> memref<1x512xi32, #tpu.memory_space<vmem>>
    %dma_wait3A_629 = tpu.memref_squeeze %dma_wait3A_628 : memref<1x512xi32, #tpu.memory_space<vmem>> -> memref<512xi32, #tpu.memory_space<vmem>>
    %dma_wait3A_630 = tpu.memref_slice %arg2[%dma_wait3A_625, %mul3A_2] : memref<50x16384xi32, #tpu.memory_space<hbm>> -> memref<1x512xi32, #tpu.memory_space<hbm>>
    %dma_wait3A_631 = tpu.memref_squeeze %dma_wait3A_630 : memref<1x512xi32, #tpu.memory_space<hbm>> -> memref<512xi32, #tpu.memory_space<hbm>>
    %dma_wait3A_632 = arith.constant 0 : i32
    %dma_wait3A_633 = tpu.memref_slice %arg5[%dma_wait3A_626, %dma_wait3A_632] : memref<50x512xi32, #tpu.memory_space<vmem>> -> memref<1x512xi32, #tpu.memory_space<vmem>>
    %dma_wait3A_634 = tpu.memref_squeeze %dma_wait3A_633 : memref<1x512xi32, #tpu.memory_space<vmem>> -> memref<512xi32, #tpu.memory_space<vmem>>
    %dma_wait3A_635 = tpu.memref_slice %arg2[%dma_wait3A_625, %mul3A_2] : memref<50x16384xi32, #tpu.memory_space<hbm>> -> memref<1x512xi32, #tpu.memory_space<hbm>>
    %dma_wait3A_636 = tpu.memref_squeeze %dma_wait3A_635 : memref<1x512xi32, #tpu.memory_space<hbm>> -> memref<512xi32, #tpu.memory_space<hbm>>
    tpu.wait_dma2 semaphore(%arg8 : memref<!tpu.dma_semaphore, #tpu.memory_space<semaphore_mem>>) src(%dma_wait3A_636 : memref<512xi32, #tpu.memory_space<hbm>>) dst(%dma_wait3A_634 : memref<512xi32, #tpu.memory_space<vmem>>)
    %dma_wait3A_637 = arith.constant 3 : i32
    %dma_wait3A_638 = arith.constant 3 : i32
    %dma_wait3A_639 = arith.constant 0 : i32
    %dma_wait3A_640 = tpu.memref_slice %arg5[%dma_wait3A_638, %dma_wait3A_639] : memref<50x512xi32, #tpu.memory_space<vmem>> -> memref<1x512xi32, #tpu.memory_space<vmem>>
    %dma_wait3A_641 = tpu.memref_squeeze %dma_wait3A_640 : memref<1x512xi32, #tpu.memory_space<vmem>> -> memref<512xi32, #tpu.memory_space<vmem>>
    %dma_wait3A_642 = tpu.memref_slice %arg2[%dma_wait3A_637, %mul3A_2] : memref<50x16384xi32, #tpu.memory_space<hbm>> -> memref<1x512xi32, #tpu.memory_space<hbm>>
    %dma_wait3A_643 = tpu.memref_squeeze %dma_wait3A_642 : memref<1x512xi32, #tpu.memory_space<hbm>> -> memref<512xi32, #tpu.memory_space<hbm>>
    %dma_wait3A_644 = arith.constant 0 : i32
    %dma_wait3A_645 = tpu.memref_slice %arg5[%dma_wait3A_638, %dma_wait3A_644] : memref<50x512xi32, #tpu.memory_space<vmem>> -> memref<1x512xi32, #tpu.memory_space<vmem>>
    %dma_wait3A_646 = tpu.memref_squeeze %dma_wait3A_645 : memref<1x512xi32, #tpu.memory_space<vmem>> -> memref<512xi32, #tpu.memory_space<vmem>>
    %dma_wait3A_647 = tpu.memref_slice %arg2[%dma_wait3A_637, %mul3A_2] : memref<50x16384xi32, #tpu.memory_space<hbm>> -> memref<1x512xi32, #tpu.memory_space<hbm>>
    %dma_wait3A_648 = tpu.memref_squeeze %dma_wait3A_647 : memref<1x512xi32, #tpu.memory_space<hbm>> -> memref<512xi32, #tpu.memory_space<hbm>>
    tpu.wait_dma2 semaphore(%arg8 : memref<!tpu.dma_semaphore, #tpu.memory_space<semaphore_mem>>) src(%dma_wait3A_648 : memref<512xi32, #tpu.memory_space<hbm>>) dst(%dma_wait3A_646 : memref<512xi32, #tpu.memory_space<vmem>>)
    %dma_wait3A_649 = arith.constant 4 : i32
    %dma_wait3A_650 = arith.constant 4 : i32
    %dma_wait3A_651 = arith.constant 0 : i32
    %dma_wait3A_652 = tpu.memref_slice %arg5[%dma_wait3A_650, %dma_wait3A_651] : memref<50x512xi32, #tpu.memory_space<vmem>> -> memref<1x512xi32, #tpu.memory_space<vmem>>
    %dma_wait3A_653 = tpu.memref_squeeze %dma_wait3A_652 : memref<1x512xi32, #tpu.memory_space<vmem>> -> memref<512xi32, #tpu.memory_space<vmem>>
    %dma_wait3A_654 = tpu.memref_slice %arg2[%dma_wait3A_649, %mul3A_2] : memref<50x16384xi32, #tpu.memory_space<hbm>> -> memref<1x512xi32, #tpu.memory_space<hbm>>
    %dma_wait3A_655 = tpu.memref_squeeze %dma_wait3A_654 : memref<1x512xi32, #tpu.memory_space<hbm>> -> memref<512xi32, #tpu.memory_space<hbm>>
    %dma_wait3A_656 = arith.constant 0 : i32
    %dma_wait3A_657 = tpu.memref_slice %arg5[%dma_wait3A_650, %dma_wait3A_656] : memref<50x512xi32, #tpu.memory_space<vmem>> -> memref<1x512xi32, #tpu.memory_space<vmem>>
    %dma_wait3A_658 = tpu.memref_squeeze %dma_wait3A_657 : memref<1x512xi32, #tpu.memory_space<vmem>> -> memref<512xi32, #tpu.memory_space<vmem>>
    %dma_wait3A_659 = tpu.memref_slice %arg2[%dma_wait3A_649, %mul3A_2] : memref<50x16384xi32, #tpu.memory_space<hbm>> -> memref<1x512xi32, #tpu.memory_space<hbm>>
    %dma_wait3A_660 = tpu.memref_squeeze %dma_wait3A_659 : memref<1x512xi32, #tpu.memory_space<hbm>> -> memref<512xi32, #tpu.memory_space<hbm>>
    tpu.wait_dma2 semaphore(%arg8 : memref<!tpu.dma_semaphore, #tpu.memory_space<semaphore_mem>>) src(%dma_wait3A_660 : memref<512xi32, #tpu.memory_space<hbm>>) dst(%dma_wait3A_658 : memref<512xi32, #tpu.memory_space<vmem>>)
    %dma_wait3A_661 = arith.constant 5 : i32
    %dma_wait3A_662 = arith.constant 5 : i32
    %dma_wait3A_663 = arith.constant 0 : i32
    %dma_wait3A_664 = tpu.memref_slice %arg5[%dma_wait3A_662, %dma_wait3A_663] : memref<50x512xi32, #tpu.memory_space<vmem>> -> memref<1x512xi32, #tpu.memory_space<vmem>>
    %dma_wait3A_665 = tpu.memref_squeeze %dma_wait3A_664 : memref<1x512xi32, #tpu.memory_space<vmem>> -> memref<512xi32, #tpu.memory_space<vmem>>
    %dma_wait3A_666 = tpu.memref_slice %arg2[%dma_wait3A_661, %mul3A_2] : memref<50x16384xi32, #tpu.memory_space<hbm>> -> memref<1x512xi32, #tpu.memory_space<hbm>>
    %dma_wait3A_667 = tpu.memref_squeeze %dma_wait3A_666 : memref<1x512xi32, #tpu.memory_space<hbm>> -> memref<512xi32, #tpu.memory_space<hbm>>
    %dma_wait3A_668 = arith.constant 0 : i32
    %dma_wait3A_669 = tpu.memref_slice %arg5[%dma_wait3A_662, %dma_wait3A_668] : memref<50x512xi32, #tpu.memory_space<vmem>> -> memref<1x512xi32, #tpu.memory_space<vmem>>
    %dma_wait3A_670 = tpu.memref_squeeze %dma_wait3A_669 : memref<1x512xi32, #tpu.memory_space<vmem>> -> memref<512xi32, #tpu.memory_space<vmem>>
    %dma_wait3A_671 = tpu.memref_slice %arg2[%dma_wait3A_661, %mul3A_2] : memref<50x16384xi32, #tpu.memory_space<hbm>> -> memref<1x512xi32, #tpu.memory_space<hbm>>
    %dma_wait3A_672 = tpu.memref_squeeze %dma_wait3A_671 : memref<1x512xi32, #tpu.memory_space<hbm>> -> memref<512xi32, #tpu.memory_space<hbm>>
    tpu.wait_dma2 semaphore(%arg8 : memref<!tpu.dma_semaphore, #tpu.memory_space<semaphore_mem>>) src(%dma_wait3A_672 : memref<512xi32, #tpu.memory_space<hbm>>) dst(%dma_wait3A_670 : memref<512xi32, #tpu.memory_space<vmem>>)
    %dma_wait3A_673 = arith.constant 6 : i32
    %dma_wait3A_674 = arith.constant 6 : i32
    %dma_wait3A_675 = arith.constant 0 : i32
    %dma_wait3A_676 = tpu.memref_slice %arg5[%dma_wait3A_674, %dma_wait3A_675] : memref<50x512xi32, #tpu.memory_space<vmem>> -> memref<1x512xi32, #tpu.memory_space<vmem>>
    %dma_wait3A_677 = tpu.memref_squeeze %dma_wait3A_676 : memref<1x512xi32, #tpu.memory_space<vmem>> -> memref<512xi32, #tpu.memory_space<vmem>>
    %dma_wait3A_678 = tpu.memref_slice %arg2[%dma_wait3A_673, %mul3A_2] : memref<50x16384xi32, #tpu.memory_space<hbm>> -> memref<1x512xi32, #tpu.memory_space<hbm>>
    %dma_wait3A_679 = tpu.memref_squeeze %dma_wait3A_678 : memref<1x512xi32, #tpu.memory_space<hbm>> -> memref<512xi32, #tpu.memory_space<hbm>>
    %dma_wait3A_680 = arith.constant 0 : i32
    %dma_wait3A_681 = tpu.memref_slice %arg5[%dma_wait3A_674, %dma_wait3A_680] : memref<50x512xi32, #tpu.memory_space<vmem>> -> memref<1x512xi32, #tpu.memory_space<vmem>>
    %dma_wait3A_682 = tpu.memref_squeeze %dma_wait3A_681 : memref<1x512xi32, #tpu.memory_space<vmem>> -> memref<512xi32, #tpu.memory_space<vmem>>
    %dma_wait3A_683 = tpu.memref_slice %arg2[%dma_wait3A_673, %mul3A_2] : memref<50x16384xi32, #tpu.memory_space<hbm>> -> memref<1x512xi32, #tpu.memory_space<hbm>>
    %dma_wait3A_684 = tpu.memref_squeeze %dma_wait3A_683 : memref<1x512xi32, #tpu.memory_space<hbm>> -> memref<512xi32, #tpu.memory_space<hbm>>
    tpu.wait_dma2 semaphore(%arg8 : memref<!tpu.dma_semaphore, #tpu.memory_space<semaphore_mem>>) src(%dma_wait3A_684 : memref<512xi32, #tpu.memory_space<hbm>>) dst(%dma_wait3A_682 : memref<512xi32, #tpu.memory_space<vmem>>)
    %dma_wait3A_685 = arith.constant 7 : i32
    %dma_wait3A_686 = arith.constant 7 : i32
    %dma_wait3A_687 = arith.constant 0 : i32
    %dma_wait3A_688 = tpu.memref_slice %arg5[%dma_wait3A_686, %dma_wait3A_687] : memref<50x512xi32, #tpu.memory_space<vmem>> -> memref<1x512xi32, #tpu.memory_space<vmem>>
    %dma_wait3A_689 = tpu.memref_squeeze %dma_wait3A_688 : memref<1x512xi32, #tpu.memory_space<vmem>> -> memref<512xi32, #tpu.memory_space<vmem>>
    %dma_wait3A_690 = tpu.memref_slice %arg2[%dma_wait3A_685, %mul3A_2] : memref<50x16384xi32, #tpu.memory_space<hbm>> -> memref<1x512xi32, #tpu.memory_space<hbm>>
    %dma_wait3A_691 = tpu.memref_squeeze %dma_wait3A_690 : memref<1x512xi32, #tpu.memory_space<hbm>> -> memref<512xi32, #tpu.memory_space<hbm>>
    %dma_wait3A_692 = arith.constant 0 : i32
    %dma_wait3A_693 = tpu.memref_slice %arg5[%dma_wait3A_686, %dma_wait3A_692] : memref<50x512xi32, #tpu.memory_space<vmem>> -> memref<1x512xi32, #tpu.memory_space<vmem>>
    %dma_wait3A_694 = tpu.memref_squeeze %dma_wait3A_693 : memref<1x512xi32, #tpu.memory_space<vmem>> -> memref<512xi32, #tpu.memory_space<vmem>>
    %dma_wait3A_695 = tpu.memref_slice %arg2[%dma_wait3A_685, %mul3A_2] : memref<50x16384xi32, #tpu.memory_space<hbm>> -> memref<1x512xi32, #tpu.memory_space<hbm>>
    %dma_wait3A_696 = tpu.memref_squeeze %dma_wait3A_695 : memref<1x512xi32, #tpu.memory_space<hbm>> -> memref<512xi32, #tpu.memory_space<hbm>>
    tpu.wait_dma2 semaphore(%arg8 : memref<!tpu.dma_semaphore, #tpu.memory_space<semaphore_mem>>) src(%dma_wait3A_696 : memref<512xi32, #tpu.memory_space<hbm>>) dst(%dma_wait3A_694 : memref<512xi32, #tpu.memory_space<vmem>>)
    %dma_wait3A_697 = arith.constant 8 : i32
    %dma_wait3A_698 = arith.constant 8 : i32
    %dma_wait3A_699 = arith.constant 0 : i32
    %dma_wait3A_700 = tpu.memref_slice %arg5[%dma_wait3A_698, %dma_wait3A_699] : memref<50x512xi32, #tpu.memory_space<vmem>> -> memref<1x512xi32, #tpu.memory_space<vmem>>
    %dma_wait3A_701 = tpu.memref_squeeze %dma_wait3A_700 : memref<1x512xi32, #tpu.memory_space<vmem>> -> memref<512xi32, #tpu.memory_space<vmem>>
    %dma_wait3A_702 = tpu.memref_slice %arg2[%dma_wait3A_697, %mul3A_2] : memref<50x16384xi32, #tpu.memory_space<hbm>> -> memref<1x512xi32, #tpu.memory_space<hbm>>
    %dma_wait3A_703 = tpu.memref_squeeze %dma_wait3A_702 : memref<1x512xi32, #tpu.memory_space<hbm>> -> memref<512xi32, #tpu.memory_space<hbm>>
    %dma_wait3A_704 = arith.constant 0 : i32
    %dma_wait3A_705 = tpu.memref_slice %arg5[%dma_wait3A_698, %dma_wait3A_704] : memref<50x512xi32, #tpu.memory_space<vmem>> -> memref<1x512xi32, #tpu.memory_space<vmem>>
    %dma_wait3A_706 = tpu.memref_squeeze %dma_wait3A_705 : memref<1x512xi32, #tpu.memory_space<vmem>> -> memref<512xi32, #tpu.memory_space<vmem>>
    %dma_wait3A_707 = tpu.memref_slice %arg2[%dma_wait3A_697, %mul3A_2] : memref<50x16384xi32, #tpu.memory_space<hbm>> -> memref<1x512xi32, #tpu.memory_space<hbm>>
    %dma_wait3A_708 = tpu.memref_squeeze %dma_wait3A_707 : memref<1x512xi32, #tpu.memory_space<hbm>> -> memref<512xi32, #tpu.memory_space<hbm>>
    tpu.wait_dma2 semaphore(%arg8 : memref<!tpu.dma_semaphore, #tpu.memory_space<semaphore_mem>>) src(%dma_wait3A_708 : memref<512xi32, #tpu.memory_space<hbm>>) dst(%dma_wait3A_706 : memref<512xi32, #tpu.memory_space<vmem>>)
    %dma_wait3A_709 = arith.constant 9 : i32
    %dma_wait3A_710 = arith.constant 9 : i32
    %dma_wait3A_711 = arith.constant 0 : i32
    %dma_wait3A_712 = tpu.memref_slice %arg5[%dma_wait3A_710, %dma_wait3A_711] : memref<50x512xi32, #tpu.memory_space<vmem>> -> memref<1x512xi32, #tpu.memory_space<vmem>>
    %dma_wait3A_713 = tpu.memref_squeeze %dma_wait3A_712 : memref<1x512xi32, #tpu.memory_space<vmem>> -> memref<512xi32, #tpu.memory_space<vmem>>
    %dma_wait3A_714 = tpu.memref_slice %arg2[%dma_wait3A_709, %mul3A_2] : memref<50x16384xi32, #tpu.memory_space<hbm>> -> memref<1x512xi32, #tpu.memory_space<hbm>>
    %dma_wait3A_715 = tpu.memref_squeeze %dma_wait3A_714 : memref<1x512xi32, #tpu.memory_space<hbm>> -> memref<512xi32, #tpu.memory_space<hbm>>
    %dma_wait3A_716 = arith.constant 0 : i32
    %dma_wait3A_717 = tpu.memref_slice %arg5[%dma_wait3A_710, %dma_wait3A_716] : memref<50x512xi32, #tpu.memory_space<vmem>> -> memref<1x512xi32, #tpu.memory_space<vmem>>
    %dma_wait3A_718 = tpu.memref_squeeze %dma_wait3A_717 : memref<1x512xi32, #tpu.memory_space<vmem>> -> memref<512xi32, #tpu.memory_space<vmem>>
    %dma_wait3A_719 = tpu.memref_slice %arg2[%dma_wait3A_709, %mul3A_2] : memref<50x16384xi32, #tpu.memory_space<hbm>> -> memref<1x512xi32, #tpu.memory_space<hbm>>
    %dma_wait3A_720 = tpu.memref_squeeze %dma_wait3A_719 : memref<1x512xi32, #tpu.memory_space<hbm>> -> memref<512xi32, #tpu.memory_space<hbm>>
    tpu.wait_dma2 semaphore(%arg8 : memref<!tpu.dma_semaphore, #tpu.memory_space<semaphore_mem>>) src(%dma_wait3A_720 : memref<512xi32, #tpu.memory_space<hbm>>) dst(%dma_wait3A_718 : memref<512xi32, #tpu.memory_space<vmem>>)
    %dma_wait3A_721 = arith.constant 10 : i32
    %dma_wait3A_722 = arith.constant 10 : i32
    %dma_wait3A_723 = arith.constant 0 : i32
    %dma_wait3A_724 = tpu.memref_slice %arg5[%dma_wait3A_722, %dma_wait3A_723] : memref<50x512xi32, #tpu.memory_space<vmem>> -> memref<1x512xi32, #tpu.memory_space<vmem>>
    %dma_wait3A_725 = tpu.memref_squeeze %dma_wait3A_724 : memref<1x512xi32, #tpu.memory_space<vmem>> -> memref<512xi32, #tpu.memory_space<vmem>>
    %dma_wait3A_726 = tpu.memref_slice %arg2[%dma_wait3A_721, %mul3A_2] : memref<50x16384xi32, #tpu.memory_space<hbm>> -> memref<1x512xi32, #tpu.memory_space<hbm>>
    %dma_wait3A_727 = tpu.memref_squeeze %dma_wait3A_726 : memref<1x512xi32, #tpu.memory_space<hbm>> -> memref<512xi32, #tpu.memory_space<hbm>>
    %dma_wait3A_728 = arith.constant 0 : i32
    %dma_wait3A_729 = tpu.memref_slice %arg5[%dma_wait3A_722, %dma_wait3A_728] : memref<50x512xi32, #tpu.memory_space<vmem>> -> memref<1x512xi32, #tpu.memory_space<vmem>>
    %dma_wait3A_730 = tpu.memref_squeeze %dma_wait3A_729 : memref<1x512xi32, #tpu.memory_space<vmem>> -> memref<512xi32, #tpu.memory_space<vmem>>
    %dma_wait3A_731 = tpu.memref_slice %arg2[%dma_wait3A_721, %mul3A_2] : memref<50x16384xi32, #tpu.memory_space<hbm>> -> memref<1x512xi32, #tpu.memory_space<hbm>>
    %dma_wait3A_732 = tpu.memref_squeeze %dma_wait3A_731 : memref<1x512xi32, #tpu.memory_space<hbm>> -> memref<512xi32, #tpu.memory_space<hbm>>
    tpu.wait_dma2 semaphore(%arg8 : memref<!tpu.dma_semaphore, #tpu.memory_space<semaphore_mem>>) src(%dma_wait3A_732 : memref<512xi32, #tpu.memory_space<hbm>>) dst(%dma_wait3A_730 : memref<512xi32, #tpu.memory_space<vmem>>)
    %dma_wait3A_733 = arith.constant 11 : i32
    %dma_wait3A_734 = arith.constant 11 : i32
    %dma_wait3A_735 = arith.constant 0 : i32
    %dma_wait3A_736 = tpu.memref_slice %arg5[%dma_wait3A_734, %dma_wait3A_735] : memref<50x512xi32, #tpu.memory_space<vmem>> -> memref<1x512xi32, #tpu.memory_space<vmem>>
    %dma_wait3A_737 = tpu.memref_squeeze %dma_wait3A_736 : memref<1x512xi32, #tpu.memory_space<vmem>> -> memref<512xi32, #tpu.memory_space<vmem>>
    %dma_wait3A_738 = tpu.memref_slice %arg2[%dma_wait3A_733, %mul3A_2] : memref<50x16384xi32, #tpu.memory_space<hbm>> -> memref<1x512xi32, #tpu.memory_space<hbm>>
    %dma_wait3A_739 = tpu.memref_squeeze %dma_wait3A_738 : memref<1x512xi32, #tpu.memory_space<hbm>> -> memref<512xi32, #tpu.memory_space<hbm>>
    %dma_wait3A_740 = arith.constant 0 : i32
    %dma_wait3A_741 = tpu.memref_slice %arg5[%dma_wait3A_734, %dma_wait3A_740] : memref<50x512xi32, #tpu.memory_space<vmem>> -> memref<1x512xi32, #tpu.memory_space<vmem>>
    %dma_wait3A_742 = tpu.memref_squeeze %dma_wait3A_741 : memref<1x512xi32, #tpu.memory_space<vmem>> -> memref<512xi32, #tpu.memory_space<vmem>>
    %dma_wait3A_743 = tpu.memref_slice %arg2[%dma_wait3A_733, %mul3A_2] : memref<50x16384xi32, #tpu.memory_space<hbm>> -> memref<1x512xi32, #tpu.memory_space<hbm>>
    %dma_wait3A_744 = tpu.memref_squeeze %dma_wait3A_743 : memref<1x512xi32, #tpu.memory_space<hbm>> -> memref<512xi32, #tpu.memory_space<hbm>>
    tpu.wait_dma2 semaphore(%arg8 : memref<!tpu.dma_semaphore, #tpu.memory_space<semaphore_mem>>) src(%dma_wait3A_744 : memref<512xi32, #tpu.memory_space<hbm>>) dst(%dma_wait3A_742 : memref<512xi32, #tpu.memory_space<vmem>>)
    %dma_wait3A_745 = arith.constant 12 : i32
    %dma_wait3A_746 = arith.constant 12 : i32
    %dma_wait3A_747 = arith.constant 0 : i32
    %dma_wait3A_748 = tpu.memref_slice %arg5[%dma_wait3A_746, %dma_wait3A_747] : memref<50x512xi32, #tpu.memory_space<vmem>> -> memref<1x512xi32, #tpu.memory_space<vmem>>
    %dma_wait3A_749 = tpu.memref_squeeze %dma_wait3A_748 : memref<1x512xi32, #tpu.memory_space<vmem>> -> memref<512xi32, #tpu.memory_space<vmem>>
    %dma_wait3A_750 = tpu.memref_slice %arg2[%dma_wait3A_745, %mul3A_2] : memref<50x16384xi32, #tpu.memory_space<hbm>> -> memref<1x512xi32, #tpu.memory_space<hbm>>
    %dma_wait3A_751 = tpu.memref_squeeze %dma_wait3A_750 : memref<1x512xi32, #tpu.memory_space<hbm>> -> memref<512xi32, #tpu.memory_space<hbm>>
    %dma_wait3A_752 = arith.constant 0 : i32
    %dma_wait3A_753 = tpu.memref_slice %arg5[%dma_wait3A_746, %dma_wait3A_752] : memref<50x512xi32, #tpu.memory_space<vmem>> -> memref<1x512xi32, #tpu.memory_space<vmem>>
    %dma_wait3A_754 = tpu.memref_squeeze %dma_wait3A_753 : memref<1x512xi32, #tpu.memory_space<vmem>> -> memref<512xi32, #tpu.memory_space<vmem>>
    %dma_wait3A_755 = tpu.memref_slice %arg2[%dma_wait3A_745, %mul3A_2] : memref<50x16384xi32, #tpu.memory_space<hbm>> -> memref<1x512xi32, #tpu.memory_space<hbm>>
    %dma_wait3A_756 = tpu.memref_squeeze %dma_wait3A_755 : memref<1x512xi32, #tpu.memory_space<hbm>> -> memref<512xi32, #tpu.memory_space<hbm>>
    tpu.wait_dma2 semaphore(%arg8 : memref<!tpu.dma_semaphore, #tpu.memory_space<semaphore_mem>>) src(%dma_wait3A_756 : memref<512xi32, #tpu.memory_space<hbm>>) dst(%dma_wait3A_754 : memref<512xi32, #tpu.memory_space<vmem>>)
    %dma_wait3A_757 = arith.constant 13 : i32
    %dma_wait3A_758 = arith.constant 13 : i32
    %dma_wait3A_759 = arith.constant 0 : i32
    %dma_wait3A_760 = tpu.memref_slice %arg5[%dma_wait3A_758, %dma_wait3A_759] : memref<50x512xi32, #tpu.memory_space<vmem>> -> memref<1x512xi32, #tpu.memory_space<vmem>>
    %dma_wait3A_761 = tpu.memref_squeeze %dma_wait3A_760 : memref<1x512xi32, #tpu.memory_space<vmem>> -> memref<512xi32, #tpu.memory_space<vmem>>
    %dma_wait3A_762 = tpu.memref_slice %arg2[%dma_wait3A_757, %mul3A_2] : memref<50x16384xi32, #tpu.memory_space<hbm>> -> memref<1x512xi32, #tpu.memory_space<hbm>>
    %dma_wait3A_763 = tpu.memref_squeeze %dma_wait3A_762 : memref<1x512xi32, #tpu.memory_space<hbm>> -> memref<512xi32, #tpu.memory_space<hbm>>
    %dma_wait3A_764 = arith.constant 0 : i32
    %dma_wait3A_765 = tpu.memref_slice %arg5[%dma_wait3A_758, %dma_wait3A_764] : memref<50x512xi32, #tpu.memory_space<vmem>> -> memref<1x512xi32, #tpu.memory_space<vmem>>
    %dma_wait3A_766 = tpu.memref_squeeze %dma_wait3A_765 : memref<1x512xi32, #tpu.memory_space<vmem>> -> memref<512xi32, #tpu.memory_space<vmem>>
    %dma_wait3A_767 = tpu.memref_slice %arg2[%dma_wait3A_757, %mul3A_2] : memref<50x16384xi32, #tpu.memory_space<hbm>> -> memref<1x512xi32, #tpu.memory_space<hbm>>
    %dma_wait3A_768 = tpu.memref_squeeze %dma_wait3A_767 : memref<1x512xi32, #tpu.memory_space<hbm>> -> memref<512xi32, #tpu.memory_space<hbm>>
    tpu.wait_dma2 semaphore(%arg8 : memref<!tpu.dma_semaphore, #tpu.memory_space<semaphore_mem>>) src(%dma_wait3A_768 : memref<512xi32, #tpu.memory_space<hbm>>) dst(%dma_wait3A_766 : memref<512xi32, #tpu.memory_space<vmem>>)
    %dma_wait3A_769 = arith.constant 14 : i32
    %dma_wait3A_770 = arith.constant 14 : i32
    %dma_wait3A_771 = arith.constant 0 : i32
    %dma_wait3A_772 = tpu.memref_slice %arg5[%dma_wait3A_770, %dma_wait3A_771] : memref<50x512xi32, #tpu.memory_space<vmem>> -> memref<1x512xi32, #tpu.memory_space<vmem>>
    %dma_wait3A_773 = tpu.memref_squeeze %dma_wait3A_772 : memref<1x512xi32, #tpu.memory_space<vmem>> -> memref<512xi32, #tpu.memory_space<vmem>>
    %dma_wait3A_774 = tpu.memref_slice %arg2[%dma_wait3A_769, %mul3A_2] : memref<50x16384xi32, #tpu.memory_space<hbm>> -> memref<1x512xi32, #tpu.memory_space<hbm>>
    %dma_wait3A_775 = tpu.memref_squeeze %dma_wait3A_774 : memref<1x512xi32, #tpu.memory_space<hbm>> -> memref<512xi32, #tpu.memory_space<hbm>>
    %dma_wait3A_776 = arith.constant 0 : i32
    %dma_wait3A_777 = tpu.memref_slice %arg5[%dma_wait3A_770, %dma_wait3A_776] : memref<50x512xi32, #tpu.memory_space<vmem>> -> memref<1x512xi32, #tpu.memory_space<vmem>>
    %dma_wait3A_778 = tpu.memref_squeeze %dma_wait3A_777 : memref<1x512xi32, #tpu.memory_space<vmem>> -> memref<512xi32, #tpu.memory_space<vmem>>
    %dma_wait3A_779 = tpu.memref_slice %arg2[%dma_wait3A_769, %mul3A_2] : memref<50x16384xi32, #tpu.memory_space<hbm>> -> memref<1x512xi32, #tpu.memory_space<hbm>>
    %dma_wait3A_780 = tpu.memref_squeeze %dma_wait3A_779 : memref<1x512xi32, #tpu.memory_space<hbm>> -> memref<512xi32, #tpu.memory_space<hbm>>
    tpu.wait_dma2 semaphore(%arg8 : memref<!tpu.dma_semaphore, #tpu.memory_space<semaphore_mem>>) src(%dma_wait3A_780 : memref<512xi32, #tpu.memory_space<hbm>>) dst(%dma_wait3A_778 : memref<512xi32, #tpu.memory_space<vmem>>)
    %dma_wait3A_781 = arith.constant 15 : i32
    %dma_wait3A_782 = arith.constant 15 : i32
    %dma_wait3A_783 = arith.constant 0 : i32
    %dma_wait3A_784 = tpu.memref_slice %arg5[%dma_wait3A_782, %dma_wait3A_783] : memref<50x512xi32, #tpu.memory_space<vmem>> -> memref<1x512xi32, #tpu.memory_space<vmem>>
    %dma_wait3A_785 = tpu.memref_squeeze %dma_wait3A_784 : memref<1x512xi32, #tpu.memory_space<vmem>> -> memref<512xi32, #tpu.memory_space<vmem>>
    %dma_wait3A_786 = tpu.memref_slice %arg2[%dma_wait3A_781, %mul3A_2] : memref<50x16384xi32, #tpu.memory_space<hbm>> -> memref<1x512xi32, #tpu.memory_space<hbm>>
    %dma_wait3A_787 = tpu.memref_squeeze %dma_wait3A_786 : memref<1x512xi32, #tpu.memory_space<hbm>> -> memref<512xi32, #tpu.memory_space<hbm>>
    %dma_wait3A_788 = arith.constant 0 : i32
    %dma_wait3A_789 = tpu.memref_slice %arg5[%dma_wait3A_782, %dma_wait3A_788] : memref<50x512xi32, #tpu.memory_space<vmem>> -> memref<1x512xi32, #tpu.memory_space<vmem>>
    %dma_wait3A_790 = tpu.memref_squeeze %dma_wait3A_789 : memref<1x512xi32, #tpu.memory_space<vmem>> -> memref<512xi32, #tpu.memory_space<vmem>>
    %dma_wait3A_791 = tpu.memref_slice %arg2[%dma_wait3A_781, %mul3A_2] : memref<50x16384xi32, #tpu.memory_space<hbm>> -> memref<1x512xi32, #tpu.memory_space<hbm>>
    %dma_wait3A_792 = tpu.memref_squeeze %dma_wait3A_791 : memref<1x512xi32, #tpu.memory_space<hbm>> -> memref<512xi32, #tpu.memory_space<hbm>>
    tpu.wait_dma2 semaphore(%arg8 : memref<!tpu.dma_semaphore, #tpu.memory_space<semaphore_mem>>) src(%dma_wait3A_792 : memref<512xi32, #tpu.memory_space<hbm>>) dst(%dma_wait3A_790 : memref<512xi32, #tpu.memory_space<vmem>>)
    %dma_wait3A_793 = arith.constant 16 : i32
    %dma_wait3A_794 = arith.constant 16 : i32
    %dma_wait3A_795 = arith.constant 0 : i32
    %dma_wait3A_796 = tpu.memref_slice %arg5[%dma_wait3A_794, %dma_wait3A_795] : memref<50x512xi32, #tpu.memory_space<vmem>> -> memref<1x512xi32, #tpu.memory_space<vmem>>
    %dma_wait3A_797 = tpu.memref_squeeze %dma_wait3A_796 : memref<1x512xi32, #tpu.memory_space<vmem>> -> memref<512xi32, #tpu.memory_space<vmem>>
    %dma_wait3A_798 = tpu.memref_slice %arg2[%dma_wait3A_793, %mul3A_2] : memref<50x16384xi32, #tpu.memory_space<hbm>> -> memref<1x512xi32, #tpu.memory_space<hbm>>
    %dma_wait3A_799 = tpu.memref_squeeze %dma_wait3A_798 : memref<1x512xi32, #tpu.memory_space<hbm>> -> memref<512xi32, #tpu.memory_space<hbm>>
    %dma_wait3A_800 = arith.constant 0 : i32
    %dma_wait3A_801 = tpu.memref_slice %arg5[%dma_wait3A_794, %dma_wait3A_800] : memref<50x512xi32, #tpu.memory_space<vmem>> -> memref<1x512xi32, #tpu.memory_space<vmem>>
    %dma_wait3A_802 = tpu.memref_squeeze %dma_wait3A_801 : memref<1x512xi32, #tpu.memory_space<vmem>> -> memref<512xi32, #tpu.memory_space<vmem>>
    %dma_wait3A_803 = tpu.memref_slice %arg2[%dma_wait3A_793, %mul3A_2] : memref<50x16384xi32, #tpu.memory_space<hbm>> -> memref<1x512xi32, #tpu.memory_space<hbm>>
    %dma_wait3A_804 = tpu.memref_squeeze %dma_wait3A_803 : memref<1x512xi32, #tpu.memory_space<hbm>> -> memref<512xi32, #tpu.memory_space<hbm>>
    tpu.wait_dma2 semaphore(%arg8 : memref<!tpu.dma_semaphore, #tpu.memory_space<semaphore_mem>>) src(%dma_wait3A_804 : memref<512xi32, #tpu.memory_space<hbm>>) dst(%dma_wait3A_802 : memref<512xi32, #tpu.memory_space<vmem>>)
    %dma_wait3A_805 = arith.constant 17 : i32
    %dma_wait3A_806 = arith.constant 17 : i32
    %dma_wait3A_807 = arith.constant 0 : i32
    %dma_wait3A_808 = tpu.memref_slice %arg5[%dma_wait3A_806, %dma_wait3A_807] : memref<50x512xi32, #tpu.memory_space<vmem>> -> memref<1x512xi32, #tpu.memory_space<vmem>>
    %dma_wait3A_809 = tpu.memref_squeeze %dma_wait3A_808 : memref<1x512xi32, #tpu.memory_space<vmem>> -> memref<512xi32, #tpu.memory_space<vmem>>
    %dma_wait3A_810 = tpu.memref_slice %arg2[%dma_wait3A_805, %mul3A_2] : memref<50x16384xi32, #tpu.memory_space<hbm>> -> memref<1x512xi32, #tpu.memory_space<hbm>>
    %dma_wait3A_811 = tpu.memref_squeeze %dma_wait3A_810 : memref<1x512xi32, #tpu.memory_space<hbm>> -> memref<512xi32, #tpu.memory_space<hbm>>
    %dma_wait3A_812 = arith.constant 0 : i32
    %dma_wait3A_813 = tpu.memref_slice %arg5[%dma_wait3A_806, %dma_wait3A_812] : memref<50x512xi32, #tpu.memory_space<vmem>> -> memref<1x512xi32, #tpu.memory_space<vmem>>
    %dma_wait3A_814 = tpu.memref_squeeze %dma_wait3A_813 : memref<1x512xi32, #tpu.memory_space<vmem>> -> memref<512xi32, #tpu.memory_space<vmem>>
    %dma_wait3A_815 = tpu.memref_slice %arg2[%dma_wait3A_805, %mul3A_2] : memref<50x16384xi32, #tpu.memory_space<hbm>> -> memref<1x512xi32, #tpu.memory_space<hbm>>
    %dma_wait3A_816 = tpu.memref_squeeze %dma_wait3A_815 : memref<1x512xi32, #tpu.memory_space<hbm>> -> memref<512xi32, #tpu.memory_space<hbm>>
    tpu.wait_dma2 semaphore(%arg8 : memref<!tpu.dma_semaphore, #tpu.memory_space<semaphore_mem>>) src(%dma_wait3A_816 : memref<512xi32, #tpu.memory_space<hbm>>) dst(%dma_wait3A_814 : memref<512xi32, #tpu.memory_space<vmem>>)
    %dma_wait3A_817 = arith.constant 18 : i32
    %dma_wait3A_818 = arith.constant 18 : i32
    %dma_wait3A_819 = arith.constant 0 : i32
    %dma_wait3A_820 = tpu.memref_slice %arg5[%dma_wait3A_818, %dma_wait3A_819] : memref<50x512xi32, #tpu.memory_space<vmem>> -> memref<1x512xi32, #tpu.memory_space<vmem>>
    %dma_wait3A_821 = tpu.memref_squeeze %dma_wait3A_820 : memref<1x512xi32, #tpu.memory_space<vmem>> -> memref<512xi32, #tpu.memory_space<vmem>>
    %dma_wait3A_822 = tpu.memref_slice %arg2[%dma_wait3A_817, %mul3A_2] : memref<50x16384xi32, #tpu.memory_space<hbm>> -> memref<1x512xi32, #tpu.memory_space<hbm>>
    %dma_wait3A_823 = tpu.memref_squeeze %dma_wait3A_822 : memref<1x512xi32, #tpu.memory_space<hbm>> -> memref<512xi32, #tpu.memory_space<hbm>>
    %dma_wait3A_824 = arith.constant 0 : i32
    %dma_wait3A_825 = tpu.memref_slice %arg5[%dma_wait3A_818, %dma_wait3A_824] : memref<50x512xi32, #tpu.memory_space<vmem>> -> memref<1x512xi32, #tpu.memory_space<vmem>>
    %dma_wait3A_826 = tpu.memref_squeeze %dma_wait3A_825 : memref<1x512xi32, #tpu.memory_space<vmem>> -> memref<512xi32, #tpu.memory_space<vmem>>
    %dma_wait3A_827 = tpu.memref_slice %arg2[%dma_wait3A_817, %mul3A_2] : memref<50x16384xi32, #tpu.memory_space<hbm>> -> memref<1x512xi32, #tpu.memory_space<hbm>>
    %dma_wait3A_828 = tpu.memref_squeeze %dma_wait3A_827 : memref<1x512xi32, #tpu.memory_space<hbm>> -> memref<512xi32, #tpu.memory_space<hbm>>
    tpu.wait_dma2 semaphore(%arg8 : memref<!tpu.dma_semaphore, #tpu.memory_space<semaphore_mem>>) src(%dma_wait3A_828 : memref<512xi32, #tpu.memory_space<hbm>>) dst(%dma_wait3A_826 : memref<512xi32, #tpu.memory_space<vmem>>)
    %dma_wait3A_829 = arith.constant 19 : i32
    %dma_wait3A_830 = arith.constant 19 : i32
    %dma_wait3A_831 = arith.constant 0 : i32
    %dma_wait3A_832 = tpu.memref_slice %arg5[%dma_wait3A_830, %dma_wait3A_831] : memref<50x512xi32, #tpu.memory_space<vmem>> -> memref<1x512xi32, #tpu.memory_space<vmem>>
    %dma_wait3A_833 = tpu.memref_squeeze %dma_wait3A_832 : memref<1x512xi32, #tpu.memory_space<vmem>> -> memref<512xi32, #tpu.memory_space<vmem>>
    %dma_wait3A_834 = tpu.memref_slice %arg2[%dma_wait3A_829, %mul3A_2] : memref<50x16384xi32, #tpu.memory_space<hbm>> -> memref<1x512xi32, #tpu.memory_space<hbm>>
    %dma_wait3A_835 = tpu.memref_squeeze %dma_wait3A_834 : memref<1x512xi32, #tpu.memory_space<hbm>> -> memref<512xi32, #tpu.memory_space<hbm>>
    %dma_wait3A_836 = arith.constant 0 : i32
    %dma_wait3A_837 = tpu.memref_slice %arg5[%dma_wait3A_830, %dma_wait3A_836] : memref<50x512xi32, #tpu.memory_space<vmem>> -> memref<1x512xi32, #tpu.memory_space<vmem>>
    %dma_wait3A_838 = tpu.memref_squeeze %dma_wait3A_837 : memref<1x512xi32, #tpu.memory_space<vmem>> -> memref<512xi32, #tpu.memory_space<vmem>>
    %dma_wait3A_839 = tpu.memref_slice %arg2[%dma_wait3A_829, %mul3A_2] : memref<50x16384xi32, #tpu.memory_space<hbm>> -> memref<1x512xi32, #tpu.memory_space<hbm>>
    %dma_wait3A_840 = tpu.memref_squeeze %dma_wait3A_839 : memref<1x512xi32, #tpu.memory_space<hbm>> -> memref<512xi32, #tpu.memory_space<hbm>>
    tpu.wait_dma2 semaphore(%arg8 : memref<!tpu.dma_semaphore, #tpu.memory_space<semaphore_mem>>) src(%dma_wait3A_840 : memref<512xi32, #tpu.memory_space<hbm>>) dst(%dma_wait3A_838 : memref<512xi32, #tpu.memory_space<vmem>>)
    %dma_wait3A_841 = arith.constant 20 : i32
    %dma_wait3A_842 = arith.constant 20 : i32
    %dma_wait3A_843 = arith.constant 0 : i32
    %dma_wait3A_844 = tpu.memref_slice %arg5[%dma_wait3A_842, %dma_wait3A_843] : memref<50x512xi32, #tpu.memory_space<vmem>> -> memref<1x512xi32, #tpu.memory_space<vmem>>
    %dma_wait3A_845 = tpu.memref_squeeze %dma_wait3A_844 : memref<1x512xi32, #tpu.memory_space<vmem>> -> memref<512xi32, #tpu.memory_space<vmem>>
    %dma_wait3A_846 = tpu.memref_slice %arg2[%dma_wait3A_841, %mul3A_2] : memref<50x16384xi32, #tpu.memory_space<hbm>> -> memref<1x512xi32, #tpu.memory_space<hbm>>
    %dma_wait3A_847 = tpu.memref_squeeze %dma_wait3A_846 : memref<1x512xi32, #tpu.memory_space<hbm>> -> memref<512xi32, #tpu.memory_space<hbm>>
    %dma_wait3A_848 = arith.constant 0 : i32
    %dma_wait3A_849 = tpu.memref_slice %arg5[%dma_wait3A_842, %dma_wait3A_848] : memref<50x512xi32, #tpu.memory_space<vmem>> -> memref<1x512xi32, #tpu.memory_space<vmem>>
    %dma_wait3A_850 = tpu.memref_squeeze %dma_wait3A_849 : memref<1x512xi32, #tpu.memory_space<vmem>> -> memref<512xi32, #tpu.memory_space<vmem>>
    %dma_wait3A_851 = tpu.memref_slice %arg2[%dma_wait3A_841, %mul3A_2] : memref<50x16384xi32, #tpu.memory_space<hbm>> -> memref<1x512xi32, #tpu.memory_space<hbm>>
    %dma_wait3A_852 = tpu.memref_squeeze %dma_wait3A_851 : memref<1x512xi32, #tpu.memory_space<hbm>> -> memref<512xi32, #tpu.memory_space<hbm>>
    tpu.wait_dma2 semaphore(%arg8 : memref<!tpu.dma_semaphore, #tpu.memory_space<semaphore_mem>>) src(%dma_wait3A_852 : memref<512xi32, #tpu.memory_space<hbm>>) dst(%dma_wait3A_850 : memref<512xi32, #tpu.memory_space<vmem>>)
    %dma_wait3A_853 = arith.constant 21 : i32
    %dma_wait3A_854 = arith.constant 21 : i32
    %dma_wait3A_855 = arith.constant 0 : i32
    %dma_wait3A_856 = tpu.memref_slice %arg5[%dma_wait3A_854, %dma_wait3A_855] : memref<50x512xi32, #tpu.memory_space<vmem>> -> memref<1x512xi32, #tpu.memory_space<vmem>>
    %dma_wait3A_857 = tpu.memref_squeeze %dma_wait3A_856 : memref<1x512xi32, #tpu.memory_space<vmem>> -> memref<512xi32, #tpu.memory_space<vmem>>
    %dma_wait3A_858 = tpu.memref_slice %arg2[%dma_wait3A_853, %mul3A_2] : memref<50x16384xi32, #tpu.memory_space<hbm>> -> memref<1x512xi32, #tpu.memory_space<hbm>>
    %dma_wait3A_859 = tpu.memref_squeeze %dma_wait3A_858 : memref<1x512xi32, #tpu.memory_space<hbm>> -> memref<512xi32, #tpu.memory_space<hbm>>
    %dma_wait3A_860 = arith.constant 0 : i32
    %dma_wait3A_861 = tpu.memref_slice %arg5[%dma_wait3A_854, %dma_wait3A_860] : memref<50x512xi32, #tpu.memory_space<vmem>> -> memref<1x512xi32, #tpu.memory_space<vmem>>
    %dma_wait3A_862 = tpu.memref_squeeze %dma_wait3A_861 : memref<1x512xi32, #tpu.memory_space<vmem>> -> memref<512xi32, #tpu.memory_space<vmem>>
    %dma_wait3A_863 = tpu.memref_slice %arg2[%dma_wait3A_853, %mul3A_2] : memref<50x16384xi32, #tpu.memory_space<hbm>> -> memref<1x512xi32, #tpu.memory_space<hbm>>
    %dma_wait3A_864 = tpu.memref_squeeze %dma_wait3A_863 : memref<1x512xi32, #tpu.memory_space<hbm>> -> memref<512xi32, #tpu.memory_space<hbm>>
    tpu.wait_dma2 semaphore(%arg8 : memref<!tpu.dma_semaphore, #tpu.memory_space<semaphore_mem>>) src(%dma_wait3A_864 : memref<512xi32, #tpu.memory_space<hbm>>) dst(%dma_wait3A_862 : memref<512xi32, #tpu.memory_space<vmem>>)
    %dma_wait3A_865 = arith.constant 22 : i32
    %dma_wait3A_866 = arith.constant 22 : i32
    %dma_wait3A_867 = arith.constant 0 : i32
    %dma_wait3A_868 = tpu.memref_slice %arg5[%dma_wait3A_866, %dma_wait3A_867] : memref<50x512xi32, #tpu.memory_space<vmem>> -> memref<1x512xi32, #tpu.memory_space<vmem>>
    %dma_wait3A_869 = tpu.memref_squeeze %dma_wait3A_868 : memref<1x512xi32, #tpu.memory_space<vmem>> -> memref<512xi32, #tpu.memory_space<vmem>>
    %dma_wait3A_870 = tpu.memref_slice %arg2[%dma_wait3A_865, %mul3A_2] : memref<50x16384xi32, #tpu.memory_space<hbm>> -> memref<1x512xi32, #tpu.memory_space<hbm>>
    %dma_wait3A_871 = tpu.memref_squeeze %dma_wait3A_870 : memref<1x512xi32, #tpu.memory_space<hbm>> -> memref<512xi32, #tpu.memory_space<hbm>>
    %dma_wait3A_872 = arith.constant 0 : i32
    %dma_wait3A_873 = tpu.memref_slice %arg5[%dma_wait3A_866, %dma_wait3A_872] : memref<50x512xi32, #tpu.memory_space<vmem>> -> memref<1x512xi32, #tpu.memory_space<vmem>>
    %dma_wait3A_874 = tpu.memref_squeeze %dma_wait3A_873 : memref<1x512xi32, #tpu.memory_space<vmem>> -> memref<512xi32, #tpu.memory_space<vmem>>
    %dma_wait3A_875 = tpu.memref_slice %arg2[%dma_wait3A_865, %mul3A_2] : memref<50x16384xi32, #tpu.memory_space<hbm>> -> memref<1x512xi32, #tpu.memory_space<hbm>>
    %dma_wait3A_876 = tpu.memref_squeeze %dma_wait3A_875 : memref<1x512xi32, #tpu.memory_space<hbm>> -> memref<512xi32, #tpu.memory_space<hbm>>
    tpu.wait_dma2 semaphore(%arg8 : memref<!tpu.dma_semaphore, #tpu.memory_space<semaphore_mem>>) src(%dma_wait3A_876 : memref<512xi32, #tpu.memory_space<hbm>>) dst(%dma_wait3A_874 : memref<512xi32, #tpu.memory_space<vmem>>)
    %dma_wait3A_877 = arith.constant 23 : i32
    %dma_wait3A_878 = arith.constant 23 : i32
    %dma_wait3A_879 = arith.constant 0 : i32
    %dma_wait3A_880 = tpu.memref_slice %arg5[%dma_wait3A_878, %dma_wait3A_879] : memref<50x512xi32, #tpu.memory_space<vmem>> -> memref<1x512xi32, #tpu.memory_space<vmem>>
    %dma_wait3A_881 = tpu.memref_squeeze %dma_wait3A_880 : memref<1x512xi32, #tpu.memory_space<vmem>> -> memref<512xi32, #tpu.memory_space<vmem>>
    %dma_wait3A_882 = tpu.memref_slice %arg2[%dma_wait3A_877, %mul3A_2] : memref<50x16384xi32, #tpu.memory_space<hbm>> -> memref<1x512xi32, #tpu.memory_space<hbm>>
    %dma_wait3A_883 = tpu.memref_squeeze %dma_wait3A_882 : memref<1x512xi32, #tpu.memory_space<hbm>> -> memref<512xi32, #tpu.memory_space<hbm>>
    %dma_wait3A_884 = arith.constant 0 : i32
    %dma_wait3A_885 = tpu.memref_slice %arg5[%dma_wait3A_878, %dma_wait3A_884] : memref<50x512xi32, #tpu.memory_space<vmem>> -> memref<1x512xi32, #tpu.memory_space<vmem>>
    %dma_wait3A_886 = tpu.memref_squeeze %dma_wait3A_885 : memref<1x512xi32, #tpu.memory_space<vmem>> -> memref<512xi32, #tpu.memory_space<vmem>>
    %dma_wait3A_887 = tpu.memref_slice %arg2[%dma_wait3A_877, %mul3A_2] : memref<50x16384xi32, #tpu.memory_space<hbm>> -> memref<1x512xi32, #tpu.memory_space<hbm>>
    %dma_wait3A_888 = tpu.memref_squeeze %dma_wait3A_887 : memref<1x512xi32, #tpu.memory_space<hbm>> -> memref<512xi32, #tpu.memory_space<hbm>>
    tpu.wait_dma2 semaphore(%arg8 : memref<!tpu.dma_semaphore, #tpu.memory_space<semaphore_mem>>) src(%dma_wait3A_888 : memref<512xi32, #tpu.memory_space<hbm>>) dst(%dma_wait3A_886 : memref<512xi32, #tpu.memory_space<vmem>>)
    %dma_wait3A_889 = arith.constant 24 : i32
    %dma_wait3A_890 = arith.constant 24 : i32
    %dma_wait3A_891 = arith.constant 0 : i32
    %dma_wait3A_892 = tpu.memref_slice %arg5[%dma_wait3A_890, %dma_wait3A_891] : memref<50x512xi32, #tpu.memory_space<vmem>> -> memref<1x512xi32, #tpu.memory_space<vmem>>
    %dma_wait3A_893 = tpu.memref_squeeze %dma_wait3A_892 : memref<1x512xi32, #tpu.memory_space<vmem>> -> memref<512xi32, #tpu.memory_space<vmem>>
    %dma_wait3A_894 = tpu.memref_slice %arg2[%dma_wait3A_889, %mul3A_2] : memref<50x16384xi32, #tpu.memory_space<hbm>> -> memref<1x512xi32, #tpu.memory_space<hbm>>
    %dma_wait3A_895 = tpu.memref_squeeze %dma_wait3A_894 : memref<1x512xi32, #tpu.memory_space<hbm>> -> memref<512xi32, #tpu.memory_space<hbm>>
    %dma_wait3A_896 = arith.constant 0 : i32
    %dma_wait3A_897 = tpu.memref_slice %arg5[%dma_wait3A_890, %dma_wait3A_896] : memref<50x512xi32, #tpu.memory_space<vmem>> -> memref<1x512xi32, #tpu.memory_space<vmem>>
    %dma_wait3A_898 = tpu.memref_squeeze %dma_wait3A_897 : memref<1x512xi32, #tpu.memory_space<vmem>> -> memref<512xi32, #tpu.memory_space<vmem>>
    %dma_wait3A_899 = tpu.memref_slice %arg2[%dma_wait3A_889, %mul3A_2] : memref<50x16384xi32, #tpu.memory_space<hbm>> -> memref<1x512xi32, #tpu.memory_space<hbm>>
    %dma_wait3A_900 = tpu.memref_squeeze %dma_wait3A_899 : memref<1x512xi32, #tpu.memory_space<hbm>> -> memref<512xi32, #tpu.memory_space<hbm>>
    tpu.wait_dma2 semaphore(%arg8 : memref<!tpu.dma_semaphore, #tpu.memory_space<semaphore_mem>>) src(%dma_wait3A_900 : memref<512xi32, #tpu.memory_space<hbm>>) dst(%dma_wait3A_898 : memref<512xi32, #tpu.memory_space<vmem>>)
    %dma_wait3A_901 = arith.constant 25 : i32
    %dma_wait3A_902 = arith.constant 25 : i32
    %dma_wait3A_903 = arith.constant 0 : i32
    %dma_wait3A_904 = tpu.memref_slice %arg5[%dma_wait3A_902, %dma_wait3A_903] : memref<50x512xi32, #tpu.memory_space<vmem>> -> memref<1x512xi32, #tpu.memory_space<vmem>>
    %dma_wait3A_905 = tpu.memref_squeeze %dma_wait3A_904 : memref<1x512xi32, #tpu.memory_space<vmem>> -> memref<512xi32, #tpu.memory_space<vmem>>
    %dma_wait3A_906 = tpu.memref_slice %arg2[%dma_wait3A_901, %mul3A_2] : memref<50x16384xi32, #tpu.memory_space<hbm>> -> memref<1x512xi32, #tpu.memory_space<hbm>>
    %dma_wait3A_907 = tpu.memref_squeeze %dma_wait3A_906 : memref<1x512xi32, #tpu.memory_space<hbm>> -> memref<512xi32, #tpu.memory_space<hbm>>
    %dma_wait3A_908 = arith.constant 0 : i32
    %dma_wait3A_909 = tpu.memref_slice %arg5[%dma_wait3A_902, %dma_wait3A_908] : memref<50x512xi32, #tpu.memory_space<vmem>> -> memref<1x512xi32, #tpu.memory_space<vmem>>
    %dma_wait3A_910 = tpu.memref_squeeze %dma_wait3A_909 : memref<1x512xi32, #tpu.memory_space<vmem>> -> memref<512xi32, #tpu.memory_space<vmem>>
    %dma_wait3A_911 = tpu.memref_slice %arg2[%dma_wait3A_901, %mul3A_2] : memref<50x16384xi32, #tpu.memory_space<hbm>> -> memref<1x512xi32, #tpu.memory_space<hbm>>
    %dma_wait3A_912 = tpu.memref_squeeze %dma_wait3A_911 : memref<1x512xi32, #tpu.memory_space<hbm>> -> memref<512xi32, #tpu.memory_space<hbm>>
    tpu.wait_dma2 semaphore(%arg8 : memref<!tpu.dma_semaphore, #tpu.memory_space<semaphore_mem>>) src(%dma_wait3A_912 : memref<512xi32, #tpu.memory_space<hbm>>) dst(%dma_wait3A_910 : memref<512xi32, #tpu.memory_space<vmem>>)
    %dma_wait3A_913 = arith.constant 26 : i32
    %dma_wait3A_914 = arith.constant 26 : i32
    %dma_wait3A_915 = arith.constant 0 : i32
    %dma_wait3A_916 = tpu.memref_slice %arg5[%dma_wait3A_914, %dma_wait3A_915] : memref<50x512xi32, #tpu.memory_space<vmem>> -> memref<1x512xi32, #tpu.memory_space<vmem>>
    %dma_wait3A_917 = tpu.memref_squeeze %dma_wait3A_916 : memref<1x512xi32, #tpu.memory_space<vmem>> -> memref<512xi32, #tpu.memory_space<vmem>>
    %dma_wait3A_918 = tpu.memref_slice %arg2[%dma_wait3A_913, %mul3A_2] : memref<50x16384xi32, #tpu.memory_space<hbm>> -> memref<1x512xi32, #tpu.memory_space<hbm>>
    %dma_wait3A_919 = tpu.memref_squeeze %dma_wait3A_918 : memref<1x512xi32, #tpu.memory_space<hbm>> -> memref<512xi32, #tpu.memory_space<hbm>>
    %dma_wait3A_920 = arith.constant 0 : i32
    %dma_wait3A_921 = tpu.memref_slice %arg5[%dma_wait3A_914, %dma_wait3A_920] : memref<50x512xi32, #tpu.memory_space<vmem>> -> memref<1x512xi32, #tpu.memory_space<vmem>>
    %dma_wait3A_922 = tpu.memref_squeeze %dma_wait3A_921 : memref<1x512xi32, #tpu.memory_space<vmem>> -> memref<512xi32, #tpu.memory_space<vmem>>
    %dma_wait3A_923 = tpu.memref_slice %arg2[%dma_wait3A_913, %mul3A_2] : memref<50x16384xi32, #tpu.memory_space<hbm>> -> memref<1x512xi32, #tpu.memory_space<hbm>>
    %dma_wait3A_924 = tpu.memref_squeeze %dma_wait3A_923 : memref<1x512xi32, #tpu.memory_space<hbm>> -> memref<512xi32, #tpu.memory_space<hbm>>
    tpu.wait_dma2 semaphore(%arg8 : memref<!tpu.dma_semaphore, #tpu.memory_space<semaphore_mem>>) src(%dma_wait3A_924 : memref<512xi32, #tpu.memory_space<hbm>>) dst(%dma_wait3A_922 : memref<512xi32, #tpu.memory_space<vmem>>)
    %dma_wait3A_925 = arith.constant 27 : i32
    %dma_wait3A_926 = arith.constant 27 : i32
    %dma_wait3A_927 = arith.constant 0 : i32
    %dma_wait3A_928 = tpu.memref_slice %arg5[%dma_wait3A_926, %dma_wait3A_927] : memref<50x512xi32, #tpu.memory_space<vmem>> -> memref<1x512xi32, #tpu.memory_space<vmem>>
    %dma_wait3A_929 = tpu.memref_squeeze %dma_wait3A_928 : memref<1x512xi32, #tpu.memory_space<vmem>> -> memref<512xi32, #tpu.memory_space<vmem>>
    %dma_wait3A_930 = tpu.memref_slice %arg2[%dma_wait3A_925, %mul3A_2] : memref<50x16384xi32, #tpu.memory_space<hbm>> -> memref<1x512xi32, #tpu.memory_space<hbm>>
    %dma_wait3A_931 = tpu.memref_squeeze %dma_wait3A_930 : memref<1x512xi32, #tpu.memory_space<hbm>> -> memref<512xi32, #tpu.memory_space<hbm>>
    %dma_wait3A_932 = arith.constant 0 : i32
    %dma_wait3A_933 = tpu.memref_slice %arg5[%dma_wait3A_926, %dma_wait3A_932] : memref<50x512xi32, #tpu.memory_space<vmem>> -> memref<1x512xi32, #tpu.memory_space<vmem>>
    %dma_wait3A_934 = tpu.memref_squeeze %dma_wait3A_933 : memref<1x512xi32, #tpu.memory_space<vmem>> -> memref<512xi32, #tpu.memory_space<vmem>>
    %dma_wait3A_935 = tpu.memref_slice %arg2[%dma_wait3A_925, %mul3A_2] : memref<50x16384xi32, #tpu.memory_space<hbm>> -> memref<1x512xi32, #tpu.memory_space<hbm>>
    %dma_wait3A_936 = tpu.memref_squeeze %dma_wait3A_935 : memref<1x512xi32, #tpu.memory_space<hbm>> -> memref<512xi32, #tpu.memory_space<hbm>>
    tpu.wait_dma2 semaphore(%arg8 : memref<!tpu.dma_semaphore, #tpu.memory_space<semaphore_mem>>) src(%dma_wait3A_936 : memref<512xi32, #tpu.memory_space<hbm>>) dst(%dma_wait3A_934 : memref<512xi32, #tpu.memory_space<vmem>>)
    %dma_wait3A_937 = arith.constant 28 : i32
    %dma_wait3A_938 = arith.constant 28 : i32
    %dma_wait3A_939 = arith.constant 0 : i32
    %dma_wait3A_940 = tpu.memref_slice %arg5[%dma_wait3A_938, %dma_wait3A_939] : memref<50x512xi32, #tpu.memory_space<vmem>> -> memref<1x512xi32, #tpu.memory_space<vmem>>
    %dma_wait3A_941 = tpu.memref_squeeze %dma_wait3A_940 : memref<1x512xi32, #tpu.memory_space<vmem>> -> memref<512xi32, #tpu.memory_space<vmem>>
    %dma_wait3A_942 = tpu.memref_slice %arg2[%dma_wait3A_937, %mul3A_2] : memref<50x16384xi32, #tpu.memory_space<hbm>> -> memref<1x512xi32, #tpu.memory_space<hbm>>
    %dma_wait3A_943 = tpu.memref_squeeze %dma_wait3A_942 : memref<1x512xi32, #tpu.memory_space<hbm>> -> memref<512xi32, #tpu.memory_space<hbm>>
    %dma_wait3A_944 = arith.constant 0 : i32
    %dma_wait3A_945 = tpu.memref_slice %arg5[%dma_wait3A_938, %dma_wait3A_944] : memref<50x512xi32, #tpu.memory_space<vmem>> -> memref<1x512xi32, #tpu.memory_space<vmem>>
    %dma_wait3A_946 = tpu.memref_squeeze %dma_wait3A_945 : memref<1x512xi32, #tpu.memory_space<vmem>> -> memref<512xi32, #tpu.memory_space<vmem>>
    %dma_wait3A_947 = tpu.memref_slice %arg2[%dma_wait3A_937, %mul3A_2] : memref<50x16384xi32, #tpu.memory_space<hbm>> -> memref<1x512xi32, #tpu.memory_space<hbm>>
    %dma_wait3A_948 = tpu.memref_squeeze %dma_wait3A_947 : memref<1x512xi32, #tpu.memory_space<hbm>> -> memref<512xi32, #tpu.memory_space<hbm>>
    tpu.wait_dma2 semaphore(%arg8 : memref<!tpu.dma_semaphore, #tpu.memory_space<semaphore_mem>>) src(%dma_wait3A_948 : memref<512xi32, #tpu.memory_space<hbm>>) dst(%dma_wait3A_946 : memref<512xi32, #tpu.memory_space<vmem>>)
    %dma_wait3A_949 = arith.constant 29 : i32
    %dma_wait3A_950 = arith.constant 29 : i32
    %dma_wait3A_951 = arith.constant 0 : i32
    %dma_wait3A_952 = tpu.memref_slice %arg5[%dma_wait3A_950, %dma_wait3A_951] : memref<50x512xi32, #tpu.memory_space<vmem>> -> memref<1x512xi32, #tpu.memory_space<vmem>>
    %dma_wait3A_953 = tpu.memref_squeeze %dma_wait3A_952 : memref<1x512xi32, #tpu.memory_space<vmem>> -> memref<512xi32, #tpu.memory_space<vmem>>
    %dma_wait3A_954 = tpu.memref_slice %arg2[%dma_wait3A_949, %mul3A_2] : memref<50x16384xi32, #tpu.memory_space<hbm>> -> memref<1x512xi32, #tpu.memory_space<hbm>>
    %dma_wait3A_955 = tpu.memref_squeeze %dma_wait3A_954 : memref<1x512xi32, #tpu.memory_space<hbm>> -> memref<512xi32, #tpu.memory_space<hbm>>
    %dma_wait3A_956 = arith.constant 0 : i32
    %dma_wait3A_957 = tpu.memref_slice %arg5[%dma_wait3A_950, %dma_wait3A_956] : memref<50x512xi32, #tpu.memory_space<vmem>> -> memref<1x512xi32, #tpu.memory_space<vmem>>
    %dma_wait3A_958 = tpu.memref_squeeze %dma_wait3A_957 : memref<1x512xi32, #tpu.memory_space<vmem>> -> memref<512xi32, #tpu.memory_space<vmem>>
    %dma_wait3A_959 = tpu.memref_slice %arg2[%dma_wait3A_949, %mul3A_2] : memref<50x16384xi32, #tpu.memory_space<hbm>> -> memref<1x512xi32, #tpu.memory_space<hbm>>
    %dma_wait3A_960 = tpu.memref_squeeze %dma_wait3A_959 : memref<1x512xi32, #tpu.memory_space<hbm>> -> memref<512xi32, #tpu.memory_space<hbm>>
    tpu.wait_dma2 semaphore(%arg8 : memref<!tpu.dma_semaphore, #tpu.memory_space<semaphore_mem>>) src(%dma_wait3A_960 : memref<512xi32, #tpu.memory_space<hbm>>) dst(%dma_wait3A_958 : memref<512xi32, #tpu.memory_space<vmem>>)
    %dma_wait3A_961 = arith.constant 30 : i32
    %dma_wait3A_962 = arith.constant 30 : i32
    %dma_wait3A_963 = arith.constant 0 : i32
    %dma_wait3A_964 = tpu.memref_slice %arg5[%dma_wait3A_962, %dma_wait3A_963] : memref<50x512xi32, #tpu.memory_space<vmem>> -> memref<1x512xi32, #tpu.memory_space<vmem>>
    %dma_wait3A_965 = tpu.memref_squeeze %dma_wait3A_964 : memref<1x512xi32, #tpu.memory_space<vmem>> -> memref<512xi32, #tpu.memory_space<vmem>>
    %dma_wait3A_966 = tpu.memref_slice %arg2[%dma_wait3A_961, %mul3A_2] : memref<50x16384xi32, #tpu.memory_space<hbm>> -> memref<1x512xi32, #tpu.memory_space<hbm>>
    %dma_wait3A_967 = tpu.memref_squeeze %dma_wait3A_966 : memref<1x512xi32, #tpu.memory_space<hbm>> -> memref<512xi32, #tpu.memory_space<hbm>>
    %dma_wait3A_968 = arith.constant 0 : i32
    %dma_wait3A_969 = tpu.memref_slice %arg5[%dma_wait3A_962, %dma_wait3A_968] : memref<50x512xi32, #tpu.memory_space<vmem>> -> memref<1x512xi32, #tpu.memory_space<vmem>>
    %dma_wait3A_970 = tpu.memref_squeeze %dma_wait3A_969 : memref<1x512xi32, #tpu.memory_space<vmem>> -> memref<512xi32, #tpu.memory_space<vmem>>
    %dma_wait3A_971 = tpu.memref_slice %arg2[%dma_wait3A_961, %mul3A_2] : memref<50x16384xi32, #tpu.memory_space<hbm>> -> memref<1x512xi32, #tpu.memory_space<hbm>>
    %dma_wait3A_972 = tpu.memref_squeeze %dma_wait3A_971 : memref<1x512xi32, #tpu.memory_space<hbm>> -> memref<512xi32, #tpu.memory_space<hbm>>
    tpu.wait_dma2 semaphore(%arg8 : memref<!tpu.dma_semaphore, #tpu.memory_space<semaphore_mem>>) src(%dma_wait3A_972 : memref<512xi32, #tpu.memory_space<hbm>>) dst(%dma_wait3A_970 : memref<512xi32, #tpu.memory_space<vmem>>)
    %dma_wait3A_973 = arith.constant 31 : i32
    %dma_wait3A_974 = arith.constant 31 : i32
    %dma_wait3A_975 = arith.constant 0 : i32
    %dma_wait3A_976 = tpu.memref_slice %arg5[%dma_wait3A_974, %dma_wait3A_975] : memref<50x512xi32, #tpu.memory_space<vmem>> -> memref<1x512xi32, #tpu.memory_space<vmem>>
    %dma_wait3A_977 = tpu.memref_squeeze %dma_wait3A_976 : memref<1x512xi32, #tpu.memory_space<vmem>> -> memref<512xi32, #tpu.memory_space<vmem>>
    %dma_wait3A_978 = tpu.memref_slice %arg2[%dma_wait3A_973, %mul3A_2] : memref<50x16384xi32, #tpu.memory_space<hbm>> -> memref<1x512xi32, #tpu.memory_space<hbm>>
    %dma_wait3A_979 = tpu.memref_squeeze %dma_wait3A_978 : memref<1x512xi32, #tpu.memory_space<hbm>> -> memref<512xi32, #tpu.memory_space<hbm>>
    %dma_wait3A_980 = arith.constant 0 : i32
    %dma_wait3A_981 = tpu.memref_slice %arg5[%dma_wait3A_974, %dma_wait3A_980] : memref<50x512xi32, #tpu.memory_space<vmem>> -> memref<1x512xi32, #tpu.memory_space<vmem>>
    %dma_wait3A_982 = tpu.memref_squeeze %dma_wait3A_981 : memref<1x512xi32, #tpu.memory_space<vmem>> -> memref<512xi32, #tpu.memory_space<vmem>>
    %dma_wait3A_983 = tpu.memref_slice %arg2[%dma_wait3A_973, %mul3A_2] : memref<50x16384xi32, #tpu.memory_space<hbm>> -> memref<1x512xi32, #tpu.memory_space<hbm>>
    %dma_wait3A_984 = tpu.memref_squeeze %dma_wait3A_983 : memref<1x512xi32, #tpu.memory_space<hbm>> -> memref<512xi32, #tpu.memory_space<hbm>>
    tpu.wait_dma2 semaphore(%arg8 : memref<!tpu.dma_semaphore, #tpu.memory_space<semaphore_mem>>) src(%dma_wait3A_984 : memref<512xi32, #tpu.memory_space<hbm>>) dst(%dma_wait3A_982 : memref<512xi32, #tpu.memory_space<vmem>>)
    %dma_wait3A_985 = arith.constant 32 : i32
    %dma_wait3A_986 = arith.constant 32 : i32
    %dma_wait3A_987 = arith.constant 0 : i32
    %dma_wait3A_988 = tpu.memref_slice %arg5[%dma_wait3A_986, %dma_wait3A_987] : memref<50x512xi32, #tpu.memory_space<vmem>> -> memref<1x512xi32, #tpu.memory_space<vmem>>
    %dma_wait3A_989 = tpu.memref_squeeze %dma_wait3A_988 : memref<1x512xi32, #tpu.memory_space<vmem>> -> memref<512xi32, #tpu.memory_space<vmem>>
    %dma_wait3A_990 = tpu.memref_slice %arg2[%dma_wait3A_985, %mul3A_2] : memref<50x16384xi32, #tpu.memory_space<hbm>> -> memref<1x512xi32, #tpu.memory_space<hbm>>
    %dma_wait3A_991 = tpu.memref_squeeze %dma_wait3A_990 : memref<1x512xi32, #tpu.memory_space<hbm>> -> memref<512xi32, #tpu.memory_space<hbm>>
    %dma_wait3A_992 = arith.constant 0 : i32
    %dma_wait3A_993 = tpu.memref_slice %arg5[%dma_wait3A_986, %dma_wait3A_992] : memref<50x512xi32, #tpu.memory_space<vmem>> -> memref<1x512xi32, #tpu.memory_space<vmem>>
    %dma_wait3A_994 = tpu.memref_squeeze %dma_wait3A_993 : memref<1x512xi32, #tpu.memory_space<vmem>> -> memref<512xi32, #tpu.memory_space<vmem>>
    %dma_wait3A_995 = tpu.memref_slice %arg2[%dma_wait3A_985, %mul3A_2] : memref<50x16384xi32, #tpu.memory_space<hbm>> -> memref<1x512xi32, #tpu.memory_space<hbm>>
    %dma_wait3A_996 = tpu.memref_squeeze %dma_wait3A_995 : memref<1x512xi32, #tpu.memory_space<hbm>> -> memref<512xi32, #tpu.memory_space<hbm>>
    tpu.wait_dma2 semaphore(%arg8 : memref<!tpu.dma_semaphore, #tpu.memory_space<semaphore_mem>>) src(%dma_wait3A_996 : memref<512xi32, #tpu.memory_space<hbm>>) dst(%dma_wait3A_994 : memref<512xi32, #tpu.memory_space<vmem>>)
    %dma_wait3A_997 = arith.constant 33 : i32
    %dma_wait3A_998 = arith.constant 33 : i32
    %dma_wait3A_999 = arith.constant 0 : i32
    %dma_wait3A_1000 = tpu.memref_slice %arg5[%dma_wait3A_998, %dma_wait3A_999] : memref<50x512xi32, #tpu.memory_space<vmem>> -> memref<1x512xi32, #tpu.memory_space<vmem>>
    %dma_wait3A_1001 = tpu.memref_squeeze %dma_wait3A_1000 : memref<1x512xi32, #tpu.memory_space<vmem>> -> memref<512xi32, #tpu.memory_space<vmem>>
    %dma_wait3A_1002 = tpu.memref_slice %arg2[%dma_wait3A_997, %mul3A_2] : memref<50x16384xi32, #tpu.memory_space<hbm>> -> memref<1x512xi32, #tpu.memory_space<hbm>>
    %dma_wait3A_1003 = tpu.memref_squeeze %dma_wait3A_1002 : memref<1x512xi32, #tpu.memory_space<hbm>> -> memref<512xi32, #tpu.memory_space<hbm>>
    %dma_wait3A_1004 = arith.constant 0 : i32
    %dma_wait3A_1005 = tpu.memref_slice %arg5[%dma_wait3A_998, %dma_wait3A_1004] : memref<50x512xi32, #tpu.memory_space<vmem>> -> memref<1x512xi32, #tpu.memory_space<vmem>>
    %dma_wait3A_1006 = tpu.memref_squeeze %dma_wait3A_1005 : memref<1x512xi32, #tpu.memory_space<vmem>> -> memref<512xi32, #tpu.memory_space<vmem>>
    %dma_wait3A_1007 = tpu.memref_slice %arg2[%dma_wait3A_997, %mul3A_2] : memref<50x16384xi32, #tpu.memory_space<hbm>> -> memref<1x512xi32, #tpu.memory_space<hbm>>
    %dma_wait3A_1008 = tpu.memref_squeeze %dma_wait3A_1007 : memref<1x512xi32, #tpu.memory_space<hbm>> -> memref<512xi32, #tpu.memory_space<hbm>>
    tpu.wait_dma2 semaphore(%arg8 : memref<!tpu.dma_semaphore, #tpu.memory_space<semaphore_mem>>) src(%dma_wait3A_1008 : memref<512xi32, #tpu.memory_space<hbm>>) dst(%dma_wait3A_1006 : memref<512xi32, #tpu.memory_space<vmem>>)
    %dma_wait3A_1009 = arith.constant 34 : i32
    %dma_wait3A_1010 = arith.constant 34 : i32
    %dma_wait3A_1011 = arith.constant 0 : i32
    %dma_wait3A_1012 = tpu.memref_slice %arg5[%dma_wait3A_1010, %dma_wait3A_1011] : memref<50x512xi32, #tpu.memory_space<vmem>> -> memref<1x512xi32, #tpu.memory_space<vmem>>
    %dma_wait3A_1013 = tpu.memref_squeeze %dma_wait3A_1012 : memref<1x512xi32, #tpu.memory_space<vmem>> -> memref<512xi32, #tpu.memory_space<vmem>>
    %dma_wait3A_1014 = tpu.memref_slice %arg2[%dma_wait3A_1009, %mul3A_2] : memref<50x16384xi32, #tpu.memory_space<hbm>> -> memref<1x512xi32, #tpu.memory_space<hbm>>
    %dma_wait3A_1015 = tpu.memref_squeeze %dma_wait3A_1014 : memref<1x512xi32, #tpu.memory_space<hbm>> -> memref<512xi32, #tpu.memory_space<hbm>>
    %dma_wait3A_1016 = arith.constant 0 : i32
    %dma_wait3A_1017 = tpu.memref_slice %arg5[%dma_wait3A_1010, %dma_wait3A_1016] : memref<50x512xi32, #tpu.memory_space<vmem>> -> memref<1x512xi32, #tpu.memory_space<vmem>>
    %dma_wait3A_1018 = tpu.memref_squeeze %dma_wait3A_1017 : memref<1x512xi32, #tpu.memory_space<vmem>> -> memref<512xi32, #tpu.memory_space<vmem>>
    %dma_wait3A_1019 = tpu.memref_slice %arg2[%dma_wait3A_1009, %mul3A_2] : memref<50x16384xi32, #tpu.memory_space<hbm>> -> memref<1x512xi32, #tpu.memory_space<hbm>>
    %dma_wait3A_1020 = tpu.memref_squeeze %dma_wait3A_1019 : memref<1x512xi32, #tpu.memory_space<hbm>> -> memref<512xi32, #tpu.memory_space<hbm>>
    tpu.wait_dma2 semaphore(%arg8 : memref<!tpu.dma_semaphore, #tpu.memory_space<semaphore_mem>>) src(%dma_wait3A_1020 : memref<512xi32, #tpu.memory_space<hbm>>) dst(%dma_wait3A_1018 : memref<512xi32, #tpu.memory_space<vmem>>)
    %dma_wait3A_1021 = arith.constant 35 : i32
    %dma_wait3A_1022 = arith.constant 35 : i32
    %dma_wait3A_1023 = arith.constant 0 : i32
    %dma_wait3A_1024 = tpu.memref_slice %arg5[%dma_wait3A_1022, %dma_wait3A_1023] : memref<50x512xi32, #tpu.memory_space<vmem>> -> memref<1x512xi32, #tpu.memory_space<vmem>>
    %dma_wait3A_1025 = tpu.memref_squeeze %dma_wait3A_1024 : memref<1x512xi32, #tpu.memory_space<vmem>> -> memref<512xi32, #tpu.memory_space<vmem>>
    %dma_wait3A_1026 = tpu.memref_slice %arg2[%dma_wait3A_1021, %mul3A_2] : memref<50x16384xi32, #tpu.memory_space<hbm>> -> memref<1x512xi32, #tpu.memory_space<hbm>>
    %dma_wait3A_1027 = tpu.memref_squeeze %dma_wait3A_1026 : memref<1x512xi32, #tpu.memory_space<hbm>> -> memref<512xi32, #tpu.memory_space<hbm>>
    %dma_wait3A_1028 = arith.constant 0 : i32
    %dma_wait3A_1029 = tpu.memref_slice %arg5[%dma_wait3A_1022, %dma_wait3A_1028] : memref<50x512xi32, #tpu.memory_space<vmem>> -> memref<1x512xi32, #tpu.memory_space<vmem>>
    %dma_wait3A_1030 = tpu.memref_squeeze %dma_wait3A_1029 : memref<1x512xi32, #tpu.memory_space<vmem>> -> memref<512xi32, #tpu.memory_space<vmem>>
    %dma_wait3A_1031 = tpu.memref_slice %arg2[%dma_wait3A_1021, %mul3A_2] : memref<50x16384xi32, #tpu.memory_space<hbm>> -> memref<1x512xi32, #tpu.memory_space<hbm>>
    %dma_wait3A_1032 = tpu.memref_squeeze %dma_wait3A_1031 : memref<1x512xi32, #tpu.memory_space<hbm>> -> memref<512xi32, #tpu.memory_space<hbm>>
    tpu.wait_dma2 semaphore(%arg8 : memref<!tpu.dma_semaphore, #tpu.memory_space<semaphore_mem>>) src(%dma_wait3A_1032 : memref<512xi32, #tpu.memory_space<hbm>>) dst(%dma_wait3A_1030 : memref<512xi32, #tpu.memory_space<vmem>>)
    %dma_wait3A_1033 = arith.constant 36 : i32
    %dma_wait3A_1034 = arith.constant 36 : i32
    %dma_wait3A_1035 = arith.constant 0 : i32
    %dma_wait3A_1036 = tpu.memref_slice %arg5[%dma_wait3A_1034, %dma_wait3A_1035] : memref<50x512xi32, #tpu.memory_space<vmem>> -> memref<1x512xi32, #tpu.memory_space<vmem>>
    %dma_wait3A_1037 = tpu.memref_squeeze %dma_wait3A_1036 : memref<1x512xi32, #tpu.memory_space<vmem>> -> memref<512xi32, #tpu.memory_space<vmem>>
    %dma_wait3A_1038 = tpu.memref_slice %arg2[%dma_wait3A_1033, %mul3A_2] : memref<50x16384xi32, #tpu.memory_space<hbm>> -> memref<1x512xi32, #tpu.memory_space<hbm>>
    %dma_wait3A_1039 = tpu.memref_squeeze %dma_wait3A_1038 : memref<1x512xi32, #tpu.memory_space<hbm>> -> memref<512xi32, #tpu.memory_space<hbm>>
    %dma_wait3A_1040 = arith.constant 0 : i32
    %dma_wait3A_1041 = tpu.memref_slice %arg5[%dma_wait3A_1034, %dma_wait3A_1040] : memref<50x512xi32, #tpu.memory_space<vmem>> -> memref<1x512xi32, #tpu.memory_space<vmem>>
    %dma_wait3A_1042 = tpu.memref_squeeze %dma_wait3A_1041 : memref<1x512xi32, #tpu.memory_space<vmem>> -> memref<512xi32, #tpu.memory_space<vmem>>
    %dma_wait3A_1043 = tpu.memref_slice %arg2[%dma_wait3A_1033, %mul3A_2] : memref<50x16384xi32, #tpu.memory_space<hbm>> -> memref<1x512xi32, #tpu.memory_space<hbm>>
    %dma_wait3A_1044 = tpu.memref_squeeze %dma_wait3A_1043 : memref<1x512xi32, #tpu.memory_space<hbm>> -> memref<512xi32, #tpu.memory_space<hbm>>
    tpu.wait_dma2 semaphore(%arg8 : memref<!tpu.dma_semaphore, #tpu.memory_space<semaphore_mem>>) src(%dma_wait3A_1044 : memref<512xi32, #tpu.memory_space<hbm>>) dst(%dma_wait3A_1042 : memref<512xi32, #tpu.memory_space<vmem>>)
    %dma_wait3A_1045 = arith.constant 37 : i32
    %dma_wait3A_1046 = arith.constant 37 : i32
    %dma_wait3A_1047 = arith.constant 0 : i32
    %dma_wait3A_1048 = tpu.memref_slice %arg5[%dma_wait3A_1046, %dma_wait3A_1047] : memref<50x512xi32, #tpu.memory_space<vmem>> -> memref<1x512xi32, #tpu.memory_space<vmem>>
    %dma_wait3A_1049 = tpu.memref_squeeze %dma_wait3A_1048 : memref<1x512xi32, #tpu.memory_space<vmem>> -> memref<512xi32, #tpu.memory_space<vmem>>
    %dma_wait3A_1050 = tpu.memref_slice %arg2[%dma_wait3A_1045, %mul3A_2] : memref<50x16384xi32, #tpu.memory_space<hbm>> -> memref<1x512xi32, #tpu.memory_space<hbm>>
    %dma_wait3A_1051 = tpu.memref_squeeze %dma_wait3A_1050 : memref<1x512xi32, #tpu.memory_space<hbm>> -> memref<512xi32, #tpu.memory_space<hbm>>
    %dma_wait3A_1052 = arith.constant 0 : i32
    %dma_wait3A_1053 = tpu.memref_slice %arg5[%dma_wait3A_1046, %dma_wait3A_1052] : memref<50x512xi32, #tpu.memory_space<vmem>> -> memref<1x512xi32, #tpu.memory_space<vmem>>
    %dma_wait3A_1054 = tpu.memref_squeeze %dma_wait3A_1053 : memref<1x512xi32, #tpu.memory_space<vmem>> -> memref<512xi32, #tpu.memory_space<vmem>>
    %dma_wait3A_1055 = tpu.memref_slice %arg2[%dma_wait3A_1045, %mul3A_2] : memref<50x16384xi32, #tpu.memory_space<hbm>> -> memref<1x512xi32, #tpu.memory_space<hbm>>
    %dma_wait3A_1056 = tpu.memref_squeeze %dma_wait3A_1055 : memref<1x512xi32, #tpu.memory_space<hbm>> -> memref<512xi32, #tpu.memory_space<hbm>>
    tpu.wait_dma2 semaphore(%arg8 : memref<!tpu.dma_semaphore, #tpu.memory_space<semaphore_mem>>) src(%dma_wait3A_1056 : memref<512xi32, #tpu.memory_space<hbm>>) dst(%dma_wait3A_1054 : memref<512xi32, #tpu.memory_space<vmem>>)
    %dma_wait3A_1057 = arith.constant 38 : i32
    %dma_wait3A_1058 = arith.constant 38 : i32
    %dma_wait3A_1059 = arith.constant 0 : i32
    %dma_wait3A_1060 = tpu.memref_slice %arg5[%dma_wait3A_1058, %dma_wait3A_1059] : memref<50x512xi32, #tpu.memory_space<vmem>> -> memref<1x512xi32, #tpu.memory_space<vmem>>
    %dma_wait3A_1061 = tpu.memref_squeeze %dma_wait3A_1060 : memref<1x512xi32, #tpu.memory_space<vmem>> -> memref<512xi32, #tpu.memory_space<vmem>>
    %dma_wait3A_1062 = tpu.memref_slice %arg2[%dma_wait3A_1057, %mul3A_2] : memref<50x16384xi32, #tpu.memory_space<hbm>> -> memref<1x512xi32, #tpu.memory_space<hbm>>
    %dma_wait3A_1063 = tpu.memref_squeeze %dma_wait3A_1062 : memref<1x512xi32, #tpu.memory_space<hbm>> -> memref<512xi32, #tpu.memory_space<hbm>>
    %dma_wait3A_1064 = arith.constant 0 : i32
    %dma_wait3A_1065 = tpu.memref_slice %arg5[%dma_wait3A_1058, %dma_wait3A_1064] : memref<50x512xi32, #tpu.memory_space<vmem>> -> memref<1x512xi32, #tpu.memory_space<vmem>>
    %dma_wait3A_1066 = tpu.memref_squeeze %dma_wait3A_1065 : memref<1x512xi32, #tpu.memory_space<vmem>> -> memref<512xi32, #tpu.memory_space<vmem>>
    %dma_wait3A_1067 = tpu.memref_slice %arg2[%dma_wait3A_1057, %mul3A_2] : memref<50x16384xi32, #tpu.memory_space<hbm>> -> memref<1x512xi32, #tpu.memory_space<hbm>>
    %dma_wait3A_1068 = tpu.memref_squeeze %dma_wait3A_1067 : memref<1x512xi32, #tpu.memory_space<hbm>> -> memref<512xi32, #tpu.memory_space<hbm>>
    tpu.wait_dma2 semaphore(%arg8 : memref<!tpu.dma_semaphore, #tpu.memory_space<semaphore_mem>>) src(%dma_wait3A_1068 : memref<512xi32, #tpu.memory_space<hbm>>) dst(%dma_wait3A_1066 : memref<512xi32, #tpu.memory_space<vmem>>)
    %dma_wait3A_1069 = arith.constant 39 : i32
    %dma_wait3A_1070 = arith.constant 39 : i32
    %dma_wait3A_1071 = arith.constant 0 : i32
    %dma_wait3A_1072 = tpu.memref_slice %arg5[%dma_wait3A_1070, %dma_wait3A_1071] : memref<50x512xi32, #tpu.memory_space<vmem>> -> memref<1x512xi32, #tpu.memory_space<vmem>>
    %dma_wait3A_1073 = tpu.memref_squeeze %dma_wait3A_1072 : memref<1x512xi32, #tpu.memory_space<vmem>> -> memref<512xi32, #tpu.memory_space<vmem>>
    %dma_wait3A_1074 = tpu.memref_slice %arg2[%dma_wait3A_1069, %mul3A_2] : memref<50x16384xi32, #tpu.memory_space<hbm>> -> memref<1x512xi32, #tpu.memory_space<hbm>>
    %dma_wait3A_1075 = tpu.memref_squeeze %dma_wait3A_1074 : memref<1x512xi32, #tpu.memory_space<hbm>> -> memref<512xi32, #tpu.memory_space<hbm>>
    %dma_wait3A_1076 = arith.constant 0 : i32
    %dma_wait3A_1077 = tpu.memref_slice %arg5[%dma_wait3A_1070, %dma_wait3A_1076] : memref<50x512xi32, #tpu.memory_space<vmem>> -> memref<1x512xi32, #tpu.memory_space<vmem>>
    %dma_wait3A_1078 = tpu.memref_squeeze %dma_wait3A_1077 : memref<1x512xi32, #tpu.memory_space<vmem>> -> memref<512xi32, #tpu.memory_space<vmem>>
    %dma_wait3A_1079 = tpu.memref_slice %arg2[%dma_wait3A_1069, %mul3A_2] : memref<50x16384xi32, #tpu.memory_space<hbm>> -> memref<1x512xi32, #tpu.memory_space<hbm>>
    %dma_wait3A_1080 = tpu.memref_squeeze %dma_wait3A_1079 : memref<1x512xi32, #tpu.memory_space<hbm>> -> memref<512xi32, #tpu.memory_space<hbm>>
    tpu.wait_dma2 semaphore(%arg8 : memref<!tpu.dma_semaphore, #tpu.memory_space<semaphore_mem>>) src(%dma_wait3A_1080 : memref<512xi32, #tpu.memory_space<hbm>>) dst(%dma_wait3A_1078 : memref<512xi32, #tpu.memory_space<vmem>>)
    %dma_wait3A_1081 = arith.constant 40 : i32
    %dma_wait3A_1082 = arith.constant 40 : i32
    %dma_wait3A_1083 = arith.constant 0 : i32
    %dma_wait3A_1084 = tpu.memref_slice %arg5[%dma_wait3A_1082, %dma_wait3A_1083] : memref<50x512xi32, #tpu.memory_space<vmem>> -> memref<1x512xi32, #tpu.memory_space<vmem>>
    %dma_wait3A_1085 = tpu.memref_squeeze %dma_wait3A_1084 : memref<1x512xi32, #tpu.memory_space<vmem>> -> memref<512xi32, #tpu.memory_space<vmem>>
    %dma_wait3A_1086 = tpu.memref_slice %arg2[%dma_wait3A_1081, %mul3A_2] : memref<50x16384xi32, #tpu.memory_space<hbm>> -> memref<1x512xi32, #tpu.memory_space<hbm>>
    %dma_wait3A_1087 = tpu.memref_squeeze %dma_wait3A_1086 : memref<1x512xi32, #tpu.memory_space<hbm>> -> memref<512xi32, #tpu.memory_space<hbm>>
    %dma_wait3A_1088 = arith.constant 0 : i32
    %dma_wait3A_1089 = tpu.memref_slice %arg5[%dma_wait3A_1082, %dma_wait3A_1088] : memref<50x512xi32, #tpu.memory_space<vmem>> -> memref<1x512xi32, #tpu.memory_space<vmem>>
    %dma_wait3A_1090 = tpu.memref_squeeze %dma_wait3A_1089 : memref<1x512xi32, #tpu.memory_space<vmem>> -> memref<512xi32, #tpu.memory_space<vmem>>
    %dma_wait3A_1091 = tpu.memref_slice %arg2[%dma_wait3A_1081, %mul3A_2] : memref<50x16384xi32, #tpu.memory_space<hbm>> -> memref<1x512xi32, #tpu.memory_space<hbm>>
    %dma_wait3A_1092 = tpu.memref_squeeze %dma_wait3A_1091 : memref<1x512xi32, #tpu.memory_space<hbm>> -> memref<512xi32, #tpu.memory_space<hbm>>
    tpu.wait_dma2 semaphore(%arg8 : memref<!tpu.dma_semaphore, #tpu.memory_space<semaphore_mem>>) src(%dma_wait3A_1092 : memref<512xi32, #tpu.memory_space<hbm>>) dst(%dma_wait3A_1090 : memref<512xi32, #tpu.memory_space<vmem>>)
    %dma_wait3A_1093 = arith.constant 41 : i32
    %dma_wait3A_1094 = arith.constant 41 : i32
    %dma_wait3A_1095 = arith.constant 0 : i32
    %dma_wait3A_1096 = tpu.memref_slice %arg5[%dma_wait3A_1094, %dma_wait3A_1095] : memref<50x512xi32, #tpu.memory_space<vmem>> -> memref<1x512xi32, #tpu.memory_space<vmem>>
    %dma_wait3A_1097 = tpu.memref_squeeze %dma_wait3A_1096 : memref<1x512xi32, #tpu.memory_space<vmem>> -> memref<512xi32, #tpu.memory_space<vmem>>
    %dma_wait3A_1098 = tpu.memref_slice %arg2[%dma_wait3A_1093, %mul3A_2] : memref<50x16384xi32, #tpu.memory_space<hbm>> -> memref<1x512xi32, #tpu.memory_space<hbm>>
    %dma_wait3A_1099 = tpu.memref_squeeze %dma_wait3A_1098 : memref<1x512xi32, #tpu.memory_space<hbm>> -> memref<512xi32, #tpu.memory_space<hbm>>
    %dma_wait3A_1100 = arith.constant 0 : i32
    %dma_wait3A_1101 = tpu.memref_slice %arg5[%dma_wait3A_1094, %dma_wait3A_1100] : memref<50x512xi32, #tpu.memory_space<vmem>> -> memref<1x512xi32, #tpu.memory_space<vmem>>
    %dma_wait3A_1102 = tpu.memref_squeeze %dma_wait3A_1101 : memref<1x512xi32, #tpu.memory_space<vmem>> -> memref<512xi32, #tpu.memory_space<vmem>>
    %dma_wait3A_1103 = tpu.memref_slice %arg2[%dma_wait3A_1093, %mul3A_2] : memref<50x16384xi32, #tpu.memory_space<hbm>> -> memref<1x512xi32, #tpu.memory_space<hbm>>
    %dma_wait3A_1104 = tpu.memref_squeeze %dma_wait3A_1103 : memref<1x512xi32, #tpu.memory_space<hbm>> -> memref<512xi32, #tpu.memory_space<hbm>>
    tpu.wait_dma2 semaphore(%arg8 : memref<!tpu.dma_semaphore, #tpu.memory_space<semaphore_mem>>) src(%dma_wait3A_1104 : memref<512xi32, #tpu.memory_space<hbm>>) dst(%dma_wait3A_1102 : memref<512xi32, #tpu.memory_space<vmem>>)
    %dma_wait3A_1105 = arith.constant 42 : i32
    %dma_wait3A_1106 = arith.constant 42 : i32
    %dma_wait3A_1107 = arith.constant 0 : i32
    %dma_wait3A_1108 = tpu.memref_slice %arg5[%dma_wait3A_1106, %dma_wait3A_1107] : memref<50x512xi32, #tpu.memory_space<vmem>> -> memref<1x512xi32, #tpu.memory_space<vmem>>
    %dma_wait3A_1109 = tpu.memref_squeeze %dma_wait3A_1108 : memref<1x512xi32, #tpu.memory_space<vmem>> -> memref<512xi32, #tpu.memory_space<vmem>>
    %dma_wait3A_1110 = tpu.memref_slice %arg2[%dma_wait3A_1105, %mul3A_2] : memref<50x16384xi32, #tpu.memory_space<hbm>> -> memref<1x512xi32, #tpu.memory_space<hbm>>
    %dma_wait3A_1111 = tpu.memref_squeeze %dma_wait3A_1110 : memref<1x512xi32, #tpu.memory_space<hbm>> -> memref<512xi32, #tpu.memory_space<hbm>>
    %dma_wait3A_1112 = arith.constant 0 : i32
    %dma_wait3A_1113 = tpu.memref_slice %arg5[%dma_wait3A_1106, %dma_wait3A_1112] : memref<50x512xi32, #tpu.memory_space<vmem>> -> memref<1x512xi32, #tpu.memory_space<vmem>>
    %dma_wait3A_1114 = tpu.memref_squeeze %dma_wait3A_1113 : memref<1x512xi32, #tpu.memory_space<vmem>> -> memref<512xi32, #tpu.memory_space<vmem>>
    %dma_wait3A_1115 = tpu.memref_slice %arg2[%dma_wait3A_1105, %mul3A_2] : memref<50x16384xi32, #tpu.memory_space<hbm>> -> memref<1x512xi32, #tpu.memory_space<hbm>>
    %dma_wait3A_1116 = tpu.memref_squeeze %dma_wait3A_1115 : memref<1x512xi32, #tpu.memory_space<hbm>> -> memref<512xi32, #tpu.memory_space<hbm>>
    tpu.wait_dma2 semaphore(%arg8 : memref<!tpu.dma_semaphore, #tpu.memory_space<semaphore_mem>>) src(%dma_wait3A_1116 : memref<512xi32, #tpu.memory_space<hbm>>) dst(%dma_wait3A_1114 : memref<512xi32, #tpu.memory_space<vmem>>)
    %dma_wait3A_1117 = arith.constant 43 : i32
    %dma_wait3A_1118 = arith.constant 43 : i32
    %dma_wait3A_1119 = arith.constant 0 : i32
    %dma_wait3A_1120 = tpu.memref_slice %arg5[%dma_wait3A_1118, %dma_wait3A_1119] : memref<50x512xi32, #tpu.memory_space<vmem>> -> memref<1x512xi32, #tpu.memory_space<vmem>>
    %dma_wait3A_1121 = tpu.memref_squeeze %dma_wait3A_1120 : memref<1x512xi32, #tpu.memory_space<vmem>> -> memref<512xi32, #tpu.memory_space<vmem>>
    %dma_wait3A_1122 = tpu.memref_slice %arg2[%dma_wait3A_1117, %mul3A_2] : memref<50x16384xi32, #tpu.memory_space<hbm>> -> memref<1x512xi32, #tpu.memory_space<hbm>>
    %dma_wait3A_1123 = tpu.memref_squeeze %dma_wait3A_1122 : memref<1x512xi32, #tpu.memory_space<hbm>> -> memref<512xi32, #tpu.memory_space<hbm>>
    %dma_wait3A_1124 = arith.constant 0 : i32
    %dma_wait3A_1125 = tpu.memref_slice %arg5[%dma_wait3A_1118, %dma_wait3A_1124] : memref<50x512xi32, #tpu.memory_space<vmem>> -> memref<1x512xi32, #tpu.memory_space<vmem>>
    %dma_wait3A_1126 = tpu.memref_squeeze %dma_wait3A_1125 : memref<1x512xi32, #tpu.memory_space<vmem>> -> memref<512xi32, #tpu.memory_space<vmem>>
    %dma_wait3A_1127 = tpu.memref_slice %arg2[%dma_wait3A_1117, %mul3A_2] : memref<50x16384xi32, #tpu.memory_space<hbm>> -> memref<1x512xi32, #tpu.memory_space<hbm>>
    %dma_wait3A_1128 = tpu.memref_squeeze %dma_wait3A_1127 : memref<1x512xi32, #tpu.memory_space<hbm>> -> memref<512xi32, #tpu.memory_space<hbm>>
    tpu.wait_dma2 semaphore(%arg8 : memref<!tpu.dma_semaphore, #tpu.memory_space<semaphore_mem>>) src(%dma_wait3A_1128 : memref<512xi32, #tpu.memory_space<hbm>>) dst(%dma_wait3A_1126 : memref<512xi32, #tpu.memory_space<vmem>>)
    %dma_wait3A_1129 = arith.constant 44 : i32
    %dma_wait3A_1130 = arith.constant 44 : i32
    %dma_wait3A_1131 = arith.constant 0 : i32
    %dma_wait3A_1132 = tpu.memref_slice %arg5[%dma_wait3A_1130, %dma_wait3A_1131] : memref<50x512xi32, #tpu.memory_space<vmem>> -> memref<1x512xi32, #tpu.memory_space<vmem>>
    %dma_wait3A_1133 = tpu.memref_squeeze %dma_wait3A_1132 : memref<1x512xi32, #tpu.memory_space<vmem>> -> memref<512xi32, #tpu.memory_space<vmem>>
    %dma_wait3A_1134 = tpu.memref_slice %arg2[%dma_wait3A_1129, %mul3A_2] : memref<50x16384xi32, #tpu.memory_space<hbm>> -> memref<1x512xi32, #tpu.memory_space<hbm>>
    %dma_wait3A_1135 = tpu.memref_squeeze %dma_wait3A_1134 : memref<1x512xi32, #tpu.memory_space<hbm>> -> memref<512xi32, #tpu.memory_space<hbm>>
    %dma_wait3A_1136 = arith.constant 0 : i32
    %dma_wait3A_1137 = tpu.memref_slice %arg5[%dma_wait3A_1130, %dma_wait3A_1136] : memref<50x512xi32, #tpu.memory_space<vmem>> -> memref<1x512xi32, #tpu.memory_space<vmem>>
    %dma_wait3A_1138 = tpu.memref_squeeze %dma_wait3A_1137 : memref<1x512xi32, #tpu.memory_space<vmem>> -> memref<512xi32, #tpu.memory_space<vmem>>
    %dma_wait3A_1139 = tpu.memref_slice %arg2[%dma_wait3A_1129, %mul3A_2] : memref<50x16384xi32, #tpu.memory_space<hbm>> -> memref<1x512xi32, #tpu.memory_space<hbm>>
    %dma_wait3A_1140 = tpu.memref_squeeze %dma_wait3A_1139 : memref<1x512xi32, #tpu.memory_space<hbm>> -> memref<512xi32, #tpu.memory_space<hbm>>
    tpu.wait_dma2 semaphore(%arg8 : memref<!tpu.dma_semaphore, #tpu.memory_space<semaphore_mem>>) src(%dma_wait3A_1140 : memref<512xi32, #tpu.memory_space<hbm>>) dst(%dma_wait3A_1138 : memref<512xi32, #tpu.memory_space<vmem>>)
    %dma_wait3A_1141 = arith.constant 45 : i32
    %dma_wait3A_1142 = arith.constant 45 : i32
    %dma_wait3A_1143 = arith.constant 0 : i32
    %dma_wait3A_1144 = tpu.memref_slice %arg5[%dma_wait3A_1142, %dma_wait3A_1143] : memref<50x512xi32, #tpu.memory_space<vmem>> -> memref<1x512xi32, #tpu.memory_space<vmem>>
    %dma_wait3A_1145 = tpu.memref_squeeze %dma_wait3A_1144 : memref<1x512xi32, #tpu.memory_space<vmem>> -> memref<512xi32, #tpu.memory_space<vmem>>
    %dma_wait3A_1146 = tpu.memref_slice %arg2[%dma_wait3A_1141, %mul3A_2] : memref<50x16384xi32, #tpu.memory_space<hbm>> -> memref<1x512xi32, #tpu.memory_space<hbm>>
    %dma_wait3A_1147 = tpu.memref_squeeze %dma_wait3A_1146 : memref<1x512xi32, #tpu.memory_space<hbm>> -> memref<512xi32, #tpu.memory_space<hbm>>
    %dma_wait3A_1148 = arith.constant 0 : i32
    %dma_wait3A_1149 = tpu.memref_slice %arg5[%dma_wait3A_1142, %dma_wait3A_1148] : memref<50x512xi32, #tpu.memory_space<vmem>> -> memref<1x512xi32, #tpu.memory_space<vmem>>
    %dma_wait3A_1150 = tpu.memref_squeeze %dma_wait3A_1149 : memref<1x512xi32, #tpu.memory_space<vmem>> -> memref<512xi32, #tpu.memory_space<vmem>>
    %dma_wait3A_1151 = tpu.memref_slice %arg2[%dma_wait3A_1141, %mul3A_2] : memref<50x16384xi32, #tpu.memory_space<hbm>> -> memref<1x512xi32, #tpu.memory_space<hbm>>
    %dma_wait3A_1152 = tpu.memref_squeeze %dma_wait3A_1151 : memref<1x512xi32, #tpu.memory_space<hbm>> -> memref<512xi32, #tpu.memory_space<hbm>>
    tpu.wait_dma2 semaphore(%arg8 : memref<!tpu.dma_semaphore, #tpu.memory_space<semaphore_mem>>) src(%dma_wait3A_1152 : memref<512xi32, #tpu.memory_space<hbm>>) dst(%dma_wait3A_1150 : memref<512xi32, #tpu.memory_space<vmem>>)
    %dma_wait3A_1153 = arith.constant 46 : i32
    %dma_wait3A_1154 = arith.constant 46 : i32
    %dma_wait3A_1155 = arith.constant 0 : i32
    %dma_wait3A_1156 = tpu.memref_slice %arg5[%dma_wait3A_1154, %dma_wait3A_1155] : memref<50x512xi32, #tpu.memory_space<vmem>> -> memref<1x512xi32, #tpu.memory_space<vmem>>
    %dma_wait3A_1157 = tpu.memref_squeeze %dma_wait3A_1156 : memref<1x512xi32, #tpu.memory_space<vmem>> -> memref<512xi32, #tpu.memory_space<vmem>>
    %dma_wait3A_1158 = tpu.memref_slice %arg2[%dma_wait3A_1153, %mul3A_2] : memref<50x16384xi32, #tpu.memory_space<hbm>> -> memref<1x512xi32, #tpu.memory_space<hbm>>
    %dma_wait3A_1159 = tpu.memref_squeeze %dma_wait3A_1158 : memref<1x512xi32, #tpu.memory_space<hbm>> -> memref<512xi32, #tpu.memory_space<hbm>>
    %dma_wait3A_1160 = arith.constant 0 : i32
    %dma_wait3A_1161 = tpu.memref_slice %arg5[%dma_wait3A_1154, %dma_wait3A_1160] : memref<50x512xi32, #tpu.memory_space<vmem>> -> memref<1x512xi32, #tpu.memory_space<vmem>>
    %dma_wait3A_1162 = tpu.memref_squeeze %dma_wait3A_1161 : memref<1x512xi32, #tpu.memory_space<vmem>> -> memref<512xi32, #tpu.memory_space<vmem>>
    %dma_wait3A_1163 = tpu.memref_slice %arg2[%dma_wait3A_1153, %mul3A_2] : memref<50x16384xi32, #tpu.memory_space<hbm>> -> memref<1x512xi32, #tpu.memory_space<hbm>>
    %dma_wait3A_1164 = tpu.memref_squeeze %dma_wait3A_1163 : memref<1x512xi32, #tpu.memory_space<hbm>> -> memref<512xi32, #tpu.memory_space<hbm>>
    tpu.wait_dma2 semaphore(%arg8 : memref<!tpu.dma_semaphore, #tpu.memory_space<semaphore_mem>>) src(%dma_wait3A_1164 : memref<512xi32, #tpu.memory_space<hbm>>) dst(%dma_wait3A_1162 : memref<512xi32, #tpu.memory_space<vmem>>)
    %dma_wait3A_1165 = arith.constant 47 : i32
    %dma_wait3A_1166 = arith.constant 47 : i32
    %dma_wait3A_1167 = arith.constant 0 : i32
    %dma_wait3A_1168 = tpu.memref_slice %arg5[%dma_wait3A_1166, %dma_wait3A_1167] : memref<50x512xi32, #tpu.memory_space<vmem>> -> memref<1x512xi32, #tpu.memory_space<vmem>>
    %dma_wait3A_1169 = tpu.memref_squeeze %dma_wait3A_1168 : memref<1x512xi32, #tpu.memory_space<vmem>> -> memref<512xi32, #tpu.memory_space<vmem>>
    %dma_wait3A_1170 = tpu.memref_slice %arg2[%dma_wait3A_1165, %mul3A_2] : memref<50x16384xi32, #tpu.memory_space<hbm>> -> memref<1x512xi32, #tpu.memory_space<hbm>>
    %dma_wait3A_1171 = tpu.memref_squeeze %dma_wait3A_1170 : memref<1x512xi32, #tpu.memory_space<hbm>> -> memref<512xi32, #tpu.memory_space<hbm>>
    %dma_wait3A_1172 = arith.constant 0 : i32
    %dma_wait3A_1173 = tpu.memref_slice %arg5[%dma_wait3A_1166, %dma_wait3A_1172] : memref<50x512xi32, #tpu.memory_space<vmem>> -> memref<1x512xi32, #tpu.memory_space<vmem>>
    %dma_wait3A_1174 = tpu.memref_squeeze %dma_wait3A_1173 : memref<1x512xi32, #tpu.memory_space<vmem>> -> memref<512xi32, #tpu.memory_space<vmem>>
    %dma_wait3A_1175 = tpu.memref_slice %arg2[%dma_wait3A_1165, %mul3A_2] : memref<50x16384xi32, #tpu.memory_space<hbm>> -> memref<1x512xi32, #tpu.memory_space<hbm>>
    %dma_wait3A_1176 = tpu.memref_squeeze %dma_wait3A_1175 : memref<1x512xi32, #tpu.memory_space<hbm>> -> memref<512xi32, #tpu.memory_space<hbm>>
    tpu.wait_dma2 semaphore(%arg8 : memref<!tpu.dma_semaphore, #tpu.memory_space<semaphore_mem>>) src(%dma_wait3A_1176 : memref<512xi32, #tpu.memory_space<hbm>>) dst(%dma_wait3A_1174 : memref<512xi32, #tpu.memory_space<vmem>>)
    %dma_wait3A_1177 = arith.constant 48 : i32
    %dma_wait3A_1178 = arith.constant 48 : i32
    %dma_wait3A_1179 = arith.constant 0 : i32
    %dma_wait3A_1180 = tpu.memref_slice %arg5[%dma_wait3A_1178, %dma_wait3A_1179] : memref<50x512xi32, #tpu.memory_space<vmem>> -> memref<1x512xi32, #tpu.memory_space<vmem>>
    %dma_wait3A_1181 = tpu.memref_squeeze %dma_wait3A_1180 : memref<1x512xi32, #tpu.memory_space<vmem>> -> memref<512xi32, #tpu.memory_space<vmem>>
    %dma_wait3A_1182 = tpu.memref_slice %arg2[%dma_wait3A_1177, %mul3A_2] : memref<50x16384xi32, #tpu.memory_space<hbm>> -> memref<1x512xi32, #tpu.memory_space<hbm>>
    %dma_wait3A_1183 = tpu.memref_squeeze %dma_wait3A_1182 : memref<1x512xi32, #tpu.memory_space<hbm>> -> memref<512xi32, #tpu.memory_space<hbm>>
    %dma_wait3A_1184 = arith.constant 0 : i32
    %dma_wait3A_1185 = tpu.memref_slice %arg5[%dma_wait3A_1178, %dma_wait3A_1184] : memref<50x512xi32, #tpu.memory_space<vmem>> -> memref<1x512xi32, #tpu.memory_space<vmem>>
    %dma_wait3A_1186 = tpu.memref_squeeze %dma_wait3A_1185 : memref<1x512xi32, #tpu.memory_space<vmem>> -> memref<512xi32, #tpu.memory_space<vmem>>
    %dma_wait3A_1187 = tpu.memref_slice %arg2[%dma_wait3A_1177, %mul3A_2] : memref<50x16384xi32, #tpu.memory_space<hbm>> -> memref<1x512xi32, #tpu.memory_space<hbm>>
    %dma_wait3A_1188 = tpu.memref_squeeze %dma_wait3A_1187 : memref<1x512xi32, #tpu.memory_space<hbm>> -> memref<512xi32, #tpu.memory_space<hbm>>
    tpu.wait_dma2 semaphore(%arg8 : memref<!tpu.dma_semaphore, #tpu.memory_space<semaphore_mem>>) src(%dma_wait3A_1188 : memref<512xi32, #tpu.memory_space<hbm>>) dst(%dma_wait3A_1186 : memref<512xi32, #tpu.memory_space<vmem>>)
    %dma_wait3A_1189 = arith.constant 49 : i32
    %dma_wait3A_1190 = arith.constant 49 : i32
    %dma_wait3A_1191 = arith.constant 0 : i32
    %dma_wait3A_1192 = tpu.memref_slice %arg5[%dma_wait3A_1190, %dma_wait3A_1191] : memref<50x512xi32, #tpu.memory_space<vmem>> -> memref<1x512xi32, #tpu.memory_space<vmem>>
    %dma_wait3A_1193 = tpu.memref_squeeze %dma_wait3A_1192 : memref<1x512xi32, #tpu.memory_space<vmem>> -> memref<512xi32, #tpu.memory_space<vmem>>
    %dma_wait3A_1194 = tpu.memref_slice %arg2[%dma_wait3A_1189, %mul3A_2] : memref<50x16384xi32, #tpu.memory_space<hbm>> -> memref<1x512xi32, #tpu.memory_space<hbm>>
    %dma_wait3A_1195 = tpu.memref_squeeze %dma_wait3A_1194 : memref<1x512xi32, #tpu.memory_space<hbm>> -> memref<512xi32, #tpu.memory_space<hbm>>
    %dma_wait3A_1196 = arith.constant 0 : i32
    %dma_wait3A_1197 = tpu.memref_slice %arg5[%dma_wait3A_1190, %dma_wait3A_1196] : memref<50x512xi32, #tpu.memory_space<vmem>> -> memref<1x512xi32, #tpu.memory_space<vmem>>
    %dma_wait3A_1198 = tpu.memref_squeeze %dma_wait3A_1197 : memref<1x512xi32, #tpu.memory_space<vmem>> -> memref<512xi32, #tpu.memory_space<vmem>>
    %dma_wait3A_1199 = tpu.memref_slice %arg2[%dma_wait3A_1189, %mul3A_2] : memref<50x16384xi32, #tpu.memory_space<hbm>> -> memref<1x512xi32, #tpu.memory_space<hbm>>
    %dma_wait3A_1200 = tpu.memref_squeeze %dma_wait3A_1199 : memref<1x512xi32, #tpu.memory_space<hbm>> -> memref<512xi32, #tpu.memory_space<hbm>>
    tpu.wait_dma2 semaphore(%arg8 : memref<!tpu.dma_semaphore, #tpu.memory_space<semaphore_mem>>) src(%dma_wait3A_1200 : memref<512xi32, #tpu.memory_space<hbm>>) dst(%dma_wait3A_1198 : memref<512xi32, #tpu.memory_space<vmem>>)
    %iota3A = tpu.iota {dimensions = array<i32: 0>} : vector<16xi32>
    %add3A_1201 = arith.constant 0 : i32
    %add3A_1202 = vector.broadcast %add3A_1201 : i32 to vector<16xi32>
    %add3A_1203 = arith.addi %iota3A, %add3A_1202 : vector<16xi32>
    %and3A = arith.constant 15 : i32
    %and3A_1204 = vector.broadcast %and3A : i32 to vector<16xi32>
    %and3A_1205 = arith.andi %add3A_1203, %and3A_1204 : vector<16xi32>
    %add3A_1206 = arith.constant 1 : i32
    %add3A_1207 = vector.broadcast %add3A_1206 : i32 to vector<16xi32>
    %add3A_1208 = arith.addi %iota3A, %add3A_1207 : vector<16xi32>
    %and3A_1209 = arith.constant 15 : i32
    %and3A_1210 = vector.broadcast %and3A_1209 : i32 to vector<16xi32>
    %and3A_1211 = arith.andi %add3A_1208, %and3A_1210 : vector<16xi32>
    %add3A_1212 = arith.constant 2 : i32
    %add3A_1213 = vector.broadcast %add3A_1212 : i32 to vector<16xi32>
    %add3A_1214 = arith.addi %iota3A, %add3A_1213 : vector<16xi32>
    %and3A_1215 = arith.constant 15 : i32
    %and3A_1216 = vector.broadcast %and3A_1215 : i32 to vector<16xi32>
    %and3A_1217 = arith.andi %add3A_1214, %and3A_1216 : vector<16xi32>
    %add3A_1218 = arith.constant 3 : i32
    %add3A_1219 = vector.broadcast %add3A_1218 : i32 to vector<16xi32>
    %add3A_1220 = arith.addi %iota3A, %add3A_1219 : vector<16xi32>
    %and3A_1221 = arith.constant 15 : i32
    %and3A_1222 = vector.broadcast %and3A_1221 : i32 to vector<16xi32>
    %and3A_1223 = arith.andi %add3A_1220, %and3A_1222 : vector<16xi32>
    %add3A_1224 = arith.constant 4 : i32
    %add3A_1225 = vector.broadcast %add3A_1224 : i32 to vector<16xi32>
    %add3A_1226 = arith.addi %iota3A, %add3A_1225 : vector<16xi32>
    %and3A_1227 = arith.constant 15 : i32
    %and3A_1228 = vector.broadcast %and3A_1227 : i32 to vector<16xi32>
    %and3A_1229 = arith.andi %add3A_1226, %and3A_1228 : vector<16xi32>
    %add3A_1230 = arith.constant 5 : i32
    %add3A_1231 = vector.broadcast %add3A_1230 : i32 to vector<16xi32>
    %add3A_1232 = arith.addi %iota3A, %add3A_1231 : vector<16xi32>
    %and3A_1233 = arith.constant 15 : i32
    %and3A_1234 = vector.broadcast %and3A_1233 : i32 to vector<16xi32>
    %and3A_1235 = arith.andi %add3A_1232, %and3A_1234 : vector<16xi32>
    %add3A_1236 = arith.constant 6 : i32
    %add3A_1237 = vector.broadcast %add3A_1236 : i32 to vector<16xi32>
    %add3A_1238 = arith.addi %iota3A, %add3A_1237 : vector<16xi32>
    %and3A_1239 = arith.constant 15 : i32
    %and3A_1240 = vector.broadcast %and3A_1239 : i32 to vector<16xi32>
    %and3A_1241 = arith.andi %add3A_1238, %and3A_1240 : vector<16xi32>
    %add3A_1242 = arith.constant 7 : i32
    %add3A_1243 = vector.broadcast %add3A_1242 : i32 to vector<16xi32>
    %add3A_1244 = arith.addi %iota3A, %add3A_1243 : vector<16xi32>
    %and3A_1245 = arith.constant 15 : i32
    %and3A_1246 = vector.broadcast %and3A_1245 : i32 to vector<16xi32>
    %and3A_1247 = arith.andi %add3A_1244, %and3A_1246 : vector<16xi32>
    %add3A_1248 = arith.constant 8 : i32
    %add3A_1249 = vector.broadcast %add3A_1248 : i32 to vector<16xi32>
    %add3A_1250 = arith.addi %iota3A, %add3A_1249 : vector<16xi32>
    %and3A_1251 = arith.constant 15 : i32
    %and3A_1252 = vector.broadcast %and3A_1251 : i32 to vector<16xi32>
    %and3A_1253 = arith.andi %add3A_1250, %and3A_1252 : vector<16xi32>
    %add3A_1254 = arith.constant 9 : i32
    %add3A_1255 = vector.broadcast %add3A_1254 : i32 to vector<16xi32>
    %add3A_1256 = arith.addi %iota3A, %add3A_1255 : vector<16xi32>
    %and3A_1257 = arith.constant 15 : i32
    %and3A_1258 = vector.broadcast %and3A_1257 : i32 to vector<16xi32>
    %and3A_1259 = arith.andi %add3A_1256, %and3A_1258 : vector<16xi32>
    %add3A_1260 = arith.constant 10 : i32
    %add3A_1261 = vector.broadcast %add3A_1260 : i32 to vector<16xi32>
    %add3A_1262 = arith.addi %iota3A, %add3A_1261 : vector<16xi32>
    %and3A_1263 = arith.constant 15 : i32
    %and3A_1264 = vector.broadcast %and3A_1263 : i32 to vector<16xi32>
    %and3A_1265 = arith.andi %add3A_1262, %and3A_1264 : vector<16xi32>
    %add3A_1266 = arith.constant 11 : i32
    %add3A_1267 = vector.broadcast %add3A_1266 : i32 to vector<16xi32>
    %add3A_1268 = arith.addi %iota3A, %add3A_1267 : vector<16xi32>
    %and3A_1269 = arith.constant 15 : i32
    %and3A_1270 = vector.broadcast %and3A_1269 : i32 to vector<16xi32>
    %and3A_1271 = arith.andi %add3A_1268, %and3A_1270 : vector<16xi32>
    %add3A_1272 = arith.constant 12 : i32
    %add3A_1273 = vector.broadcast %add3A_1272 : i32 to vector<16xi32>
    %add3A_1274 = arith.addi %iota3A, %add3A_1273 : vector<16xi32>
    %and3A_1275 = arith.constant 15 : i32
    %and3A_1276 = vector.broadcast %and3A_1275 : i32 to vector<16xi32>
    %and3A_1277 = arith.andi %add3A_1274, %and3A_1276 : vector<16xi32>
    %add3A_1278 = arith.constant 13 : i32
    %add3A_1279 = vector.broadcast %add3A_1278 : i32 to vector<16xi32>
    %add3A_1280 = arith.addi %iota3A, %add3A_1279 : vector<16xi32>
    %and3A_1281 = arith.constant 15 : i32
    %and3A_1282 = vector.broadcast %and3A_1281 : i32 to vector<16xi32>
    %and3A_1283 = arith.andi %add3A_1280, %and3A_1282 : vector<16xi32>
    %add3A_1284 = arith.constant 14 : i32
    %add3A_1285 = vector.broadcast %add3A_1284 : i32 to vector<16xi32>
    %add3A_1286 = arith.addi %iota3A, %add3A_1285 : vector<16xi32>
    %and3A_1287 = arith.constant 15 : i32
    %and3A_1288 = vector.broadcast %and3A_1287 : i32 to vector<16xi32>
    %and3A_1289 = arith.andi %add3A_1286, %and3A_1288 : vector<16xi32>
    %add3A_1290 = arith.constant 15 : i32
    %add3A_1291 = vector.broadcast %add3A_1290 : i32 to vector<16xi32>
    %add3A_1292 = arith.addi %iota3A, %add3A_1291 : vector<16xi32>
    %and3A_1293 = arith.constant 15 : i32
    %and3A_1294 = vector.broadcast %and3A_1293 : i32 to vector<16xi32>
    %and3A_1295 = arith.andi %add3A_1292, %and3A_1294 : vector<16xi32>
    %jit3A = arith.constant 0 : i32
    %jit3A_1296 = arith.constant 4 : i32
    %div3A = arith.divsi %jit3A, %jit3A_1296 : i32
    %sign3A = arith.constant 0 : i32
    %sign3A_1297 = arith.cmpi sgt, %jit3A, %sign3A : i32
    %sign3A_1298 = arith.extui %sign3A_1297 : i1 to i32
    %sign3A_1299 = arith.constant 0 : i32
    %sign3A_1300 = arith.cmpi slt, %jit3A, %sign3A_1299 : i32
    %sign3A_1301 = arith.extui %sign3A_1300 : i1 to i32
    %sign3A_1302 = arith.subi %sign3A_1298, %sign3A_1301 : i32
    %sign3A_1303 = arith.constant 0 : i32
    %sign3A_1304 = arith.cmpi sgt, %jit3A_1296, %sign3A_1303 : i32
    %sign3A_1305 = arith.extui %sign3A_1304 : i1 to i32
    %sign3A_1306 = arith.constant 0 : i32
    %sign3A_1307 = arith.cmpi slt, %jit3A_1296, %sign3A_1306 : i32
    %sign3A_1308 = arith.extui %sign3A_1307 : i1 to i32
    %sign3A_1309 = arith.subi %sign3A_1305, %sign3A_1308 : i32
    %ne3A = arith.cmpi ne, %sign3A_1302, %sign3A_1309 : i32
    %rem3A = arith.remsi %jit3A, %jit3A_1296 : i32
    %ne3A_1310 = arith.constant 0 : i32
    %ne3A_1311 = arith.cmpi ne, %rem3A, %ne3A_1310 : i32
    %and3A_1312 = arith.andi %ne3A, %ne3A_1311 : i1
    %sub3A = arith.constant 1 : i32
    %sub3A_1313 = arith.subi %div3A, %sub3A : i32
    %select_n3A = arith.select %and3A_1312, %sub3A_1313, %div3A : i32
    %jit3A_1314 = arith.constant 0 : i32
    %jit3A_1315 = arith.constant 4 : i32
    %eq3A = arith.constant 0 : i32
    %eq3A_1316 = arith.cmpi eq, %jit3A_1315, %eq3A : i32
    %jit3A_1317 = arith.constant 1 : i32
    %select_n3A_1318 = arith.select %eq3A_1316, %jit3A_1317, %jit3A_1315 : i32
    %rem3A_1319 = arith.remsi %jit3A_1314, %select_n3A_1318 : i32
    %ne3A_1320 = arith.constant 0 : i32
    %ne3A_1321 = arith.cmpi ne, %rem3A_1319, %ne3A_1320 : i32
    %lt3A = arith.constant 0 : i32
    %lt3A_1322 = arith.cmpi slt, %rem3A_1319, %lt3A : i32
    %lt3A_1323 = arith.constant 0 : i32
    %lt3A_1324 = arith.cmpi slt, %select_n3A_1318, %lt3A_1323 : i32
    %ne3A_1325 = arith.xori %lt3A_1322, %lt3A_1324 : i1
    %and3A_1326 = arith.andi %ne3A_1325, %ne3A_1321 : i1
    %add3A_1327 = arith.addi %rem3A_1319, %select_n3A_1318 : i32
    %select_n3A_1328 = arith.select %and3A_1326, %add3A_1327, %rem3A_1319 : i32
    %mul3A_1329 = arith.constant 128 : i32
    %mul3A_1330 = arith.muli %select_n3A_1328, %mul3A_1329 : i32
    %dma_start3A_1331 = arith.constant 0 : i32
    %dma_start3A_1332 = arith.constant 0 : i32
    %dma_start3A_1333 = tpu.memref_slice %arg6[%dma_start3A_1331, %dma_start3A_1332] : memref<512x64xf32, #tpu.memory_space<vmem>> -> memref<128x64xf32, #tpu.memory_space<vmem>>
    %dma_start3A_1334 = tpu.memref_slice %arg5[%select_n3A, %mul3A_1330] : memref<50x512xi32, #tpu.memory_space<vmem>> -> memref<1x128xi32, #tpu.memory_space<vmem>>
    %dma_start3A_1335 = tpu.memref_squeeze %dma_start3A_1334 : memref<1x128xi32, #tpu.memory_space<vmem>> -> memref<128xi32, #tpu.memory_space<vmem>>
    %dma_start3A_1336 = arith.constant 0 : i32
    %dma_start3A_1337 = arith.constant 0 : i32
    %dma_start3A_1338 = tpu.memref_slice %arg3[%dma_start3A_1336, %dma_start3A_1337] : memref<1000000x64xf32, #tpu.memory_space<hbm>> -> memref<1000000x64xf32, #tpu.memory_space<hbm>>
    tpu.enqueue_indirect_dma source(%dma_start3A_1338 : memref<1000000x64xf32, #tpu.memory_space<hbm>>) target(%dma_start3A_1333 : memref<128x64xf32, #tpu.memory_space<vmem>>) offsets(%dma_start3A_1335 : memref<128xi32, #tpu.memory_space<vmem>>) semaphore(%arg9 : memref<!tpu.dma_semaphore, #tpu.memory_space<semaphore_mem>>)
    %jit3A_1339 = arith.constant 1 : i32
    %jit3A_1340 = arith.constant 4 : i32
    %div3A_1341 = arith.divsi %jit3A_1339, %jit3A_1340 : i32
    %sign3A_1342 = arith.constant 0 : i32
    %sign3A_1343 = arith.cmpi sgt, %jit3A_1339, %sign3A_1342 : i32
    %sign3A_1344 = arith.extui %sign3A_1343 : i1 to i32
    %sign3A_1345 = arith.constant 0 : i32
    %sign3A_1346 = arith.cmpi slt, %jit3A_1339, %sign3A_1345 : i32
    %sign3A_1347 = arith.extui %sign3A_1346 : i1 to i32
    %sign3A_1348 = arith.subi %sign3A_1344, %sign3A_1347 : i32
    %sign3A_1349 = arith.constant 0 : i32
    %sign3A_1350 = arith.cmpi sgt, %jit3A_1340, %sign3A_1349 : i32
    %sign3A_1351 = arith.extui %sign3A_1350 : i1 to i32
    %sign3A_1352 = arith.constant 0 : i32
    %sign3A_1353 = arith.cmpi slt, %jit3A_1340, %sign3A_1352 : i32
    %sign3A_1354 = arith.extui %sign3A_1353 : i1 to i32
    %sign3A_1355 = arith.subi %sign3A_1351, %sign3A_1354 : i32
    %ne3A_1356 = arith.cmpi ne, %sign3A_1348, %sign3A_1355 : i32
    %rem3A_1357 = arith.remsi %jit3A_1339, %jit3A_1340 : i32
    %ne3A_1358 = arith.constant 0 : i32
    %ne3A_1359 = arith.cmpi ne, %rem3A_1357, %ne3A_1358 : i32
    %and3A_1360 = arith.andi %ne3A_1356, %ne3A_1359 : i1
    %sub3A_1361 = arith.constant 1 : i32
    %sub3A_1362 = arith.subi %div3A_1341, %sub3A_1361 : i32
    %select_n3A_1363 = arith.select %and3A_1360, %sub3A_1362, %div3A_1341 : i32
    %jit3A_1364 = arith.constant 1 : i32
    %jit3A_1365 = arith.constant 4 : i32
    %eq3A_1366 = arith.constant 0 : i32
    %eq3A_1367 = arith.cmpi eq, %jit3A_1365, %eq3A_1366 : i32
    %jit3A_1368 = arith.constant 1 : i32
    %select_n3A_1369 = arith.select %eq3A_1367, %jit3A_1368, %jit3A_1365 : i32
    %rem3A_1370 = arith.remsi %jit3A_1364, %select_n3A_1369 : i32
    %ne3A_1371 = arith.constant 0 : i32
    %ne3A_1372 = arith.cmpi ne, %rem3A_1370, %ne3A_1371 : i32
    %lt3A_1373 = arith.constant 0 : i32
    %lt3A_1374 = arith.cmpi slt, %rem3A_1370, %lt3A_1373 : i32
    %lt3A_1375 = arith.constant 0 : i32
    %lt3A_1376 = arith.cmpi slt, %select_n3A_1369, %lt3A_1375 : i32
    %ne3A_1377 = arith.xori %lt3A_1374, %lt3A_1376 : i1
    %and3A_1378 = arith.andi %ne3A_1377, %ne3A_1372 : i1
    %add3A_1379 = arith.addi %rem3A_1370, %select_n3A_1369 : i32
    %select_n3A_1380 = arith.select %and3A_1378, %add3A_1379, %rem3A_1370 : i32
    %mul3A_1381 = arith.constant 128 : i32
    %mul3A_1382 = arith.muli %select_n3A_1380, %mul3A_1381 : i32
    %dma_start3A_1383 = arith.constant 128 : i32
    %dma_start3A_1384 = arith.constant 0 : i32
    %dma_start3A_1385 = tpu.memref_slice %arg6[%dma_start3A_1383, %dma_start3A_1384] : memref<512x64xf32, #tpu.memory_space<vmem>> -> memref<128x64xf32, #tpu.memory_space<vmem>>
    %dma_start3A_1386 = tpu.memref_slice %arg5[%select_n3A_1363, %mul3A_1382] : memref<50x512xi32, #tpu.memory_space<vmem>> -> memref<1x128xi32, #tpu.memory_space<vmem>>
    %dma_start3A_1387 = tpu.memref_squeeze %dma_start3A_1386 : memref<1x128xi32, #tpu.memory_space<vmem>> -> memref<128xi32, #tpu.memory_space<vmem>>
    %dma_start3A_1388 = arith.constant 0 : i32
    %dma_start3A_1389 = arith.constant 0 : i32
    %dma_start3A_1390 = tpu.memref_slice %arg3[%dma_start3A_1388, %dma_start3A_1389] : memref<1000000x64xf32, #tpu.memory_space<hbm>> -> memref<1000000x64xf32, #tpu.memory_space<hbm>>
    tpu.enqueue_indirect_dma source(%dma_start3A_1390 : memref<1000000x64xf32, #tpu.memory_space<hbm>>) target(%dma_start3A_1385 : memref<128x64xf32, #tpu.memory_space<vmem>>) offsets(%dma_start3A_1387 : memref<128xi32, #tpu.memory_space<vmem>>) semaphore(%arg10 : memref<!tpu.dma_semaphore, #tpu.memory_space<semaphore_mem>>)
    %jit3A_1391 = arith.constant 2 : i32
    %jit3A_1392 = arith.constant 4 : i32
    %div3A_1393 = arith.divsi %jit3A_1391, %jit3A_1392 : i32
    %sign3A_1394 = arith.constant 0 : i32
    %sign3A_1395 = arith.cmpi sgt, %jit3A_1391, %sign3A_1394 : i32
    %sign3A_1396 = arith.extui %sign3A_1395 : i1 to i32
    %sign3A_1397 = arith.constant 0 : i32
    %sign3A_1398 = arith.cmpi slt, %jit3A_1391, %sign3A_1397 : i32
    %sign3A_1399 = arith.extui %sign3A_1398 : i1 to i32
    %sign3A_1400 = arith.subi %sign3A_1396, %sign3A_1399 : i32
    %sign3A_1401 = arith.constant 0 : i32
    %sign3A_1402 = arith.cmpi sgt, %jit3A_1392, %sign3A_1401 : i32
    %sign3A_1403 = arith.extui %sign3A_1402 : i1 to i32
    %sign3A_1404 = arith.constant 0 : i32
    %sign3A_1405 = arith.cmpi slt, %jit3A_1392, %sign3A_1404 : i32
    %sign3A_1406 = arith.extui %sign3A_1405 : i1 to i32
    %sign3A_1407 = arith.subi %sign3A_1403, %sign3A_1406 : i32
    %ne3A_1408 = arith.cmpi ne, %sign3A_1400, %sign3A_1407 : i32
    %rem3A_1409 = arith.remsi %jit3A_1391, %jit3A_1392 : i32
    %ne3A_1410 = arith.constant 0 : i32
    %ne3A_1411 = arith.cmpi ne, %rem3A_1409, %ne3A_1410 : i32
    %and3A_1412 = arith.andi %ne3A_1408, %ne3A_1411 : i1
    %sub3A_1413 = arith.constant 1 : i32
    %sub3A_1414 = arith.subi %div3A_1393, %sub3A_1413 : i32
    %select_n3A_1415 = arith.select %and3A_1412, %sub3A_1414, %div3A_1393 : i32
    %jit3A_1416 = arith.constant 2 : i32
    %jit3A_1417 = arith.constant 4 : i32
    %eq3A_1418 = arith.constant 0 : i32
    %eq3A_1419 = arith.cmpi eq, %jit3A_1417, %eq3A_1418 : i32
    %jit3A_1420 = arith.constant 1 : i32
    %select_n3A_1421 = arith.select %eq3A_1419, %jit3A_1420, %jit3A_1417 : i32
    %rem3A_1422 = arith.remsi %jit3A_1416, %select_n3A_1421 : i32
    %ne3A_1423 = arith.constant 0 : i32
    %ne3A_1424 = arith.cmpi ne, %rem3A_1422, %ne3A_1423 : i32
    %lt3A_1425 = arith.constant 0 : i32
    %lt3A_1426 = arith.cmpi slt, %rem3A_1422, %lt3A_1425 : i32
    %lt3A_1427 = arith.constant 0 : i32
    %lt3A_1428 = arith.cmpi slt, %select_n3A_1421, %lt3A_1427 : i32
    %ne3A_1429 = arith.xori %lt3A_1426, %lt3A_1428 : i1
    %and3A_1430 = arith.andi %ne3A_1429, %ne3A_1424 : i1
    %add3A_1431 = arith.addi %rem3A_1422, %select_n3A_1421 : i32
    %select_n3A_1432 = arith.select %and3A_1430, %add3A_1431, %rem3A_1422 : i32
    %mul3A_1433 = arith.constant 128 : i32
    %mul3A_1434 = arith.muli %select_n3A_1432, %mul3A_1433 : i32
    %dma_start3A_1435 = arith.constant 256 : i32
    %dma_start3A_1436 = arith.constant 0 : i32
    %dma_start3A_1437 = tpu.memref_slice %arg6[%dma_start3A_1435, %dma_start3A_1436] : memref<512x64xf32, #tpu.memory_space<vmem>> -> memref<128x64xf32, #tpu.memory_space<vmem>>
    %dma_start3A_1438 = tpu.memref_slice %arg5[%select_n3A_1415, %mul3A_1434] : memref<50x512xi32, #tpu.memory_space<vmem>> -> memref<1x128xi32, #tpu.memory_space<vmem>>
    %dma_start3A_1439 = tpu.memref_squeeze %dma_start3A_1438 : memref<1x128xi32, #tpu.memory_space<vmem>> -> memref<128xi32, #tpu.memory_space<vmem>>
    %dma_start3A_1440 = arith.constant 0 : i32
    %dma_start3A_1441 = arith.constant 0 : i32
    %dma_start3A_1442 = tpu.memref_slice %arg3[%dma_start3A_1440, %dma_start3A_1441] : memref<1000000x64xf32, #tpu.memory_space<hbm>> -> memref<1000000x64xf32, #tpu.memory_space<hbm>>
    tpu.enqueue_indirect_dma source(%dma_start3A_1442 : memref<1000000x64xf32, #tpu.memory_space<hbm>>) target(%dma_start3A_1437 : memref<128x64xf32, #tpu.memory_space<vmem>>) offsets(%dma_start3A_1439 : memref<128xi32, #tpu.memory_space<vmem>>) semaphore(%arg11 : memref<!tpu.dma_semaphore, #tpu.memory_space<semaphore_mem>>)
    %scan3A = arith.constant 0 : i32
    %scan3A_1443 = arith.constant 0 : i32
    %scan3A_1444 = arith.constant 50 : i32
    %scan3A_1445 = arith.addi %scan3A_1443, %scan3A_1444 : i32
    %scan3A_1446 = arith.constant 1 : i32
    scf.for %scan3A_1496 = %scan3A_1443 to %scan3A_1445 step %scan3A_1446  : i32 {
      %mul3A_1497 = arith.constant 4 : i32
      %mul3A_1498 = arith.muli %mul3A_1497, %scan3A_1496 : i32
      %add3A_1499 = arith.constant 0 : i32
      %add3A_1500 = arith.addi %mul3A_1498, %add3A_1499 : i32
      %add3A_1501 = arith.constant 4 : i32
      %add3A_1502 = arith.addi %add3A_1500, %add3A_1501 : i32
      %sub3A_1503 = arith.constant 1 : i32
      %sub3A_1504 = arith.subi %add3A_1502, %sub3A_1503 : i32
      %lt3A_1505 = arith.constant 200 : i32
      %lt3A_1506 = arith.cmpi slt, %sub3A_1504, %lt3A_1505 : i32
      %convert_element_type3A = arith.extui %lt3A_1506 : i1 to i32
      %cond3A = arith.constant 0 : i32
      %cond3A_1507 = arith.cmpi ne, %convert_element_type3A, %cond3A : i32
      scf.if %cond3A_1507 {
        %add3A_2284 = arith.constant 4 : i32
        %add3A_2285 = arith.addi %add3A_1500, %add3A_2284 : i32
        %sub3A_2286 = arith.constant 1 : i32
        %sub3A_2287 = arith.subi %add3A_2285, %sub3A_2286 : i32
        %jit3A_2288 = arith.constant 4 : i32
        %div3A_2289 = arith.divsi %sub3A_2287, %jit3A_2288 : i32
        %sign3A_2290 = arith.constant 0 : i32
        %sign3A_2291 = arith.cmpi sgt, %sub3A_2287, %sign3A_2290 : i32
        %sign3A_2292 = arith.extui %sign3A_2291 : i1 to i32
        %sign3A_2293 = arith.constant 0 : i32
        %sign3A_2294 = arith.cmpi slt, %sub3A_2287, %sign3A_2293 : i32
        %sign3A_2295 = arith.extui %sign3A_2294 : i1 to i32
        %sign3A_2296 = arith.subi %sign3A_2292, %sign3A_2295 : i32
        %sign3A_2297 = arith.constant 0 : i32
        %sign3A_2298 = arith.cmpi sgt, %jit3A_2288, %sign3A_2297 : i32
        %sign3A_2299 = arith.extui %sign3A_2298 : i1 to i32
        %sign3A_2300 = arith.constant 0 : i32
        %sign3A_2301 = arith.cmpi slt, %jit3A_2288, %sign3A_2300 : i32
        %sign3A_2302 = arith.extui %sign3A_2301 : i1 to i32
        %sign3A_2303 = arith.subi %sign3A_2299, %sign3A_2302 : i32
        %ne3A_2304 = arith.cmpi ne, %sign3A_2296, %sign3A_2303 : i32
        %rem3A_2305 = arith.remsi %sub3A_2287, %jit3A_2288 : i32
        %ne3A_2306 = arith.constant 0 : i32
        %ne3A_2307 = arith.cmpi ne, %rem3A_2305, %ne3A_2306 : i32
        %and3A_2308 = arith.andi %ne3A_2304, %ne3A_2307 : i1
        %sub3A_2309 = arith.constant 1 : i32
        %sub3A_2310 = arith.subi %div3A_2289, %sub3A_2309 : i32
        %select_n3A_2311 = arith.select %and3A_2308, %sub3A_2310, %div3A_2289 : i32
        %jit3A_2312 = arith.constant 4 : i32
        %eq3A_2313 = arith.constant 0 : i32
        %eq3A_2314 = arith.cmpi eq, %jit3A_2312, %eq3A_2313 : i32
        %jit3A_2315 = arith.constant 1 : i32
        %select_n3A_2316 = arith.select %eq3A_2314, %jit3A_2315, %jit3A_2312 : i32
        %rem3A_2317 = arith.remsi %sub3A_2287, %select_n3A_2316 : i32
        %ne3A_2318 = arith.constant 0 : i32
        %ne3A_2319 = arith.cmpi ne, %rem3A_2317, %ne3A_2318 : i32
        %lt3A_2320 = arith.constant 0 : i32
        %lt3A_2321 = arith.cmpi slt, %rem3A_2317, %lt3A_2320 : i32
        %lt3A_2322 = arith.constant 0 : i32
        %lt3A_2323 = arith.cmpi slt, %select_n3A_2316, %lt3A_2322 : i32
        %ne3A_2324 = arith.xori %lt3A_2321, %lt3A_2323 : i1
        %and3A_2325 = arith.andi %ne3A_2324, %ne3A_2319 : i1
        %add3A_2326 = arith.addi %rem3A_2317, %select_n3A_2316 : i32
        %select_n3A_2327 = arith.select %and3A_2325, %add3A_2326, %rem3A_2317 : i32
        %mul3A_2328 = arith.constant 128 : i32
        %mul3A_2329 = arith.muli %select_n3A_2327, %mul3A_2328 : i32
        %dma_start3A_2330 = arith.constant 384 : i32
        %dma_start3A_2331 = arith.constant 0 : i32
        %dma_start3A_2332 = tpu.memref_slice %arg6[%dma_start3A_2330, %dma_start3A_2331] : memref<512x64xf32, #tpu.memory_space<vmem>> -> memref<128x64xf32, #tpu.memory_space<vmem>>
        %dma_start3A_2333 = tpu.memref_slice %arg5[%select_n3A_2311, %mul3A_2329] : memref<50x512xi32, #tpu.memory_space<vmem>> -> memref<1x128xi32, #tpu.memory_space<vmem>>
        %dma_start3A_2334 = tpu.memref_squeeze %dma_start3A_2333 : memref<1x128xi32, #tpu.memory_space<vmem>> -> memref<128xi32, #tpu.memory_space<vmem>>
        %dma_start3A_2335 = arith.constant 0 : i32
        %dma_start3A_2336 = arith.constant 0 : i32
        %dma_start3A_2337 = tpu.memref_slice %arg3[%dma_start3A_2335, %dma_start3A_2336] : memref<1000000x64xf32, #tpu.memory_space<hbm>> -> memref<1000000x64xf32, #tpu.memory_space<hbm>>
        tpu.enqueue_indirect_dma source(%dma_start3A_2337 : memref<1000000x64xf32, #tpu.memory_space<hbm>>) target(%dma_start3A_2332 : memref<128x64xf32, #tpu.memory_space<vmem>>) offsets(%dma_start3A_2334 : memref<128xi32, #tpu.memory_space<vmem>>) semaphore(%arg12 : memref<!tpu.dma_semaphore, #tpu.memory_space<semaphore_mem>>)
      } else {
      }
      %gt3A = arith.constant 0 : i32
      %gt3A_1508 = arith.cmpi sgt, %scan3A_1496, %gt3A : i32
      %convert_element_type3A_1509 = arith.extui %gt3A_1508 : i1 to i32
      %cond3A_1510 = arith.constant 0 : i32
      %cond3A_1511 = arith.cmpi ne, %convert_element_type3A_1509, %cond3A_1510 : i32
      scf.if %cond3A_1511 {
        %dma_wait3A_2284 = arith.constant 0 : i32
        %dma_wait3A_2285 = arith.constant 0 : i32
        %dma_wait3A_2286 = tpu.memref_slice %arg6[%dma_wait3A_2284, %dma_wait3A_2285] : memref<512x64xf32, #tpu.memory_space<vmem>> -> memref<128x64xf32, #tpu.memory_space<vmem>>
        %dma_wait3A_2287 = arith.constant 0 : i32
        %dma_wait3A_2288 = arith.constant 0 : i32
        %dma_wait3A_2289 = tpu.memref_slice %arg3[%dma_wait3A_2287, %dma_wait3A_2288] : memref<1000000x64xf32, #tpu.memory_space<hbm>> -> memref<128x64xf32, #tpu.memory_space<hbm>>
        %dma_wait3A_2290 = arith.constant 0 : i32
        %dma_wait3A_2291 = arith.constant 0 : i32
        %dma_wait3A_2292 = tpu.memref_slice %arg6[%dma_wait3A_2290, %dma_wait3A_2291] : memref<512x64xf32, #tpu.memory_space<vmem>> -> memref<128x64xf32, #tpu.memory_space<vmem>>
        %dma_wait3A_2293 = arith.constant 0 : i32
        %dma_wait3A_2294 = arith.constant 0 : i32
        %dma_wait3A_2295 = tpu.memref_slice %arg3[%dma_wait3A_2293, %dma_wait3A_2294] : memref<1000000x64xf32, #tpu.memory_space<hbm>> -> memref<128x64xf32, #tpu.memory_space<hbm>>
        tpu.wait_dma2 semaphore(%arg13 : memref<!tpu.dma_semaphore, #tpu.memory_space<semaphore_mem>>) src(%dma_wait3A_2295 : memref<128x64xf32, #tpu.memory_space<hbm>>) dst(%dma_wait3A_2292 : memref<128x64xf32, #tpu.memory_space<vmem>>)
      } else {
      }
      %dma_wait3A_1512 = arith.constant 0 : i32
      %dma_wait3A_1513 = arith.constant 0 : i32
      %dma_wait3A_1514 = tpu.memref_slice %arg6[%dma_wait3A_1512, %dma_wait3A_1513] : memref<512x64xf32, #tpu.memory_space<vmem>> -> memref<128x64xf32, #tpu.memory_space<vmem>>
      %dma_wait3A_1515 = arith.constant 0 : i32
      %dma_wait3A_1516 = arith.constant 0 : i32
      %dma_wait3A_1517 = tpu.memref_slice %arg3[%dma_wait3A_1515, %dma_wait3A_1516] : memref<1000000x64xf32, #tpu.memory_space<hbm>> -> memref<128x64xf32, #tpu.memory_space<hbm>>
      %dma_wait3A_1518 = arith.constant 0 : i32
      %dma_wait3A_1519 = arith.constant 0 : i32
      %dma_wait3A_1520 = tpu.memref_slice %arg6[%dma_wait3A_1518, %dma_wait3A_1519] : memref<512x64xf32, #tpu.memory_space<vmem>> -> memref<128x64xf32, #tpu.memory_space<vmem>>
      %dma_wait3A_1521 = arith.constant 0 : i32
      %dma_wait3A_1522 = arith.constant 0 : i32
      %dma_wait3A_1523 = tpu.memref_slice %arg3[%dma_wait3A_1521, %dma_wait3A_1522] : memref<1000000x64xf32, #tpu.memory_space<hbm>> -> memref<128x64xf32, #tpu.memory_space<hbm>>
      tpu.wait_dma2 semaphore(%arg9 : memref<!tpu.dma_semaphore, #tpu.memory_space<semaphore_mem>>) src(%dma_wait3A_1523 : memref<128x64xf32, #tpu.memory_space<hbm>>) dst(%dma_wait3A_1520 : memref<128x64xf32, #tpu.memory_space<vmem>>)
      %scan3A_1524 = arith.constant 0 : i32
      %scan3A_1525 = arith.constant 0 : i32
      %scan3A_1526 = arith.constant 32 : i32
      %scan3A_1527 = arith.addi %scan3A_1525, %scan3A_1526 : i32
      %scan3A_1528 = arith.constant 1 : i32
      scf.for %scan3A_2284 = %scan3A_1525 to %scan3A_1527 step %scan3A_1528  : i32 {
        %jit3A_2285 = arith.constant 4 : i32
        %div3A_2286 = arith.divsi %scan3A_2284, %jit3A_2285 : i32
        %sign3A_2287 = arith.constant 0 : i32
        %sign3A_2288 = arith.cmpi sgt, %scan3A_2284, %sign3A_2287 : i32
        %sign3A_2289 = arith.extui %sign3A_2288 : i1 to i32
        %sign3A_2290 = arith.constant 0 : i32
        %sign3A_2291 = arith.cmpi slt, %scan3A_2284, %sign3A_2290 : i32
        %sign3A_2292 = arith.extui %sign3A_2291 : i1 to i32
        %sign3A_2293 = arith.subi %sign3A_2289, %sign3A_2292 : i32
        %sign3A_2294 = arith.constant 0 : i32
        %sign3A_2295 = arith.cmpi sgt, %jit3A_2285, %sign3A_2294 : i32
        %sign3A_2296 = arith.extui %sign3A_2295 : i1 to i32
        %sign3A_2297 = arith.constant 0 : i32
        %sign3A_2298 = arith.cmpi slt, %jit3A_2285, %sign3A_2297 : i32
        %sign3A_2299 = arith.extui %sign3A_2298 : i1 to i32
        %sign3A_2300 = arith.subi %sign3A_2296, %sign3A_2299 : i32
        %ne3A_2301 = arith.cmpi ne, %sign3A_2293, %sign3A_2300 : i32
        %rem3A_2302 = arith.remsi %scan3A_2284, %jit3A_2285 : i32
        %ne3A_2303 = arith.constant 0 : i32
        %ne3A_2304 = arith.cmpi ne, %rem3A_2302, %ne3A_2303 : i32
        %and3A_2305 = arith.andi %ne3A_2301, %ne3A_2304 : i1
        %sub3A_2306 = arith.constant 1 : i32
        %sub3A_2307 = arith.subi %div3A_2286, %sub3A_2306 : i32
        %select_n3A_2308 = arith.select %and3A_2305, %sub3A_2307, %div3A_2286 : i32
        %jit3A_2309 = arith.constant 4 : i32
        %eq3A_2310 = arith.constant 0 : i32
        %eq3A_2311 = arith.cmpi eq, %jit3A_2309, %eq3A_2310 : i32
        %jit3A_2312 = arith.constant 1 : i32
        %select_n3A_2313 = arith.select %eq3A_2311, %jit3A_2312, %jit3A_2309 : i32
        %rem3A_2314 = arith.remsi %scan3A_2284, %select_n3A_2313 : i32
        %ne3A_2315 = arith.constant 0 : i32
        %ne3A_2316 = arith.cmpi ne, %rem3A_2314, %ne3A_2315 : i32
        %lt3A_2317 = arith.constant 0 : i32
        %lt3A_2318 = arith.cmpi slt, %rem3A_2314, %lt3A_2317 : i32
        %lt3A_2319 = arith.constant 0 : i32
        %lt3A_2320 = arith.cmpi slt, %select_n3A_2313, %lt3A_2319 : i32
        %ne3A_2321 = arith.xori %lt3A_2318, %lt3A_2320 : i1
        %and3A_2322 = arith.andi %ne3A_2321, %ne3A_2316 : i1
        %add3A_2323 = arith.addi %rem3A_2314, %select_n3A_2313 : i32
        %select_n3A_2324 = arith.select %and3A_2322, %add3A_2323, %rem3A_2314 : i32
        %mul3A_2325 = arith.constant 16 : i32
        %mul3A_2326 = arith.muli %select_n3A_2308, %mul3A_2325 : i32
        %add3A_2327 = vector.broadcast %mul3A_2326 : i32 to vector<16xi32>
        %add3A_2328 = arith.addi %add3A_2327, %iota3A : vector<16xi32>
        %mul3A_2329 = arith.constant 16 : i32
        %mul3A_2330 = arith.muli %select_n3A_2324, %mul3A_2329 : i32
        %add3A_2331 = vector.broadcast %mul3A_2330 : i32 to vector<16xi32>
        %add3A_2332 = arith.addi %add3A_2331, %and3A_1205 : vector<16xi32>
        %mul3A_2333 = arith.constant 16 : i32
        %mul3A_2334 = arith.muli %select_n3A_2324, %mul3A_2333 : i32
        %add3A_2335 = vector.broadcast %mul3A_2334 : i32 to vector<16xi32>
        %add3A_2336 = arith.addi %add3A_2335, %and3A_1211 : vector<16xi32>
        %mul3A_2337 = arith.constant 16 : i32
        %mul3A_2338 = arith.muli %select_n3A_2324, %mul3A_2337 : i32
        %add3A_2339 = vector.broadcast %mul3A_2338 : i32 to vector<16xi32>
        %add3A_2340 = arith.addi %add3A_2339, %and3A_1217 : vector<16xi32>
        %mul3A_2341 = arith.constant 16 : i32
        %mul3A_2342 = arith.muli %select_n3A_2324, %mul3A_2341 : i32
        %add3A_2343 = vector.broadcast %mul3A_2342 : i32 to vector<16xi32>
        %add3A_2344 = arith.addi %add3A_2343, %and3A_1223 : vector<16xi32>
        %mul3A_2345 = arith.constant 16 : i32
        %mul3A_2346 = arith.muli %select_n3A_2324, %mul3A_2345 : i32
        %add3A_2347 = vector.broadcast %mul3A_2346 : i32 to vector<16xi32>
        %add3A_2348 = arith.addi %add3A_2347, %and3A_1229 : vector<16xi32>
        %mul3A_2349 = arith.constant 16 : i32
        %mul3A_2350 = arith.muli %select_n3A_2324, %mul3A_2349 : i32
        %add3A_2351 = vector.broadcast %mul3A_2350 : i32 to vector<16xi32>
        %add3A_2352 = arith.addi %add3A_2351, %and3A_1235 : vector<16xi32>
        %mul3A_2353 = arith.constant 16 : i32
        %mul3A_2354 = arith.muli %select_n3A_2324, %mul3A_2353 : i32
        %add3A_2355 = vector.broadcast %mul3A_2354 : i32 to vector<16xi32>
        %add3A_2356 = arith.addi %add3A_2355, %and3A_1241 : vector<16xi32>
        %mul3A_2357 = arith.constant 16 : i32
        %mul3A_2358 = arith.muli %select_n3A_2324, %mul3A_2357 : i32
        %add3A_2359 = vector.broadcast %mul3A_2358 : i32 to vector<16xi32>
        %add3A_2360 = arith.addi %add3A_2359, %and3A_1247 : vector<16xi32>
        %mul3A_2361 = arith.constant 16 : i32
        %mul3A_2362 = arith.muli %select_n3A_2324, %mul3A_2361 : i32
        %add3A_2363 = vector.broadcast %mul3A_2362 : i32 to vector<16xi32>
        %add3A_2364 = arith.addi %add3A_2363, %and3A_1253 : vector<16xi32>
        %mul3A_2365 = arith.constant 16 : i32
        %mul3A_2366 = arith.muli %select_n3A_2324, %mul3A_2365 : i32
        %add3A_2367 = vector.broadcast %mul3A_2366 : i32 to vector<16xi32>
        %add3A_2368 = arith.addi %add3A_2367, %and3A_1259 : vector<16xi32>
        %mul3A_2369 = arith.constant 16 : i32
        %mul3A_2370 = arith.muli %select_n3A_2324, %mul3A_2369 : i32
        %add3A_2371 = vector.broadcast %mul3A_2370 : i32 to vector<16xi32>
        %add3A_2372 = arith.addi %add3A_2371, %and3A_1265 : vector<16xi32>
        %mul3A_2373 = arith.constant 16 : i32
        %mul3A_2374 = arith.muli %select_n3A_2324, %mul3A_2373 : i32
        %add3A_2375 = vector.broadcast %mul3A_2374 : i32 to vector<16xi32>
        %add3A_2376 = arith.addi %add3A_2375, %and3A_1271 : vector<16xi32>
        %mul3A_2377 = arith.constant 16 : i32
        %mul3A_2378 = arith.muli %select_n3A_2324, %mul3A_2377 : i32
        %add3A_2379 = vector.broadcast %mul3A_2378 : i32 to vector<16xi32>
        %add3A_2380 = arith.addi %add3A_2379, %and3A_1277 : vector<16xi32>
        %mul3A_2381 = arith.constant 16 : i32
        %mul3A_2382 = arith.muli %select_n3A_2324, %mul3A_2381 : i32
        %add3A_2383 = vector.broadcast %mul3A_2382 : i32 to vector<16xi32>
        %add3A_2384 = arith.addi %add3A_2383, %and3A_1283 : vector<16xi32>
        %mul3A_2385 = arith.constant 16 : i32
        %mul3A_2386 = arith.muli %select_n3A_2324, %mul3A_2385 : i32
        %add3A_2387 = vector.broadcast %mul3A_2386 : i32 to vector<16xi32>
        %add3A_2388 = arith.addi %add3A_2387, %and3A_1289 : vector<16xi32>
        %mul3A_2389 = arith.constant 16 : i32
        %mul3A_2390 = arith.muli %select_n3A_2324, %mul3A_2389 : i32
        %add3A_2391 = vector.broadcast %mul3A_2390 : i32 to vector<16xi32>
        %add3A_2392 = arith.addi %add3A_2391, %and3A_1295 : vector<16xi32>
        %gather3A = arith.constant 0 : i32
        %gather3A_2393 = arith.constant 0 : i32
        %gather3A_2394 = tpu.memref_slice %arg6[%gather3A, %gather3A_2393] : memref<512x64xf32, #tpu.memory_space<vmem>> -> memref<128x64xf32, #tpu.memory_space<vmem>>
        %gather3A_2395 = tpu.vector_load_idx %gather3A_2394[%add3A_2328, %add3A_2332] : memref<128x64xf32, #tpu.memory_space<vmem>>[vector<16xi32>, vector<16xi32>], vector<16xf32>,
        %mul3A_2396 = arith.constant 8.000000e+00 : f32
        %mul3A_2397 = vector.broadcast %mul3A_2396 : f32 to vector<16xf32>
        %mul3A_2398 = arith.mulf %gather3A_2395, %mul3A_2397 : vector<16xf32>
        %gather3A_2399 = arith.constant 0 : i32
        %gather3A_2400 = arith.constant 0 : i32
        %gather3A_2401 = tpu.memref_slice %arg6[%gather3A_2399, %gather3A_2400] : memref<512x64xf32, #tpu.memory_space<vmem>> -> memref<128x64xf32, #tpu.memory_space<vmem>>
        %gather3A_2402 = tpu.vector_load_idx %gather3A_2401[%add3A_2328, %add3A_2336] : memref<128x64xf32, #tpu.memory_space<vmem>>[vector<16xi32>, vector<16xi32>], vector<16xf32>,
        %mul3A_2403 = arith.constant 8.000000e+00 : f32
        %mul3A_2404 = vector.broadcast %mul3A_2403 : f32 to vector<16xf32>
        %mul3A_2405 = arith.mulf %gather3A_2402, %mul3A_2404 : vector<16xf32>
        %gather3A_2406 = arith.constant 0 : i32
        %gather3A_2407 = arith.constant 0 : i32
        %gather3A_2408 = tpu.memref_slice %arg6[%gather3A_2406, %gather3A_2407] : memref<512x64xf32, #tpu.memory_space<vmem>> -> memref<128x64xf32, #tpu.memory_space<vmem>>
        %gather3A_2409 = tpu.vector_load_idx %gather3A_2408[%add3A_2328, %add3A_2340] : memref<128x64xf32, #tpu.memory_space<vmem>>[vector<16xi32>, vector<16xi32>], vector<16xf32>,
        %mul3A_2410 = arith.constant 8.000000e+00 : f32
        %mul3A_2411 = vector.broadcast %mul3A_2410 : f32 to vector<16xf32>
        %mul3A_2412 = arith.mulf %gather3A_2409, %mul3A_2411 : vector<16xf32>
        %gather3A_2413 = arith.constant 0 : i32
        %gather3A_2414 = arith.constant 0 : i32
        %gather3A_2415 = tpu.memref_slice %arg6[%gather3A_2413, %gather3A_2414] : memref<512x64xf32, #tpu.memory_space<vmem>> -> memref<128x64xf32, #tpu.memory_space<vmem>>
        %gather3A_2416 = tpu.vector_load_idx %gather3A_2415[%add3A_2328, %add3A_2344] : memref<128x64xf32, #tpu.memory_space<vmem>>[vector<16xi32>, vector<16xi32>], vector<16xf32>,
        %mul3A_2417 = arith.constant 8.000000e+00 : f32
        %mul3A_2418 = vector.broadcast %mul3A_2417 : f32 to vector<16xf32>
        %mul3A_2419 = arith.mulf %gather3A_2416, %mul3A_2418 : vector<16xf32>
        %gather3A_2420 = arith.constant 0 : i32
        %gather3A_2421 = arith.constant 0 : i32
        %gather3A_2422 = tpu.memref_slice %arg6[%gather3A_2420, %gather3A_2421] : memref<512x64xf32, #tpu.memory_space<vmem>> -> memref<128x64xf32, #tpu.memory_space<vmem>>
        %gather3A_2423 = tpu.vector_load_idx %gather3A_2422[%add3A_2328, %add3A_2348] : memref<128x64xf32, #tpu.memory_space<vmem>>[vector<16xi32>, vector<16xi32>], vector<16xf32>,
        %mul3A_2424 = arith.constant 8.000000e+00 : f32
        %mul3A_2425 = vector.broadcast %mul3A_2424 : f32 to vector<16xf32>
        %mul3A_2426 = arith.mulf %gather3A_2423, %mul3A_2425 : vector<16xf32>
        %gather3A_2427 = arith.constant 0 : i32
        %gather3A_2428 = arith.constant 0 : i32
        %gather3A_2429 = tpu.memref_slice %arg6[%gather3A_2427, %gather3A_2428] : memref<512x64xf32, #tpu.memory_space<vmem>> -> memref<128x64xf32, #tpu.memory_space<vmem>>
        %gather3A_2430 = tpu.vector_load_idx %gather3A_2429[%add3A_2328, %add3A_2352] : memref<128x64xf32, #tpu.memory_space<vmem>>[vector<16xi32>, vector<16xi32>], vector<16xf32>,
        %mul3A_2431 = arith.constant 8.000000e+00 : f32
        %mul3A_2432 = vector.broadcast %mul3A_2431 : f32 to vector<16xf32>
        %mul3A_2433 = arith.mulf %gather3A_2430, %mul3A_2432 : vector<16xf32>
        %gather3A_2434 = arith.constant 0 : i32
        %gather3A_2435 = arith.constant 0 : i32
        %gather3A_2436 = tpu.memref_slice %arg6[%gather3A_2434, %gather3A_2435] : memref<512x64xf32, #tpu.memory_space<vmem>> -> memref<128x64xf32, #tpu.memory_space<vmem>>
        %gather3A_2437 = tpu.vector_load_idx %gather3A_2436[%add3A_2328, %add3A_2356] : memref<128x64xf32, #tpu.memory_space<vmem>>[vector<16xi32>, vector<16xi32>], vector<16xf32>,
        %mul3A_2438 = arith.constant 8.000000e+00 : f32
        %mul3A_2439 = vector.broadcast %mul3A_2438 : f32 to vector<16xf32>
        %mul3A_2440 = arith.mulf %gather3A_2437, %mul3A_2439 : vector<16xf32>
        %gather3A_2441 = arith.constant 0 : i32
        %gather3A_2442 = arith.constant 0 : i32
        %gather3A_2443 = tpu.memref_slice %arg6[%gather3A_2441, %gather3A_2442] : memref<512x64xf32, #tpu.memory_space<vmem>> -> memref<128x64xf32, #tpu.memory_space<vmem>>
        %gather3A_2444 = tpu.vector_load_idx %gather3A_2443[%add3A_2328, %add3A_2360] : memref<128x64xf32, #tpu.memory_space<vmem>>[vector<16xi32>, vector<16xi32>], vector<16xf32>,
        %mul3A_2445 = arith.constant 8.000000e+00 : f32
        %mul3A_2446 = vector.broadcast %mul3A_2445 : f32 to vector<16xf32>
        %mul3A_2447 = arith.mulf %gather3A_2444, %mul3A_2446 : vector<16xf32>
        %gather3A_2448 = arith.constant 0 : i32
        %gather3A_2449 = arith.constant 0 : i32
        %gather3A_2450 = tpu.memref_slice %arg6[%gather3A_2448, %gather3A_2449] : memref<512x64xf32, #tpu.memory_space<vmem>> -> memref<128x64xf32, #tpu.memory_space<vmem>>
        %gather3A_2451 = tpu.vector_load_idx %gather3A_2450[%add3A_2328, %add3A_2364] : memref<128x64xf32, #tpu.memory_space<vmem>>[vector<16xi32>, vector<16xi32>], vector<16xf32>,
        %mul3A_2452 = arith.constant 8.000000e+00 : f32
        %mul3A_2453 = vector.broadcast %mul3A_2452 : f32 to vector<16xf32>
        %mul3A_2454 = arith.mulf %gather3A_2451, %mul3A_2453 : vector<16xf32>
        %gather3A_2455 = arith.constant 0 : i32
        %gather3A_2456 = arith.constant 0 : i32
        %gather3A_2457 = tpu.memref_slice %arg6[%gather3A_2455, %gather3A_2456] : memref<512x64xf32, #tpu.memory_space<vmem>> -> memref<128x64xf32, #tpu.memory_space<vmem>>
        %gather3A_2458 = tpu.vector_load_idx %gather3A_2457[%add3A_2328, %add3A_2368] : memref<128x64xf32, #tpu.memory_space<vmem>>[vector<16xi32>, vector<16xi32>], vector<16xf32>,
        %mul3A_2459 = arith.constant 8.000000e+00 : f32
        %mul3A_2460 = vector.broadcast %mul3A_2459 : f32 to vector<16xf32>
        %mul3A_2461 = arith.mulf %gather3A_2458, %mul3A_2460 : vector<16xf32>
        %gather3A_2462 = arith.constant 0 : i32
        %gather3A_2463 = arith.constant 0 : i32
        %gather3A_2464 = tpu.memref_slice %arg6[%gather3A_2462, %gather3A_2463] : memref<512x64xf32, #tpu.memory_space<vmem>> -> memref<128x64xf32, #tpu.memory_space<vmem>>
        %gather3A_2465 = tpu.vector_load_idx %gather3A_2464[%add3A_2328, %add3A_2372] : memref<128x64xf32, #tpu.memory_space<vmem>>[vector<16xi32>, vector<16xi32>], vector<16xf32>,
        %mul3A_2466 = arith.constant 8.000000e+00 : f32
        %mul3A_2467 = vector.broadcast %mul3A_2466 : f32 to vector<16xf32>
        %mul3A_2468 = arith.mulf %gather3A_2465, %mul3A_2467 : vector<16xf32>
        %gather3A_2469 = arith.constant 0 : i32
        %gather3A_2470 = arith.constant 0 : i32
        %gather3A_2471 = tpu.memref_slice %arg6[%gather3A_2469, %gather3A_2470] : memref<512x64xf32, #tpu.memory_space<vmem>> -> memref<128x64xf32, #tpu.memory_space<vmem>>
        %gather3A_2472 = tpu.vector_load_idx %gather3A_2471[%add3A_2328, %add3A_2376] : memref<128x64xf32, #tpu.memory_space<vmem>>[vector<16xi32>, vector<16xi32>], vector<16xf32>,
        %mul3A_2473 = arith.constant 8.000000e+00 : f32
        %mul3A_2474 = vector.broadcast %mul3A_2473 : f32 to vector<16xf32>
        %mul3A_2475 = arith.mulf %gather3A_2472, %mul3A_2474 : vector<16xf32>
        %gather3A_2476 = arith.constant 0 : i32
        %gather3A_2477 = arith.constant 0 : i32
        %gather3A_2478 = tpu.memref_slice %arg6[%gather3A_2476, %gather3A_2477] : memref<512x64xf32, #tpu.memory_space<vmem>> -> memref<128x64xf32, #tpu.memory_space<vmem>>
        %gather3A_2479 = tpu.vector_load_idx %gather3A_2478[%add3A_2328, %add3A_2380] : memref<128x64xf32, #tpu.memory_space<vmem>>[vector<16xi32>, vector<16xi32>], vector<16xf32>,
        %mul3A_2480 = arith.constant 8.000000e+00 : f32
        %mul3A_2481 = vector.broadcast %mul3A_2480 : f32 to vector<16xf32>
        %mul3A_2482 = arith.mulf %gather3A_2479, %mul3A_2481 : vector<16xf32>
        %gather3A_2483 = arith.constant 0 : i32
        %gather3A_2484 = arith.constant 0 : i32
        %gather3A_2485 = tpu.memref_slice %arg6[%gather3A_2483, %gather3A_2484] : memref<512x64xf32, #tpu.memory_space<vmem>> -> memref<128x64xf32, #tpu.memory_space<vmem>>
        %gather3A_2486 = tpu.vector_load_idx %gather3A_2485[%add3A_2328, %add3A_2384] : memref<128x64xf32, #tpu.memory_space<vmem>>[vector<16xi32>, vector<16xi32>], vector<16xf32>,
        %mul3A_2487 = arith.constant 8.000000e+00 : f32
        %mul3A_2488 = vector.broadcast %mul3A_2487 : f32 to vector<16xf32>
        %mul3A_2489 = arith.mulf %gather3A_2486, %mul3A_2488 : vector<16xf32>
        %gather3A_2490 = arith.constant 0 : i32
        %gather3A_2491 = arith.constant 0 : i32
        %gather3A_2492 = tpu.memref_slice %arg6[%gather3A_2490, %gather3A_2491] : memref<512x64xf32, #tpu.memory_space<vmem>> -> memref<128x64xf32, #tpu.memory_space<vmem>>
        %gather3A_2493 = tpu.vector_load_idx %gather3A_2492[%add3A_2328, %add3A_2388] : memref<128x64xf32, #tpu.memory_space<vmem>>[vector<16xi32>, vector<16xi32>], vector<16xf32>,
        %mul3A_2494 = arith.constant 8.000000e+00 : f32
        %mul3A_2495 = vector.broadcast %mul3A_2494 : f32 to vector<16xf32>
        %mul3A_2496 = arith.mulf %gather3A_2493, %mul3A_2495 : vector<16xf32>
        %gather3A_2497 = arith.constant 0 : i32
        %gather3A_2498 = arith.constant 0 : i32
        %gather3A_2499 = tpu.memref_slice %arg6[%gather3A_2497, %gather3A_2498] : memref<512x64xf32, #tpu.memory_space<vmem>> -> memref<128x64xf32, #tpu.memory_space<vmem>>
        %gather3A_2500 = tpu.vector_load_idx %gather3A_2499[%add3A_2328, %add3A_2392] : memref<128x64xf32, #tpu.memory_space<vmem>>[vector<16xi32>, vector<16xi32>], vector<16xf32>,
        %mul3A_2501 = arith.constant 8.000000e+00 : f32
        %mul3A_2502 = vector.broadcast %mul3A_2501 : f32 to vector<16xf32>
        %mul3A_2503 = arith.mulf %gather3A_2500, %mul3A_2502 : vector<16xf32>
        %scatter3A = arith.constant 0 : i32
        %scatter3A_2504 = arith.constant 0 : i32
        %scatter3A_2505 = tpu.memref_slice %arg7[%scatter3A, %scatter3A_2504] : memref<256x128xf32, #tpu.memory_space<vmem>> -> memref<64x128xf32, #tpu.memory_space<vmem>>
        tpu.vector_store_idx %scatter3A_2505[%add3A_2332, %add3A_2328], %mul3A_2398 : memref<64x128xf32, #tpu.memory_space<vmem>>[vector<16xi32>, vector<16xi32>], vector<16xf32>,
        %scatter3A_2506 = arith.constant 0 : i32
        %scatter3A_2507 = arith.constant 0 : i32
        %scatter3A_2508 = tpu.memref_slice %arg7[%scatter3A_2506, %scatter3A_2507] : memref<256x128xf32, #tpu.memory_space<vmem>> -> memref<64x128xf32, #tpu.memory_space<vmem>>
        tpu.vector_store_idx %scatter3A_2508[%add3A_2336, %add3A_2328], %mul3A_2405 : memref<64x128xf32, #tpu.memory_space<vmem>>[vector<16xi32>, vector<16xi32>], vector<16xf32>,
        %scatter3A_2509 = arith.constant 0 : i32
        %scatter3A_2510 = arith.constant 0 : i32
        %scatter3A_2511 = tpu.memref_slice %arg7[%scatter3A_2509, %scatter3A_2510] : memref<256x128xf32, #tpu.memory_space<vmem>> -> memref<64x128xf32, #tpu.memory_space<vmem>>
        tpu.vector_store_idx %scatter3A_2511[%add3A_2340, %add3A_2328], %mul3A_2412 : memref<64x128xf32, #tpu.memory_space<vmem>>[vector<16xi32>, vector<16xi32>], vector<16xf32>,
        %scatter3A_2512 = arith.constant 0 : i32
        %scatter3A_2513 = arith.constant 0 : i32
        %scatter3A_2514 = tpu.memref_slice %arg7[%scatter3A_2512, %scatter3A_2513] : memref<256x128xf32, #tpu.memory_space<vmem>> -> memref<64x128xf32, #tpu.memory_space<vmem>>
        tpu.vector_store_idx %scatter3A_2514[%add3A_2344, %add3A_2328], %mul3A_2419 : memref<64x128xf32, #tpu.memory_space<vmem>>[vector<16xi32>, vector<16xi32>], vector<16xf32>,
        %scatter3A_2515 = arith.constant 0 : i32
        %scatter3A_2516 = arith.constant 0 : i32
        %scatter3A_2517 = tpu.memref_slice %arg7[%scatter3A_2515, %scatter3A_2516] : memref<256x128xf32, #tpu.memory_space<vmem>> -> memref<64x128xf32, #tpu.memory_space<vmem>>
        tpu.vector_store_idx %scatter3A_2517[%add3A_2348, %add3A_2328], %mul3A_2426 : memref<64x128xf32, #tpu.memory_space<vmem>>[vector<16xi32>, vector<16xi32>], vector<16xf32>,
        %scatter3A_2518 = arith.constant 0 : i32
        %scatter3A_2519 = arith.constant 0 : i32
        %scatter3A_2520 = tpu.memref_slice %arg7[%scatter3A_2518, %scatter3A_2519] : memref<256x128xf32, #tpu.memory_space<vmem>> -> memref<64x128xf32, #tpu.memory_space<vmem>>
        tpu.vector_store_idx %scatter3A_2520[%add3A_2352, %add3A_2328], %mul3A_2433 : memref<64x128xf32, #tpu.memory_space<vmem>>[vector<16xi32>, vector<16xi32>], vector<16xf32>,
        %scatter3A_2521 = arith.constant 0 : i32
        %scatter3A_2522 = arith.constant 0 : i32
        %scatter3A_2523 = tpu.memref_slice %arg7[%scatter3A_2521, %scatter3A_2522] : memref<256x128xf32, #tpu.memory_space<vmem>> -> memref<64x128xf32, #tpu.memory_space<vmem>>
        tpu.vector_store_idx %scatter3A_2523[%add3A_2356, %add3A_2328], %mul3A_2440 : memref<64x128xf32, #tpu.memory_space<vmem>>[vector<16xi32>, vector<16xi32>], vector<16xf32>,
        %scatter3A_2524 = arith.constant 0 : i32
        %scatter3A_2525 = arith.constant 0 : i32
        %scatter3A_2526 = tpu.memref_slice %arg7[%scatter3A_2524, %scatter3A_2525] : memref<256x128xf32, #tpu.memory_space<vmem>> -> memref<64x128xf32, #tpu.memory_space<vmem>>
        tpu.vector_store_idx %scatter3A_2526[%add3A_2360, %add3A_2328], %mul3A_2447 : memref<64x128xf32, #tpu.memory_space<vmem>>[vector<16xi32>, vector<16xi32>], vector<16xf32>,
        %scatter3A_2527 = arith.constant 0 : i32
        %scatter3A_2528 = arith.constant 0 : i32
        %scatter3A_2529 = tpu.memref_slice %arg7[%scatter3A_2527, %scatter3A_2528] : memref<256x128xf32, #tpu.memory_space<vmem>> -> memref<64x128xf32, #tpu.memory_space<vmem>>
        tpu.vector_store_idx %scatter3A_2529[%add3A_2364, %add3A_2328], %mul3A_2454 : memref<64x128xf32, #tpu.memory_space<vmem>>[vector<16xi32>, vector<16xi32>], vector<16xf32>,
        %scatter3A_2530 = arith.constant 0 : i32
        %scatter3A_2531 = arith.constant 0 : i32
        %scatter3A_2532 = tpu.memref_slice %arg7[%scatter3A_2530, %scatter3A_2531] : memref<256x128xf32, #tpu.memory_space<vmem>> -> memref<64x128xf32, #tpu.memory_space<vmem>>
        tpu.vector_store_idx %scatter3A_2532[%add3A_2368, %add3A_2328], %mul3A_2461 : memref<64x128xf32, #tpu.memory_space<vmem>>[vector<16xi32>, vector<16xi32>], vector<16xf32>,
        %scatter3A_2533 = arith.constant 0 : i32
        %scatter3A_2534 = arith.constant 0 : i32
        %scatter3A_2535 = tpu.memref_slice %arg7[%scatter3A_2533, %scatter3A_2534] : memref<256x128xf32, #tpu.memory_space<vmem>> -> memref<64x128xf32, #tpu.memory_space<vmem>>
        tpu.vector_store_idx %scatter3A_2535[%add3A_2372, %add3A_2328], %mul3A_2468 : memref<64x128xf32, #tpu.memory_space<vmem>>[vector<16xi32>, vector<16xi32>], vector<16xf32>,
        %scatter3A_2536 = arith.constant 0 : i32
        %scatter3A_2537 = arith.constant 0 : i32
        %scatter3A_2538 = tpu.memref_slice %arg7[%scatter3A_2536, %scatter3A_2537] : memref<256x128xf32, #tpu.memory_space<vmem>> -> memref<64x128xf32, #tpu.memory_space<vmem>>
        tpu.vector_store_idx %scatter3A_2538[%add3A_2376, %add3A_2328], %mul3A_2475 : memref<64x128xf32, #tpu.memory_space<vmem>>[vector<16xi32>, vector<16xi32>], vector<16xf32>,
        %scatter3A_2539 = arith.constant 0 : i32
        %scatter3A_2540 = arith.constant 0 : i32
        %scatter3A_2541 = tpu.memref_slice %arg7[%scatter3A_2539, %scatter3A_2540] : memref<256x128xf32, #tpu.memory_space<vmem>> -> memref<64x128xf32, #tpu.memory_space<vmem>>
        tpu.vector_store_idx %scatter3A_2541[%add3A_2380, %add3A_2328], %mul3A_2482 : memref<64x128xf32, #tpu.memory_space<vmem>>[vector<16xi32>, vector<16xi32>], vector<16xf32>,
        %scatter3A_2542 = arith.constant 0 : i32
        %scatter3A_2543 = arith.constant 0 : i32
        %scatter3A_2544 = tpu.memref_slice %arg7[%scatter3A_2542, %scatter3A_2543] : memref<256x128xf32, #tpu.memory_space<vmem>> -> memref<64x128xf32, #tpu.memory_space<vmem>>
        tpu.vector_store_idx %scatter3A_2544[%add3A_2384, %add3A_2328], %mul3A_2489 : memref<64x128xf32, #tpu.memory_space<vmem>>[vector<16xi32>, vector<16xi32>], vector<16xf32>,
        %scatter3A_2545 = arith.constant 0 : i32
        %scatter3A_2546 = arith.constant 0 : i32
        %scatter3A_2547 = tpu.memref_slice %arg7[%scatter3A_2545, %scatter3A_2546] : memref<256x128xf32, #tpu.memory_space<vmem>> -> memref<64x128xf32, #tpu.memory_space<vmem>>
        tpu.vector_store_idx %scatter3A_2547[%add3A_2388, %add3A_2328], %mul3A_2496 : memref<64x128xf32, #tpu.memory_space<vmem>>[vector<16xi32>, vector<16xi32>], vector<16xf32>,
        %scatter3A_2548 = arith.constant 0 : i32
        %scatter3A_2549 = arith.constant 0 : i32
        %scatter3A_2550 = tpu.memref_slice %arg7[%scatter3A_2548, %scatter3A_2549] : memref<256x128xf32, #tpu.memory_space<vmem>> -> memref<64x128xf32, #tpu.memory_space<vmem>>
        tpu.vector_store_idx %scatter3A_2550[%add3A_2392, %add3A_2328], %mul3A_2503 : memref<64x128xf32, #tpu.memory_space<vmem>>[vector<16xi32>, vector<16xi32>], vector<16xf32>,
      }
      %scan3A_1529 = arith.constant 32 : i32
      %jit3A_1530 = arith.constant 4 : i32
      %div3A_1531 = arith.divsi %add3A_1500, %jit3A_1530 : i32
      %sign3A_1532 = arith.constant 0 : i32
      %sign3A_1533 = arith.cmpi sgt, %add3A_1500, %sign3A_1532 : i32
      %sign3A_1534 = arith.extui %sign3A_1533 : i1 to i32
      %sign3A_1535 = arith.constant 0 : i32
      %sign3A_1536 = arith.cmpi slt, %add3A_1500, %sign3A_1535 : i32
      %sign3A_1537 = arith.extui %sign3A_1536 : i1 to i32
      %sign3A_1538 = arith.subi %sign3A_1534, %sign3A_1537 : i32
      %sign3A_1539 = arith.constant 0 : i32
      %sign3A_1540 = arith.cmpi sgt, %jit3A_1530, %sign3A_1539 : i32
      %sign3A_1541 = arith.extui %sign3A_1540 : i1 to i32
      %sign3A_1542 = arith.constant 0 : i32
      %sign3A_1543 = arith.cmpi slt, %jit3A_1530, %sign3A_1542 : i32
      %sign3A_1544 = arith.extui %sign3A_1543 : i1 to i32
      %sign3A_1545 = arith.subi %sign3A_1541, %sign3A_1544 : i32
      %ne3A_1546 = arith.cmpi ne, %sign3A_1538, %sign3A_1545 : i32
      %rem3A_1547 = arith.remsi %add3A_1500, %jit3A_1530 : i32
      %ne3A_1548 = arith.constant 0 : i32
      %ne3A_1549 = arith.cmpi ne, %rem3A_1547, %ne3A_1548 : i32
      %and3A_1550 = arith.andi %ne3A_1546, %ne3A_1549 : i1
      %sub3A_1551 = arith.constant 1 : i32
      %sub3A_1552 = arith.subi %div3A_1531, %sub3A_1551 : i32
      %select_n3A_1553 = arith.select %and3A_1550, %sub3A_1552, %div3A_1531 : i32
      %mul3A_1554 = arith.constant 4 : i32
      %mul3A_1555 = arith.muli %add3A, %mul3A_1554 : i32
      %jit3A_1556 = arith.constant 4 : i32
      %eq3A_1557 = arith.constant 0 : i32
      %eq3A_1558 = arith.cmpi eq, %jit3A_1556, %eq3A_1557 : i32
      %jit3A_1559 = arith.constant 1 : i32
      %select_n3A_1560 = arith.select %eq3A_1558, %jit3A_1559, %jit3A_1556 : i32
      %rem3A_1561 = arith.remsi %add3A_1500, %select_n3A_1560 : i32
      %ne3A_1562 = arith.constant 0 : i32
      %ne3A_1563 = arith.cmpi ne, %rem3A_1561, %ne3A_1562 : i32
      %lt3A_1564 = arith.constant 0 : i32
      %lt3A_1565 = arith.cmpi slt, %rem3A_1561, %lt3A_1564 : i32
      %lt3A_1566 = arith.constant 0 : i32
      %lt3A_1567 = arith.cmpi slt, %select_n3A_1560, %lt3A_1566 : i32
      %ne3A_1568 = arith.xori %lt3A_1565, %lt3A_1567 : i1
      %and3A_1569 = arith.andi %ne3A_1568, %ne3A_1563 : i1
      %add3A_1570 = arith.addi %rem3A_1561, %select_n3A_1560 : i32
      %select_n3A_1571 = arith.select %and3A_1569, %add3A_1570, %rem3A_1561 : i32
      %add3A_1572 = arith.addi %mul3A_1555, %select_n3A_1571 : i32
      %dma_start3A_1573 = arith.constant 0 : i32
      %dma_start3A_1574 = arith.constant 0 : i32
      %dma_start3A_1575 = arith.constant 0 : i32
      %dma_start3A_1576 = tpu.memref_slice %arg7[%dma_start3A_1574, %dma_start3A_1575] : memref<256x128xf32, #tpu.memory_space<vmem>> -> memref<8x128xf32, #tpu.memory_space<vmem>>
      %dma_start3A_1577 = arith.constant 0 : i32
      %dma_start3A_1578 = arith.constant 0 : i32
      %dma_start3A_1579 = tpu.memref_slice %arg4[%select_n3A_1553, %dma_start3A_1573, %add3A_1572, %dma_start3A_1577, %dma_start3A_1578] : memref<50x8x128x8x128xf32, #tpu.memory_space<hbm>> -> memref<1x1x1x8x128xf32, #tpu.memory_space<hbm>>
      %dma_start3A_1580 = tpu.memref_squeeze %dma_start3A_1579 : memref<1x1x1x8x128xf32, #tpu.memory_space<hbm>> -> memref<8x128xf32, #tpu.memory_space<hbm>>
      %dma_start3A_1581 = arith.constant 0 : i32
      %dma_start3A_1582 = arith.constant 0 : i32
      %dma_start3A_1583 = tpu.memref_slice %arg4[%select_n3A_1553, %dma_start3A_1573, %add3A_1572, %dma_start3A_1581, %dma_start3A_1582] : memref<50x8x128x8x128xf32, #tpu.memory_space<hbm>> -> memref<1x1x1x8x128xf32, #tpu.memory_space<hbm>>
      %dma_start3A_1584 = tpu.memref_squeeze %dma_start3A_1583 : memref<1x1x1x8x128xf32, #tpu.memory_space<hbm>> -> memref<8x128xf32, #tpu.memory_space<hbm>>
      %dma_start3A_1585 = arith.constant 0 : i32
      %dma_start3A_1586 = arith.constant 0 : i32
      %dma_start3A_1587 = tpu.memref_slice %arg7[%dma_start3A_1585, %dma_start3A_1586] : memref<256x128xf32, #tpu.memory_space<vmem>> -> memref<8x128xf32, #tpu.memory_space<vmem>>
      tpu.enqueue_dma source(%dma_start3A_1587 : memref<8x128xf32, #tpu.memory_space<vmem>>) target(%dma_start3A_1584 : memref<8x128xf32, #tpu.memory_space<hbm>>) target_semaphore(%arg13 : memref<!tpu.dma_semaphore, #tpu.memory_space<semaphore_mem>>)
      %dma_start3A_1588 = arith.constant 1 : i32
      %dma_start3A_1589 = arith.constant 8 : i32
      %dma_start3A_1590 = arith.constant 0 : i32
      %dma_start3A_1591 = tpu.memref_slice %arg7[%dma_start3A_1589, %dma_start3A_1590] : memref<256x128xf32, #tpu.memory_space<vmem>> -> memref<8x128xf32, #tpu.memory_space<vmem>>
      %dma_start3A_1592 = arith.constant 0 : i32
      %dma_start3A_1593 = arith.constant 0 : i32
      %dma_start3A_1594 = tpu.memref_slice %arg4[%select_n3A_1553, %dma_start3A_1588, %add3A_1572, %dma_start3A_1592, %dma_start3A_1593] : memref<50x8x128x8x128xf32, #tpu.memory_space<hbm>> -> memref<1x1x1x8x128xf32, #tpu.memory_space<hbm>>
      %dma_start3A_1595 = tpu.memref_squeeze %dma_start3A_1594 : memref<1x1x1x8x128xf32, #tpu.memory_space<hbm>> -> memref<8x128xf32, #tpu.memory_space<hbm>>
      %dma_start3A_1596 = arith.constant 0 : i32
      %dma_start3A_1597 = arith.constant 0 : i32
      %dma_start3A_1598 = tpu.memref_slice %arg4[%select_n3A_1553, %dma_start3A_1588, %add3A_1572, %dma_start3A_1596, %dma_start3A_1597] : memref<50x8x128x8x128xf32, #tpu.memory_space<hbm>> -> memref<1x1x1x8x128xf32, #tpu.memory_space<hbm>>
      %dma_start3A_1599 = tpu.memref_squeeze %dma_start3A_1598 : memref<1x1x1x8x128xf32, #tpu.memory_space<hbm>> -> memref<8x128xf32, #tpu.memory_space<hbm>>
      %dma_start3A_1600 = arith.constant 8 : i32
      %dma_start3A_1601 = arith.constant 0 : i32
      %dma_start3A_1602 = tpu.memref_slice %arg7[%dma_start3A_1600, %dma_start3A_1601] : memref<256x128xf32, #tpu.memory_space<vmem>> -> memref<8x128xf32, #tpu.memory_space<vmem>>
      tpu.enqueue_dma source(%dma_start3A_1602 : memref<8x128xf32, #tpu.memory_space<vmem>>) target(%dma_start3A_1599 : memref<8x128xf32, #tpu.memory_space<hbm>>) target_semaphore(%arg13 : memref<!tpu.dma_semaphore, #tpu.memory_space<semaphore_mem>>)
      %dma_start3A_1603 = arith.constant 2 : i32
      %dma_start3A_1604 = arith.constant 16 : i32
      %dma_start3A_1605 = arith.constant 0 : i32
      %dma_start3A_1606 = tpu.memref_slice %arg7[%dma_start3A_1604, %dma_start3A_1605] : memref<256x128xf32, #tpu.memory_space<vmem>> -> memref<8x128xf32, #tpu.memory_space<vmem>>
      %dma_start3A_1607 = arith.constant 0 : i32
      %dma_start3A_1608 = arith.constant 0 : i32
      %dma_start3A_1609 = tpu.memref_slice %arg4[%select_n3A_1553, %dma_start3A_1603, %add3A_1572, %dma_start3A_1607, %dma_start3A_1608] : memref<50x8x128x8x128xf32, #tpu.memory_space<hbm>> -> memref<1x1x1x8x128xf32, #tpu.memory_space<hbm>>
      %dma_start3A_1610 = tpu.memref_squeeze %dma_start3A_1609 : memref<1x1x1x8x128xf32, #tpu.memory_space<hbm>> -> memref<8x128xf32, #tpu.memory_space<hbm>>
      %dma_start3A_1611 = arith.constant 0 : i32
      %dma_start3A_1612 = arith.constant 0 : i32
      %dma_start3A_1613 = tpu.memref_slice %arg4[%select_n3A_1553, %dma_start3A_1603, %add3A_1572, %dma_start3A_1611, %dma_start3A_1612] : memref<50x8x128x8x128xf32, #tpu.memory_space<hbm>> -> memref<1x1x1x8x128xf32, #tpu.memory_space<hbm>>
      %dma_start3A_1614 = tpu.memref_squeeze %dma_start3A_1613 : memref<1x1x1x8x128xf32, #tpu.memory_space<hbm>> -> memref<8x128xf32, #tpu.memory_space<hbm>>
      %dma_start3A_1615 = arith.constant 16 : i32
      %dma_start3A_1616 = arith.constant 0 : i32
      %dma_start3A_1617 = tpu.memref_slice %arg7[%dma_start3A_1615, %dma_start3A_1616] : memref<256x128xf32, #tpu.memory_space<vmem>> -> memref<8x128xf32, #tpu.memory_space<vmem>>
      tpu.enqueue_dma source(%dma_start3A_1617 : memref<8x128xf32, #tpu.memory_space<vmem>>) target(%dma_start3A_1614 : memref<8x128xf32, #tpu.memory_space<hbm>>) target_semaphore(%arg13 : memref<!tpu.dma_semaphore, #tpu.memory_space<semaphore_mem>>)
      %dma_start3A_1618 = arith.constant 3 : i32
      %dma_start3A_1619 = arith.constant 24 : i32
      %dma_start3A_1620 = arith.constant 0 : i32
      %dma_start3A_1621 = tpu.memref_slice %arg7[%dma_start3A_1619, %dma_start3A_1620] : memref<256x128xf32, #tpu.memory_space<vmem>> -> memref<8x128xf32, #tpu.memory_space<vmem>>
      %dma_start3A_1622 = arith.constant 0 : i32
      %dma_start3A_1623 = arith.constant 0 : i32
      %dma_start3A_1624 = tpu.memref_slice %arg4[%select_n3A_1553, %dma_start3A_1618, %add3A_1572, %dma_start3A_1622, %dma_start3A_1623] : memref<50x8x128x8x128xf32, #tpu.memory_space<hbm>> -> memref<1x1x1x8x128xf32, #tpu.memory_space<hbm>>
      %dma_start3A_1625 = tpu.memref_squeeze %dma_start3A_1624 : memref<1x1x1x8x128xf32, #tpu.memory_space<hbm>> -> memref<8x128xf32, #tpu.memory_space<hbm>>
      %dma_start3A_1626 = arith.constant 0 : i32
      %dma_start3A_1627 = arith.constant 0 : i32
      %dma_start3A_1628 = tpu.memref_slice %arg4[%select_n3A_1553, %dma_start3A_1618, %add3A_1572, %dma_start3A_1626, %dma_start3A_1627] : memref<50x8x128x8x128xf32, #tpu.memory_space<hbm>> -> memref<1x1x1x8x128xf32, #tpu.memory_space<hbm>>
      %dma_start3A_1629 = tpu.memref_squeeze %dma_start3A_1628 : memref<1x1x1x8x128xf32, #tpu.memory_space<hbm>> -> memref<8x128xf32, #tpu.memory_space<hbm>>
      %dma_start3A_1630 = arith.constant 24 : i32
      %dma_start3A_1631 = arith.constant 0 : i32
      %dma_start3A_1632 = tpu.memref_slice %arg7[%dma_start3A_1630, %dma_start3A_1631] : memref<256x128xf32, #tpu.memory_space<vmem>> -> memref<8x128xf32, #tpu.memory_space<vmem>>
      tpu.enqueue_dma source(%dma_start3A_1632 : memref<8x128xf32, #tpu.memory_space<vmem>>) target(%dma_start3A_1629 : memref<8x128xf32, #tpu.memory_space<hbm>>) target_semaphore(%arg13 : memref<!tpu.dma_semaphore, #tpu.memory_space<semaphore_mem>>)
      %dma_start3A_1633 = arith.constant 4 : i32
      %dma_start3A_1634 = arith.constant 32 : i32
      %dma_start3A_1635 = arith.constant 0 : i32
      %dma_start3A_1636 = tpu.memref_slice %arg7[%dma_start3A_1634, %dma_start3A_1635] : memref<256x128xf32, #tpu.memory_space<vmem>> -> memref<8x128xf32, #tpu.memory_space<vmem>>
      %dma_start3A_1637 = arith.constant 0 : i32
      %dma_start3A_1638 = arith.constant 0 : i32
      %dma_start3A_1639 = tpu.memref_slice %arg4[%select_n3A_1553, %dma_start3A_1633, %add3A_1572, %dma_start3A_1637, %dma_start3A_1638] : memref<50x8x128x8x128xf32, #tpu.memory_space<hbm>> -> memref<1x1x1x8x128xf32, #tpu.memory_space<hbm>>
      %dma_start3A_1640 = tpu.memref_squeeze %dma_start3A_1639 : memref<1x1x1x8x128xf32, #tpu.memory_space<hbm>> -> memref<8x128xf32, #tpu.memory_space<hbm>>
      %dma_start3A_1641 = arith.constant 0 : i32
      %dma_start3A_1642 = arith.constant 0 : i32
      %dma_start3A_1643 = tpu.memref_slice %arg4[%select_n3A_1553, %dma_start3A_1633, %add3A_1572, %dma_start3A_1641, %dma_start3A_1642] : memref<50x8x128x8x128xf32, #tpu.memory_space<hbm>> -> memref<1x1x1x8x128xf32, #tpu.memory_space<hbm>>
      %dma_start3A_1644 = tpu.memref_squeeze %dma_start3A_1643 : memref<1x1x1x8x128xf32, #tpu.memory_space<hbm>> -> memref<8x128xf32, #tpu.memory_space<hbm>>
      %dma_start3A_1645 = arith.constant 32 : i32
      %dma_start3A_1646 = arith.constant 0 : i32
      %dma_start3A_1647 = tpu.memref_slice %arg7[%dma_start3A_1645, %dma_start3A_1646] : memref<256x128xf32, #tpu.memory_space<vmem>> -> memref<8x128xf32, #tpu.memory_space<vmem>>
      tpu.enqueue_dma source(%dma_start3A_1647 : memref<8x128xf32, #tpu.memory_space<vmem>>) target(%dma_start3A_1644 : memref<8x128xf32, #tpu.memory_space<hbm>>) target_semaphore(%arg13 : memref<!tpu.dma_semaphore, #tpu.memory_space<semaphore_mem>>)
      %dma_start3A_1648 = arith.constant 5 : i32
      %dma_start3A_1649 = arith.constant 40 : i32
      %dma_start3A_1650 = arith.constant 0 : i32
      %dma_start3A_1651 = tpu.memref_slice %arg7[%dma_start3A_1649, %dma_start3A_1650] : memref<256x128xf32, #tpu.memory_space<vmem>> -> memref<8x128xf32, #tpu.memory_space<vmem>>
      %dma_start3A_1652 = arith.constant 0 : i32
      %dma_start3A_1653 = arith.constant 0 : i32
      %dma_start3A_1654 = tpu.memref_slice %arg4[%select_n3A_1553, %dma_start3A_1648, %add3A_1572, %dma_start3A_1652, %dma_start3A_1653] : memref<50x8x128x8x128xf32, #tpu.memory_space<hbm>> -> memref<1x1x1x8x128xf32, #tpu.memory_space<hbm>>
      %dma_start3A_1655 = tpu.memref_squeeze %dma_start3A_1654 : memref<1x1x1x8x128xf32, #tpu.memory_space<hbm>> -> memref<8x128xf32, #tpu.memory_space<hbm>>
      %dma_start3A_1656 = arith.constant 0 : i32
      %dma_start3A_1657 = arith.constant 0 : i32
      %dma_start3A_1658 = tpu.memref_slice %arg4[%select_n3A_1553, %dma_start3A_1648, %add3A_1572, %dma_start3A_1656, %dma_start3A_1657] : memref<50x8x128x8x128xf32, #tpu.memory_space<hbm>> -> memref<1x1x1x8x128xf32, #tpu.memory_space<hbm>>
      %dma_start3A_1659 = tpu.memref_squeeze %dma_start3A_1658 : memref<1x1x1x8x128xf32, #tpu.memory_space<hbm>> -> memref<8x128xf32, #tpu.memory_space<hbm>>
      %dma_start3A_1660 = arith.constant 40 : i32
      %dma_start3A_1661 = arith.constant 0 : i32
      %dma_start3A_1662 = tpu.memref_slice %arg7[%dma_start3A_1660, %dma_start3A_1661] : memref<256x128xf32, #tpu.memory_space<vmem>> -> memref<8x128xf32, #tpu.memory_space<vmem>>
      tpu.enqueue_dma source(%dma_start3A_1662 : memref<8x128xf32, #tpu.memory_space<vmem>>) target(%dma_start3A_1659 : memref<8x128xf32, #tpu.memory_space<hbm>>) target_semaphore(%arg13 : memref<!tpu.dma_semaphore, #tpu.memory_space<semaphore_mem>>)
      %dma_start3A_1663 = arith.constant 6 : i32
      %dma_start3A_1664 = arith.constant 48 : i32
      %dma_start3A_1665 = arith.constant 0 : i32
      %dma_start3A_1666 = tpu.memref_slice %arg7[%dma_start3A_1664, %dma_start3A_1665] : memref<256x128xf32, #tpu.memory_space<vmem>> -> memref<8x128xf32, #tpu.memory_space<vmem>>
      %dma_start3A_1667 = arith.constant 0 : i32
      %dma_start3A_1668 = arith.constant 0 : i32
      %dma_start3A_1669 = tpu.memref_slice %arg4[%select_n3A_1553, %dma_start3A_1663, %add3A_1572, %dma_start3A_1667, %dma_start3A_1668] : memref<50x8x128x8x128xf32, #tpu.memory_space<hbm>> -> memref<1x1x1x8x128xf32, #tpu.memory_space<hbm>>
      %dma_start3A_1670 = tpu.memref_squeeze %dma_start3A_1669 : memref<1x1x1x8x128xf32, #tpu.memory_space<hbm>> -> memref<8x128xf32, #tpu.memory_space<hbm>>
      %dma_start3A_1671 = arith.constant 0 : i32
      %dma_start3A_1672 = arith.constant 0 : i32
      %dma_start3A_1673 = tpu.memref_slice %arg4[%select_n3A_1553, %dma_start3A_1663, %add3A_1572, %dma_start3A_1671, %dma_start3A_1672] : memref<50x8x128x8x128xf32, #tpu.memory_space<hbm>> -> memref<1x1x1x8x128xf32, #tpu.memory_space<hbm>>
      %dma_start3A_1674 = tpu.memref_squeeze %dma_start3A_1673 : memref<1x1x1x8x128xf32, #tpu.memory_space<hbm>> -> memref<8x128xf32, #tpu.memory_space<hbm>>
      %dma_start3A_1675 = arith.constant 48 : i32
      %dma_start3A_1676 = arith.constant 0 : i32
      %dma_start3A_1677 = tpu.memref_slice %arg7[%dma_start3A_1675, %dma_start3A_1676] : memref<256x128xf32, #tpu.memory_space<vmem>> -> memref<8x128xf32, #tpu.memory_space<vmem>>
      tpu.enqueue_dma source(%dma_start3A_1677 : memref<8x128xf32, #tpu.memory_space<vmem>>) target(%dma_start3A_1674 : memref<8x128xf32, #tpu.memory_space<hbm>>) target_semaphore(%arg13 : memref<!tpu.dma_semaphore, #tpu.memory_space<semaphore_mem>>)
      %dma_start3A_1678 = arith.constant 7 : i32
      %dma_start3A_1679 = arith.constant 56 : i32
      %dma_start3A_1680 = arith.constant 0 : i32
      %dma_start3A_1681 = tpu.memref_slice %arg7[%dma_start3A_1679, %dma_start3A_1680] : memref<256x128xf32, #tpu.memory_space<vmem>> -> memref<8x128xf32, #tpu.memory_space<vmem>>
      %dma_start3A_1682 = arith.constant 0 : i32
      %dma_start3A_1683 = arith.constant 0 : i32
      %dma_start3A_1684 = tpu.memref_slice %arg4[%select_n3A_1553, %dma_start3A_1678, %add3A_1572, %dma_start3A_1682, %dma_start3A_1683] : memref<50x8x128x8x128xf32, #tpu.memory_space<hbm>> -> memref<1x1x1x8x128xf32, #tpu.memory_space<hbm>>
      %dma_start3A_1685 = tpu.memref_squeeze %dma_start3A_1684 : memref<1x1x1x8x128xf32, #tpu.memory_space<hbm>> -> memref<8x128xf32, #tpu.memory_space<hbm>>
      %dma_start3A_1686 = arith.constant 0 : i32
      %dma_start3A_1687 = arith.constant 0 : i32
      %dma_start3A_1688 = tpu.memref_slice %arg4[%select_n3A_1553, %dma_start3A_1678, %add3A_1572, %dma_start3A_1686, %dma_start3A_1687] : memref<50x8x128x8x128xf32, #tpu.memory_space<hbm>> -> memref<1x1x1x8x128xf32, #tpu.memory_space<hbm>>
      %dma_start3A_1689 = tpu.memref_squeeze %dma_start3A_1688 : memref<1x1x1x8x128xf32, #tpu.memory_space<hbm>> -> memref<8x128xf32, #tpu.memory_space<hbm>>
      %dma_start3A_1690 = arith.constant 56 : i32
      %dma_start3A_1691 = arith.constant 0 : i32
      %dma_start3A_1692 = tpu.memref_slice %arg7[%dma_start3A_1690, %dma_start3A_1691] : memref<256x128xf32, #tpu.memory_space<vmem>> -> memref<8x128xf32, #tpu.memory_space<vmem>>
      tpu.enqueue_dma source(%dma_start3A_1692 : memref<8x128xf32, #tpu.memory_space<vmem>>) target(%dma_start3A_1689 : memref<8x128xf32, #tpu.memory_space<hbm>>) target_semaphore(%arg13 : memref<!tpu.dma_semaphore, #tpu.memory_space<semaphore_mem>>)
      %add3A_1693 = arith.constant 1 : i32
      %add3A_1694 = arith.addi %mul3A_1498, %add3A_1693 : i32
      %add3A_1695 = arith.constant 4 : i32
      %add3A_1696 = arith.addi %add3A_1694, %add3A_1695 : i32
      %sub3A_1697 = arith.constant 1 : i32
      %sub3A_1698 = arith.subi %add3A_1696, %sub3A_1697 : i32
      %lt3A_1699 = arith.constant 200 : i32
      %lt3A_1700 = arith.cmpi slt, %sub3A_1698, %lt3A_1699 : i32
      %convert_element_type3A_1701 = arith.extui %lt3A_1700 : i1 to i32
      %cond3A_1702 = arith.constant 0 : i32
      %cond3A_1703 = arith.cmpi ne, %convert_element_type3A_1701, %cond3A_1702 : i32
      scf.if %cond3A_1703 {
        %add3A_2284 = arith.constant 4 : i32
        %add3A_2285 = arith.addi %add3A_1694, %add3A_2284 : i32
        %sub3A_2286 = arith.constant 1 : i32
        %sub3A_2287 = arith.subi %add3A_2285, %sub3A_2286 : i32
        %jit3A_2288 = arith.constant 4 : i32
        %div3A_2289 = arith.divsi %sub3A_2287, %jit3A_2288 : i32
        %sign3A_2290 = arith.constant 0 : i32
        %sign3A_2291 = arith.cmpi sgt, %sub3A_2287, %sign3A_2290 : i32
        %sign3A_2292 = arith.extui %sign3A_2291 : i1 to i32
        %sign3A_2293 = arith.constant 0 : i32
        %sign3A_2294 = arith.cmpi slt, %sub3A_2287, %sign3A_2293 : i32
        %sign3A_2295 = arith.extui %sign3A_2294 : i1 to i32
        %sign3A_2296 = arith.subi %sign3A_2292, %sign3A_2295 : i32
        %sign3A_2297 = arith.constant 0 : i32
        %sign3A_2298 = arith.cmpi sgt, %jit3A_2288, %sign3A_2297 : i32
        %sign3A_2299 = arith.extui %sign3A_2298 : i1 to i32
        %sign3A_2300 = arith.constant 0 : i32
        %sign3A_2301 = arith.cmpi slt, %jit3A_2288, %sign3A_2300 : i32
        %sign3A_2302 = arith.extui %sign3A_2301 : i1 to i32
        %sign3A_2303 = arith.subi %sign3A_2299, %sign3A_2302 : i32
        %ne3A_2304 = arith.cmpi ne, %sign3A_2296, %sign3A_2303 : i32
        %rem3A_2305 = arith.remsi %sub3A_2287, %jit3A_2288 : i32
        %ne3A_2306 = arith.constant 0 : i32
        %ne3A_2307 = arith.cmpi ne, %rem3A_2305, %ne3A_2306 : i32
        %and3A_2308 = arith.andi %ne3A_2304, %ne3A_2307 : i1
        %sub3A_2309 = arith.constant 1 : i32
        %sub3A_2310 = arith.subi %div3A_2289, %sub3A_2309 : i32
        %select_n3A_2311 = arith.select %and3A_2308, %sub3A_2310, %div3A_2289 : i32
        %jit3A_2312 = arith.constant 4 : i32
        %eq3A_2313 = arith.constant 0 : i32
        %eq3A_2314 = arith.cmpi eq, %jit3A_2312, %eq3A_2313 : i32
        %jit3A_2315 = arith.constant 1 : i32
        %select_n3A_2316 = arith.select %eq3A_2314, %jit3A_2315, %jit3A_2312 : i32
        %rem3A_2317 = arith.remsi %sub3A_2287, %select_n3A_2316 : i32
        %ne3A_2318 = arith.constant 0 : i32
        %ne3A_2319 = arith.cmpi ne, %rem3A_2317, %ne3A_2318 : i32
        %lt3A_2320 = arith.constant 0 : i32
        %lt3A_2321 = arith.cmpi slt, %rem3A_2317, %lt3A_2320 : i32
        %lt3A_2322 = arith.constant 0 : i32
        %lt3A_2323 = arith.cmpi slt, %select_n3A_2316, %lt3A_2322 : i32
        %ne3A_2324 = arith.xori %lt3A_2321, %lt3A_2323 : i1
        %and3A_2325 = arith.andi %ne3A_2324, %ne3A_2319 : i1
        %add3A_2326 = arith.addi %rem3A_2317, %select_n3A_2316 : i32
        %select_n3A_2327 = arith.select %and3A_2325, %add3A_2326, %rem3A_2317 : i32
        %mul3A_2328 = arith.constant 128 : i32
        %mul3A_2329 = arith.muli %select_n3A_2327, %mul3A_2328 : i32
        %dma_start3A_2330 = arith.constant 0 : i32
        %dma_start3A_2331 = arith.constant 0 : i32
        %dma_start3A_2332 = tpu.memref_slice %arg6[%dma_start3A_2330, %dma_start3A_2331] : memref<512x64xf32, #tpu.memory_space<vmem>> -> memref<128x64xf32, #tpu.memory_space<vmem>>
        %dma_start3A_2333 = tpu.memref_slice %arg5[%select_n3A_2311, %mul3A_2329] : memref<50x512xi32, #tpu.memory_space<vmem>> -> memref<1x128xi32, #tpu.memory_space<vmem>>
        %dma_start3A_2334 = tpu.memref_squeeze %dma_start3A_2333 : memref<1x128xi32, #tpu.memory_space<vmem>> -> memref<128xi32, #tpu.memory_space<vmem>>
        %dma_start3A_2335 = arith.constant 0 : i32
        %dma_start3A_2336 = arith.constant 0 : i32
        %dma_start3A_2337 = tpu.memref_slice %arg3[%dma_start3A_2335, %dma_start3A_2336] : memref<1000000x64xf32, #tpu.memory_space<hbm>> -> memref<1000000x64xf32, #tpu.memory_space<hbm>>
        tpu.enqueue_indirect_dma source(%dma_start3A_2337 : memref<1000000x64xf32, #tpu.memory_space<hbm>>) target(%dma_start3A_2332 : memref<128x64xf32, #tpu.memory_space<vmem>>) offsets(%dma_start3A_2334 : memref<128xi32, #tpu.memory_space<vmem>>) semaphore(%arg9 : memref<!tpu.dma_semaphore, #tpu.memory_space<semaphore_mem>>)
      } else {
      }
      %gt3A_1704 = arith.constant 0 : i32
      %gt3A_1705 = arith.cmpi sgt, %scan3A_1496, %gt3A_1704 : i32
      %convert_element_type3A_1706 = arith.extui %gt3A_1705 : i1 to i32
      %cond3A_1707 = arith.constant 0 : i32
      %cond3A_1708 = arith.cmpi ne, %convert_element_type3A_1706, %cond3A_1707 : i32
      scf.if %cond3A_1708 {
        %dma_wait3A_2284 = arith.constant 128 : i32
        %dma_wait3A_2285 = arith.constant 0 : i32
        %dma_wait3A_2286 = tpu.memref_slice %arg6[%dma_wait3A_2284, %dma_wait3A_2285] : memref<512x64xf32, #tpu.memory_space<vmem>> -> memref<128x64xf32, #tpu.memory_space<vmem>>
        %dma_wait3A_2287 = arith.constant 0 : i32
        %dma_wait3A_2288 = arith.constant 0 : i32
        %dma_wait3A_2289 = tpu.memref_slice %arg3[%dma_wait3A_2287, %dma_wait3A_2288] : memref<1000000x64xf32, #tpu.memory_space<hbm>> -> memref<128x64xf32, #tpu.memory_space<hbm>>
        %dma_wait3A_2290 = arith.constant 128 : i32
        %dma_wait3A_2291 = arith.constant 0 : i32
        %dma_wait3A_2292 = tpu.memref_slice %arg6[%dma_wait3A_2290, %dma_wait3A_2291] : memref<512x64xf32, #tpu.memory_space<vmem>> -> memref<128x64xf32, #tpu.memory_space<vmem>>
        %dma_wait3A_2293 = arith.constant 0 : i32
        %dma_wait3A_2294 = arith.constant 0 : i32
        %dma_wait3A_2295 = tpu.memref_slice %arg3[%dma_wait3A_2293, %dma_wait3A_2294] : memref<1000000x64xf32, #tpu.memory_space<hbm>> -> memref<128x64xf32, #tpu.memory_space<hbm>>
        tpu.wait_dma2 semaphore(%arg14 : memref<!tpu.dma_semaphore, #tpu.memory_space<semaphore_mem>>) src(%dma_wait3A_2295 : memref<128x64xf32, #tpu.memory_space<hbm>>) dst(%dma_wait3A_2292 : memref<128x64xf32, #tpu.memory_space<vmem>>)
      } else {
      }
      %dma_wait3A_1709 = arith.constant 128 : i32
      %dma_wait3A_1710 = arith.constant 0 : i32
      %dma_wait3A_1711 = tpu.memref_slice %arg6[%dma_wait3A_1709, %dma_wait3A_1710] : memref<512x64xf32, #tpu.memory_space<vmem>> -> memref<128x64xf32, #tpu.memory_space<vmem>>
      %dma_wait3A_1712 = arith.constant 0 : i32
      %dma_wait3A_1713 = arith.constant 0 : i32
      %dma_wait3A_1714 = tpu.memref_slice %arg3[%dma_wait3A_1712, %dma_wait3A_1713] : memref<1000000x64xf32, #tpu.memory_space<hbm>> -> memref<128x64xf32, #tpu.memory_space<hbm>>
      %dma_wait3A_1715 = arith.constant 128 : i32
      %dma_wait3A_1716 = arith.constant 0 : i32
      %dma_wait3A_1717 = tpu.memref_slice %arg6[%dma_wait3A_1715, %dma_wait3A_1716] : memref<512x64xf32, #tpu.memory_space<vmem>> -> memref<128x64xf32, #tpu.memory_space<vmem>>
      %dma_wait3A_1718 = arith.constant 0 : i32
      %dma_wait3A_1719 = arith.constant 0 : i32
      %dma_wait3A_1720 = tpu.memref_slice %arg3[%dma_wait3A_1718, %dma_wait3A_1719] : memref<1000000x64xf32, #tpu.memory_space<hbm>> -> memref<128x64xf32, #tpu.memory_space<hbm>>
      tpu.wait_dma2 semaphore(%arg10 : memref<!tpu.dma_semaphore, #tpu.memory_space<semaphore_mem>>) src(%dma_wait3A_1720 : memref<128x64xf32, #tpu.memory_space<hbm>>) dst(%dma_wait3A_1717 : memref<128x64xf32, #tpu.memory_space<vmem>>)
      %scan3A_1721 = arith.constant 0 : i32
      %scan3A_1722 = arith.constant 0 : i32
      %scan3A_1723 = arith.constant 32 : i32
      %scan3A_1724 = arith.addi %scan3A_1722, %scan3A_1723 : i32
      %scan3A_1725 = arith.constant 1 : i32
      scf.for %scan3A_2284 = %scan3A_1722 to %scan3A_1724 step %scan3A_1725  : i32 {
        %jit3A_2285 = arith.constant 4 : i32
        %div3A_2286 = arith.divsi %scan3A_2284, %jit3A_2285 : i32
        %sign3A_2287 = arith.constant 0 : i32
        %sign3A_2288 = arith.cmpi sgt, %scan3A_2284, %sign3A_2287 : i32
        %sign3A_2289 = arith.extui %sign3A_2288 : i1 to i32
        %sign3A_2290 = arith.constant 0 : i32
        %sign3A_2291 = arith.cmpi slt, %scan3A_2284, %sign3A_2290 : i32
        %sign3A_2292 = arith.extui %sign3A_2291 : i1 to i32
        %sign3A_2293 = arith.subi %sign3A_2289, %sign3A_2292 : i32
        %sign3A_2294 = arith.constant 0 : i32
        %sign3A_2295 = arith.cmpi sgt, %jit3A_2285, %sign3A_2294 : i32
        %sign3A_2296 = arith.extui %sign3A_2295 : i1 to i32
        %sign3A_2297 = arith.constant 0 : i32
        %sign3A_2298 = arith.cmpi slt, %jit3A_2285, %sign3A_2297 : i32
        %sign3A_2299 = arith.extui %sign3A_2298 : i1 to i32
        %sign3A_2300 = arith.subi %sign3A_2296, %sign3A_2299 : i32
        %ne3A_2301 = arith.cmpi ne, %sign3A_2293, %sign3A_2300 : i32
        %rem3A_2302 = arith.remsi %scan3A_2284, %jit3A_2285 : i32
        %ne3A_2303 = arith.constant 0 : i32
        %ne3A_2304 = arith.cmpi ne, %rem3A_2302, %ne3A_2303 : i32
        %and3A_2305 = arith.andi %ne3A_2301, %ne3A_2304 : i1
        %sub3A_2306 = arith.constant 1 : i32
        %sub3A_2307 = arith.subi %div3A_2286, %sub3A_2306 : i32
        %select_n3A_2308 = arith.select %and3A_2305, %sub3A_2307, %div3A_2286 : i32
        %jit3A_2309 = arith.constant 4 : i32
        %eq3A_2310 = arith.constant 0 : i32
        %eq3A_2311 = arith.cmpi eq, %jit3A_2309, %eq3A_2310 : i32
        %jit3A_2312 = arith.constant 1 : i32
        %select_n3A_2313 = arith.select %eq3A_2311, %jit3A_2312, %jit3A_2309 : i32
        %rem3A_2314 = arith.remsi %scan3A_2284, %select_n3A_2313 : i32
        %ne3A_2315 = arith.constant 0 : i32
        %ne3A_2316 = arith.cmpi ne, %rem3A_2314, %ne3A_2315 : i32
        %lt3A_2317 = arith.constant 0 : i32
        %lt3A_2318 = arith.cmpi slt, %rem3A_2314, %lt3A_2317 : i32
        %lt3A_2319 = arith.constant 0 : i32
        %lt3A_2320 = arith.cmpi slt, %select_n3A_2313, %lt3A_2319 : i32
        %ne3A_2321 = arith.xori %lt3A_2318, %lt3A_2320 : i1
        %and3A_2322 = arith.andi %ne3A_2321, %ne3A_2316 : i1
        %add3A_2323 = arith.addi %rem3A_2314, %select_n3A_2313 : i32
        %select_n3A_2324 = arith.select %and3A_2322, %add3A_2323, %rem3A_2314 : i32
        %mul3A_2325 = arith.constant 16 : i32
        %mul3A_2326 = arith.muli %select_n3A_2308, %mul3A_2325 : i32
        %add3A_2327 = vector.broadcast %mul3A_2326 : i32 to vector<16xi32>
        %add3A_2328 = arith.addi %add3A_2327, %iota3A : vector<16xi32>
        %mul3A_2329 = arith.constant 16 : i32
        %mul3A_2330 = arith.muli %select_n3A_2324, %mul3A_2329 : i32
        %add3A_2331 = vector.broadcast %mul3A_2330 : i32 to vector<16xi32>
        %add3A_2332 = arith.addi %add3A_2331, %and3A_1205 : vector<16xi32>
        %mul3A_2333 = arith.constant 16 : i32
        %mul3A_2334 = arith.muli %select_n3A_2324, %mul3A_2333 : i32
        %add3A_2335 = vector.broadcast %mul3A_2334 : i32 to vector<16xi32>
        %add3A_2336 = arith.addi %add3A_2335, %and3A_1211 : vector<16xi32>
        %mul3A_2337 = arith.constant 16 : i32
        %mul3A_2338 = arith.muli %select_n3A_2324, %mul3A_2337 : i32
        %add3A_2339 = vector.broadcast %mul3A_2338 : i32 to vector<16xi32>
        %add3A_2340 = arith.addi %add3A_2339, %and3A_1217 : vector<16xi32>
        %mul3A_2341 = arith.constant 16 : i32
        %mul3A_2342 = arith.muli %select_n3A_2324, %mul3A_2341 : i32
        %add3A_2343 = vector.broadcast %mul3A_2342 : i32 to vector<16xi32>
        %add3A_2344 = arith.addi %add3A_2343, %and3A_1223 : vector<16xi32>
        %mul3A_2345 = arith.constant 16 : i32
        %mul3A_2346 = arith.muli %select_n3A_2324, %mul3A_2345 : i32
        %add3A_2347 = vector.broadcast %mul3A_2346 : i32 to vector<16xi32>
        %add3A_2348 = arith.addi %add3A_2347, %and3A_1229 : vector<16xi32>
        %mul3A_2349 = arith.constant 16 : i32
        %mul3A_2350 = arith.muli %select_n3A_2324, %mul3A_2349 : i32
        %add3A_2351 = vector.broadcast %mul3A_2350 : i32 to vector<16xi32>
        %add3A_2352 = arith.addi %add3A_2351, %and3A_1235 : vector<16xi32>
        %mul3A_2353 = arith.constant 16 : i32
        %mul3A_2354 = arith.muli %select_n3A_2324, %mul3A_2353 : i32
        %add3A_2355 = vector.broadcast %mul3A_2354 : i32 to vector<16xi32>
        %add3A_2356 = arith.addi %add3A_2355, %and3A_1241 : vector<16xi32>
        %mul3A_2357 = arith.constant 16 : i32
        %mul3A_2358 = arith.muli %select_n3A_2324, %mul3A_2357 : i32
        %add3A_2359 = vector.broadcast %mul3A_2358 : i32 to vector<16xi32>
        %add3A_2360 = arith.addi %add3A_2359, %and3A_1247 : vector<16xi32>
        %mul3A_2361 = arith.constant 16 : i32
        %mul3A_2362 = arith.muli %select_n3A_2324, %mul3A_2361 : i32
        %add3A_2363 = vector.broadcast %mul3A_2362 : i32 to vector<16xi32>
        %add3A_2364 = arith.addi %add3A_2363, %and3A_1253 : vector<16xi32>
        %mul3A_2365 = arith.constant 16 : i32
        %mul3A_2366 = arith.muli %select_n3A_2324, %mul3A_2365 : i32
        %add3A_2367 = vector.broadcast %mul3A_2366 : i32 to vector<16xi32>
        %add3A_2368 = arith.addi %add3A_2367, %and3A_1259 : vector<16xi32>
        %mul3A_2369 = arith.constant 16 : i32
        %mul3A_2370 = arith.muli %select_n3A_2324, %mul3A_2369 : i32
        %add3A_2371 = vector.broadcast %mul3A_2370 : i32 to vector<16xi32>
        %add3A_2372 = arith.addi %add3A_2371, %and3A_1265 : vector<16xi32>
        %mul3A_2373 = arith.constant 16 : i32
        %mul3A_2374 = arith.muli %select_n3A_2324, %mul3A_2373 : i32
        %add3A_2375 = vector.broadcast %mul3A_2374 : i32 to vector<16xi32>
        %add3A_2376 = arith.addi %add3A_2375, %and3A_1271 : vector<16xi32>
        %mul3A_2377 = arith.constant 16 : i32
        %mul3A_2378 = arith.muli %select_n3A_2324, %mul3A_2377 : i32
        %add3A_2379 = vector.broadcast %mul3A_2378 : i32 to vector<16xi32>
        %add3A_2380 = arith.addi %add3A_2379, %and3A_1277 : vector<16xi32>
        %mul3A_2381 = arith.constant 16 : i32
        %mul3A_2382 = arith.muli %select_n3A_2324, %mul3A_2381 : i32
        %add3A_2383 = vector.broadcast %mul3A_2382 : i32 to vector<16xi32>
        %add3A_2384 = arith.addi %add3A_2383, %and3A_1283 : vector<16xi32>
        %mul3A_2385 = arith.constant 16 : i32
        %mul3A_2386 = arith.muli %select_n3A_2324, %mul3A_2385 : i32
        %add3A_2387 = vector.broadcast %mul3A_2386 : i32 to vector<16xi32>
        %add3A_2388 = arith.addi %add3A_2387, %and3A_1289 : vector<16xi32>
        %mul3A_2389 = arith.constant 16 : i32
        %mul3A_2390 = arith.muli %select_n3A_2324, %mul3A_2389 : i32
        %add3A_2391 = vector.broadcast %mul3A_2390 : i32 to vector<16xi32>
        %add3A_2392 = arith.addi %add3A_2391, %and3A_1295 : vector<16xi32>
        %gather3A = arith.constant 128 : i32
        %gather3A_2393 = arith.constant 0 : i32
        %gather3A_2394 = tpu.memref_slice %arg6[%gather3A, %gather3A_2393] : memref<512x64xf32, #tpu.memory_space<vmem>> -> memref<128x64xf32, #tpu.memory_space<vmem>>
        %gather3A_2395 = tpu.vector_load_idx %gather3A_2394[%add3A_2328, %add3A_2332] : memref<128x64xf32, #tpu.memory_space<vmem>>[vector<16xi32>, vector<16xi32>], vector<16xf32>,
        %mul3A_2396 = arith.constant 8.000000e+00 : f32
        %mul3A_2397 = vector.broadcast %mul3A_2396 : f32 to vector<16xf32>
        %mul3A_2398 = arith.mulf %gather3A_2395, %mul3A_2397 : vector<16xf32>
        %gather3A_2399 = arith.constant 128 : i32
        %gather3A_2400 = arith.constant 0 : i32
        %gather3A_2401 = tpu.memref_slice %arg6[%gather3A_2399, %gather3A_2400] : memref<512x64xf32, #tpu.memory_space<vmem>> -> memref<128x64xf32, #tpu.memory_space<vmem>>
        %gather3A_2402 = tpu.vector_load_idx %gather3A_2401[%add3A_2328, %add3A_2336] : memref<128x64xf32, #tpu.memory_space<vmem>>[vector<16xi32>, vector<16xi32>], vector<16xf32>,
        %mul3A_2403 = arith.constant 8.000000e+00 : f32
        %mul3A_2404 = vector.broadcast %mul3A_2403 : f32 to vector<16xf32>
        %mul3A_2405 = arith.mulf %gather3A_2402, %mul3A_2404 : vector<16xf32>
        %gather3A_2406 = arith.constant 128 : i32
        %gather3A_2407 = arith.constant 0 : i32
        %gather3A_2408 = tpu.memref_slice %arg6[%gather3A_2406, %gather3A_2407] : memref<512x64xf32, #tpu.memory_space<vmem>> -> memref<128x64xf32, #tpu.memory_space<vmem>>
        %gather3A_2409 = tpu.vector_load_idx %gather3A_2408[%add3A_2328, %add3A_2340] : memref<128x64xf32, #tpu.memory_space<vmem>>[vector<16xi32>, vector<16xi32>], vector<16xf32>,
        %mul3A_2410 = arith.constant 8.000000e+00 : f32
        %mul3A_2411 = vector.broadcast %mul3A_2410 : f32 to vector<16xf32>
        %mul3A_2412 = arith.mulf %gather3A_2409, %mul3A_2411 : vector<16xf32>
        %gather3A_2413 = arith.constant 128 : i32
        %gather3A_2414 = arith.constant 0 : i32
        %gather3A_2415 = tpu.memref_slice %arg6[%gather3A_2413, %gather3A_2414] : memref<512x64xf32, #tpu.memory_space<vmem>> -> memref<128x64xf32, #tpu.memory_space<vmem>>
        %gather3A_2416 = tpu.vector_load_idx %gather3A_2415[%add3A_2328, %add3A_2344] : memref<128x64xf32, #tpu.memory_space<vmem>>[vector<16xi32>, vector<16xi32>], vector<16xf32>,
        %mul3A_2417 = arith.constant 8.000000e+00 : f32
        %mul3A_2418 = vector.broadcast %mul3A_2417 : f32 to vector<16xf32>
        %mul3A_2419 = arith.mulf %gather3A_2416, %mul3A_2418 : vector<16xf32>
        %gather3A_2420 = arith.constant 128 : i32
        %gather3A_2421 = arith.constant 0 : i32
        %gather3A_2422 = tpu.memref_slice %arg6[%gather3A_2420, %gather3A_2421] : memref<512x64xf32, #tpu.memory_space<vmem>> -> memref<128x64xf32, #tpu.memory_space<vmem>>
        %gather3A_2423 = tpu.vector_load_idx %gather3A_2422[%add3A_2328, %add3A_2348] : memref<128x64xf32, #tpu.memory_space<vmem>>[vector<16xi32>, vector<16xi32>], vector<16xf32>,
        %mul3A_2424 = arith.constant 8.000000e+00 : f32
        %mul3A_2425 = vector.broadcast %mul3A_2424 : f32 to vector<16xf32>
        %mul3A_2426 = arith.mulf %gather3A_2423, %mul3A_2425 : vector<16xf32>
        %gather3A_2427 = arith.constant 128 : i32
        %gather3A_2428 = arith.constant 0 : i32
        %gather3A_2429 = tpu.memref_slice %arg6[%gather3A_2427, %gather3A_2428] : memref<512x64xf32, #tpu.memory_space<vmem>> -> memref<128x64xf32, #tpu.memory_space<vmem>>
        %gather3A_2430 = tpu.vector_load_idx %gather3A_2429[%add3A_2328, %add3A_2352] : memref<128x64xf32, #tpu.memory_space<vmem>>[vector<16xi32>, vector<16xi32>], vector<16xf32>,
        %mul3A_2431 = arith.constant 8.000000e+00 : f32
        %mul3A_2432 = vector.broadcast %mul3A_2431 : f32 to vector<16xf32>
        %mul3A_2433 = arith.mulf %gather3A_2430, %mul3A_2432 : vector<16xf32>
        %gather3A_2434 = arith.constant 128 : i32
        %gather3A_2435 = arith.constant 0 : i32
        %gather3A_2436 = tpu.memref_slice %arg6[%gather3A_2434, %gather3A_2435] : memref<512x64xf32, #tpu.memory_space<vmem>> -> memref<128x64xf32, #tpu.memory_space<vmem>>
        %gather3A_2437 = tpu.vector_load_idx %gather3A_2436[%add3A_2328, %add3A_2356] : memref<128x64xf32, #tpu.memory_space<vmem>>[vector<16xi32>, vector<16xi32>], vector<16xf32>,
        %mul3A_2438 = arith.constant 8.000000e+00 : f32
        %mul3A_2439 = vector.broadcast %mul3A_2438 : f32 to vector<16xf32>
        %mul3A_2440 = arith.mulf %gather3A_2437, %mul3A_2439 : vector<16xf32>
        %gather3A_2441 = arith.constant 128 : i32
        %gather3A_2442 = arith.constant 0 : i32
        %gather3A_2443 = tpu.memref_slice %arg6[%gather3A_2441, %gather3A_2442] : memref<512x64xf32, #tpu.memory_space<vmem>> -> memref<128x64xf32, #tpu.memory_space<vmem>>
        %gather3A_2444 = tpu.vector_load_idx %gather3A_2443[%add3A_2328, %add3A_2360] : memref<128x64xf32, #tpu.memory_space<vmem>>[vector<16xi32>, vector<16xi32>], vector<16xf32>,
        %mul3A_2445 = arith.constant 8.000000e+00 : f32
        %mul3A_2446 = vector.broadcast %mul3A_2445 : f32 to vector<16xf32>
        %mul3A_2447 = arith.mulf %gather3A_2444, %mul3A_2446 : vector<16xf32>
        %gather3A_2448 = arith.constant 128 : i32
        %gather3A_2449 = arith.constant 0 : i32
        %gather3A_2450 = tpu.memref_slice %arg6[%gather3A_2448, %gather3A_2449] : memref<512x64xf32, #tpu.memory_space<vmem>> -> memref<128x64xf32, #tpu.memory_space<vmem>>
        %gather3A_2451 = tpu.vector_load_idx %gather3A_2450[%add3A_2328, %add3A_2364] : memref<128x64xf32, #tpu.memory_space<vmem>>[vector<16xi32>, vector<16xi32>], vector<16xf32>,
        %mul3A_2452 = arith.constant 8.000000e+00 : f32
        %mul3A_2453 = vector.broadcast %mul3A_2452 : f32 to vector<16xf32>
        %mul3A_2454 = arith.mulf %gather3A_2451, %mul3A_2453 : vector<16xf32>
        %gather3A_2455 = arith.constant 128 : i32
        %gather3A_2456 = arith.constant 0 : i32
        %gather3A_2457 = tpu.memref_slice %arg6[%gather3A_2455, %gather3A_2456] : memref<512x64xf32, #tpu.memory_space<vmem>> -> memref<128x64xf32, #tpu.memory_space<vmem>>
        %gather3A_2458 = tpu.vector_load_idx %gather3A_2457[%add3A_2328, %add3A_2368] : memref<128x64xf32, #tpu.memory_space<vmem>>[vector<16xi32>, vector<16xi32>], vector<16xf32>,
        %mul3A_2459 = arith.constant 8.000000e+00 : f32
        %mul3A_2460 = vector.broadcast %mul3A_2459 : f32 to vector<16xf32>
        %mul3A_2461 = arith.mulf %gather3A_2458, %mul3A_2460 : vector<16xf32>
        %gather3A_2462 = arith.constant 128 : i32
        %gather3A_2463 = arith.constant 0 : i32
        %gather3A_2464 = tpu.memref_slice %arg6[%gather3A_2462, %gather3A_2463] : memref<512x64xf32, #tpu.memory_space<vmem>> -> memref<128x64xf32, #tpu.memory_space<vmem>>
        %gather3A_2465 = tpu.vector_load_idx %gather3A_2464[%add3A_2328, %add3A_2372] : memref<128x64xf32, #tpu.memory_space<vmem>>[vector<16xi32>, vector<16xi32>], vector<16xf32>,
        %mul3A_2466 = arith.constant 8.000000e+00 : f32
        %mul3A_2467 = vector.broadcast %mul3A_2466 : f32 to vector<16xf32>
        %mul3A_2468 = arith.mulf %gather3A_2465, %mul3A_2467 : vector<16xf32>
        %gather3A_2469 = arith.constant 128 : i32
        %gather3A_2470 = arith.constant 0 : i32
        %gather3A_2471 = tpu.memref_slice %arg6[%gather3A_2469, %gather3A_2470] : memref<512x64xf32, #tpu.memory_space<vmem>> -> memref<128x64xf32, #tpu.memory_space<vmem>>
        %gather3A_2472 = tpu.vector_load_idx %gather3A_2471[%add3A_2328, %add3A_2376] : memref<128x64xf32, #tpu.memory_space<vmem>>[vector<16xi32>, vector<16xi32>], vector<16xf32>,
        %mul3A_2473 = arith.constant 8.000000e+00 : f32
        %mul3A_2474 = vector.broadcast %mul3A_2473 : f32 to vector<16xf32>
        %mul3A_2475 = arith.mulf %gather3A_2472, %mul3A_2474 : vector<16xf32>
        %gather3A_2476 = arith.constant 128 : i32
        %gather3A_2477 = arith.constant 0 : i32
        %gather3A_2478 = tpu.memref_slice %arg6[%gather3A_2476, %gather3A_2477] : memref<512x64xf32, #tpu.memory_space<vmem>> -> memref<128x64xf32, #tpu.memory_space<vmem>>
        %gather3A_2479 = tpu.vector_load_idx %gather3A_2478[%add3A_2328, %add3A_2380] : memref<128x64xf32, #tpu.memory_space<vmem>>[vector<16xi32>, vector<16xi32>], vector<16xf32>,
        %mul3A_2480 = arith.constant 8.000000e+00 : f32
        %mul3A_2481 = vector.broadcast %mul3A_2480 : f32 to vector<16xf32>
        %mul3A_2482 = arith.mulf %gather3A_2479, %mul3A_2481 : vector<16xf32>
        %gather3A_2483 = arith.constant 128 : i32
        %gather3A_2484 = arith.constant 0 : i32
        %gather3A_2485 = tpu.memref_slice %arg6[%gather3A_2483, %gather3A_2484] : memref<512x64xf32, #tpu.memory_space<vmem>> -> memref<128x64xf32, #tpu.memory_space<vmem>>
        %gather3A_2486 = tpu.vector_load_idx %gather3A_2485[%add3A_2328, %add3A_2384] : memref<128x64xf32, #tpu.memory_space<vmem>>[vector<16xi32>, vector<16xi32>], vector<16xf32>,
        %mul3A_2487 = arith.constant 8.000000e+00 : f32
        %mul3A_2488 = vector.broadcast %mul3A_2487 : f32 to vector<16xf32>
        %mul3A_2489 = arith.mulf %gather3A_2486, %mul3A_2488 : vector<16xf32>
        %gather3A_2490 = arith.constant 128 : i32
        %gather3A_2491 = arith.constant 0 : i32
        %gather3A_2492 = tpu.memref_slice %arg6[%gather3A_2490, %gather3A_2491] : memref<512x64xf32, #tpu.memory_space<vmem>> -> memref<128x64xf32, #tpu.memory_space<vmem>>
        %gather3A_2493 = tpu.vector_load_idx %gather3A_2492[%add3A_2328, %add3A_2388] : memref<128x64xf32, #tpu.memory_space<vmem>>[vector<16xi32>, vector<16xi32>], vector<16xf32>,
        %mul3A_2494 = arith.constant 8.000000e+00 : f32
        %mul3A_2495 = vector.broadcast %mul3A_2494 : f32 to vector<16xf32>
        %mul3A_2496 = arith.mulf %gather3A_2493, %mul3A_2495 : vector<16xf32>
        %gather3A_2497 = arith.constant 128 : i32
        %gather3A_2498 = arith.constant 0 : i32
        %gather3A_2499 = tpu.memref_slice %arg6[%gather3A_2497, %gather3A_2498] : memref<512x64xf32, #tpu.memory_space<vmem>> -> memref<128x64xf32, #tpu.memory_space<vmem>>
        %gather3A_2500 = tpu.vector_load_idx %gather3A_2499[%add3A_2328, %add3A_2392] : memref<128x64xf32, #tpu.memory_space<vmem>>[vector<16xi32>, vector<16xi32>], vector<16xf32>,
        %mul3A_2501 = arith.constant 8.000000e+00 : f32
        %mul3A_2502 = vector.broadcast %mul3A_2501 : f32 to vector<16xf32>
        %mul3A_2503 = arith.mulf %gather3A_2500, %mul3A_2502 : vector<16xf32>
        %scatter3A = arith.constant 64 : i32
        %scatter3A_2504 = arith.constant 0 : i32
        %scatter3A_2505 = tpu.memref_slice %arg7[%scatter3A, %scatter3A_2504] : memref<256x128xf32, #tpu.memory_space<vmem>> -> memref<64x128xf32, #tpu.memory_space<vmem>>
        tpu.vector_store_idx %scatter3A_2505[%add3A_2332, %add3A_2328], %mul3A_2398 : memref<64x128xf32, #tpu.memory_space<vmem>>[vector<16xi32>, vector<16xi32>], vector<16xf32>,
        %scatter3A_2506 = arith.constant 64 : i32
        %scatter3A_2507 = arith.constant 0 : i32
        %scatter3A_2508 = tpu.memref_slice %arg7[%scatter3A_2506, %scatter3A_2507] : memref<256x128xf32, #tpu.memory_space<vmem>> -> memref<64x128xf32, #tpu.memory_space<vmem>>
        tpu.vector_store_idx %scatter3A_2508[%add3A_2336, %add3A_2328], %mul3A_2405 : memref<64x128xf32, #tpu.memory_space<vmem>>[vector<16xi32>, vector<16xi32>], vector<16xf32>,
        %scatter3A_2509 = arith.constant 64 : i32
        %scatter3A_2510 = arith.constant 0 : i32
        %scatter3A_2511 = tpu.memref_slice %arg7[%scatter3A_2509, %scatter3A_2510] : memref<256x128xf32, #tpu.memory_space<vmem>> -> memref<64x128xf32, #tpu.memory_space<vmem>>
        tpu.vector_store_idx %scatter3A_2511[%add3A_2340, %add3A_2328], %mul3A_2412 : memref<64x128xf32, #tpu.memory_space<vmem>>[vector<16xi32>, vector<16xi32>], vector<16xf32>,
        %scatter3A_2512 = arith.constant 64 : i32
        %scatter3A_2513 = arith.constant 0 : i32
        %scatter3A_2514 = tpu.memref_slice %arg7[%scatter3A_2512, %scatter3A_2513] : memref<256x128xf32, #tpu.memory_space<vmem>> -> memref<64x128xf32, #tpu.memory_space<vmem>>
        tpu.vector_store_idx %scatter3A_2514[%add3A_2344, %add3A_2328], %mul3A_2419 : memref<64x128xf32, #tpu.memory_space<vmem>>[vector<16xi32>, vector<16xi32>], vector<16xf32>,
        %scatter3A_2515 = arith.constant 64 : i32
        %scatter3A_2516 = arith.constant 0 : i32
        %scatter3A_2517 = tpu.memref_slice %arg7[%scatter3A_2515, %scatter3A_2516] : memref<256x128xf32, #tpu.memory_space<vmem>> -> memref<64x128xf32, #tpu.memory_space<vmem>>
        tpu.vector_store_idx %scatter3A_2517[%add3A_2348, %add3A_2328], %mul3A_2426 : memref<64x128xf32, #tpu.memory_space<vmem>>[vector<16xi32>, vector<16xi32>], vector<16xf32>,
        %scatter3A_2518 = arith.constant 64 : i32
        %scatter3A_2519 = arith.constant 0 : i32
        %scatter3A_2520 = tpu.memref_slice %arg7[%scatter3A_2518, %scatter3A_2519] : memref<256x128xf32, #tpu.memory_space<vmem>> -> memref<64x128xf32, #tpu.memory_space<vmem>>
        tpu.vector_store_idx %scatter3A_2520[%add3A_2352, %add3A_2328], %mul3A_2433 : memref<64x128xf32, #tpu.memory_space<vmem>>[vector<16xi32>, vector<16xi32>], vector<16xf32>,
        %scatter3A_2521 = arith.constant 64 : i32
        %scatter3A_2522 = arith.constant 0 : i32
        %scatter3A_2523 = tpu.memref_slice %arg7[%scatter3A_2521, %scatter3A_2522] : memref<256x128xf32, #tpu.memory_space<vmem>> -> memref<64x128xf32, #tpu.memory_space<vmem>>
        tpu.vector_store_idx %scatter3A_2523[%add3A_2356, %add3A_2328], %mul3A_2440 : memref<64x128xf32, #tpu.memory_space<vmem>>[vector<16xi32>, vector<16xi32>], vector<16xf32>,
        %scatter3A_2524 = arith.constant 64 : i32
        %scatter3A_2525 = arith.constant 0 : i32
        %scatter3A_2526 = tpu.memref_slice %arg7[%scatter3A_2524, %scatter3A_2525] : memref<256x128xf32, #tpu.memory_space<vmem>> -> memref<64x128xf32, #tpu.memory_space<vmem>>
        tpu.vector_store_idx %scatter3A_2526[%add3A_2360, %add3A_2328], %mul3A_2447 : memref<64x128xf32, #tpu.memory_space<vmem>>[vector<16xi32>, vector<16xi32>], vector<16xf32>,
        %scatter3A_2527 = arith.constant 64 : i32
        %scatter3A_2528 = arith.constant 0 : i32
        %scatter3A_2529 = tpu.memref_slice %arg7[%scatter3A_2527, %scatter3A_2528] : memref<256x128xf32, #tpu.memory_space<vmem>> -> memref<64x128xf32, #tpu.memory_space<vmem>>
        tpu.vector_store_idx %scatter3A_2529[%add3A_2364, %add3A_2328], %mul3A_2454 : memref<64x128xf32, #tpu.memory_space<vmem>>[vector<16xi32>, vector<16xi32>], vector<16xf32>,
        %scatter3A_2530 = arith.constant 64 : i32
        %scatter3A_2531 = arith.constant 0 : i32
        %scatter3A_2532 = tpu.memref_slice %arg7[%scatter3A_2530, %scatter3A_2531] : memref<256x128xf32, #tpu.memory_space<vmem>> -> memref<64x128xf32, #tpu.memory_space<vmem>>
        tpu.vector_store_idx %scatter3A_2532[%add3A_2368, %add3A_2328], %mul3A_2461 : memref<64x128xf32, #tpu.memory_space<vmem>>[vector<16xi32>, vector<16xi32>], vector<16xf32>,
        %scatter3A_2533 = arith.constant 64 : i32
        %scatter3A_2534 = arith.constant 0 : i32
        %scatter3A_2535 = tpu.memref_slice %arg7[%scatter3A_2533, %scatter3A_2534] : memref<256x128xf32, #tpu.memory_space<vmem>> -> memref<64x128xf32, #tpu.memory_space<vmem>>
        tpu.vector_store_idx %scatter3A_2535[%add3A_2372, %add3A_2328], %mul3A_2468 : memref<64x128xf32, #tpu.memory_space<vmem>>[vector<16xi32>, vector<16xi32>], vector<16xf32>,
        %scatter3A_2536 = arith.constant 64 : i32
        %scatter3A_2537 = arith.constant 0 : i32
        %scatter3A_2538 = tpu.memref_slice %arg7[%scatter3A_2536, %scatter3A_2537] : memref<256x128xf32, #tpu.memory_space<vmem>> -> memref<64x128xf32, #tpu.memory_space<vmem>>
        tpu.vector_store_idx %scatter3A_2538[%add3A_2376, %add3A_2328], %mul3A_2475 : memref<64x128xf32, #tpu.memory_space<vmem>>[vector<16xi32>, vector<16xi32>], vector<16xf32>,
        %scatter3A_2539 = arith.constant 64 : i32
        %scatter3A_2540 = arith.constant 0 : i32
        %scatter3A_2541 = tpu.memref_slice %arg7[%scatter3A_2539, %scatter3A_2540] : memref<256x128xf32, #tpu.memory_space<vmem>> -> memref<64x128xf32, #tpu.memory_space<vmem>>
        tpu.vector_store_idx %scatter3A_2541[%add3A_2380, %add3A_2328], %mul3A_2482 : memref<64x128xf32, #tpu.memory_space<vmem>>[vector<16xi32>, vector<16xi32>], vector<16xf32>,
        %scatter3A_2542 = arith.constant 64 : i32
        %scatter3A_2543 = arith.constant 0 : i32
        %scatter3A_2544 = tpu.memref_slice %arg7[%scatter3A_2542, %scatter3A_2543] : memref<256x128xf32, #tpu.memory_space<vmem>> -> memref<64x128xf32, #tpu.memory_space<vmem>>
        tpu.vector_store_idx %scatter3A_2544[%add3A_2384, %add3A_2328], %mul3A_2489 : memref<64x128xf32, #tpu.memory_space<vmem>>[vector<16xi32>, vector<16xi32>], vector<16xf32>,
        %scatter3A_2545 = arith.constant 64 : i32
        %scatter3A_2546 = arith.constant 0 : i32
        %scatter3A_2547 = tpu.memref_slice %arg7[%scatter3A_2545, %scatter3A_2546] : memref<256x128xf32, #tpu.memory_space<vmem>> -> memref<64x128xf32, #tpu.memory_space<vmem>>
        tpu.vector_store_idx %scatter3A_2547[%add3A_2388, %add3A_2328], %mul3A_2496 : memref<64x128xf32, #tpu.memory_space<vmem>>[vector<16xi32>, vector<16xi32>], vector<16xf32>,
        %scatter3A_2548 = arith.constant 64 : i32
        %scatter3A_2549 = arith.constant 0 : i32
        %scatter3A_2550 = tpu.memref_slice %arg7[%scatter3A_2548, %scatter3A_2549] : memref<256x128xf32, #tpu.memory_space<vmem>> -> memref<64x128xf32, #tpu.memory_space<vmem>>
        tpu.vector_store_idx %scatter3A_2550[%add3A_2392, %add3A_2328], %mul3A_2503 : memref<64x128xf32, #tpu.memory_space<vmem>>[vector<16xi32>, vector<16xi32>], vector<16xf32>,
      }
      %scan3A_1726 = arith.constant 32 : i32
      %jit3A_1727 = arith.constant 4 : i32
      %div3A_1728 = arith.divsi %add3A_1694, %jit3A_1727 : i32
      %sign3A_1729 = arith.constant 0 : i32
      %sign3A_1730 = arith.cmpi sgt, %add3A_1694, %sign3A_1729 : i32
      %sign3A_1731 = arith.extui %sign3A_1730 : i1 to i32
      %sign3A_1732 = arith.constant 0 : i32
      %sign3A_1733 = arith.cmpi slt, %add3A_1694, %sign3A_1732 : i32
      %sign3A_1734 = arith.extui %sign3A_1733 : i1 to i32
      %sign3A_1735 = arith.subi %sign3A_1731, %sign3A_1734 : i32
      %sign3A_1736 = arith.constant 0 : i32
      %sign3A_1737 = arith.cmpi sgt, %jit3A_1727, %sign3A_1736 : i32
      %sign3A_1738 = arith.extui %sign3A_1737 : i1 to i32
      %sign3A_1739 = arith.constant 0 : i32
      %sign3A_1740 = arith.cmpi slt, %jit3A_1727, %sign3A_1739 : i32
      %sign3A_1741 = arith.extui %sign3A_1740 : i1 to i32
      %sign3A_1742 = arith.subi %sign3A_1738, %sign3A_1741 : i32
      %ne3A_1743 = arith.cmpi ne, %sign3A_1735, %sign3A_1742 : i32
      %rem3A_1744 = arith.remsi %add3A_1694, %jit3A_1727 : i32
      %ne3A_1745 = arith.constant 0 : i32
      %ne3A_1746 = arith.cmpi ne, %rem3A_1744, %ne3A_1745 : i32
      %and3A_1747 = arith.andi %ne3A_1743, %ne3A_1746 : i1
      %sub3A_1748 = arith.constant 1 : i32
      %sub3A_1749 = arith.subi %div3A_1728, %sub3A_1748 : i32
      %select_n3A_1750 = arith.select %and3A_1747, %sub3A_1749, %div3A_1728 : i32
      %mul3A_1751 = arith.constant 4 : i32
      %mul3A_1752 = arith.muli %add3A, %mul3A_1751 : i32
      %jit3A_1753 = arith.constant 4 : i32
      %eq3A_1754 = arith.constant 0 : i32
      %eq3A_1755 = arith.cmpi eq, %jit3A_1753, %eq3A_1754 : i32
      %jit3A_1756 = arith.constant 1 : i32
      %select_n3A_1757 = arith.select %eq3A_1755, %jit3A_1756, %jit3A_1753 : i32
      %rem3A_1758 = arith.remsi %add3A_1694, %select_n3A_1757 : i32
      %ne3A_1759 = arith.constant 0 : i32
      %ne3A_1760 = arith.cmpi ne, %rem3A_1758, %ne3A_1759 : i32
      %lt3A_1761 = arith.constant 0 : i32
      %lt3A_1762 = arith.cmpi slt, %rem3A_1758, %lt3A_1761 : i32
      %lt3A_1763 = arith.constant 0 : i32
      %lt3A_1764 = arith.cmpi slt, %select_n3A_1757, %lt3A_1763 : i32
      %ne3A_1765 = arith.xori %lt3A_1762, %lt3A_1764 : i1
      %and3A_1766 = arith.andi %ne3A_1765, %ne3A_1760 : i1
      %add3A_1767 = arith.addi %rem3A_1758, %select_n3A_1757 : i32
      %select_n3A_1768 = arith.select %and3A_1766, %add3A_1767, %rem3A_1758 : i32
      %add3A_1769 = arith.addi %mul3A_1752, %select_n3A_1768 : i32
      %dma_start3A_1770 = arith.constant 0 : i32
      %dma_start3A_1771 = arith.constant 64 : i32
      %dma_start3A_1772 = arith.constant 0 : i32
      %dma_start3A_1773 = tpu.memref_slice %arg7[%dma_start3A_1771, %dma_start3A_1772] : memref<256x128xf32, #tpu.memory_space<vmem>> -> memref<8x128xf32, #tpu.memory_space<vmem>>
      %dma_start3A_1774 = arith.constant 0 : i32
      %dma_start3A_1775 = arith.constant 0 : i32
      %dma_start3A_1776 = tpu.memref_slice %arg4[%select_n3A_1750, %dma_start3A_1770, %add3A_1769, %dma_start3A_1774, %dma_start3A_1775] : memref<50x8x128x8x128xf32, #tpu.memory_space<hbm>> -> memref<1x1x1x8x128xf32, #tpu.memory_space<hbm>>
      %dma_start3A_1777 = tpu.memref_squeeze %dma_start3A_1776 : memref<1x1x1x8x128xf32, #tpu.memory_space<hbm>> -> memref<8x128xf32, #tpu.memory_space<hbm>>
      %dma_start3A_1778 = arith.constant 0 : i32
      %dma_start3A_1779 = arith.constant 0 : i32
      %dma_start3A_1780 = tpu.memref_slice %arg4[%select_n3A_1750, %dma_start3A_1770, %add3A_1769, %dma_start3A_1778, %dma_start3A_1779] : memref<50x8x128x8x128xf32, #tpu.memory_space<hbm>> -> memref<1x1x1x8x128xf32, #tpu.memory_space<hbm>>
      %dma_start3A_1781 = tpu.memref_squeeze %dma_start3A_1780 : memref<1x1x1x8x128xf32, #tpu.memory_space<hbm>> -> memref<8x128xf32, #tpu.memory_space<hbm>>
      %dma_start3A_1782 = arith.constant 64 : i32
      %dma_start3A_1783 = arith.constant 0 : i32
      %dma_start3A_1784 = tpu.memref_slice %arg7[%dma_start3A_1782, %dma_start3A_1783] : memref<256x128xf32, #tpu.memory_space<vmem>> -> memref<8x128xf32, #tpu.memory_space<vmem>>
      tpu.enqueue_dma source(%dma_start3A_1784 : memref<8x128xf32, #tpu.memory_space<vmem>>) target(%dma_start3A_1781 : memref<8x128xf32, #tpu.memory_space<hbm>>) target_semaphore(%arg14 : memref<!tpu.dma_semaphore, #tpu.memory_space<semaphore_mem>>)
      %dma_start3A_1785 = arith.constant 1 : i32
      %dma_start3A_1786 = arith.constant 72 : i32
      %dma_start3A_1787 = arith.constant 0 : i32
      %dma_start3A_1788 = tpu.memref_slice %arg7[%dma_start3A_1786, %dma_start3A_1787] : memref<256x128xf32, #tpu.memory_space<vmem>> -> memref<8x128xf32, #tpu.memory_space<vmem>>
      %dma_start3A_1789 = arith.constant 0 : i32
      %dma_start3A_1790 = arith.constant 0 : i32
      %dma_start3A_1791 = tpu.memref_slice %arg4[%select_n3A_1750, %dma_start3A_1785, %add3A_1769, %dma_start3A_1789, %dma_start3A_1790] : memref<50x8x128x8x128xf32, #tpu.memory_space<hbm>> -> memref<1x1x1x8x128xf32, #tpu.memory_space<hbm>>
      %dma_start3A_1792 = tpu.memref_squeeze %dma_start3A_1791 : memref<1x1x1x8x128xf32, #tpu.memory_space<hbm>> -> memref<8x128xf32, #tpu.memory_space<hbm>>
      %dma_start3A_1793 = arith.constant 0 : i32
      %dma_start3A_1794 = arith.constant 0 : i32
      %dma_start3A_1795 = tpu.memref_slice %arg4[%select_n3A_1750, %dma_start3A_1785, %add3A_1769, %dma_start3A_1793, %dma_start3A_1794] : memref<50x8x128x8x128xf32, #tpu.memory_space<hbm>> -> memref<1x1x1x8x128xf32, #tpu.memory_space<hbm>>
      %dma_start3A_1796 = tpu.memref_squeeze %dma_start3A_1795 : memref<1x1x1x8x128xf32, #tpu.memory_space<hbm>> -> memref<8x128xf32, #tpu.memory_space<hbm>>
      %dma_start3A_1797 = arith.constant 72 : i32
      %dma_start3A_1798 = arith.constant 0 : i32
      %dma_start3A_1799 = tpu.memref_slice %arg7[%dma_start3A_1797, %dma_start3A_1798] : memref<256x128xf32, #tpu.memory_space<vmem>> -> memref<8x128xf32, #tpu.memory_space<vmem>>
      tpu.enqueue_dma source(%dma_start3A_1799 : memref<8x128xf32, #tpu.memory_space<vmem>>) target(%dma_start3A_1796 : memref<8x128xf32, #tpu.memory_space<hbm>>) target_semaphore(%arg14 : memref<!tpu.dma_semaphore, #tpu.memory_space<semaphore_mem>>)
      %dma_start3A_1800 = arith.constant 2 : i32
      %dma_start3A_1801 = arith.constant 80 : i32
      %dma_start3A_1802 = arith.constant 0 : i32
      %dma_start3A_1803 = tpu.memref_slice %arg7[%dma_start3A_1801, %dma_start3A_1802] : memref<256x128xf32, #tpu.memory_space<vmem>> -> memref<8x128xf32, #tpu.memory_space<vmem>>
      %dma_start3A_1804 = arith.constant 0 : i32
      %dma_start3A_1805 = arith.constant 0 : i32
      %dma_start3A_1806 = tpu.memref_slice %arg4[%select_n3A_1750, %dma_start3A_1800, %add3A_1769, %dma_start3A_1804, %dma_start3A_1805] : memref<50x8x128x8x128xf32, #tpu.memory_space<hbm>> -> memref<1x1x1x8x128xf32, #tpu.memory_space<hbm>>
      %dma_start3A_1807 = tpu.memref_squeeze %dma_start3A_1806 : memref<1x1x1x8x128xf32, #tpu.memory_space<hbm>> -> memref<8x128xf32, #tpu.memory_space<hbm>>
      %dma_start3A_1808 = arith.constant 0 : i32
      %dma_start3A_1809 = arith.constant 0 : i32
      %dma_start3A_1810 = tpu.memref_slice %arg4[%select_n3A_1750, %dma_start3A_1800, %add3A_1769, %dma_start3A_1808, %dma_start3A_1809] : memref<50x8x128x8x128xf32, #tpu.memory_space<hbm>> -> memref<1x1x1x8x128xf32, #tpu.memory_space<hbm>>
      %dma_start3A_1811 = tpu.memref_squeeze %dma_start3A_1810 : memref<1x1x1x8x128xf32, #tpu.memory_space<hbm>> -> memref<8x128xf32, #tpu.memory_space<hbm>>
      %dma_start3A_1812 = arith.constant 80 : i32
      %dma_start3A_1813 = arith.constant 0 : i32
      %dma_start3A_1814 = tpu.memref_slice %arg7[%dma_start3A_1812, %dma_start3A_1813] : memref<256x128xf32, #tpu.memory_space<vmem>> -> memref<8x128xf32, #tpu.memory_space<vmem>>
      tpu.enqueue_dma source(%dma_start3A_1814 : memref<8x128xf32, #tpu.memory_space<vmem>>) target(%dma_start3A_1811 : memref<8x128xf32, #tpu.memory_space<hbm>>) target_semaphore(%arg14 : memref<!tpu.dma_semaphore, #tpu.memory_space<semaphore_mem>>)
      %dma_start3A_1815 = arith.constant 3 : i32
      %dma_start3A_1816 = arith.constant 88 : i32
      %dma_start3A_1817 = arith.constant 0 : i32
      %dma_start3A_1818 = tpu.memref_slice %arg7[%dma_start3A_1816, %dma_start3A_1817] : memref<256x128xf32, #tpu.memory_space<vmem>> -> memref<8x128xf32, #tpu.memory_space<vmem>>
      %dma_start3A_1819 = arith.constant 0 : i32
      %dma_start3A_1820 = arith.constant 0 : i32
      %dma_start3A_1821 = tpu.memref_slice %arg4[%select_n3A_1750, %dma_start3A_1815, %add3A_1769, %dma_start3A_1819, %dma_start3A_1820] : memref<50x8x128x8x128xf32, #tpu.memory_space<hbm>> -> memref<1x1x1x8x128xf32, #tpu.memory_space<hbm>>
      %dma_start3A_1822 = tpu.memref_squeeze %dma_start3A_1821 : memref<1x1x1x8x128xf32, #tpu.memory_space<hbm>> -> memref<8x128xf32, #tpu.memory_space<hbm>>
      %dma_start3A_1823 = arith.constant 0 : i32
      %dma_start3A_1824 = arith.constant 0 : i32
      %dma_start3A_1825 = tpu.memref_slice %arg4[%select_n3A_1750, %dma_start3A_1815, %add3A_1769, %dma_start3A_1823, %dma_start3A_1824] : memref<50x8x128x8x128xf32, #tpu.memory_space<hbm>> -> memref<1x1x1x8x128xf32, #tpu.memory_space<hbm>>
      %dma_start3A_1826 = tpu.memref_squeeze %dma_start3A_1825 : memref<1x1x1x8x128xf32, #tpu.memory_space<hbm>> -> memref<8x128xf32, #tpu.memory_space<hbm>>
      %dma_start3A_1827 = arith.constant 88 : i32
      %dma_start3A_1828 = arith.constant 0 : i32
      %dma_start3A_1829 = tpu.memref_slice %arg7[%dma_start3A_1827, %dma_start3A_1828] : memref<256x128xf32, #tpu.memory_space<vmem>> -> memref<8x128xf32, #tpu.memory_space<vmem>>
      tpu.enqueue_dma source(%dma_start3A_1829 : memref<8x128xf32, #tpu.memory_space<vmem>>) target(%dma_start3A_1826 : memref<8x128xf32, #tpu.memory_space<hbm>>) target_semaphore(%arg14 : memref<!tpu.dma_semaphore, #tpu.memory_space<semaphore_mem>>)
      %dma_start3A_1830 = arith.constant 4 : i32
      %dma_start3A_1831 = arith.constant 96 : i32
      %dma_start3A_1832 = arith.constant 0 : i32
      %dma_start3A_1833 = tpu.memref_slice %arg7[%dma_start3A_1831, %dma_start3A_1832] : memref<256x128xf32, #tpu.memory_space<vmem>> -> memref<8x128xf32, #tpu.memory_space<vmem>>
      %dma_start3A_1834 = arith.constant 0 : i32
      %dma_start3A_1835 = arith.constant 0 : i32
      %dma_start3A_1836 = tpu.memref_slice %arg4[%select_n3A_1750, %dma_start3A_1830, %add3A_1769, %dma_start3A_1834, %dma_start3A_1835] : memref<50x8x128x8x128xf32, #tpu.memory_space<hbm>> -> memref<1x1x1x8x128xf32, #tpu.memory_space<hbm>>
      %dma_start3A_1837 = tpu.memref_squeeze %dma_start3A_1836 : memref<1x1x1x8x128xf32, #tpu.memory_space<hbm>> -> memref<8x128xf32, #tpu.memory_space<hbm>>
      %dma_start3A_1838 = arith.constant 0 : i32
      %dma_start3A_1839 = arith.constant 0 : i32
      %dma_start3A_1840 = tpu.memref_slice %arg4[%select_n3A_1750, %dma_start3A_1830, %add3A_1769, %dma_start3A_1838, %dma_start3A_1839] : memref<50x8x128x8x128xf32, #tpu.memory_space<hbm>> -> memref<1x1x1x8x128xf32, #tpu.memory_space<hbm>>
      %dma_start3A_1841 = tpu.memref_squeeze %dma_start3A_1840 : memref<1x1x1x8x128xf32, #tpu.memory_space<hbm>> -> memref<8x128xf32, #tpu.memory_space<hbm>>
      %dma_start3A_1842 = arith.constant 96 : i32
      %dma_start3A_1843 = arith.constant 0 : i32
      %dma_start3A_1844 = tpu.memref_slice %arg7[%dma_start3A_1842, %dma_start3A_1843] : memref<256x128xf32, #tpu.memory_space<vmem>> -> memref<8x128xf32, #tpu.memory_space<vmem>>
      tpu.enqueue_dma source(%dma_start3A_1844 : memref<8x128xf32, #tpu.memory_space<vmem>>) target(%dma_start3A_1841 : memref<8x128xf32, #tpu.memory_space<hbm>>) target_semaphore(%arg14 : memref<!tpu.dma_semaphore, #tpu.memory_space<semaphore_mem>>)
      %dma_start3A_1845 = arith.constant 5 : i32
      %dma_start3A_1846 = arith.constant 104 : i32
      %dma_start3A_1847 = arith.constant 0 : i32
      %dma_start3A_1848 = tpu.memref_slice %arg7[%dma_start3A_1846, %dma_start3A_1847] : memref<256x128xf32, #tpu.memory_space<vmem>> -> memref<8x128xf32, #tpu.memory_space<vmem>>
      %dma_start3A_1849 = arith.constant 0 : i32
      %dma_start3A_1850 = arith.constant 0 : i32
      %dma_start3A_1851 = tpu.memref_slice %arg4[%select_n3A_1750, %dma_start3A_1845, %add3A_1769, %dma_start3A_1849, %dma_start3A_1850] : memref<50x8x128x8x128xf32, #tpu.memory_space<hbm>> -> memref<1x1x1x8x128xf32, #tpu.memory_space<hbm>>
      %dma_start3A_1852 = tpu.memref_squeeze %dma_start3A_1851 : memref<1x1x1x8x128xf32, #tpu.memory_space<hbm>> -> memref<8x128xf32, #tpu.memory_space<hbm>>
      %dma_start3A_1853 = arith.constant 0 : i32
      %dma_start3A_1854 = arith.constant 0 : i32
      %dma_start3A_1855 = tpu.memref_slice %arg4[%select_n3A_1750, %dma_start3A_1845, %add3A_1769, %dma_start3A_1853, %dma_start3A_1854] : memref<50x8x128x8x128xf32, #tpu.memory_space<hbm>> -> memref<1x1x1x8x128xf32, #tpu.memory_space<hbm>>
      %dma_start3A_1856 = tpu.memref_squeeze %dma_start3A_1855 : memref<1x1x1x8x128xf32, #tpu.memory_space<hbm>> -> memref<8x128xf32, #tpu.memory_space<hbm>>
      %dma_start3A_1857 = arith.constant 104 : i32
      %dma_start3A_1858 = arith.constant 0 : i32
      %dma_start3A_1859 = tpu.memref_slice %arg7[%dma_start3A_1857, %dma_start3A_1858] : memref<256x128xf32, #tpu.memory_space<vmem>> -> memref<8x128xf32, #tpu.memory_space<vmem>>
      tpu.enqueue_dma source(%dma_start3A_1859 : memref<8x128xf32, #tpu.memory_space<vmem>>) target(%dma_start3A_1856 : memref<8x128xf32, #tpu.memory_space<hbm>>) target_semaphore(%arg14 : memref<!tpu.dma_semaphore, #tpu.memory_space<semaphore_mem>>)
      %dma_start3A_1860 = arith.constant 6 : i32
      %dma_start3A_1861 = arith.constant 112 : i32
      %dma_start3A_1862 = arith.constant 0 : i32
      %dma_start3A_1863 = tpu.memref_slice %arg7[%dma_start3A_1861, %dma_start3A_1862] : memref<256x128xf32, #tpu.memory_space<vmem>> -> memref<8x128xf32, #tpu.memory_space<vmem>>
      %dma_start3A_1864 = arith.constant 0 : i32
      %dma_start3A_1865 = arith.constant 0 : i32
      %dma_start3A_1866 = tpu.memref_slice %arg4[%select_n3A_1750, %dma_start3A_1860, %add3A_1769, %dma_start3A_1864, %dma_start3A_1865] : memref<50x8x128x8x128xf32, #tpu.memory_space<hbm>> -> memref<1x1x1x8x128xf32, #tpu.memory_space<hbm>>
      %dma_start3A_1867 = tpu.memref_squeeze %dma_start3A_1866 : memref<1x1x1x8x128xf32, #tpu.memory_space<hbm>> -> memref<8x128xf32, #tpu.memory_space<hbm>>
      %dma_start3A_1868 = arith.constant 0 : i32
      %dma_start3A_1869 = arith.constant 0 : i32
      %dma_start3A_1870 = tpu.memref_slice %arg4[%select_n3A_1750, %dma_start3A_1860, %add3A_1769, %dma_start3A_1868, %dma_start3A_1869] : memref<50x8x128x8x128xf32, #tpu.memory_space<hbm>> -> memref<1x1x1x8x128xf32, #tpu.memory_space<hbm>>
      %dma_start3A_1871 = tpu.memref_squeeze %dma_start3A_1870 : memref<1x1x1x8x128xf32, #tpu.memory_space<hbm>> -> memref<8x128xf32, #tpu.memory_space<hbm>>
      %dma_start3A_1872 = arith.constant 112 : i32
      %dma_start3A_1873 = arith.constant 0 : i32
      %dma_start3A_1874 = tpu.memref_slice %arg7[%dma_start3A_1872, %dma_start3A_1873] : memref<256x128xf32, #tpu.memory_space<vmem>> -> memref<8x128xf32, #tpu.memory_space<vmem>>
      tpu.enqueue_dma source(%dma_start3A_1874 : memref<8x128xf32, #tpu.memory_space<vmem>>) target(%dma_start3A_1871 : memref<8x128xf32, #tpu.memory_space<hbm>>) target_semaphore(%arg14 : memref<!tpu.dma_semaphore, #tpu.memory_space<semaphore_mem>>)
      %dma_start3A_1875 = arith.constant 7 : i32
      %dma_start3A_1876 = arith.constant 120 : i32
      %dma_start3A_1877 = arith.constant 0 : i32
      %dma_start3A_1878 = tpu.memref_slice %arg7[%dma_start3A_1876, %dma_start3A_1877] : memref<256x128xf32, #tpu.memory_space<vmem>> -> memref<8x128xf32, #tpu.memory_space<vmem>>
      %dma_start3A_1879 = arith.constant 0 : i32
      %dma_start3A_1880 = arith.constant 0 : i32
      %dma_start3A_1881 = tpu.memref_slice %arg4[%select_n3A_1750, %dma_start3A_1875, %add3A_1769, %dma_start3A_1879, %dma_start3A_1880] : memref<50x8x128x8x128xf32, #tpu.memory_space<hbm>> -> memref<1x1x1x8x128xf32, #tpu.memory_space<hbm>>
      %dma_start3A_1882 = tpu.memref_squeeze %dma_start3A_1881 : memref<1x1x1x8x128xf32, #tpu.memory_space<hbm>> -> memref<8x128xf32, #tpu.memory_space<hbm>>
      %dma_start3A_1883 = arith.constant 0 : i32
      %dma_start3A_1884 = arith.constant 0 : i32
      %dma_start3A_1885 = tpu.memref_slice %arg4[%select_n3A_1750, %dma_start3A_1875, %add3A_1769, %dma_start3A_1883, %dma_start3A_1884] : memref<50x8x128x8x128xf32, #tpu.memory_space<hbm>> -> memref<1x1x1x8x128xf32, #tpu.memory_space<hbm>>
      %dma_start3A_1886 = tpu.memref_squeeze %dma_start3A_1885 : memref<1x1x1x8x128xf32, #tpu.memory_space<hbm>> -> memref<8x128xf32, #tpu.memory_space<hbm>>
      %dma_start3A_1887 = arith.constant 120 : i32
      %dma_start3A_1888 = arith.constant 0 : i32
      %dma_start3A_1889 = tpu.memref_slice %arg7[%dma_start3A_1887, %dma_start3A_1888] : memref<256x128xf32, #tpu.memory_space<vmem>> -> memref<8x128xf32, #tpu.memory_space<vmem>>
      tpu.enqueue_dma source(%dma_start3A_1889 : memref<8x128xf32, #tpu.memory_space<vmem>>) target(%dma_start3A_1886 : memref<8x128xf32, #tpu.memory_space<hbm>>) target_semaphore(%arg14 : memref<!tpu.dma_semaphore, #tpu.memory_space<semaphore_mem>>)
      %add3A_1890 = arith.constant 2 : i32
      %add3A_1891 = arith.addi %mul3A_1498, %add3A_1890 : i32
      %add3A_1892 = arith.constant 4 : i32
      %add3A_1893 = arith.addi %add3A_1891, %add3A_1892 : i32
      %sub3A_1894 = arith.constant 1 : i32
      %sub3A_1895 = arith.subi %add3A_1893, %sub3A_1894 : i32
      %lt3A_1896 = arith.constant 200 : i32
      %lt3A_1897 = arith.cmpi slt, %sub3A_1895, %lt3A_1896 : i32
      %convert_element_type3A_1898 = arith.extui %lt3A_1897 : i1 to i32
      %cond3A_1899 = arith.constant 0 : i32
      %cond3A_1900 = arith.cmpi ne, %convert_element_type3A_1898, %cond3A_1899 : i32
      scf.if %cond3A_1900 {
        %add3A_2284 = arith.constant 4 : i32
        %add3A_2285 = arith.addi %add3A_1891, %add3A_2284 : i32
        %sub3A_2286 = arith.constant 1 : i32
        %sub3A_2287 = arith.subi %add3A_2285, %sub3A_2286 : i32
        %jit3A_2288 = arith.constant 4 : i32
        %div3A_2289 = arith.divsi %sub3A_2287, %jit3A_2288 : i32
        %sign3A_2290 = arith.constant 0 : i32
        %sign3A_2291 = arith.cmpi sgt, %sub3A_2287, %sign3A_2290 : i32
        %sign3A_2292 = arith.extui %sign3A_2291 : i1 to i32
        %sign3A_2293 = arith.constant 0 : i32
        %sign3A_2294 = arith.cmpi slt, %sub3A_2287, %sign3A_2293 : i32
        %sign3A_2295 = arith.extui %sign3A_2294 : i1 to i32
        %sign3A_2296 = arith.subi %sign3A_2292, %sign3A_2295 : i32
        %sign3A_2297 = arith.constant 0 : i32
        %sign3A_2298 = arith.cmpi sgt, %jit3A_2288, %sign3A_2297 : i32
        %sign3A_2299 = arith.extui %sign3A_2298 : i1 to i32
        %sign3A_2300 = arith.constant 0 : i32
        %sign3A_2301 = arith.cmpi slt, %jit3A_2288, %sign3A_2300 : i32
        %sign3A_2302 = arith.extui %sign3A_2301 : i1 to i32
        %sign3A_2303 = arith.subi %sign3A_2299, %sign3A_2302 : i32
        %ne3A_2304 = arith.cmpi ne, %sign3A_2296, %sign3A_2303 : i32
        %rem3A_2305 = arith.remsi %sub3A_2287, %jit3A_2288 : i32
        %ne3A_2306 = arith.constant 0 : i32
        %ne3A_2307 = arith.cmpi ne, %rem3A_2305, %ne3A_2306 : i32
        %and3A_2308 = arith.andi %ne3A_2304, %ne3A_2307 : i1
        %sub3A_2309 = arith.constant 1 : i32
        %sub3A_2310 = arith.subi %div3A_2289, %sub3A_2309 : i32
        %select_n3A_2311 = arith.select %and3A_2308, %sub3A_2310, %div3A_2289 : i32
        %jit3A_2312 = arith.constant 4 : i32
        %eq3A_2313 = arith.constant 0 : i32
        %eq3A_2314 = arith.cmpi eq, %jit3A_2312, %eq3A_2313 : i32
        %jit3A_2315 = arith.constant 1 : i32
        %select_n3A_2316 = arith.select %eq3A_2314, %jit3A_2315, %jit3A_2312 : i32
        %rem3A_2317 = arith.remsi %sub3A_2287, %select_n3A_2316 : i32
        %ne3A_2318 = arith.constant 0 : i32
        %ne3A_2319 = arith.cmpi ne, %rem3A_2317, %ne3A_2318 : i32
        %lt3A_2320 = arith.constant 0 : i32
        %lt3A_2321 = arith.cmpi slt, %rem3A_2317, %lt3A_2320 : i32
        %lt3A_2322 = arith.constant 0 : i32
        %lt3A_2323 = arith.cmpi slt, %select_n3A_2316, %lt3A_2322 : i32
        %ne3A_2324 = arith.xori %lt3A_2321, %lt3A_2323 : i1
        %and3A_2325 = arith.andi %ne3A_2324, %ne3A_2319 : i1
        %add3A_2326 = arith.addi %rem3A_2317, %select_n3A_2316 : i32
        %select_n3A_2327 = arith.select %and3A_2325, %add3A_2326, %rem3A_2317 : i32
        %mul3A_2328 = arith.constant 128 : i32
        %mul3A_2329 = arith.muli %select_n3A_2327, %mul3A_2328 : i32
        %dma_start3A_2330 = arith.constant 128 : i32
        %dma_start3A_2331 = arith.constant 0 : i32
        %dma_start3A_2332 = tpu.memref_slice %arg6[%dma_start3A_2330, %dma_start3A_2331] : memref<512x64xf32, #tpu.memory_space<vmem>> -> memref<128x64xf32, #tpu.memory_space<vmem>>
        %dma_start3A_2333 = tpu.memref_slice %arg5[%select_n3A_2311, %mul3A_2329] : memref<50x512xi32, #tpu.memory_space<vmem>> -> memref<1x128xi32, #tpu.memory_space<vmem>>
        %dma_start3A_2334 = tpu.memref_squeeze %dma_start3A_2333 : memref<1x128xi32, #tpu.memory_space<vmem>> -> memref<128xi32, #tpu.memory_space<vmem>>
        %dma_start3A_2335 = arith.constant 0 : i32
        %dma_start3A_2336 = arith.constant 0 : i32
        %dma_start3A_2337 = tpu.memref_slice %arg3[%dma_start3A_2335, %dma_start3A_2336] : memref<1000000x64xf32, #tpu.memory_space<hbm>> -> memref<1000000x64xf32, #tpu.memory_space<hbm>>
        tpu.enqueue_indirect_dma source(%dma_start3A_2337 : memref<1000000x64xf32, #tpu.memory_space<hbm>>) target(%dma_start3A_2332 : memref<128x64xf32, #tpu.memory_space<vmem>>) offsets(%dma_start3A_2334 : memref<128xi32, #tpu.memory_space<vmem>>) semaphore(%arg10 : memref<!tpu.dma_semaphore, #tpu.memory_space<semaphore_mem>>)
      } else {
      }
      %gt3A_1901 = arith.constant 0 : i32
      %gt3A_1902 = arith.cmpi sgt, %scan3A_1496, %gt3A_1901 : i32
      %convert_element_type3A_1903 = arith.extui %gt3A_1902 : i1 to i32
      %cond3A_1904 = arith.constant 0 : i32
      %cond3A_1905 = arith.cmpi ne, %convert_element_type3A_1903, %cond3A_1904 : i32
      scf.if %cond3A_1905 {
        %dma_wait3A_2284 = arith.constant 256 : i32
        %dma_wait3A_2285 = arith.constant 0 : i32
        %dma_wait3A_2286 = tpu.memref_slice %arg6[%dma_wait3A_2284, %dma_wait3A_2285] : memref<512x64xf32, #tpu.memory_space<vmem>> -> memref<128x64xf32, #tpu.memory_space<vmem>>
        %dma_wait3A_2287 = arith.constant 0 : i32
        %dma_wait3A_2288 = arith.constant 0 : i32
        %dma_wait3A_2289 = tpu.memref_slice %arg3[%dma_wait3A_2287, %dma_wait3A_2288] : memref<1000000x64xf32, #tpu.memory_space<hbm>> -> memref<128x64xf32, #tpu.memory_space<hbm>>
        %dma_wait3A_2290 = arith.constant 256 : i32
        %dma_wait3A_2291 = arith.constant 0 : i32
        %dma_wait3A_2292 = tpu.memref_slice %arg6[%dma_wait3A_2290, %dma_wait3A_2291] : memref<512x64xf32, #tpu.memory_space<vmem>> -> memref<128x64xf32, #tpu.memory_space<vmem>>
        %dma_wait3A_2293 = arith.constant 0 : i32
        %dma_wait3A_2294 = arith.constant 0 : i32
        %dma_wait3A_2295 = tpu.memref_slice %arg3[%dma_wait3A_2293, %dma_wait3A_2294] : memref<1000000x64xf32, #tpu.memory_space<hbm>> -> memref<128x64xf32, #tpu.memory_space<hbm>>
        tpu.wait_dma2 semaphore(%arg15 : memref<!tpu.dma_semaphore, #tpu.memory_space<semaphore_mem>>) src(%dma_wait3A_2295 : memref<128x64xf32, #tpu.memory_space<hbm>>) dst(%dma_wait3A_2292 : memref<128x64xf32, #tpu.memory_space<vmem>>)
      } else {
      }
      %dma_wait3A_1906 = arith.constant 256 : i32
      %dma_wait3A_1907 = arith.constant 0 : i32
      %dma_wait3A_1908 = tpu.memref_slice %arg6[%dma_wait3A_1906, %dma_wait3A_1907] : memref<512x64xf32, #tpu.memory_space<vmem>> -> memref<128x64xf32, #tpu.memory_space<vmem>>
      %dma_wait3A_1909 = arith.constant 0 : i32
      %dma_wait3A_1910 = arith.constant 0 : i32
      %dma_wait3A_1911 = tpu.memref_slice %arg3[%dma_wait3A_1909, %dma_wait3A_1910] : memref<1000000x64xf32, #tpu.memory_space<hbm>> -> memref<128x64xf32, #tpu.memory_space<hbm>>
      %dma_wait3A_1912 = arith.constant 256 : i32
      %dma_wait3A_1913 = arith.constant 0 : i32
      %dma_wait3A_1914 = tpu.memref_slice %arg6[%dma_wait3A_1912, %dma_wait3A_1913] : memref<512x64xf32, #tpu.memory_space<vmem>> -> memref<128x64xf32, #tpu.memory_space<vmem>>
      %dma_wait3A_1915 = arith.constant 0 : i32
      %dma_wait3A_1916 = arith.constant 0 : i32
      %dma_wait3A_1917 = tpu.memref_slice %arg3[%dma_wait3A_1915, %dma_wait3A_1916] : memref<1000000x64xf32, #tpu.memory_space<hbm>> -> memref<128x64xf32, #tpu.memory_space<hbm>>
      tpu.wait_dma2 semaphore(%arg11 : memref<!tpu.dma_semaphore, #tpu.memory_space<semaphore_mem>>) src(%dma_wait3A_1917 : memref<128x64xf32, #tpu.memory_space<hbm>>) dst(%dma_wait3A_1914 : memref<128x64xf32, #tpu.memory_space<vmem>>)
      %scan3A_1918 = arith.constant 0 : i32
      %scan3A_1919 = arith.constant 0 : i32
      %scan3A_1920 = arith.constant 32 : i32
      %scan3A_1921 = arith.addi %scan3A_1919, %scan3A_1920 : i32
      %scan3A_1922 = arith.constant 1 : i32
      scf.for %scan3A_2284 = %scan3A_1919 to %scan3A_1921 step %scan3A_1922  : i32 {
        %jit3A_2285 = arith.constant 4 : i32
        %div3A_2286 = arith.divsi %scan3A_2284, %jit3A_2285 : i32
        %sign3A_2287 = arith.constant 0 : i32
        %sign3A_2288 = arith.cmpi sgt, %scan3A_2284, %sign3A_2287 : i32
        %sign3A_2289 = arith.extui %sign3A_2288 : i1 to i32
        %sign3A_2290 = arith.constant 0 : i32
        %sign3A_2291 = arith.cmpi slt, %scan3A_2284, %sign3A_2290 : i32
        %sign3A_2292 = arith.extui %sign3A_2291 : i1 to i32
        %sign3A_2293 = arith.subi %sign3A_2289, %sign3A_2292 : i32
        %sign3A_2294 = arith.constant 0 : i32
        %sign3A_2295 = arith.cmpi sgt, %jit3A_2285, %sign3A_2294 : i32
        %sign3A_2296 = arith.extui %sign3A_2295 : i1 to i32
        %sign3A_2297 = arith.constant 0 : i32
        %sign3A_2298 = arith.cmpi slt, %jit3A_2285, %sign3A_2297 : i32
        %sign3A_2299 = arith.extui %sign3A_2298 : i1 to i32
        %sign3A_2300 = arith.subi %sign3A_2296, %sign3A_2299 : i32
        %ne3A_2301 = arith.cmpi ne, %sign3A_2293, %sign3A_2300 : i32
        %rem3A_2302 = arith.remsi %scan3A_2284, %jit3A_2285 : i32
        %ne3A_2303 = arith.constant 0 : i32
        %ne3A_2304 = arith.cmpi ne, %rem3A_2302, %ne3A_2303 : i32
        %and3A_2305 = arith.andi %ne3A_2301, %ne3A_2304 : i1
        %sub3A_2306 = arith.constant 1 : i32
        %sub3A_2307 = arith.subi %div3A_2286, %sub3A_2306 : i32
        %select_n3A_2308 = arith.select %and3A_2305, %sub3A_2307, %div3A_2286 : i32
        %jit3A_2309 = arith.constant 4 : i32
        %eq3A_2310 = arith.constant 0 : i32
        %eq3A_2311 = arith.cmpi eq, %jit3A_2309, %eq3A_2310 : i32
        %jit3A_2312 = arith.constant 1 : i32
        %select_n3A_2313 = arith.select %eq3A_2311, %jit3A_2312, %jit3A_2309 : i32
        %rem3A_2314 = arith.remsi %scan3A_2284, %select_n3A_2313 : i32
        %ne3A_2315 = arith.constant 0 : i32
        %ne3A_2316 = arith.cmpi ne, %rem3A_2314, %ne3A_2315 : i32
        %lt3A_2317 = arith.constant 0 : i32
        %lt3A_2318 = arith.cmpi slt, %rem3A_2314, %lt3A_2317 : i32
        %lt3A_2319 = arith.constant 0 : i32
        %lt3A_2320 = arith.cmpi slt, %select_n3A_2313, %lt3A_2319 : i32
        %ne3A_2321 = arith.xori %lt3A_2318, %lt3A_2320 : i1
        %and3A_2322 = arith.andi %ne3A_2321, %ne3A_2316 : i1
        %add3A_2323 = arith.addi %rem3A_2314, %select_n3A_2313 : i32
        %select_n3A_2324 = arith.select %and3A_2322, %add3A_2323, %rem3A_2314 : i32
        %mul3A_2325 = arith.constant 16 : i32
        %mul3A_2326 = arith.muli %select_n3A_2308, %mul3A_2325 : i32
        %add3A_2327 = vector.broadcast %mul3A_2326 : i32 to vector<16xi32>
        %add3A_2328 = arith.addi %add3A_2327, %iota3A : vector<16xi32>
        %mul3A_2329 = arith.constant 16 : i32
        %mul3A_2330 = arith.muli %select_n3A_2324, %mul3A_2329 : i32
        %add3A_2331 = vector.broadcast %mul3A_2330 : i32 to vector<16xi32>
        %add3A_2332 = arith.addi %add3A_2331, %and3A_1205 : vector<16xi32>
        %mul3A_2333 = arith.constant 16 : i32
        %mul3A_2334 = arith.muli %select_n3A_2324, %mul3A_2333 : i32
        %add3A_2335 = vector.broadcast %mul3A_2334 : i32 to vector<16xi32>
        %add3A_2336 = arith.addi %add3A_2335, %and3A_1211 : vector<16xi32>
        %mul3A_2337 = arith.constant 16 : i32
        %mul3A_2338 = arith.muli %select_n3A_2324, %mul3A_2337 : i32
        %add3A_2339 = vector.broadcast %mul3A_2338 : i32 to vector<16xi32>
        %add3A_2340 = arith.addi %add3A_2339, %and3A_1217 : vector<16xi32>
        %mul3A_2341 = arith.constant 16 : i32
        %mul3A_2342 = arith.muli %select_n3A_2324, %mul3A_2341 : i32
        %add3A_2343 = vector.broadcast %mul3A_2342 : i32 to vector<16xi32>
        %add3A_2344 = arith.addi %add3A_2343, %and3A_1223 : vector<16xi32>
        %mul3A_2345 = arith.constant 16 : i32
        %mul3A_2346 = arith.muli %select_n3A_2324, %mul3A_2345 : i32
        %add3A_2347 = vector.broadcast %mul3A_2346 : i32 to vector<16xi32>
        %add3A_2348 = arith.addi %add3A_2347, %and3A_1229 : vector<16xi32>
        %mul3A_2349 = arith.constant 16 : i32
        %mul3A_2350 = arith.muli %select_n3A_2324, %mul3A_2349 : i32
        %add3A_2351 = vector.broadcast %mul3A_2350 : i32 to vector<16xi32>
        %add3A_2352 = arith.addi %add3A_2351, %and3A_1235 : vector<16xi32>
        %mul3A_2353 = arith.constant 16 : i32
        %mul3A_2354 = arith.muli %select_n3A_2324, %mul3A_2353 : i32
        %add3A_2355 = vector.broadcast %mul3A_2354 : i32 to vector<16xi32>
        %add3A_2356 = arith.addi %add3A_2355, %and3A_1241 : vector<16xi32>
        %mul3A_2357 = arith.constant 16 : i32
        %mul3A_2358 = arith.muli %select_n3A_2324, %mul3A_2357 : i32
        %add3A_2359 = vector.broadcast %mul3A_2358 : i32 to vector<16xi32>
        %add3A_2360 = arith.addi %add3A_2359, %and3A_1247 : vector<16xi32>
        %mul3A_2361 = arith.constant 16 : i32
        %mul3A_2362 = arith.muli %select_n3A_2324, %mul3A_2361 : i32
        %add3A_2363 = vector.broadcast %mul3A_2362 : i32 to vector<16xi32>
        %add3A_2364 = arith.addi %add3A_2363, %and3A_1253 : vector<16xi32>
        %mul3A_2365 = arith.constant 16 : i32
        %mul3A_2366 = arith.muli %select_n3A_2324, %mul3A_2365 : i32
        %add3A_2367 = vector.broadcast %mul3A_2366 : i32 to vector<16xi32>
        %add3A_2368 = arith.addi %add3A_2367, %and3A_1259 : vector<16xi32>
        %mul3A_2369 = arith.constant 16 : i32
        %mul3A_2370 = arith.muli %select_n3A_2324, %mul3A_2369 : i32
        %add3A_2371 = vector.broadcast %mul3A_2370 : i32 to vector<16xi32>
        %add3A_2372 = arith.addi %add3A_2371, %and3A_1265 : vector<16xi32>
        %mul3A_2373 = arith.constant 16 : i32
        %mul3A_2374 = arith.muli %select_n3A_2324, %mul3A_2373 : i32
        %add3A_2375 = vector.broadcast %mul3A_2374 : i32 to vector<16xi32>
        %add3A_2376 = arith.addi %add3A_2375, %and3A_1271 : vector<16xi32>
        %mul3A_2377 = arith.constant 16 : i32
        %mul3A_2378 = arith.muli %select_n3A_2324, %mul3A_2377 : i32
        %add3A_2379 = vector.broadcast %mul3A_2378 : i32 to vector<16xi32>
        %add3A_2380 = arith.addi %add3A_2379, %and3A_1277 : vector<16xi32>
        %mul3A_2381 = arith.constant 16 : i32
        %mul3A_2382 = arith.muli %select_n3A_2324, %mul3A_2381 : i32
        %add3A_2383 = vector.broadcast %mul3A_2382 : i32 to vector<16xi32>
        %add3A_2384 = arith.addi %add3A_2383, %and3A_1283 : vector<16xi32>
        %mul3A_2385 = arith.constant 16 : i32
        %mul3A_2386 = arith.muli %select_n3A_2324, %mul3A_2385 : i32
        %add3A_2387 = vector.broadcast %mul3A_2386 : i32 to vector<16xi32>
        %add3A_2388 = arith.addi %add3A_2387, %and3A_1289 : vector<16xi32>
        %mul3A_2389 = arith.constant 16 : i32
        %mul3A_2390 = arith.muli %select_n3A_2324, %mul3A_2389 : i32
        %add3A_2391 = vector.broadcast %mul3A_2390 : i32 to vector<16xi32>
        %add3A_2392 = arith.addi %add3A_2391, %and3A_1295 : vector<16xi32>
        %gather3A = arith.constant 256 : i32
        %gather3A_2393 = arith.constant 0 : i32
        %gather3A_2394 = tpu.memref_slice %arg6[%gather3A, %gather3A_2393] : memref<512x64xf32, #tpu.memory_space<vmem>> -> memref<128x64xf32, #tpu.memory_space<vmem>>
        %gather3A_2395 = tpu.vector_load_idx %gather3A_2394[%add3A_2328, %add3A_2332] : memref<128x64xf32, #tpu.memory_space<vmem>>[vector<16xi32>, vector<16xi32>], vector<16xf32>,
        %mul3A_2396 = arith.constant 8.000000e+00 : f32
        %mul3A_2397 = vector.broadcast %mul3A_2396 : f32 to vector<16xf32>
        %mul3A_2398 = arith.mulf %gather3A_2395, %mul3A_2397 : vector<16xf32>
        %gather3A_2399 = arith.constant 256 : i32
        %gather3A_2400 = arith.constant 0 : i32
        %gather3A_2401 = tpu.memref_slice %arg6[%gather3A_2399, %gather3A_2400] : memref<512x64xf32, #tpu.memory_space<vmem>> -> memref<128x64xf32, #tpu.memory_space<vmem>>
        %gather3A_2402 = tpu.vector_load_idx %gather3A_2401[%add3A_2328, %add3A_2336] : memref<128x64xf32, #tpu.memory_space<vmem>>[vector<16xi32>, vector<16xi32>], vector<16xf32>,
        %mul3A_2403 = arith.constant 8.000000e+00 : f32
        %mul3A_2404 = vector.broadcast %mul3A_2403 : f32 to vector<16xf32>
        %mul3A_2405 = arith.mulf %gather3A_2402, %mul3A_2404 : vector<16xf32>
        %gather3A_2406 = arith.constant 256 : i32
        %gather3A_2407 = arith.constant 0 : i32
        %gather3A_2408 = tpu.memref_slice %arg6[%gather3A_2406, %gather3A_2407] : memref<512x64xf32, #tpu.memory_space<vmem>> -> memref<128x64xf32, #tpu.memory_space<vmem>>
        %gather3A_2409 = tpu.vector_load_idx %gather3A_2408[%add3A_2328, %add3A_2340] : memref<128x64xf32, #tpu.memory_space<vmem>>[vector<16xi32>, vector<16xi32>], vector<16xf32>,
        %mul3A_2410 = arith.constant 8.000000e+00 : f32
        %mul3A_2411 = vector.broadcast %mul3A_2410 : f32 to vector<16xf32>
        %mul3A_2412 = arith.mulf %gather3A_2409, %mul3A_2411 : vector<16xf32>
        %gather3A_2413 = arith.constant 256 : i32
        %gather3A_2414 = arith.constant 0 : i32
        %gather3A_2415 = tpu.memref_slice %arg6[%gather3A_2413, %gather3A_2414] : memref<512x64xf32, #tpu.memory_space<vmem>> -> memref<128x64xf32, #tpu.memory_space<vmem>>
        %gather3A_2416 = tpu.vector_load_idx %gather3A_2415[%add3A_2328, %add3A_2344] : memref<128x64xf32, #tpu.memory_space<vmem>>[vector<16xi32>, vector<16xi32>], vector<16xf32>,
        %mul3A_2417 = arith.constant 8.000000e+00 : f32
        %mul3A_2418 = vector.broadcast %mul3A_2417 : f32 to vector<16xf32>
        %mul3A_2419 = arith.mulf %gather3A_2416, %mul3A_2418 : vector<16xf32>
        %gather3A_2420 = arith.constant 256 : i32
        %gather3A_2421 = arith.constant 0 : i32
        %gather3A_2422 = tpu.memref_slice %arg6[%gather3A_2420, %gather3A_2421] : memref<512x64xf32, #tpu.memory_space<vmem>> -> memref<128x64xf32, #tpu.memory_space<vmem>>
        %gather3A_2423 = tpu.vector_load_idx %gather3A_2422[%add3A_2328, %add3A_2348] : memref<128x64xf32, #tpu.memory_space<vmem>>[vector<16xi32>, vector<16xi32>], vector<16xf32>,
        %mul3A_2424 = arith.constant 8.000000e+00 : f32
        %mul3A_2425 = vector.broadcast %mul3A_2424 : f32 to vector<16xf32>
        %mul3A_2426 = arith.mulf %gather3A_2423, %mul3A_2425 : vector<16xf32>
        %gather3A_2427 = arith.constant 256 : i32
        %gather3A_2428 = arith.constant 0 : i32
        %gather3A_2429 = tpu.memref_slice %arg6[%gather3A_2427, %gather3A_2428] : memref<512x64xf32, #tpu.memory_space<vmem>> -> memref<128x64xf32, #tpu.memory_space<vmem>>
        %gather3A_2430 = tpu.vector_load_idx %gather3A_2429[%add3A_2328, %add3A_2352] : memref<128x64xf32, #tpu.memory_space<vmem>>[vector<16xi32>, vector<16xi32>], vector<16xf32>,
        %mul3A_2431 = arith.constant 8.000000e+00 : f32
        %mul3A_2432 = vector.broadcast %mul3A_2431 : f32 to vector<16xf32>
        %mul3A_2433 = arith.mulf %gather3A_2430, %mul3A_2432 : vector<16xf32>
        %gather3A_2434 = arith.constant 256 : i32
        %gather3A_2435 = arith.constant 0 : i32
        %gather3A_2436 = tpu.memref_slice %arg6[%gather3A_2434, %gather3A_2435] : memref<512x64xf32, #tpu.memory_space<vmem>> -> memref<128x64xf32, #tpu.memory_space<vmem>>
        %gather3A_2437 = tpu.vector_load_idx %gather3A_2436[%add3A_2328, %add3A_2356] : memref<128x64xf32, #tpu.memory_space<vmem>>[vector<16xi32>, vector<16xi32>], vector<16xf32>,
        %mul3A_2438 = arith.constant 8.000000e+00 : f32
        %mul3A_2439 = vector.broadcast %mul3A_2438 : f32 to vector<16xf32>
        %mul3A_2440 = arith.mulf %gather3A_2437, %mul3A_2439 : vector<16xf32>
        %gather3A_2441 = arith.constant 256 : i32
        %gather3A_2442 = arith.constant 0 : i32
        %gather3A_2443 = tpu.memref_slice %arg6[%gather3A_2441, %gather3A_2442] : memref<512x64xf32, #tpu.memory_space<vmem>> -> memref<128x64xf32, #tpu.memory_space<vmem>>
        %gather3A_2444 = tpu.vector_load_idx %gather3A_2443[%add3A_2328, %add3A_2360] : memref<128x64xf32, #tpu.memory_space<vmem>>[vector<16xi32>, vector<16xi32>], vector<16xf32>,
        %mul3A_2445 = arith.constant 8.000000e+00 : f32
        %mul3A_2446 = vector.broadcast %mul3A_2445 : f32 to vector<16xf32>
        %mul3A_2447 = arith.mulf %gather3A_2444, %mul3A_2446 : vector<16xf32>
        %gather3A_2448 = arith.constant 256 : i32
        %gather3A_2449 = arith.constant 0 : i32
        %gather3A_2450 = tpu.memref_slice %arg6[%gather3A_2448, %gather3A_2449] : memref<512x64xf32, #tpu.memory_space<vmem>> -> memref<128x64xf32, #tpu.memory_space<vmem>>
        %gather3A_2451 = tpu.vector_load_idx %gather3A_2450[%add3A_2328, %add3A_2364] : memref<128x64xf32, #tpu.memory_space<vmem>>[vector<16xi32>, vector<16xi32>], vector<16xf32>,
        %mul3A_2452 = arith.constant 8.000000e+00 : f32
        %mul3A_2453 = vector.broadcast %mul3A_2452 : f32 to vector<16xf32>
        %mul3A_2454 = arith.mulf %gather3A_2451, %mul3A_2453 : vector<16xf32>
        %gather3A_2455 = arith.constant 256 : i32
        %gather3A_2456 = arith.constant 0 : i32
        %gather3A_2457 = tpu.memref_slice %arg6[%gather3A_2455, %gather3A_2456] : memref<512x64xf32, #tpu.memory_space<vmem>> -> memref<128x64xf32, #tpu.memory_space<vmem>>
        %gather3A_2458 = tpu.vector_load_idx %gather3A_2457[%add3A_2328, %add3A_2368] : memref<128x64xf32, #tpu.memory_space<vmem>>[vector<16xi32>, vector<16xi32>], vector<16xf32>,
        %mul3A_2459 = arith.constant 8.000000e+00 : f32
        %mul3A_2460 = vector.broadcast %mul3A_2459 : f32 to vector<16xf32>
        %mul3A_2461 = arith.mulf %gather3A_2458, %mul3A_2460 : vector<16xf32>
        %gather3A_2462 = arith.constant 256 : i32
        %gather3A_2463 = arith.constant 0 : i32
        %gather3A_2464 = tpu.memref_slice %arg6[%gather3A_2462, %gather3A_2463] : memref<512x64xf32, #tpu.memory_space<vmem>> -> memref<128x64xf32, #tpu.memory_space<vmem>>
        %gather3A_2465 = tpu.vector_load_idx %gather3A_2464[%add3A_2328, %add3A_2372] : memref<128x64xf32, #tpu.memory_space<vmem>>[vector<16xi32>, vector<16xi32>], vector<16xf32>,
        %mul3A_2466 = arith.constant 8.000000e+00 : f32
        %mul3A_2467 = vector.broadcast %mul3A_2466 : f32 to vector<16xf32>
        %mul3A_2468 = arith.mulf %gather3A_2465, %mul3A_2467 : vector<16xf32>
        %gather3A_2469 = arith.constant 256 : i32
        %gather3A_2470 = arith.constant 0 : i32
        %gather3A_2471 = tpu.memref_slice %arg6[%gather3A_2469, %gather3A_2470] : memref<512x64xf32, #tpu.memory_space<vmem>> -> memref<128x64xf32, #tpu.memory_space<vmem>>
        %gather3A_2472 = tpu.vector_load_idx %gather3A_2471[%add3A_2328, %add3A_2376] : memref<128x64xf32, #tpu.memory_space<vmem>>[vector<16xi32>, vector<16xi32>], vector<16xf32>,
        %mul3A_2473 = arith.constant 8.000000e+00 : f32
        %mul3A_2474 = vector.broadcast %mul3A_2473 : f32 to vector<16xf32>
        %mul3A_2475 = arith.mulf %gather3A_2472, %mul3A_2474 : vector<16xf32>
        %gather3A_2476 = arith.constant 256 : i32
        %gather3A_2477 = arith.constant 0 : i32
        %gather3A_2478 = tpu.memref_slice %arg6[%gather3A_2476, %gather3A_2477] : memref<512x64xf32, #tpu.memory_space<vmem>> -> memref<128x64xf32, #tpu.memory_space<vmem>>
        %gather3A_2479 = tpu.vector_load_idx %gather3A_2478[%add3A_2328, %add3A_2380] : memref<128x64xf32, #tpu.memory_space<vmem>>[vector<16xi32>, vector<16xi32>], vector<16xf32>,
        %mul3A_2480 = arith.constant 8.000000e+00 : f32
        %mul3A_2481 = vector.broadcast %mul3A_2480 : f32 to vector<16xf32>
        %mul3A_2482 = arith.mulf %gather3A_2479, %mul3A_2481 : vector<16xf32>
        %gather3A_2483 = arith.constant 256 : i32
        %gather3A_2484 = arith.constant 0 : i32
        %gather3A_2485 = tpu.memref_slice %arg6[%gather3A_2483, %gather3A_2484] : memref<512x64xf32, #tpu.memory_space<vmem>> -> memref<128x64xf32, #tpu.memory_space<vmem>>
        %gather3A_2486 = tpu.vector_load_idx %gather3A_2485[%add3A_2328, %add3A_2384] : memref<128x64xf32, #tpu.memory_space<vmem>>[vector<16xi32>, vector<16xi32>], vector<16xf32>,
        %mul3A_2487 = arith.constant 8.000000e+00 : f32
        %mul3A_2488 = vector.broadcast %mul3A_2487 : f32 to vector<16xf32>
        %mul3A_2489 = arith.mulf %gather3A_2486, %mul3A_2488 : vector<16xf32>
        %gather3A_2490 = arith.constant 256 : i32
        %gather3A_2491 = arith.constant 0 : i32
        %gather3A_2492 = tpu.memref_slice %arg6[%gather3A_2490, %gather3A_2491] : memref<512x64xf32, #tpu.memory_space<vmem>> -> memref<128x64xf32, #tpu.memory_space<vmem>>
        %gather3A_2493 = tpu.vector_load_idx %gather3A_2492[%add3A_2328, %add3A_2388] : memref<128x64xf32, #tpu.memory_space<vmem>>[vector<16xi32>, vector<16xi32>], vector<16xf32>,
        %mul3A_2494 = arith.constant 8.000000e+00 : f32
        %mul3A_2495 = vector.broadcast %mul3A_2494 : f32 to vector<16xf32>
        %mul3A_2496 = arith.mulf %gather3A_2493, %mul3A_2495 : vector<16xf32>
        %gather3A_2497 = arith.constant 256 : i32
        %gather3A_2498 = arith.constant 0 : i32
        %gather3A_2499 = tpu.memref_slice %arg6[%gather3A_2497, %gather3A_2498] : memref<512x64xf32, #tpu.memory_space<vmem>> -> memref<128x64xf32, #tpu.memory_space<vmem>>
        %gather3A_2500 = tpu.vector_load_idx %gather3A_2499[%add3A_2328, %add3A_2392] : memref<128x64xf32, #tpu.memory_space<vmem>>[vector<16xi32>, vector<16xi32>], vector<16xf32>,
        %mul3A_2501 = arith.constant 8.000000e+00 : f32
        %mul3A_2502 = vector.broadcast %mul3A_2501 : f32 to vector<16xf32>
        %mul3A_2503 = arith.mulf %gather3A_2500, %mul3A_2502 : vector<16xf32>
        %scatter3A = arith.constant 128 : i32
        %scatter3A_2504 = arith.constant 0 : i32
        %scatter3A_2505 = tpu.memref_slice %arg7[%scatter3A, %scatter3A_2504] : memref<256x128xf32, #tpu.memory_space<vmem>> -> memref<64x128xf32, #tpu.memory_space<vmem>>
        tpu.vector_store_idx %scatter3A_2505[%add3A_2332, %add3A_2328], %mul3A_2398 : memref<64x128xf32, #tpu.memory_space<vmem>>[vector<16xi32>, vector<16xi32>], vector<16xf32>,
        %scatter3A_2506 = arith.constant 128 : i32
        %scatter3A_2507 = arith.constant 0 : i32
        %scatter3A_2508 = tpu.memref_slice %arg7[%scatter3A_2506, %scatter3A_2507] : memref<256x128xf32, #tpu.memory_space<vmem>> -> memref<64x128xf32, #tpu.memory_space<vmem>>
        tpu.vector_store_idx %scatter3A_2508[%add3A_2336, %add3A_2328], %mul3A_2405 : memref<64x128xf32, #tpu.memory_space<vmem>>[vector<16xi32>, vector<16xi32>], vector<16xf32>,
        %scatter3A_2509 = arith.constant 128 : i32
        %scatter3A_2510 = arith.constant 0 : i32
        %scatter3A_2511 = tpu.memref_slice %arg7[%scatter3A_2509, %scatter3A_2510] : memref<256x128xf32, #tpu.memory_space<vmem>> -> memref<64x128xf32, #tpu.memory_space<vmem>>
        tpu.vector_store_idx %scatter3A_2511[%add3A_2340, %add3A_2328], %mul3A_2412 : memref<64x128xf32, #tpu.memory_space<vmem>>[vector<16xi32>, vector<16xi32>], vector<16xf32>,
        %scatter3A_2512 = arith.constant 128 : i32
        %scatter3A_2513 = arith.constant 0 : i32
        %scatter3A_2514 = tpu.memref_slice %arg7[%scatter3A_2512, %scatter3A_2513] : memref<256x128xf32, #tpu.memory_space<vmem>> -> memref<64x128xf32, #tpu.memory_space<vmem>>
        tpu.vector_store_idx %scatter3A_2514[%add3A_2344, %add3A_2328], %mul3A_2419 : memref<64x128xf32, #tpu.memory_space<vmem>>[vector<16xi32>, vector<16xi32>], vector<16xf32>,
        %scatter3A_2515 = arith.constant 128 : i32
        %scatter3A_2516 = arith.constant 0 : i32
        %scatter3A_2517 = tpu.memref_slice %arg7[%scatter3A_2515, %scatter3A_2516] : memref<256x128xf32, #tpu.memory_space<vmem>> -> memref<64x128xf32, #tpu.memory_space<vmem>>
        tpu.vector_store_idx %scatter3A_2517[%add3A_2348, %add3A_2328], %mul3A_2426 : memref<64x128xf32, #tpu.memory_space<vmem>>[vector<16xi32>, vector<16xi32>], vector<16xf32>,
        %scatter3A_2518 = arith.constant 128 : i32
        %scatter3A_2519 = arith.constant 0 : i32
        %scatter3A_2520 = tpu.memref_slice %arg7[%scatter3A_2518, %scatter3A_2519] : memref<256x128xf32, #tpu.memory_space<vmem>> -> memref<64x128xf32, #tpu.memory_space<vmem>>
        tpu.vector_store_idx %scatter3A_2520[%add3A_2352, %add3A_2328], %mul3A_2433 : memref<64x128xf32, #tpu.memory_space<vmem>>[vector<16xi32>, vector<16xi32>], vector<16xf32>,
        %scatter3A_2521 = arith.constant 128 : i32
        %scatter3A_2522 = arith.constant 0 : i32
        %scatter3A_2523 = tpu.memref_slice %arg7[%scatter3A_2521, %scatter3A_2522] : memref<256x128xf32, #tpu.memory_space<vmem>> -> memref<64x128xf32, #tpu.memory_space<vmem>>
        tpu.vector_store_idx %scatter3A_2523[%add3A_2356, %add3A_2328], %mul3A_2440 : memref<64x128xf32, #tpu.memory_space<vmem>>[vector<16xi32>, vector<16xi32>], vector<16xf32>,
        %scatter3A_2524 = arith.constant 128 : i32
        %scatter3A_2525 = arith.constant 0 : i32
        %scatter3A_2526 = tpu.memref_slice %arg7[%scatter3A_2524, %scatter3A_2525] : memref<256x128xf32, #tpu.memory_space<vmem>> -> memref<64x128xf32, #tpu.memory_space<vmem>>
        tpu.vector_store_idx %scatter3A_2526[%add3A_2360, %add3A_2328], %mul3A_2447 : memref<64x128xf32, #tpu.memory_space<vmem>>[vector<16xi32>, vector<16xi32>], vector<16xf32>,
        %scatter3A_2527 = arith.constant 128 : i32
        %scatter3A_2528 = arith.constant 0 : i32
        %scatter3A_2529 = tpu.memref_slice %arg7[%scatter3A_2527, %scatter3A_2528] : memref<256x128xf32, #tpu.memory_space<vmem>> -> memref<64x128xf32, #tpu.memory_space<vmem>>
        tpu.vector_store_idx %scatter3A_2529[%add3A_2364, %add3A_2328], %mul3A_2454 : memref<64x128xf32, #tpu.memory_space<vmem>>[vector<16xi32>, vector<16xi32>], vector<16xf32>,
        %scatter3A_2530 = arith.constant 128 : i32
        %scatter3A_2531 = arith.constant 0 : i32
        %scatter3A_2532 = tpu.memref_slice %arg7[%scatter3A_2530, %scatter3A_2531] : memref<256x128xf32, #tpu.memory_space<vmem>> -> memref<64x128xf32, #tpu.memory_space<vmem>>
        tpu.vector_store_idx %scatter3A_2532[%add3A_2368, %add3A_2328], %mul3A_2461 : memref<64x128xf32, #tpu.memory_space<vmem>>[vector<16xi32>, vector<16xi32>], vector<16xf32>,
        %scatter3A_2533 = arith.constant 128 : i32
        %scatter3A_2534 = arith.constant 0 : i32
        %scatter3A_2535 = tpu.memref_slice %arg7[%scatter3A_2533, %scatter3A_2534] : memref<256x128xf32, #tpu.memory_space<vmem>> -> memref<64x128xf32, #tpu.memory_space<vmem>>
        tpu.vector_store_idx %scatter3A_2535[%add3A_2372, %add3A_2328], %mul3A_2468 : memref<64x128xf32, #tpu.memory_space<vmem>>[vector<16xi32>, vector<16xi32>], vector<16xf32>,
        %scatter3A_2536 = arith.constant 128 : i32
        %scatter3A_2537 = arith.constant 0 : i32
        %scatter3A_2538 = tpu.memref_slice %arg7[%scatter3A_2536, %scatter3A_2537] : memref<256x128xf32, #tpu.memory_space<vmem>> -> memref<64x128xf32, #tpu.memory_space<vmem>>
        tpu.vector_store_idx %scatter3A_2538[%add3A_2376, %add3A_2328], %mul3A_2475 : memref<64x128xf32, #tpu.memory_space<vmem>>[vector<16xi32>, vector<16xi32>], vector<16xf32>,
        %scatter3A_2539 = arith.constant 128 : i32
        %scatter3A_2540 = arith.constant 0 : i32
        %scatter3A_2541 = tpu.memref_slice %arg7[%scatter3A_2539, %scatter3A_2540] : memref<256x128xf32, #tpu.memory_space<vmem>> -> memref<64x128xf32, #tpu.memory_space<vmem>>
        tpu.vector_store_idx %scatter3A_2541[%add3A_2380, %add3A_2328], %mul3A_2482 : memref<64x128xf32, #tpu.memory_space<vmem>>[vector<16xi32>, vector<16xi32>], vector<16xf32>,
        %scatter3A_2542 = arith.constant 128 : i32
        %scatter3A_2543 = arith.constant 0 : i32
        %scatter3A_2544 = tpu.memref_slice %arg7[%scatter3A_2542, %scatter3A_2543] : memref<256x128xf32, #tpu.memory_space<vmem>> -> memref<64x128xf32, #tpu.memory_space<vmem>>
        tpu.vector_store_idx %scatter3A_2544[%add3A_2384, %add3A_2328], %mul3A_2489 : memref<64x128xf32, #tpu.memory_space<vmem>>[vector<16xi32>, vector<16xi32>], vector<16xf32>,
        %scatter3A_2545 = arith.constant 128 : i32
        %scatter3A_2546 = arith.constant 0 : i32
        %scatter3A_2547 = tpu.memref_slice %arg7[%scatter3A_2545, %scatter3A_2546] : memref<256x128xf32, #tpu.memory_space<vmem>> -> memref<64x128xf32, #tpu.memory_space<vmem>>
        tpu.vector_store_idx %scatter3A_2547[%add3A_2388, %add3A_2328], %mul3A_2496 : memref<64x128xf32, #tpu.memory_space<vmem>>[vector<16xi32>, vector<16xi32>], vector<16xf32>,
        %scatter3A_2548 = arith.constant 128 : i32
        %scatter3A_2549 = arith.constant 0 : i32
        %scatter3A_2550 = tpu.memref_slice %arg7[%scatter3A_2548, %scatter3A_2549] : memref<256x128xf32, #tpu.memory_space<vmem>> -> memref<64x128xf32, #tpu.memory_space<vmem>>
        tpu.vector_store_idx %scatter3A_2550[%add3A_2392, %add3A_2328], %mul3A_2503 : memref<64x128xf32, #tpu.memory_space<vmem>>[vector<16xi32>, vector<16xi32>], vector<16xf32>,
      }
      %scan3A_1923 = arith.constant 32 : i32
      %jit3A_1924 = arith.constant 4 : i32
      %div3A_1925 = arith.divsi %add3A_1891, %jit3A_1924 : i32
      %sign3A_1926 = arith.constant 0 : i32
      %sign3A_1927 = arith.cmpi sgt, %add3A_1891, %sign3A_1926 : i32
      %sign3A_1928 = arith.extui %sign3A_1927 : i1 to i32
      %sign3A_1929 = arith.constant 0 : i32
      %sign3A_1930 = arith.cmpi slt, %add3A_1891, %sign3A_1929 : i32
      %sign3A_1931 = arith.extui %sign3A_1930 : i1 to i32
      %sign3A_1932 = arith.subi %sign3A_1928, %sign3A_1931 : i32
      %sign3A_1933 = arith.constant 0 : i32
      %sign3A_1934 = arith.cmpi sgt, %jit3A_1924, %sign3A_1933 : i32
      %sign3A_1935 = arith.extui %sign3A_1934 : i1 to i32
      %sign3A_1936 = arith.constant 0 : i32
      %sign3A_1937 = arith.cmpi slt, %jit3A_1924, %sign3A_1936 : i32
      %sign3A_1938 = arith.extui %sign3A_1937 : i1 to i32
      %sign3A_1939 = arith.subi %sign3A_1935, %sign3A_1938 : i32
      %ne3A_1940 = arith.cmpi ne, %sign3A_1932, %sign3A_1939 : i32
      %rem3A_1941 = arith.remsi %add3A_1891, %jit3A_1924 : i32
      %ne3A_1942 = arith.constant 0 : i32
      %ne3A_1943 = arith.cmpi ne, %rem3A_1941, %ne3A_1942 : i32
      %and3A_1944 = arith.andi %ne3A_1940, %ne3A_1943 : i1
      %sub3A_1945 = arith.constant 1 : i32
      %sub3A_1946 = arith.subi %div3A_1925, %sub3A_1945 : i32
      %select_n3A_1947 = arith.select %and3A_1944, %sub3A_1946, %div3A_1925 : i32
      %mul3A_1948 = arith.constant 4 : i32
      %mul3A_1949 = arith.muli %add3A, %mul3A_1948 : i32
      %jit3A_1950 = arith.constant 4 : i32
      %eq3A_1951 = arith.constant 0 : i32
      %eq3A_1952 = arith.cmpi eq, %jit3A_1950, %eq3A_1951 : i32
      %jit3A_1953 = arith.constant 1 : i32
      %select_n3A_1954 = arith.select %eq3A_1952, %jit3A_1953, %jit3A_1950 : i32
      %rem3A_1955 = arith.remsi %add3A_1891, %select_n3A_1954 : i32
      %ne3A_1956 = arith.constant 0 : i32
      %ne3A_1957 = arith.cmpi ne, %rem3A_1955, %ne3A_1956 : i32
      %lt3A_1958 = arith.constant 0 : i32
      %lt3A_1959 = arith.cmpi slt, %rem3A_1955, %lt3A_1958 : i32
      %lt3A_1960 = arith.constant 0 : i32
      %lt3A_1961 = arith.cmpi slt, %select_n3A_1954, %lt3A_1960 : i32
      %ne3A_1962 = arith.xori %lt3A_1959, %lt3A_1961 : i1
      %and3A_1963 = arith.andi %ne3A_1962, %ne3A_1957 : i1
      %add3A_1964 = arith.addi %rem3A_1955, %select_n3A_1954 : i32
      %select_n3A_1965 = arith.select %and3A_1963, %add3A_1964, %rem3A_1955 : i32
      %add3A_1966 = arith.addi %mul3A_1949, %select_n3A_1965 : i32
      %dma_start3A_1967 = arith.constant 0 : i32
      %dma_start3A_1968 = arith.constant 128 : i32
      %dma_start3A_1969 = arith.constant 0 : i32
      %dma_start3A_1970 = tpu.memref_slice %arg7[%dma_start3A_1968, %dma_start3A_1969] : memref<256x128xf32, #tpu.memory_space<vmem>> -> memref<8x128xf32, #tpu.memory_space<vmem>>
      %dma_start3A_1971 = arith.constant 0 : i32
      %dma_start3A_1972 = arith.constant 0 : i32
      %dma_start3A_1973 = tpu.memref_slice %arg4[%select_n3A_1947, %dma_start3A_1967, %add3A_1966, %dma_start3A_1971, %dma_start3A_1972] : memref<50x8x128x8x128xf32, #tpu.memory_space<hbm>> -> memref<1x1x1x8x128xf32, #tpu.memory_space<hbm>>
      %dma_start3A_1974 = tpu.memref_squeeze %dma_start3A_1973 : memref<1x1x1x8x128xf32, #tpu.memory_space<hbm>> -> memref<8x128xf32, #tpu.memory_space<hbm>>
      %dma_start3A_1975 = arith.constant 0 : i32
      %dma_start3A_1976 = arith.constant 0 : i32
      %dma_start3A_1977 = tpu.memref_slice %arg4[%select_n3A_1947, %dma_start3A_1967, %add3A_1966, %dma_start3A_1975, %dma_start3A_1976] : memref<50x8x128x8x128xf32, #tpu.memory_space<hbm>> -> memref<1x1x1x8x128xf32, #tpu.memory_space<hbm>>
      %dma_start3A_1978 = tpu.memref_squeeze %dma_start3A_1977 : memref<1x1x1x8x128xf32, #tpu.memory_space<hbm>> -> memref<8x128xf32, #tpu.memory_space<hbm>>
      %dma_start3A_1979 = arith.constant 128 : i32
      %dma_start3A_1980 = arith.constant 0 : i32
      %dma_start3A_1981 = tpu.memref_slice %arg7[%dma_start3A_1979, %dma_start3A_1980] : memref<256x128xf32, #tpu.memory_space<vmem>> -> memref<8x128xf32, #tpu.memory_space<vmem>>
      tpu.enqueue_dma source(%dma_start3A_1981 : memref<8x128xf32, #tpu.memory_space<vmem>>) target(%dma_start3A_1978 : memref<8x128xf32, #tpu.memory_space<hbm>>) target_semaphore(%arg15 : memref<!tpu.dma_semaphore, #tpu.memory_space<semaphore_mem>>)
      %dma_start3A_1982 = arith.constant 1 : i32
      %dma_start3A_1983 = arith.constant 136 : i32
      %dma_start3A_1984 = arith.constant 0 : i32
      %dma_start3A_1985 = tpu.memref_slice %arg7[%dma_start3A_1983, %dma_start3A_1984] : memref<256x128xf32, #tpu.memory_space<vmem>> -> memref<8x128xf32, #tpu.memory_space<vmem>>
      %dma_start3A_1986 = arith.constant 0 : i32
      %dma_start3A_1987 = arith.constant 0 : i32
      %dma_start3A_1988 = tpu.memref_slice %arg4[%select_n3A_1947, %dma_start3A_1982, %add3A_1966, %dma_start3A_1986, %dma_start3A_1987] : memref<50x8x128x8x128xf32, #tpu.memory_space<hbm>> -> memref<1x1x1x8x128xf32, #tpu.memory_space<hbm>>
      %dma_start3A_1989 = tpu.memref_squeeze %dma_start3A_1988 : memref<1x1x1x8x128xf32, #tpu.memory_space<hbm>> -> memref<8x128xf32, #tpu.memory_space<hbm>>
      %dma_start3A_1990 = arith.constant 0 : i32
      %dma_start3A_1991 = arith.constant 0 : i32
      %dma_start3A_1992 = tpu.memref_slice %arg4[%select_n3A_1947, %dma_start3A_1982, %add3A_1966, %dma_start3A_1990, %dma_start3A_1991] : memref<50x8x128x8x128xf32, #tpu.memory_space<hbm>> -> memref<1x1x1x8x128xf32, #tpu.memory_space<hbm>>
      %dma_start3A_1993 = tpu.memref_squeeze %dma_start3A_1992 : memref<1x1x1x8x128xf32, #tpu.memory_space<hbm>> -> memref<8x128xf32, #tpu.memory_space<hbm>>
      %dma_start3A_1994 = arith.constant 136 : i32
      %dma_start3A_1995 = arith.constant 0 : i32
      %dma_start3A_1996 = tpu.memref_slice %arg7[%dma_start3A_1994, %dma_start3A_1995] : memref<256x128xf32, #tpu.memory_space<vmem>> -> memref<8x128xf32, #tpu.memory_space<vmem>>
      tpu.enqueue_dma source(%dma_start3A_1996 : memref<8x128xf32, #tpu.memory_space<vmem>>) target(%dma_start3A_1993 : memref<8x128xf32, #tpu.memory_space<hbm>>) target_semaphore(%arg15 : memref<!tpu.dma_semaphore, #tpu.memory_space<semaphore_mem>>)
      %dma_start3A_1997 = arith.constant 2 : i32
      %dma_start3A_1998 = arith.constant 144 : i32
      %dma_start3A_1999 = arith.constant 0 : i32
      %dma_start3A_2000 = tpu.memref_slice %arg7[%dma_start3A_1998, %dma_start3A_1999] : memref<256x128xf32, #tpu.memory_space<vmem>> -> memref<8x128xf32, #tpu.memory_space<vmem>>
      %dma_start3A_2001 = arith.constant 0 : i32
      %dma_start3A_2002 = arith.constant 0 : i32
      %dma_start3A_2003 = tpu.memref_slice %arg4[%select_n3A_1947, %dma_start3A_1997, %add3A_1966, %dma_start3A_2001, %dma_start3A_2002] : memref<50x8x128x8x128xf32, #tpu.memory_space<hbm>> -> memref<1x1x1x8x128xf32, #tpu.memory_space<hbm>>
      %dma_start3A_2004 = tpu.memref_squeeze %dma_start3A_2003 : memref<1x1x1x8x128xf32, #tpu.memory_space<hbm>> -> memref<8x128xf32, #tpu.memory_space<hbm>>
      %dma_start3A_2005 = arith.constant 0 : i32
      %dma_start3A_2006 = arith.constant 0 : i32
      %dma_start3A_2007 = tpu.memref_slice %arg4[%select_n3A_1947, %dma_start3A_1997, %add3A_1966, %dma_start3A_2005, %dma_start3A_2006] : memref<50x8x128x8x128xf32, #tpu.memory_space<hbm>> -> memref<1x1x1x8x128xf32, #tpu.memory_space<hbm>>
      %dma_start3A_2008 = tpu.memref_squeeze %dma_start3A_2007 : memref<1x1x1x8x128xf32, #tpu.memory_space<hbm>> -> memref<8x128xf32, #tpu.memory_space<hbm>>
      %dma_start3A_2009 = arith.constant 144 : i32
      %dma_start3A_2010 = arith.constant 0 : i32
      %dma_start3A_2011 = tpu.memref_slice %arg7[%dma_start3A_2009, %dma_start3A_2010] : memref<256x128xf32, #tpu.memory_space<vmem>> -> memref<8x128xf32, #tpu.memory_space<vmem>>
      tpu.enqueue_dma source(%dma_start3A_2011 : memref<8x128xf32, #tpu.memory_space<vmem>>) target(%dma_start3A_2008 : memref<8x128xf32, #tpu.memory_space<hbm>>) target_semaphore(%arg15 : memref<!tpu.dma_semaphore, #tpu.memory_space<semaphore_mem>>)
      %dma_start3A_2012 = arith.constant 3 : i32
      %dma_start3A_2013 = arith.constant 152 : i32
      %dma_start3A_2014 = arith.constant 0 : i32
      %dma_start3A_2015 = tpu.memref_slice %arg7[%dma_start3A_2013, %dma_start3A_2014] : memref<256x128xf32, #tpu.memory_space<vmem>> -> memref<8x128xf32, #tpu.memory_space<vmem>>
      %dma_start3A_2016 = arith.constant 0 : i32
      %dma_start3A_2017 = arith.constant 0 : i32
      %dma_start3A_2018 = tpu.memref_slice %arg4[%select_n3A_1947, %dma_start3A_2012, %add3A_1966, %dma_start3A_2016, %dma_start3A_2017] : memref<50x8x128x8x128xf32, #tpu.memory_space<hbm>> -> memref<1x1x1x8x128xf32, #tpu.memory_space<hbm>>
      %dma_start3A_2019 = tpu.memref_squeeze %dma_start3A_2018 : memref<1x1x1x8x128xf32, #tpu.memory_space<hbm>> -> memref<8x128xf32, #tpu.memory_space<hbm>>
      %dma_start3A_2020 = arith.constant 0 : i32
      %dma_start3A_2021 = arith.constant 0 : i32
      %dma_start3A_2022 = tpu.memref_slice %arg4[%select_n3A_1947, %dma_start3A_2012, %add3A_1966, %dma_start3A_2020, %dma_start3A_2021] : memref<50x8x128x8x128xf32, #tpu.memory_space<hbm>> -> memref<1x1x1x8x128xf32, #tpu.memory_space<hbm>>
      %dma_start3A_2023 = tpu.memref_squeeze %dma_start3A_2022 : memref<1x1x1x8x128xf32, #tpu.memory_space<hbm>> -> memref<8x128xf32, #tpu.memory_space<hbm>>
      %dma_start3A_2024 = arith.constant 152 : i32
      %dma_start3A_2025 = arith.constant 0 : i32
      %dma_start3A_2026 = tpu.memref_slice %arg7[%dma_start3A_2024, %dma_start3A_2025] : memref<256x128xf32, #tpu.memory_space<vmem>> -> memref<8x128xf32, #tpu.memory_space<vmem>>
      tpu.enqueue_dma source(%dma_start3A_2026 : memref<8x128xf32, #tpu.memory_space<vmem>>) target(%dma_start3A_2023 : memref<8x128xf32, #tpu.memory_space<hbm>>) target_semaphore(%arg15 : memref<!tpu.dma_semaphore, #tpu.memory_space<semaphore_mem>>)
      %dma_start3A_2027 = arith.constant 4 : i32
      %dma_start3A_2028 = arith.constant 160 : i32
      %dma_start3A_2029 = arith.constant 0 : i32
      %dma_start3A_2030 = tpu.memref_slice %arg7[%dma_start3A_2028, %dma_start3A_2029] : memref<256x128xf32, #tpu.memory_space<vmem>> -> memref<8x128xf32, #tpu.memory_space<vmem>>
      %dma_start3A_2031 = arith.constant 0 : i32
      %dma_start3A_2032 = arith.constant 0 : i32
      %dma_start3A_2033 = tpu.memref_slice %arg4[%select_n3A_1947, %dma_start3A_2027, %add3A_1966, %dma_start3A_2031, %dma_start3A_2032] : memref<50x8x128x8x128xf32, #tpu.memory_space<hbm>> -> memref<1x1x1x8x128xf32, #tpu.memory_space<hbm>>
      %dma_start3A_2034 = tpu.memref_squeeze %dma_start3A_2033 : memref<1x1x1x8x128xf32, #tpu.memory_space<hbm>> -> memref<8x128xf32, #tpu.memory_space<hbm>>
      %dma_start3A_2035 = arith.constant 0 : i32
      %dma_start3A_2036 = arith.constant 0 : i32
      %dma_start3A_2037 = tpu.memref_slice %arg4[%select_n3A_1947, %dma_start3A_2027, %add3A_1966, %dma_start3A_2035, %dma_start3A_2036] : memref<50x8x128x8x128xf32, #tpu.memory_space<hbm>> -> memref<1x1x1x8x128xf32, #tpu.memory_space<hbm>>
      %dma_start3A_2038 = tpu.memref_squeeze %dma_start3A_2037 : memref<1x1x1x8x128xf32, #tpu.memory_space<hbm>> -> memref<8x128xf32, #tpu.memory_space<hbm>>
      %dma_start3A_2039 = arith.constant 160 : i32
      %dma_start3A_2040 = arith.constant 0 : i32
      %dma_start3A_2041 = tpu.memref_slice %arg7[%dma_start3A_2039, %dma_start3A_2040] : memref<256x128xf32, #tpu.memory_space<vmem>> -> memref<8x128xf32, #tpu.memory_space<vmem>>
      tpu.enqueue_dma source(%dma_start3A_2041 : memref<8x128xf32, #tpu.memory_space<vmem>>) target(%dma_start3A_2038 : memref<8x128xf32, #tpu.memory_space<hbm>>) target_semaphore(%arg15 : memref<!tpu.dma_semaphore, #tpu.memory_space<semaphore_mem>>)
      %dma_start3A_2042 = arith.constant 5 : i32
      %dma_start3A_2043 = arith.constant 168 : i32
      %dma_start3A_2044 = arith.constant 0 : i32
      %dma_start3A_2045 = tpu.memref_slice %arg7[%dma_start3A_2043, %dma_start3A_2044] : memref<256x128xf32, #tpu.memory_space<vmem>> -> memref<8x128xf32, #tpu.memory_space<vmem>>
      %dma_start3A_2046 = arith.constant 0 : i32
      %dma_start3A_2047 = arith.constant 0 : i32
      %dma_start3A_2048 = tpu.memref_slice %arg4[%select_n3A_1947, %dma_start3A_2042, %add3A_1966, %dma_start3A_2046, %dma_start3A_2047] : memref<50x8x128x8x128xf32, #tpu.memory_space<hbm>> -> memref<1x1x1x8x128xf32, #tpu.memory_space<hbm>>
      %dma_start3A_2049 = tpu.memref_squeeze %dma_start3A_2048 : memref<1x1x1x8x128xf32, #tpu.memory_space<hbm>> -> memref<8x128xf32, #tpu.memory_space<hbm>>
      %dma_start3A_2050 = arith.constant 0 : i32
      %dma_start3A_2051 = arith.constant 0 : i32
      %dma_start3A_2052 = tpu.memref_slice %arg4[%select_n3A_1947, %dma_start3A_2042, %add3A_1966, %dma_start3A_2050, %dma_start3A_2051] : memref<50x8x128x8x128xf32, #tpu.memory_space<hbm>> -> memref<1x1x1x8x128xf32, #tpu.memory_space<hbm>>
      %dma_start3A_2053 = tpu.memref_squeeze %dma_start3A_2052 : memref<1x1x1x8x128xf32, #tpu.memory_space<hbm>> -> memref<8x128xf32, #tpu.memory_space<hbm>>
      %dma_start3A_2054 = arith.constant 168 : i32
      %dma_start3A_2055 = arith.constant 0 : i32
      %dma_start3A_2056 = tpu.memref_slice %arg7[%dma_start3A_2054, %dma_start3A_2055] : memref<256x128xf32, #tpu.memory_space<vmem>> -> memref<8x128xf32, #tpu.memory_space<vmem>>
      tpu.enqueue_dma source(%dma_start3A_2056 : memref<8x128xf32, #tpu.memory_space<vmem>>) target(%dma_start3A_2053 : memref<8x128xf32, #tpu.memory_space<hbm>>) target_semaphore(%arg15 : memref<!tpu.dma_semaphore, #tpu.memory_space<semaphore_mem>>)
      %dma_start3A_2057 = arith.constant 6 : i32
      %dma_start3A_2058 = arith.constant 176 : i32
      %dma_start3A_2059 = arith.constant 0 : i32
      %dma_start3A_2060 = tpu.memref_slice %arg7[%dma_start3A_2058, %dma_start3A_2059] : memref<256x128xf32, #tpu.memory_space<vmem>> -> memref<8x128xf32, #tpu.memory_space<vmem>>
      %dma_start3A_2061 = arith.constant 0 : i32
      %dma_start3A_2062 = arith.constant 0 : i32
      %dma_start3A_2063 = tpu.memref_slice %arg4[%select_n3A_1947, %dma_start3A_2057, %add3A_1966, %dma_start3A_2061, %dma_start3A_2062] : memref<50x8x128x8x128xf32, #tpu.memory_space<hbm>> -> memref<1x1x1x8x128xf32, #tpu.memory_space<hbm>>
      %dma_start3A_2064 = tpu.memref_squeeze %dma_start3A_2063 : memref<1x1x1x8x128xf32, #tpu.memory_space<hbm>> -> memref<8x128xf32, #tpu.memory_space<hbm>>
      %dma_start3A_2065 = arith.constant 0 : i32
      %dma_start3A_2066 = arith.constant 0 : i32
      %dma_start3A_2067 = tpu.memref_slice %arg4[%select_n3A_1947, %dma_start3A_2057, %add3A_1966, %dma_start3A_2065, %dma_start3A_2066] : memref<50x8x128x8x128xf32, #tpu.memory_space<hbm>> -> memref<1x1x1x8x128xf32, #tpu.memory_space<hbm>>
      %dma_start3A_2068 = tpu.memref_squeeze %dma_start3A_2067 : memref<1x1x1x8x128xf32, #tpu.memory_space<hbm>> -> memref<8x128xf32, #tpu.memory_space<hbm>>
      %dma_start3A_2069 = arith.constant 176 : i32
      %dma_start3A_2070 = arith.constant 0 : i32
      %dma_start3A_2071 = tpu.memref_slice %arg7[%dma_start3A_2069, %dma_start3A_2070] : memref<256x128xf32, #tpu.memory_space<vmem>> -> memref<8x128xf32, #tpu.memory_space<vmem>>
      tpu.enqueue_dma source(%dma_start3A_2071 : memref<8x128xf32, #tpu.memory_space<vmem>>) target(%dma_start3A_2068 : memref<8x128xf32, #tpu.memory_space<hbm>>) target_semaphore(%arg15 : memref<!tpu.dma_semaphore, #tpu.memory_space<semaphore_mem>>)
      %dma_start3A_2072 = arith.constant 7 : i32
      %dma_start3A_2073 = arith.constant 184 : i32
      %dma_start3A_2074 = arith.constant 0 : i32
      %dma_start3A_2075 = tpu.memref_slice %arg7[%dma_start3A_2073, %dma_start3A_2074] : memref<256x128xf32, #tpu.memory_space<vmem>> -> memref<8x128xf32, #tpu.memory_space<vmem>>
      %dma_start3A_2076 = arith.constant 0 : i32
      %dma_start3A_2077 = arith.constant 0 : i32
      %dma_start3A_2078 = tpu.memref_slice %arg4[%select_n3A_1947, %dma_start3A_2072, %add3A_1966, %dma_start3A_2076, %dma_start3A_2077] : memref<50x8x128x8x128xf32, #tpu.memory_space<hbm>> -> memref<1x1x1x8x128xf32, #tpu.memory_space<hbm>>
      %dma_start3A_2079 = tpu.memref_squeeze %dma_start3A_2078 : memref<1x1x1x8x128xf32, #tpu.memory_space<hbm>> -> memref<8x128xf32, #tpu.memory_space<hbm>>
      %dma_start3A_2080 = arith.constant 0 : i32
      %dma_start3A_2081 = arith.constant 0 : i32
      %dma_start3A_2082 = tpu.memref_slice %arg4[%select_n3A_1947, %dma_start3A_2072, %add3A_1966, %dma_start3A_2080, %dma_start3A_2081] : memref<50x8x128x8x128xf32, #tpu.memory_space<hbm>> -> memref<1x1x1x8x128xf32, #tpu.memory_space<hbm>>
      %dma_start3A_2083 = tpu.memref_squeeze %dma_start3A_2082 : memref<1x1x1x8x128xf32, #tpu.memory_space<hbm>> -> memref<8x128xf32, #tpu.memory_space<hbm>>
      %dma_start3A_2084 = arith.constant 184 : i32
      %dma_start3A_2085 = arith.constant 0 : i32
      %dma_start3A_2086 = tpu.memref_slice %arg7[%dma_start3A_2084, %dma_start3A_2085] : memref<256x128xf32, #tpu.memory_space<vmem>> -> memref<8x128xf32, #tpu.memory_space<vmem>>
      tpu.enqueue_dma source(%dma_start3A_2086 : memref<8x128xf32, #tpu.memory_space<vmem>>) target(%dma_start3A_2083 : memref<8x128xf32, #tpu.memory_space<hbm>>) target_semaphore(%arg15 : memref<!tpu.dma_semaphore, #tpu.memory_space<semaphore_mem>>)
      %add3A_2087 = arith.constant 3 : i32
      %add3A_2088 = arith.addi %mul3A_1498, %add3A_2087 : i32
      %add3A_2089 = arith.constant 4 : i32
      %add3A_2090 = arith.addi %add3A_2088, %add3A_2089 : i32
      %sub3A_2091 = arith.constant 1 : i32
      %sub3A_2092 = arith.subi %add3A_2090, %sub3A_2091 : i32
      %lt3A_2093 = arith.constant 200 : i32
      %lt3A_2094 = arith.cmpi slt, %sub3A_2092, %lt3A_2093 : i32
      %convert_element_type3A_2095 = arith.extui %lt3A_2094 : i1 to i32
      %cond3A_2096 = arith.constant 0 : i32
      %cond3A_2097 = arith.cmpi ne, %convert_element_type3A_2095, %cond3A_2096 : i32
      scf.if %cond3A_2097 {
        %add3A_2284 = arith.constant 4 : i32
        %add3A_2285 = arith.addi %add3A_2088, %add3A_2284 : i32
        %sub3A_2286 = arith.constant 1 : i32
        %sub3A_2287 = arith.subi %add3A_2285, %sub3A_2286 : i32
        %jit3A_2288 = arith.constant 4 : i32
        %div3A_2289 = arith.divsi %sub3A_2287, %jit3A_2288 : i32
        %sign3A_2290 = arith.constant 0 : i32
        %sign3A_2291 = arith.cmpi sgt, %sub3A_2287, %sign3A_2290 : i32
        %sign3A_2292 = arith.extui %sign3A_2291 : i1 to i32
        %sign3A_2293 = arith.constant 0 : i32
        %sign3A_2294 = arith.cmpi slt, %sub3A_2287, %sign3A_2293 : i32
        %sign3A_2295 = arith.extui %sign3A_2294 : i1 to i32
        %sign3A_2296 = arith.subi %sign3A_2292, %sign3A_2295 : i32
        %sign3A_2297 = arith.constant 0 : i32
        %sign3A_2298 = arith.cmpi sgt, %jit3A_2288, %sign3A_2297 : i32
        %sign3A_2299 = arith.extui %sign3A_2298 : i1 to i32
        %sign3A_2300 = arith.constant 0 : i32
        %sign3A_2301 = arith.cmpi slt, %jit3A_2288, %sign3A_2300 : i32
        %sign3A_2302 = arith.extui %sign3A_2301 : i1 to i32
        %sign3A_2303 = arith.subi %sign3A_2299, %sign3A_2302 : i32
        %ne3A_2304 = arith.cmpi ne, %sign3A_2296, %sign3A_2303 : i32
        %rem3A_2305 = arith.remsi %sub3A_2287, %jit3A_2288 : i32
        %ne3A_2306 = arith.constant 0 : i32
        %ne3A_2307 = arith.cmpi ne, %rem3A_2305, %ne3A_2306 : i32
        %and3A_2308 = arith.andi %ne3A_2304, %ne3A_2307 : i1
        %sub3A_2309 = arith.constant 1 : i32
        %sub3A_2310 = arith.subi %div3A_2289, %sub3A_2309 : i32
        %select_n3A_2311 = arith.select %and3A_2308, %sub3A_2310, %div3A_2289 : i32
        %jit3A_2312 = arith.constant 4 : i32
        %eq3A_2313 = arith.constant 0 : i32
        %eq3A_2314 = arith.cmpi eq, %jit3A_2312, %eq3A_2313 : i32
        %jit3A_2315 = arith.constant 1 : i32
        %select_n3A_2316 = arith.select %eq3A_2314, %jit3A_2315, %jit3A_2312 : i32
        %rem3A_2317 = arith.remsi %sub3A_2287, %select_n3A_2316 : i32
        %ne3A_2318 = arith.constant 0 : i32
        %ne3A_2319 = arith.cmpi ne, %rem3A_2317, %ne3A_2318 : i32
        %lt3A_2320 = arith.constant 0 : i32
        %lt3A_2321 = arith.cmpi slt, %rem3A_2317, %lt3A_2320 : i32
        %lt3A_2322 = arith.constant 0 : i32
        %lt3A_2323 = arith.cmpi slt, %select_n3A_2316, %lt3A_2322 : i32
        %ne3A_2324 = arith.xori %lt3A_2321, %lt3A_2323 : i1
        %and3A_2325 = arith.andi %ne3A_2324, %ne3A_2319 : i1
        %add3A_2326 = arith.addi %rem3A_2317, %select_n3A_2316 : i32
        %select_n3A_2327 = arith.select %and3A_2325, %add3A_2326, %rem3A_2317 : i32
        %mul3A_2328 = arith.constant 128 : i32
        %mul3A_2329 = arith.muli %select_n3A_2327, %mul3A_2328 : i32
        %dma_start3A_2330 = arith.constant 256 : i32
        %dma_start3A_2331 = arith.constant 0 : i32
        %dma_start3A_2332 = tpu.memref_slice %arg6[%dma_start3A_2330, %dma_start3A_2331] : memref<512x64xf32, #tpu.memory_space<vmem>> -> memref<128x64xf32, #tpu.memory_space<vmem>>
        %dma_start3A_2333 = tpu.memref_slice %arg5[%select_n3A_2311, %mul3A_2329] : memref<50x512xi32, #tpu.memory_space<vmem>> -> memref<1x128xi32, #tpu.memory_space<vmem>>
        %dma_start3A_2334 = tpu.memref_squeeze %dma_start3A_2333 : memref<1x128xi32, #tpu.memory_space<vmem>> -> memref<128xi32, #tpu.memory_space<vmem>>
        %dma_start3A_2335 = arith.constant 0 : i32
        %dma_start3A_2336 = arith.constant 0 : i32
        %dma_start3A_2337 = tpu.memref_slice %arg3[%dma_start3A_2335, %dma_start3A_2336] : memref<1000000x64xf32, #tpu.memory_space<hbm>> -> memref<1000000x64xf32, #tpu.memory_space<hbm>>
        tpu.enqueue_indirect_dma source(%dma_start3A_2337 : memref<1000000x64xf32, #tpu.memory_space<hbm>>) target(%dma_start3A_2332 : memref<128x64xf32, #tpu.memory_space<vmem>>) offsets(%dma_start3A_2334 : memref<128xi32, #tpu.memory_space<vmem>>) semaphore(%arg11 : memref<!tpu.dma_semaphore, #tpu.memory_space<semaphore_mem>>)
      } else {
      }
      %gt3A_2098 = arith.constant 0 : i32
      %gt3A_2099 = arith.cmpi sgt, %scan3A_1496, %gt3A_2098 : i32
      %convert_element_type3A_2100 = arith.extui %gt3A_2099 : i1 to i32
      %cond3A_2101 = arith.constant 0 : i32
      %cond3A_2102 = arith.cmpi ne, %convert_element_type3A_2100, %cond3A_2101 : i32
      scf.if %cond3A_2102 {
        %dma_wait3A_2284 = arith.constant 384 : i32
        %dma_wait3A_2285 = arith.constant 0 : i32
        %dma_wait3A_2286 = tpu.memref_slice %arg6[%dma_wait3A_2284, %dma_wait3A_2285] : memref<512x64xf32, #tpu.memory_space<vmem>> -> memref<128x64xf32, #tpu.memory_space<vmem>>
        %dma_wait3A_2287 = arith.constant 0 : i32
        %dma_wait3A_2288 = arith.constant 0 : i32
        %dma_wait3A_2289 = tpu.memref_slice %arg3[%dma_wait3A_2287, %dma_wait3A_2288] : memref<1000000x64xf32, #tpu.memory_space<hbm>> -> memref<128x64xf32, #tpu.memory_space<hbm>>
        %dma_wait3A_2290 = arith.constant 384 : i32
        %dma_wait3A_2291 = arith.constant 0 : i32
        %dma_wait3A_2292 = tpu.memref_slice %arg6[%dma_wait3A_2290, %dma_wait3A_2291] : memref<512x64xf32, #tpu.memory_space<vmem>> -> memref<128x64xf32, #tpu.memory_space<vmem>>
        %dma_wait3A_2293 = arith.constant 0 : i32
        %dma_wait3A_2294 = arith.constant 0 : i32
        %dma_wait3A_2295 = tpu.memref_slice %arg3[%dma_wait3A_2293, %dma_wait3A_2294] : memref<1000000x64xf32, #tpu.memory_space<hbm>> -> memref<128x64xf32, #tpu.memory_space<hbm>>
        tpu.wait_dma2 semaphore(%arg16 : memref<!tpu.dma_semaphore, #tpu.memory_space<semaphore_mem>>) src(%dma_wait3A_2295 : memref<128x64xf32, #tpu.memory_space<hbm>>) dst(%dma_wait3A_2292 : memref<128x64xf32, #tpu.memory_space<vmem>>)
      } else {
      }
      %dma_wait3A_2103 = arith.constant 384 : i32
      %dma_wait3A_2104 = arith.constant 0 : i32
      %dma_wait3A_2105 = tpu.memref_slice %arg6[%dma_wait3A_2103, %dma_wait3A_2104] : memref<512x64xf32, #tpu.memory_space<vmem>> -> memref<128x64xf32, #tpu.memory_space<vmem>>
      %dma_wait3A_2106 = arith.constant 0 : i32
      %dma_wait3A_2107 = arith.constant 0 : i32
      %dma_wait3A_2108 = tpu.memref_slice %arg3[%dma_wait3A_2106, %dma_wait3A_2107] : memref<1000000x64xf32, #tpu.memory_space<hbm>> -> memref<128x64xf32, #tpu.memory_space<hbm>>
      %dma_wait3A_2109 = arith.constant 384 : i32
      %dma_wait3A_2110 = arith.constant 0 : i32
      %dma_wait3A_2111 = tpu.memref_slice %arg6[%dma_wait3A_2109, %dma_wait3A_2110] : memref<512x64xf32, #tpu.memory_space<vmem>> -> memref<128x64xf32, #tpu.memory_space<vmem>>
      %dma_wait3A_2112 = arith.constant 0 : i32
      %dma_wait3A_2113 = arith.constant 0 : i32
      %dma_wait3A_2114 = tpu.memref_slice %arg3[%dma_wait3A_2112, %dma_wait3A_2113] : memref<1000000x64xf32, #tpu.memory_space<hbm>> -> memref<128x64xf32, #tpu.memory_space<hbm>>
      tpu.wait_dma2 semaphore(%arg12 : memref<!tpu.dma_semaphore, #tpu.memory_space<semaphore_mem>>) src(%dma_wait3A_2114 : memref<128x64xf32, #tpu.memory_space<hbm>>) dst(%dma_wait3A_2111 : memref<128x64xf32, #tpu.memory_space<vmem>>)
      %scan3A_2115 = arith.constant 0 : i32
      %scan3A_2116 = arith.constant 0 : i32
      %scan3A_2117 = arith.constant 32 : i32
      %scan3A_2118 = arith.addi %scan3A_2116, %scan3A_2117 : i32
      %scan3A_2119 = arith.constant 1 : i32
      scf.for %scan3A_2284 = %scan3A_2116 to %scan3A_2118 step %scan3A_2119  : i32 {
        %jit3A_2285 = arith.constant 4 : i32
        %div3A_2286 = arith.divsi %scan3A_2284, %jit3A_2285 : i32
        %sign3A_2287 = arith.constant 0 : i32
        %sign3A_2288 = arith.cmpi sgt, %scan3A_2284, %sign3A_2287 : i32
        %sign3A_2289 = arith.extui %sign3A_2288 : i1 to i32
        %sign3A_2290 = arith.constant 0 : i32
        %sign3A_2291 = arith.cmpi slt, %scan3A_2284, %sign3A_2290 : i32
        %sign3A_2292 = arith.extui %sign3A_2291 : i1 to i32
        %sign3A_2293 = arith.subi %sign3A_2289, %sign3A_2292 : i32
        %sign3A_2294 = arith.constant 0 : i32
        %sign3A_2295 = arith.cmpi sgt, %jit3A_2285, %sign3A_2294 : i32
        %sign3A_2296 = arith.extui %sign3A_2295 : i1 to i32
        %sign3A_2297 = arith.constant 0 : i32
        %sign3A_2298 = arith.cmpi slt, %jit3A_2285, %sign3A_2297 : i32
        %sign3A_2299 = arith.extui %sign3A_2298 : i1 to i32
        %sign3A_2300 = arith.subi %sign3A_2296, %sign3A_2299 : i32
        %ne3A_2301 = arith.cmpi ne, %sign3A_2293, %sign3A_2300 : i32
        %rem3A_2302 = arith.remsi %scan3A_2284, %jit3A_2285 : i32
        %ne3A_2303 = arith.constant 0 : i32
        %ne3A_2304 = arith.cmpi ne, %rem3A_2302, %ne3A_2303 : i32
        %and3A_2305 = arith.andi %ne3A_2301, %ne3A_2304 : i1
        %sub3A_2306 = arith.constant 1 : i32
        %sub3A_2307 = arith.subi %div3A_2286, %sub3A_2306 : i32
        %select_n3A_2308 = arith.select %and3A_2305, %sub3A_2307, %div3A_2286 : i32
        %jit3A_2309 = arith.constant 4 : i32
        %eq3A_2310 = arith.constant 0 : i32
        %eq3A_2311 = arith.cmpi eq, %jit3A_2309, %eq3A_2310 : i32
        %jit3A_2312 = arith.constant 1 : i32
        %select_n3A_2313 = arith.select %eq3A_2311, %jit3A_2312, %jit3A_2309 : i32
        %rem3A_2314 = arith.remsi %scan3A_2284, %select_n3A_2313 : i32
        %ne3A_2315 = arith.constant 0 : i32
        %ne3A_2316 = arith.cmpi ne, %rem3A_2314, %ne3A_2315 : i32
        %lt3A_2317 = arith.constant 0 : i32
        %lt3A_2318 = arith.cmpi slt, %rem3A_2314, %lt3A_2317 : i32
        %lt3A_2319 = arith.constant 0 : i32
        %lt3A_2320 = arith.cmpi slt, %select_n3A_2313, %lt3A_2319 : i32
        %ne3A_2321 = arith.xori %lt3A_2318, %lt3A_2320 : i1
        %and3A_2322 = arith.andi %ne3A_2321, %ne3A_2316 : i1
        %add3A_2323 = arith.addi %rem3A_2314, %select_n3A_2313 : i32
        %select_n3A_2324 = arith.select %and3A_2322, %add3A_2323, %rem3A_2314 : i32
        %mul3A_2325 = arith.constant 16 : i32
        %mul3A_2326 = arith.muli %select_n3A_2308, %mul3A_2325 : i32
        %add3A_2327 = vector.broadcast %mul3A_2326 : i32 to vector<16xi32>
        %add3A_2328 = arith.addi %add3A_2327, %iota3A : vector<16xi32>
        %mul3A_2329 = arith.constant 16 : i32
        %mul3A_2330 = arith.muli %select_n3A_2324, %mul3A_2329 : i32
        %add3A_2331 = vector.broadcast %mul3A_2330 : i32 to vector<16xi32>
        %add3A_2332 = arith.addi %add3A_2331, %and3A_1205 : vector<16xi32>
        %mul3A_2333 = arith.constant 16 : i32
        %mul3A_2334 = arith.muli %select_n3A_2324, %mul3A_2333 : i32
        %add3A_2335 = vector.broadcast %mul3A_2334 : i32 to vector<16xi32>
        %add3A_2336 = arith.addi %add3A_2335, %and3A_1211 : vector<16xi32>
        %mul3A_2337 = arith.constant 16 : i32
        %mul3A_2338 = arith.muli %select_n3A_2324, %mul3A_2337 : i32
        %add3A_2339 = vector.broadcast %mul3A_2338 : i32 to vector<16xi32>
        %add3A_2340 = arith.addi %add3A_2339, %and3A_1217 : vector<16xi32>
        %mul3A_2341 = arith.constant 16 : i32
        %mul3A_2342 = arith.muli %select_n3A_2324, %mul3A_2341 : i32
        %add3A_2343 = vector.broadcast %mul3A_2342 : i32 to vector<16xi32>
        %add3A_2344 = arith.addi %add3A_2343, %and3A_1223 : vector<16xi32>
        %mul3A_2345 = arith.constant 16 : i32
        %mul3A_2346 = arith.muli %select_n3A_2324, %mul3A_2345 : i32
        %add3A_2347 = vector.broadcast %mul3A_2346 : i32 to vector<16xi32>
        %add3A_2348 = arith.addi %add3A_2347, %and3A_1229 : vector<16xi32>
        %mul3A_2349 = arith.constant 16 : i32
        %mul3A_2350 = arith.muli %select_n3A_2324, %mul3A_2349 : i32
        %add3A_2351 = vector.broadcast %mul3A_2350 : i32 to vector<16xi32>
        %add3A_2352 = arith.addi %add3A_2351, %and3A_1235 : vector<16xi32>
        %mul3A_2353 = arith.constant 16 : i32
        %mul3A_2354 = arith.muli %select_n3A_2324, %mul3A_2353 : i32
        %add3A_2355 = vector.broadcast %mul3A_2354 : i32 to vector<16xi32>
        %add3A_2356 = arith.addi %add3A_2355, %and3A_1241 : vector<16xi32>
        %mul3A_2357 = arith.constant 16 : i32
        %mul3A_2358 = arith.muli %select_n3A_2324, %mul3A_2357 : i32
        %add3A_2359 = vector.broadcast %mul3A_2358 : i32 to vector<16xi32>
        %add3A_2360 = arith.addi %add3A_2359, %and3A_1247 : vector<16xi32>
        %mul3A_2361 = arith.constant 16 : i32
        %mul3A_2362 = arith.muli %select_n3A_2324, %mul3A_2361 : i32
        %add3A_2363 = vector.broadcast %mul3A_2362 : i32 to vector<16xi32>
        %add3A_2364 = arith.addi %add3A_2363, %and3A_1253 : vector<16xi32>
        %mul3A_2365 = arith.constant 16 : i32
        %mul3A_2366 = arith.muli %select_n3A_2324, %mul3A_2365 : i32
        %add3A_2367 = vector.broadcast %mul3A_2366 : i32 to vector<16xi32>
        %add3A_2368 = arith.addi %add3A_2367, %and3A_1259 : vector<16xi32>
        %mul3A_2369 = arith.constant 16 : i32
        %mul3A_2370 = arith.muli %select_n3A_2324, %mul3A_2369 : i32
        %add3A_2371 = vector.broadcast %mul3A_2370 : i32 to vector<16xi32>
        %add3A_2372 = arith.addi %add3A_2371, %and3A_1265 : vector<16xi32>
        %mul3A_2373 = arith.constant 16 : i32
        %mul3A_2374 = arith.muli %select_n3A_2324, %mul3A_2373 : i32
        %add3A_2375 = vector.broadcast %mul3A_2374 : i32 to vector<16xi32>
        %add3A_2376 = arith.addi %add3A_2375, %and3A_1271 : vector<16xi32>
        %mul3A_2377 = arith.constant 16 : i32
        %mul3A_2378 = arith.muli %select_n3A_2324, %mul3A_2377 : i32
        %add3A_2379 = vector.broadcast %mul3A_2378 : i32 to vector<16xi32>
        %add3A_2380 = arith.addi %add3A_2379, %and3A_1277 : vector<16xi32>
        %mul3A_2381 = arith.constant 16 : i32
        %mul3A_2382 = arith.muli %select_n3A_2324, %mul3A_2381 : i32
        %add3A_2383 = vector.broadcast %mul3A_2382 : i32 to vector<16xi32>
        %add3A_2384 = arith.addi %add3A_2383, %and3A_1283 : vector<16xi32>
        %mul3A_2385 = arith.constant 16 : i32
        %mul3A_2386 = arith.muli %select_n3A_2324, %mul3A_2385 : i32
        %add3A_2387 = vector.broadcast %mul3A_2386 : i32 to vector<16xi32>
        %add3A_2388 = arith.addi %add3A_2387, %and3A_1289 : vector<16xi32>
        %mul3A_2389 = arith.constant 16 : i32
        %mul3A_2390 = arith.muli %select_n3A_2324, %mul3A_2389 : i32
        %add3A_2391 = vector.broadcast %mul3A_2390 : i32 to vector<16xi32>
        %add3A_2392 = arith.addi %add3A_2391, %and3A_1295 : vector<16xi32>
        %gather3A = arith.constant 384 : i32
        %gather3A_2393 = arith.constant 0 : i32
        %gather3A_2394 = tpu.memref_slice %arg6[%gather3A, %gather3A_2393] : memref<512x64xf32, #tpu.memory_space<vmem>> -> memref<128x64xf32, #tpu.memory_space<vmem>>
        %gather3A_2395 = tpu.vector_load_idx %gather3A_2394[%add3A_2328, %add3A_2332] : memref<128x64xf32, #tpu.memory_space<vmem>>[vector<16xi32>, vector<16xi32>], vector<16xf32>,
        %mul3A_2396 = arith.constant 8.000000e+00 : f32
        %mul3A_2397 = vector.broadcast %mul3A_2396 : f32 to vector<16xf32>
        %mul3A_2398 = arith.mulf %gather3A_2395, %mul3A_2397 : vector<16xf32>
        %gather3A_2399 = arith.constant 384 : i32
        %gather3A_2400 = arith.constant 0 : i32
        %gather3A_2401 = tpu.memref_slice %arg6[%gather3A_2399, %gather3A_2400] : memref<512x64xf32, #tpu.memory_space<vmem>> -> memref<128x64xf32, #tpu.memory_space<vmem>>
        %gather3A_2402 = tpu.vector_load_idx %gather3A_2401[%add3A_2328, %add3A_2336] : memref<128x64xf32, #tpu.memory_space<vmem>>[vector<16xi32>, vector<16xi32>], vector<16xf32>,
        %mul3A_2403 = arith.constant 8.000000e+00 : f32
        %mul3A_2404 = vector.broadcast %mul3A_2403 : f32 to vector<16xf32>
        %mul3A_2405 = arith.mulf %gather3A_2402, %mul3A_2404 : vector<16xf32>
        %gather3A_2406 = arith.constant 384 : i32
        %gather3A_2407 = arith.constant 0 : i32
        %gather3A_2408 = tpu.memref_slice %arg6[%gather3A_2406, %gather3A_2407] : memref<512x64xf32, #tpu.memory_space<vmem>> -> memref<128x64xf32, #tpu.memory_space<vmem>>
        %gather3A_2409 = tpu.vector_load_idx %gather3A_2408[%add3A_2328, %add3A_2340] : memref<128x64xf32, #tpu.memory_space<vmem>>[vector<16xi32>, vector<16xi32>], vector<16xf32>,
        %mul3A_2410 = arith.constant 8.000000e+00 : f32
        %mul3A_2411 = vector.broadcast %mul3A_2410 : f32 to vector<16xf32>
        %mul3A_2412 = arith.mulf %gather3A_2409, %mul3A_2411 : vector<16xf32>
        %gather3A_2413 = arith.constant 384 : i32
        %gather3A_2414 = arith.constant 0 : i32
        %gather3A_2415 = tpu.memref_slice %arg6[%gather3A_2413, %gather3A_2414] : memref<512x64xf32, #tpu.memory_space<vmem>> -> memref<128x64xf32, #tpu.memory_space<vmem>>
        %gather3A_2416 = tpu.vector_load_idx %gather3A_2415[%add3A_2328, %add3A_2344] : memref<128x64xf32, #tpu.memory_space<vmem>>[vector<16xi32>, vector<16xi32>], vector<16xf32>,
        %mul3A_2417 = arith.constant 8.000000e+00 : f32
        %mul3A_2418 = vector.broadcast %mul3A_2417 : f32 to vector<16xf32>
        %mul3A_2419 = arith.mulf %gather3A_2416, %mul3A_2418 : vector<16xf32>
        %gather3A_2420 = arith.constant 384 : i32
        %gather3A_2421 = arith.constant 0 : i32
        %gather3A_2422 = tpu.memref_slice %arg6[%gather3A_2420, %gather3A_2421] : memref<512x64xf32, #tpu.memory_space<vmem>> -> memref<128x64xf32, #tpu.memory_space<vmem>>
        %gather3A_2423 = tpu.vector_load_idx %gather3A_2422[%add3A_2328, %add3A_2348] : memref<128x64xf32, #tpu.memory_space<vmem>>[vector<16xi32>, vector<16xi32>], vector<16xf32>,
        %mul3A_2424 = arith.constant 8.000000e+00 : f32
        %mul3A_2425 = vector.broadcast %mul3A_2424 : f32 to vector<16xf32>
        %mul3A_2426 = arith.mulf %gather3A_2423, %mul3A_2425 : vector<16xf32>
        %gather3A_2427 = arith.constant 384 : i32
        %gather3A_2428 = arith.constant 0 : i32
        %gather3A_2429 = tpu.memref_slice %arg6[%gather3A_2427, %gather3A_2428] : memref<512x64xf32, #tpu.memory_space<vmem>> -> memref<128x64xf32, #tpu.memory_space<vmem>>
        %gather3A_2430 = tpu.vector_load_idx %gather3A_2429[%add3A_2328, %add3A_2352] : memref<128x64xf32, #tpu.memory_space<vmem>>[vector<16xi32>, vector<16xi32>], vector<16xf32>,
        %mul3A_2431 = arith.constant 8.000000e+00 : f32
        %mul3A_2432 = vector.broadcast %mul3A_2431 : f32 to vector<16xf32>
        %mul3A_2433 = arith.mulf %gather3A_2430, %mul3A_2432 : vector<16xf32>
        %gather3A_2434 = arith.constant 384 : i32
        %gather3A_2435 = arith.constant 0 : i32
        %gather3A_2436 = tpu.memref_slice %arg6[%gather3A_2434, %gather3A_2435] : memref<512x64xf32, #tpu.memory_space<vmem>> -> memref<128x64xf32, #tpu.memory_space<vmem>>
        %gather3A_2437 = tpu.vector_load_idx %gather3A_2436[%add3A_2328, %add3A_2356] : memref<128x64xf32, #tpu.memory_space<vmem>>[vector<16xi32>, vector<16xi32>], vector<16xf32>,
        %mul3A_2438 = arith.constant 8.000000e+00 : f32
        %mul3A_2439 = vector.broadcast %mul3A_2438 : f32 to vector<16xf32>
        %mul3A_2440 = arith.mulf %gather3A_2437, %mul3A_2439 : vector<16xf32>
        %gather3A_2441 = arith.constant 384 : i32
        %gather3A_2442 = arith.constant 0 : i32
        %gather3A_2443 = tpu.memref_slice %arg6[%gather3A_2441, %gather3A_2442] : memref<512x64xf32, #tpu.memory_space<vmem>> -> memref<128x64xf32, #tpu.memory_space<vmem>>
        %gather3A_2444 = tpu.vector_load_idx %gather3A_2443[%add3A_2328, %add3A_2360] : memref<128x64xf32, #tpu.memory_space<vmem>>[vector<16xi32>, vector<16xi32>], vector<16xf32>,
        %mul3A_2445 = arith.constant 8.000000e+00 : f32
        %mul3A_2446 = vector.broadcast %mul3A_2445 : f32 to vector<16xf32>
        %mul3A_2447 = arith.mulf %gather3A_2444, %mul3A_2446 : vector<16xf32>
        %gather3A_2448 = arith.constant 384 : i32
        %gather3A_2449 = arith.constant 0 : i32
        %gather3A_2450 = tpu.memref_slice %arg6[%gather3A_2448, %gather3A_2449] : memref<512x64xf32, #tpu.memory_space<vmem>> -> memref<128x64xf32, #tpu.memory_space<vmem>>
        %gather3A_2451 = tpu.vector_load_idx %gather3A_2450[%add3A_2328, %add3A_2364] : memref<128x64xf32, #tpu.memory_space<vmem>>[vector<16xi32>, vector<16xi32>], vector<16xf32>,
        %mul3A_2452 = arith.constant 8.000000e+00 : f32
        %mul3A_2453 = vector.broadcast %mul3A_2452 : f32 to vector<16xf32>
        %mul3A_2454 = arith.mulf %gather3A_2451, %mul3A_2453 : vector<16xf32>
        %gather3A_2455 = arith.constant 384 : i32
        %gather3A_2456 = arith.constant 0 : i32
        %gather3A_2457 = tpu.memref_slice %arg6[%gather3A_2455, %gather3A_2456] : memref<512x64xf32, #tpu.memory_space<vmem>> -> memref<128x64xf32, #tpu.memory_space<vmem>>
        %gather3A_2458 = tpu.vector_load_idx %gather3A_2457[%add3A_2328, %add3A_2368] : memref<128x64xf32, #tpu.memory_space<vmem>>[vector<16xi32>, vector<16xi32>], vector<16xf32>,
        %mul3A_2459 = arith.constant 8.000000e+00 : f32
        %mul3A_2460 = vector.broadcast %mul3A_2459 : f32 to vector<16xf32>
        %mul3A_2461 = arith.mulf %gather3A_2458, %mul3A_2460 : vector<16xf32>
        %gather3A_2462 = arith.constant 384 : i32
        %gather3A_2463 = arith.constant 0 : i32
        %gather3A_2464 = tpu.memref_slice %arg6[%gather3A_2462, %gather3A_2463] : memref<512x64xf32, #tpu.memory_space<vmem>> -> memref<128x64xf32, #tpu.memory_space<vmem>>
        %gather3A_2465 = tpu.vector_load_idx %gather3A_2464[%add3A_2328, %add3A_2372] : memref<128x64xf32, #tpu.memory_space<vmem>>[vector<16xi32>, vector<16xi32>], vector<16xf32>,
        %mul3A_2466 = arith.constant 8.000000e+00 : f32
        %mul3A_2467 = vector.broadcast %mul3A_2466 : f32 to vector<16xf32>
        %mul3A_2468 = arith.mulf %gather3A_2465, %mul3A_2467 : vector<16xf32>
        %gather3A_2469 = arith.constant 384 : i32
        %gather3A_2470 = arith.constant 0 : i32
        %gather3A_2471 = tpu.memref_slice %arg6[%gather3A_2469, %gather3A_2470] : memref<512x64xf32, #tpu.memory_space<vmem>> -> memref<128x64xf32, #tpu.memory_space<vmem>>
        %gather3A_2472 = tpu.vector_load_idx %gather3A_2471[%add3A_2328, %add3A_2376] : memref<128x64xf32, #tpu.memory_space<vmem>>[vector<16xi32>, vector<16xi32>], vector<16xf32>,
        %mul3A_2473 = arith.constant 8.000000e+00 : f32
        %mul3A_2474 = vector.broadcast %mul3A_2473 : f32 to vector<16xf32>
        %mul3A_2475 = arith.mulf %gather3A_2472, %mul3A_2474 : vector<16xf32>
        %gather3A_2476 = arith.constant 384 : i32
        %gather3A_2477 = arith.constant 0 : i32
        %gather3A_2478 = tpu.memref_slice %arg6[%gather3A_2476, %gather3A_2477] : memref<512x64xf32, #tpu.memory_space<vmem>> -> memref<128x64xf32, #tpu.memory_space<vmem>>
        %gather3A_2479 = tpu.vector_load_idx %gather3A_2478[%add3A_2328, %add3A_2380] : memref<128x64xf32, #tpu.memory_space<vmem>>[vector<16xi32>, vector<16xi32>], vector<16xf32>,
        %mul3A_2480 = arith.constant 8.000000e+00 : f32
        %mul3A_2481 = vector.broadcast %mul3A_2480 : f32 to vector<16xf32>
        %mul3A_2482 = arith.mulf %gather3A_2479, %mul3A_2481 : vector<16xf32>
        %gather3A_2483 = arith.constant 384 : i32
        %gather3A_2484 = arith.constant 0 : i32
        %gather3A_2485 = tpu.memref_slice %arg6[%gather3A_2483, %gather3A_2484] : memref<512x64xf32, #tpu.memory_space<vmem>> -> memref<128x64xf32, #tpu.memory_space<vmem>>
        %gather3A_2486 = tpu.vector_load_idx %gather3A_2485[%add3A_2328, %add3A_2384] : memref<128x64xf32, #tpu.memory_space<vmem>>[vector<16xi32>, vector<16xi32>], vector<16xf32>,
        %mul3A_2487 = arith.constant 8.000000e+00 : f32
        %mul3A_2488 = vector.broadcast %mul3A_2487 : f32 to vector<16xf32>
        %mul3A_2489 = arith.mulf %gather3A_2486, %mul3A_2488 : vector<16xf32>
        %gather3A_2490 = arith.constant 384 : i32
        %gather3A_2491 = arith.constant 0 : i32
        %gather3A_2492 = tpu.memref_slice %arg6[%gather3A_2490, %gather3A_2491] : memref<512x64xf32, #tpu.memory_space<vmem>> -> memref<128x64xf32, #tpu.memory_space<vmem>>
        %gather3A_2493 = tpu.vector_load_idx %gather3A_2492[%add3A_2328, %add3A_2388] : memref<128x64xf32, #tpu.memory_space<vmem>>[vector<16xi32>, vector<16xi32>], vector<16xf32>,
        %mul3A_2494 = arith.constant 8.000000e+00 : f32
        %mul3A_2495 = vector.broadcast %mul3A_2494 : f32 to vector<16xf32>
        %mul3A_2496 = arith.mulf %gather3A_2493, %mul3A_2495 : vector<16xf32>
        %gather3A_2497 = arith.constant 384 : i32
        %gather3A_2498 = arith.constant 0 : i32
        %gather3A_2499 = tpu.memref_slice %arg6[%gather3A_2497, %gather3A_2498] : memref<512x64xf32, #tpu.memory_space<vmem>> -> memref<128x64xf32, #tpu.memory_space<vmem>>
        %gather3A_2500 = tpu.vector_load_idx %gather3A_2499[%add3A_2328, %add3A_2392] : memref<128x64xf32, #tpu.memory_space<vmem>>[vector<16xi32>, vector<16xi32>], vector<16xf32>,
        %mul3A_2501 = arith.constant 8.000000e+00 : f32
        %mul3A_2502 = vector.broadcast %mul3A_2501 : f32 to vector<16xf32>
        %mul3A_2503 = arith.mulf %gather3A_2500, %mul3A_2502 : vector<16xf32>
        %scatter3A = arith.constant 192 : i32
        %scatter3A_2504 = arith.constant 0 : i32
        %scatter3A_2505 = tpu.memref_slice %arg7[%scatter3A, %scatter3A_2504] : memref<256x128xf32, #tpu.memory_space<vmem>> -> memref<64x128xf32, #tpu.memory_space<vmem>>
        tpu.vector_store_idx %scatter3A_2505[%add3A_2332, %add3A_2328], %mul3A_2398 : memref<64x128xf32, #tpu.memory_space<vmem>>[vector<16xi32>, vector<16xi32>], vector<16xf32>,
        %scatter3A_2506 = arith.constant 192 : i32
        %scatter3A_2507 = arith.constant 0 : i32
        %scatter3A_2508 = tpu.memref_slice %arg7[%scatter3A_2506, %scatter3A_2507] : memref<256x128xf32, #tpu.memory_space<vmem>> -> memref<64x128xf32, #tpu.memory_space<vmem>>
        tpu.vector_store_idx %scatter3A_2508[%add3A_2336, %add3A_2328], %mul3A_2405 : memref<64x128xf32, #tpu.memory_space<vmem>>[vector<16xi32>, vector<16xi32>], vector<16xf32>,
        %scatter3A_2509 = arith.constant 192 : i32
        %scatter3A_2510 = arith.constant 0 : i32
        %scatter3A_2511 = tpu.memref_slice %arg7[%scatter3A_2509, %scatter3A_2510] : memref<256x128xf32, #tpu.memory_space<vmem>> -> memref<64x128xf32, #tpu.memory_space<vmem>>
        tpu.vector_store_idx %scatter3A_2511[%add3A_2340, %add3A_2328], %mul3A_2412 : memref<64x128xf32, #tpu.memory_space<vmem>>[vector<16xi32>, vector<16xi32>], vector<16xf32>,
        %scatter3A_2512 = arith.constant 192 : i32
        %scatter3A_2513 = arith.constant 0 : i32
        %scatter3A_2514 = tpu.memref_slice %arg7[%scatter3A_2512, %scatter3A_2513] : memref<256x128xf32, #tpu.memory_space<vmem>> -> memref<64x128xf32, #tpu.memory_space<vmem>>
        tpu.vector_store_idx %scatter3A_2514[%add3A_2344, %add3A_2328], %mul3A_2419 : memref<64x128xf32, #tpu.memory_space<vmem>>[vector<16xi32>, vector<16xi32>], vector<16xf32>,
        %scatter3A_2515 = arith.constant 192 : i32
        %scatter3A_2516 = arith.constant 0 : i32
        %scatter3A_2517 = tpu.memref_slice %arg7[%scatter3A_2515, %scatter3A_2516] : memref<256x128xf32, #tpu.memory_space<vmem>> -> memref<64x128xf32, #tpu.memory_space<vmem>>
        tpu.vector_store_idx %scatter3A_2517[%add3A_2348, %add3A_2328], %mul3A_2426 : memref<64x128xf32, #tpu.memory_space<vmem>>[vector<16xi32>, vector<16xi32>], vector<16xf32>,
        %scatter3A_2518 = arith.constant 192 : i32
        %scatter3A_2519 = arith.constant 0 : i32
        %scatter3A_2520 = tpu.memref_slice %arg7[%scatter3A_2518, %scatter3A_2519] : memref<256x128xf32, #tpu.memory_space<vmem>> -> memref<64x128xf32, #tpu.memory_space<vmem>>
        tpu.vector_store_idx %scatter3A_2520[%add3A_2352, %add3A_2328], %mul3A_2433 : memref<64x128xf32, #tpu.memory_space<vmem>>[vector<16xi32>, vector<16xi32>], vector<16xf32>,
        %scatter3A_2521 = arith.constant 192 : i32
        %scatter3A_2522 = arith.constant 0 : i32
        %scatter3A_2523 = tpu.memref_slice %arg7[%scatter3A_2521, %scatter3A_2522] : memref<256x128xf32, #tpu.memory_space<vmem>> -> memref<64x128xf32, #tpu.memory_space<vmem>>
        tpu.vector_store_idx %scatter3A_2523[%add3A_2356, %add3A_2328], %mul3A_2440 : memref<64x128xf32, #tpu.memory_space<vmem>>[vector<16xi32>, vector<16xi32>], vector<16xf32>,
        %scatter3A_2524 = arith.constant 192 : i32
        %scatter3A_2525 = arith.constant 0 : i32
        %scatter3A_2526 = tpu.memref_slice %arg7[%scatter3A_2524, %scatter3A_2525] : memref<256x128xf32, #tpu.memory_space<vmem>> -> memref<64x128xf32, #tpu.memory_space<vmem>>
        tpu.vector_store_idx %scatter3A_2526[%add3A_2360, %add3A_2328], %mul3A_2447 : memref<64x128xf32, #tpu.memory_space<vmem>>[vector<16xi32>, vector<16xi32>], vector<16xf32>,
        %scatter3A_2527 = arith.constant 192 : i32
        %scatter3A_2528 = arith.constant 0 : i32
        %scatter3A_2529 = tpu.memref_slice %arg7[%scatter3A_2527, %scatter3A_2528] : memref<256x128xf32, #tpu.memory_space<vmem>> -> memref<64x128xf32, #tpu.memory_space<vmem>>
        tpu.vector_store_idx %scatter3A_2529[%add3A_2364, %add3A_2328], %mul3A_2454 : memref<64x128xf32, #tpu.memory_space<vmem>>[vector<16xi32>, vector<16xi32>], vector<16xf32>,
        %scatter3A_2530 = arith.constant 192 : i32
        %scatter3A_2531 = arith.constant 0 : i32
        %scatter3A_2532 = tpu.memref_slice %arg7[%scatter3A_2530, %scatter3A_2531] : memref<256x128xf32, #tpu.memory_space<vmem>> -> memref<64x128xf32, #tpu.memory_space<vmem>>
        tpu.vector_store_idx %scatter3A_2532[%add3A_2368, %add3A_2328], %mul3A_2461 : memref<64x128xf32, #tpu.memory_space<vmem>>[vector<16xi32>, vector<16xi32>], vector<16xf32>,
        %scatter3A_2533 = arith.constant 192 : i32
        %scatter3A_2534 = arith.constant 0 : i32
        %scatter3A_2535 = tpu.memref_slice %arg7[%scatter3A_2533, %scatter3A_2534] : memref<256x128xf32, #tpu.memory_space<vmem>> -> memref<64x128xf32, #tpu.memory_space<vmem>>
        tpu.vector_store_idx %scatter3A_2535[%add3A_2372, %add3A_2328], %mul3A_2468 : memref<64x128xf32, #tpu.memory_space<vmem>>[vector<16xi32>, vector<16xi32>], vector<16xf32>,
        %scatter3A_2536 = arith.constant 192 : i32
        %scatter3A_2537 = arith.constant 0 : i32
        %scatter3A_2538 = tpu.memref_slice %arg7[%scatter3A_2536, %scatter3A_2537] : memref<256x128xf32, #tpu.memory_space<vmem>> -> memref<64x128xf32, #tpu.memory_space<vmem>>
        tpu.vector_store_idx %scatter3A_2538[%add3A_2376, %add3A_2328], %mul3A_2475 : memref<64x128xf32, #tpu.memory_space<vmem>>[vector<16xi32>, vector<16xi32>], vector<16xf32>,
        %scatter3A_2539 = arith.constant 192 : i32
        %scatter3A_2540 = arith.constant 0 : i32
        %scatter3A_2541 = tpu.memref_slice %arg7[%scatter3A_2539, %scatter3A_2540] : memref<256x128xf32, #tpu.memory_space<vmem>> -> memref<64x128xf32, #tpu.memory_space<vmem>>
        tpu.vector_store_idx %scatter3A_2541[%add3A_2380, %add3A_2328], %mul3A_2482 : memref<64x128xf32, #tpu.memory_space<vmem>>[vector<16xi32>, vector<16xi32>], vector<16xf32>,
        %scatter3A_2542 = arith.constant 192 : i32
        %scatter3A_2543 = arith.constant 0 : i32
        %scatter3A_2544 = tpu.memref_slice %arg7[%scatter3A_2542, %scatter3A_2543] : memref<256x128xf32, #tpu.memory_space<vmem>> -> memref<64x128xf32, #tpu.memory_space<vmem>>
        tpu.vector_store_idx %scatter3A_2544[%add3A_2384, %add3A_2328], %mul3A_2489 : memref<64x128xf32, #tpu.memory_space<vmem>>[vector<16xi32>, vector<16xi32>], vector<16xf32>,
        %scatter3A_2545 = arith.constant 192 : i32
        %scatter3A_2546 = arith.constant 0 : i32
        %scatter3A_2547 = tpu.memref_slice %arg7[%scatter3A_2545, %scatter3A_2546] : memref<256x128xf32, #tpu.memory_space<vmem>> -> memref<64x128xf32, #tpu.memory_space<vmem>>
        tpu.vector_store_idx %scatter3A_2547[%add3A_2388, %add3A_2328], %mul3A_2496 : memref<64x128xf32, #tpu.memory_space<vmem>>[vector<16xi32>, vector<16xi32>], vector<16xf32>,
        %scatter3A_2548 = arith.constant 192 : i32
        %scatter3A_2549 = arith.constant 0 : i32
        %scatter3A_2550 = tpu.memref_slice %arg7[%scatter3A_2548, %scatter3A_2549] : memref<256x128xf32, #tpu.memory_space<vmem>> -> memref<64x128xf32, #tpu.memory_space<vmem>>
        tpu.vector_store_idx %scatter3A_2550[%add3A_2392, %add3A_2328], %mul3A_2503 : memref<64x128xf32, #tpu.memory_space<vmem>>[vector<16xi32>, vector<16xi32>], vector<16xf32>,
      }
      %scan3A_2120 = arith.constant 32 : i32
      %jit3A_2121 = arith.constant 4 : i32
      %div3A_2122 = arith.divsi %add3A_2088, %jit3A_2121 : i32
      %sign3A_2123 = arith.constant 0 : i32
      %sign3A_2124 = arith.cmpi sgt, %add3A_2088, %sign3A_2123 : i32
      %sign3A_2125 = arith.extui %sign3A_2124 : i1 to i32
      %sign3A_2126 = arith.constant 0 : i32
      %sign3A_2127 = arith.cmpi slt, %add3A_2088, %sign3A_2126 : i32
      %sign3A_2128 = arith.extui %sign3A_2127 : i1 to i32
      %sign3A_2129 = arith.subi %sign3A_2125, %sign3A_2128 : i32
      %sign3A_2130 = arith.constant 0 : i32
      %sign3A_2131 = arith.cmpi sgt, %jit3A_2121, %sign3A_2130 : i32
      %sign3A_2132 = arith.extui %sign3A_2131 : i1 to i32
      %sign3A_2133 = arith.constant 0 : i32
      %sign3A_2134 = arith.cmpi slt, %jit3A_2121, %sign3A_2133 : i32
      %sign3A_2135 = arith.extui %sign3A_2134 : i1 to i32
      %sign3A_2136 = arith.subi %sign3A_2132, %sign3A_2135 : i32
      %ne3A_2137 = arith.cmpi ne, %sign3A_2129, %sign3A_2136 : i32
      %rem3A_2138 = arith.remsi %add3A_2088, %jit3A_2121 : i32
      %ne3A_2139 = arith.constant 0 : i32
      %ne3A_2140 = arith.cmpi ne, %rem3A_2138, %ne3A_2139 : i32
      %and3A_2141 = arith.andi %ne3A_2137, %ne3A_2140 : i1
      %sub3A_2142 = arith.constant 1 : i32
      %sub3A_2143 = arith.subi %div3A_2122, %sub3A_2142 : i32
      %select_n3A_2144 = arith.select %and3A_2141, %sub3A_2143, %div3A_2122 : i32
      %mul3A_2145 = arith.constant 4 : i32
      %mul3A_2146 = arith.muli %add3A, %mul3A_2145 : i32
      %jit3A_2147 = arith.constant 4 : i32
      %eq3A_2148 = arith.constant 0 : i32
      %eq3A_2149 = arith.cmpi eq, %jit3A_2147, %eq3A_2148 : i32
      %jit3A_2150 = arith.constant 1 : i32
      %select_n3A_2151 = arith.select %eq3A_2149, %jit3A_2150, %jit3A_2147 : i32
      %rem3A_2152 = arith.remsi %add3A_2088, %select_n3A_2151 : i32
      %ne3A_2153 = arith.constant 0 : i32
      %ne3A_2154 = arith.cmpi ne, %rem3A_2152, %ne3A_2153 : i32
      %lt3A_2155 = arith.constant 0 : i32
      %lt3A_2156 = arith.cmpi slt, %rem3A_2152, %lt3A_2155 : i32
      %lt3A_2157 = arith.constant 0 : i32
      %lt3A_2158 = arith.cmpi slt, %select_n3A_2151, %lt3A_2157 : i32
      %ne3A_2159 = arith.xori %lt3A_2156, %lt3A_2158 : i1
      %and3A_2160 = arith.andi %ne3A_2159, %ne3A_2154 : i1
      %add3A_2161 = arith.addi %rem3A_2152, %select_n3A_2151 : i32
      %select_n3A_2162 = arith.select %and3A_2160, %add3A_2161, %rem3A_2152 : i32
      %add3A_2163 = arith.addi %mul3A_2146, %select_n3A_2162 : i32
      %dma_start3A_2164 = arith.constant 0 : i32
      %dma_start3A_2165 = arith.constant 192 : i32
      %dma_start3A_2166 = arith.constant 0 : i32
      %dma_start3A_2167 = tpu.memref_slice %arg7[%dma_start3A_2165, %dma_start3A_2166] : memref<256x128xf32, #tpu.memory_space<vmem>> -> memref<8x128xf32, #tpu.memory_space<vmem>>
      %dma_start3A_2168 = arith.constant 0 : i32
      %dma_start3A_2169 = arith.constant 0 : i32
      %dma_start3A_2170 = tpu.memref_slice %arg4[%select_n3A_2144, %dma_start3A_2164, %add3A_2163, %dma_start3A_2168, %dma_start3A_2169] : memref<50x8x128x8x128xf32, #tpu.memory_space<hbm>> -> memref<1x1x1x8x128xf32, #tpu.memory_space<hbm>>
      %dma_start3A_2171 = tpu.memref_squeeze %dma_start3A_2170 : memref<1x1x1x8x128xf32, #tpu.memory_space<hbm>> -> memref<8x128xf32, #tpu.memory_space<hbm>>
      %dma_start3A_2172 = arith.constant 0 : i32
      %dma_start3A_2173 = arith.constant 0 : i32
      %dma_start3A_2174 = tpu.memref_slice %arg4[%select_n3A_2144, %dma_start3A_2164, %add3A_2163, %dma_start3A_2172, %dma_start3A_2173] : memref<50x8x128x8x128xf32, #tpu.memory_space<hbm>> -> memref<1x1x1x8x128xf32, #tpu.memory_space<hbm>>
      %dma_start3A_2175 = tpu.memref_squeeze %dma_start3A_2174 : memref<1x1x1x8x128xf32, #tpu.memory_space<hbm>> -> memref<8x128xf32, #tpu.memory_space<hbm>>
      %dma_start3A_2176 = arith.constant 192 : i32
      %dma_start3A_2177 = arith.constant 0 : i32
      %dma_start3A_2178 = tpu.memref_slice %arg7[%dma_start3A_2176, %dma_start3A_2177] : memref<256x128xf32, #tpu.memory_space<vmem>> -> memref<8x128xf32, #tpu.memory_space<vmem>>
      tpu.enqueue_dma source(%dma_start3A_2178 : memref<8x128xf32, #tpu.memory_space<vmem>>) target(%dma_start3A_2175 : memref<8x128xf32, #tpu.memory_space<hbm>>) target_semaphore(%arg16 : memref<!tpu.dma_semaphore, #tpu.memory_space<semaphore_mem>>)
      %dma_start3A_2179 = arith.constant 1 : i32
      %dma_start3A_2180 = arith.constant 200 : i32
      %dma_start3A_2181 = arith.constant 0 : i32
      %dma_start3A_2182 = tpu.memref_slice %arg7[%dma_start3A_2180, %dma_start3A_2181] : memref<256x128xf32, #tpu.memory_space<vmem>> -> memref<8x128xf32, #tpu.memory_space<vmem>>
      %dma_start3A_2183 = arith.constant 0 : i32
      %dma_start3A_2184 = arith.constant 0 : i32
      %dma_start3A_2185 = tpu.memref_slice %arg4[%select_n3A_2144, %dma_start3A_2179, %add3A_2163, %dma_start3A_2183, %dma_start3A_2184] : memref<50x8x128x8x128xf32, #tpu.memory_space<hbm>> -> memref<1x1x1x8x128xf32, #tpu.memory_space<hbm>>
      %dma_start3A_2186 = tpu.memref_squeeze %dma_start3A_2185 : memref<1x1x1x8x128xf32, #tpu.memory_space<hbm>> -> memref<8x128xf32, #tpu.memory_space<hbm>>
      %dma_start3A_2187 = arith.constant 0 : i32
      %dma_start3A_2188 = arith.constant 0 : i32
      %dma_start3A_2189 = tpu.memref_slice %arg4[%select_n3A_2144, %dma_start3A_2179, %add3A_2163, %dma_start3A_2187, %dma_start3A_2188] : memref<50x8x128x8x128xf32, #tpu.memory_space<hbm>> -> memref<1x1x1x8x128xf32, #tpu.memory_space<hbm>>
      %dma_start3A_2190 = tpu.memref_squeeze %dma_start3A_2189 : memref<1x1x1x8x128xf32, #tpu.memory_space<hbm>> -> memref<8x128xf32, #tpu.memory_space<hbm>>
      %dma_start3A_2191 = arith.constant 200 : i32
      %dma_start3A_2192 = arith.constant 0 : i32
      %dma_start3A_2193 = tpu.memref_slice %arg7[%dma_start3A_2191, %dma_start3A_2192] : memref<256x128xf32, #tpu.memory_space<vmem>> -> memref<8x128xf32, #tpu.memory_space<vmem>>
      tpu.enqueue_dma source(%dma_start3A_2193 : memref<8x128xf32, #tpu.memory_space<vmem>>) target(%dma_start3A_2190 : memref<8x128xf32, #tpu.memory_space<hbm>>) target_semaphore(%arg16 : memref<!tpu.dma_semaphore, #tpu.memory_space<semaphore_mem>>)
      %dma_start3A_2194 = arith.constant 2 : i32
      %dma_start3A_2195 = arith.constant 208 : i32
      %dma_start3A_2196 = arith.constant 0 : i32
      %dma_start3A_2197 = tpu.memref_slice %arg7[%dma_start3A_2195, %dma_start3A_2196] : memref<256x128xf32, #tpu.memory_space<vmem>> -> memref<8x128xf32, #tpu.memory_space<vmem>>
      %dma_start3A_2198 = arith.constant 0 : i32
      %dma_start3A_2199 = arith.constant 0 : i32
      %dma_start3A_2200 = tpu.memref_slice %arg4[%select_n3A_2144, %dma_start3A_2194, %add3A_2163, %dma_start3A_2198, %dma_start3A_2199] : memref<50x8x128x8x128xf32, #tpu.memory_space<hbm>> -> memref<1x1x1x8x128xf32, #tpu.memory_space<hbm>>
      %dma_start3A_2201 = tpu.memref_squeeze %dma_start3A_2200 : memref<1x1x1x8x128xf32, #tpu.memory_space<hbm>> -> memref<8x128xf32, #tpu.memory_space<hbm>>
      %dma_start3A_2202 = arith.constant 0 : i32
      %dma_start3A_2203 = arith.constant 0 : i32
      %dma_start3A_2204 = tpu.memref_slice %arg4[%select_n3A_2144, %dma_start3A_2194, %add3A_2163, %dma_start3A_2202, %dma_start3A_2203] : memref<50x8x128x8x128xf32, #tpu.memory_space<hbm>> -> memref<1x1x1x8x128xf32, #tpu.memory_space<hbm>>
      %dma_start3A_2205 = tpu.memref_squeeze %dma_start3A_2204 : memref<1x1x1x8x128xf32, #tpu.memory_space<hbm>> -> memref<8x128xf32, #tpu.memory_space<hbm>>
      %dma_start3A_2206 = arith.constant 208 : i32
      %dma_start3A_2207 = arith.constant 0 : i32
      %dma_start3A_2208 = tpu.memref_slice %arg7[%dma_start3A_2206, %dma_start3A_2207] : memref<256x128xf32, #tpu.memory_space<vmem>> -> memref<8x128xf32, #tpu.memory_space<vmem>>
      tpu.enqueue_dma source(%dma_start3A_2208 : memref<8x128xf32, #tpu.memory_space<vmem>>) target(%dma_start3A_2205 : memref<8x128xf32, #tpu.memory_space<hbm>>) target_semaphore(%arg16 : memref<!tpu.dma_semaphore, #tpu.memory_space<semaphore_mem>>)
      %dma_start3A_2209 = arith.constant 3 : i32
      %dma_start3A_2210 = arith.constant 216 : i32
      %dma_start3A_2211 = arith.constant 0 : i32
      %dma_start3A_2212 = tpu.memref_slice %arg7[%dma_start3A_2210, %dma_start3A_2211] : memref<256x128xf32, #tpu.memory_space<vmem>> -> memref<8x128xf32, #tpu.memory_space<vmem>>
      %dma_start3A_2213 = arith.constant 0 : i32
      %dma_start3A_2214 = arith.constant 0 : i32
      %dma_start3A_2215 = tpu.memref_slice %arg4[%select_n3A_2144, %dma_start3A_2209, %add3A_2163, %dma_start3A_2213, %dma_start3A_2214] : memref<50x8x128x8x128xf32, #tpu.memory_space<hbm>> -> memref<1x1x1x8x128xf32, #tpu.memory_space<hbm>>
      %dma_start3A_2216 = tpu.memref_squeeze %dma_start3A_2215 : memref<1x1x1x8x128xf32, #tpu.memory_space<hbm>> -> memref<8x128xf32, #tpu.memory_space<hbm>>
      %dma_start3A_2217 = arith.constant 0 : i32
      %dma_start3A_2218 = arith.constant 0 : i32
      %dma_start3A_2219 = tpu.memref_slice %arg4[%select_n3A_2144, %dma_start3A_2209, %add3A_2163, %dma_start3A_2217, %dma_start3A_2218] : memref<50x8x128x8x128xf32, #tpu.memory_space<hbm>> -> memref<1x1x1x8x128xf32, #tpu.memory_space<hbm>>
      %dma_start3A_2220 = tpu.memref_squeeze %dma_start3A_2219 : memref<1x1x1x8x128xf32, #tpu.memory_space<hbm>> -> memref<8x128xf32, #tpu.memory_space<hbm>>
      %dma_start3A_2221 = arith.constant 216 : i32
      %dma_start3A_2222 = arith.constant 0 : i32
      %dma_start3A_2223 = tpu.memref_slice %arg7[%dma_start3A_2221, %dma_start3A_2222] : memref<256x128xf32, #tpu.memory_space<vmem>> -> memref<8x128xf32, #tpu.memory_space<vmem>>
      tpu.enqueue_dma source(%dma_start3A_2223 : memref<8x128xf32, #tpu.memory_space<vmem>>) target(%dma_start3A_2220 : memref<8x128xf32, #tpu.memory_space<hbm>>) target_semaphore(%arg16 : memref<!tpu.dma_semaphore, #tpu.memory_space<semaphore_mem>>)
      %dma_start3A_2224 = arith.constant 4 : i32
      %dma_start3A_2225 = arith.constant 224 : i32
      %dma_start3A_2226 = arith.constant 0 : i32
      %dma_start3A_2227 = tpu.memref_slice %arg7[%dma_start3A_2225, %dma_start3A_2226] : memref<256x128xf32, #tpu.memory_space<vmem>> -> memref<8x128xf32, #tpu.memory_space<vmem>>
      %dma_start3A_2228 = arith.constant 0 : i32
      %dma_start3A_2229 = arith.constant 0 : i32
      %dma_start3A_2230 = tpu.memref_slice %arg4[%select_n3A_2144, %dma_start3A_2224, %add3A_2163, %dma_start3A_2228, %dma_start3A_2229] : memref<50x8x128x8x128xf32, #tpu.memory_space<hbm>> -> memref<1x1x1x8x128xf32, #tpu.memory_space<hbm>>
      %dma_start3A_2231 = tpu.memref_squeeze %dma_start3A_2230 : memref<1x1x1x8x128xf32, #tpu.memory_space<hbm>> -> memref<8x128xf32, #tpu.memory_space<hbm>>
      %dma_start3A_2232 = arith.constant 0 : i32
      %dma_start3A_2233 = arith.constant 0 : i32
      %dma_start3A_2234 = tpu.memref_slice %arg4[%select_n3A_2144, %dma_start3A_2224, %add3A_2163, %dma_start3A_2232, %dma_start3A_2233] : memref<50x8x128x8x128xf32, #tpu.memory_space<hbm>> -> memref<1x1x1x8x128xf32, #tpu.memory_space<hbm>>
      %dma_start3A_2235 = tpu.memref_squeeze %dma_start3A_2234 : memref<1x1x1x8x128xf32, #tpu.memory_space<hbm>> -> memref<8x128xf32, #tpu.memory_space<hbm>>
      %dma_start3A_2236 = arith.constant 224 : i32
      %dma_start3A_2237 = arith.constant 0 : i32
      %dma_start3A_2238 = tpu.memref_slice %arg7[%dma_start3A_2236, %dma_start3A_2237] : memref<256x128xf32, #tpu.memory_space<vmem>> -> memref<8x128xf32, #tpu.memory_space<vmem>>
      tpu.enqueue_dma source(%dma_start3A_2238 : memref<8x128xf32, #tpu.memory_space<vmem>>) target(%dma_start3A_2235 : memref<8x128xf32, #tpu.memory_space<hbm>>) target_semaphore(%arg16 : memref<!tpu.dma_semaphore, #tpu.memory_space<semaphore_mem>>)
      %dma_start3A_2239 = arith.constant 5 : i32
      %dma_start3A_2240 = arith.constant 232 : i32
      %dma_start3A_2241 = arith.constant 0 : i32
      %dma_start3A_2242 = tpu.memref_slice %arg7[%dma_start3A_2240, %dma_start3A_2241] : memref<256x128xf32, #tpu.memory_space<vmem>> -> memref<8x128xf32, #tpu.memory_space<vmem>>
      %dma_start3A_2243 = arith.constant 0 : i32
      %dma_start3A_2244 = arith.constant 0 : i32
      %dma_start3A_2245 = tpu.memref_slice %arg4[%select_n3A_2144, %dma_start3A_2239, %add3A_2163, %dma_start3A_2243, %dma_start3A_2244] : memref<50x8x128x8x128xf32, #tpu.memory_space<hbm>> -> memref<1x1x1x8x128xf32, #tpu.memory_space<hbm>>
      %dma_start3A_2246 = tpu.memref_squeeze %dma_start3A_2245 : memref<1x1x1x8x128xf32, #tpu.memory_space<hbm>> -> memref<8x128xf32, #tpu.memory_space<hbm>>
      %dma_start3A_2247 = arith.constant 0 : i32
      %dma_start3A_2248 = arith.constant 0 : i32
      %dma_start3A_2249 = tpu.memref_slice %arg4[%select_n3A_2144, %dma_start3A_2239, %add3A_2163, %dma_start3A_2247, %dma_start3A_2248] : memref<50x8x128x8x128xf32, #tpu.memory_space<hbm>> -> memref<1x1x1x8x128xf32, #tpu.memory_space<hbm>>
      %dma_start3A_2250 = tpu.memref_squeeze %dma_start3A_2249 : memref<1x1x1x8x128xf32, #tpu.memory_space<hbm>> -> memref<8x128xf32, #tpu.memory_space<hbm>>
      %dma_start3A_2251 = arith.constant 232 : i32
      %dma_start3A_2252 = arith.constant 0 : i32
      %dma_start3A_2253 = tpu.memref_slice %arg7[%dma_start3A_2251, %dma_start3A_2252] : memref<256x128xf32, #tpu.memory_space<vmem>> -> memref<8x128xf32, #tpu.memory_space<vmem>>
      tpu.enqueue_dma source(%dma_start3A_2253 : memref<8x128xf32, #tpu.memory_space<vmem>>) target(%dma_start3A_2250 : memref<8x128xf32, #tpu.memory_space<hbm>>) target_semaphore(%arg16 : memref<!tpu.dma_semaphore, #tpu.memory_space<semaphore_mem>>)
      %dma_start3A_2254 = arith.constant 6 : i32
      %dma_start3A_2255 = arith.constant 240 : i32
      %dma_start3A_2256 = arith.constant 0 : i32
      %dma_start3A_2257 = tpu.memref_slice %arg7[%dma_start3A_2255, %dma_start3A_2256] : memref<256x128xf32, #tpu.memory_space<vmem>> -> memref<8x128xf32, #tpu.memory_space<vmem>>
      %dma_start3A_2258 = arith.constant 0 : i32
      %dma_start3A_2259 = arith.constant 0 : i32
      %dma_start3A_2260 = tpu.memref_slice %arg4[%select_n3A_2144, %dma_start3A_2254, %add3A_2163, %dma_start3A_2258, %dma_start3A_2259] : memref<50x8x128x8x128xf32, #tpu.memory_space<hbm>> -> memref<1x1x1x8x128xf32, #tpu.memory_space<hbm>>
      %dma_start3A_2261 = tpu.memref_squeeze %dma_start3A_2260 : memref<1x1x1x8x128xf32, #tpu.memory_space<hbm>> -> memref<8x128xf32, #tpu.memory_space<hbm>>
      %dma_start3A_2262 = arith.constant 0 : i32
      %dma_start3A_2263 = arith.constant 0 : i32
      %dma_start3A_2264 = tpu.memref_slice %arg4[%select_n3A_2144, %dma_start3A_2254, %add3A_2163, %dma_start3A_2262, %dma_start3A_2263] : memref<50x8x128x8x128xf32, #tpu.memory_space<hbm>> -> memref<1x1x1x8x128xf32, #tpu.memory_space<hbm>>
      %dma_start3A_2265 = tpu.memref_squeeze %dma_start3A_2264 : memref<1x1x1x8x128xf32, #tpu.memory_space<hbm>> -> memref<8x128xf32, #tpu.memory_space<hbm>>
      %dma_start3A_2266 = arith.constant 240 : i32
      %dma_start3A_2267 = arith.constant 0 : i32
      %dma_start3A_2268 = tpu.memref_slice %arg7[%dma_start3A_2266, %dma_start3A_2267] : memref<256x128xf32, #tpu.memory_space<vmem>> -> memref<8x128xf32, #tpu.memory_space<vmem>>
      tpu.enqueue_dma source(%dma_start3A_2268 : memref<8x128xf32, #tpu.memory_space<vmem>>) target(%dma_start3A_2265 : memref<8x128xf32, #tpu.memory_space<hbm>>) target_semaphore(%arg16 : memref<!tpu.dma_semaphore, #tpu.memory_space<semaphore_mem>>)
      %dma_start3A_2269 = arith.constant 7 : i32
      %dma_start3A_2270 = arith.constant 248 : i32
      %dma_start3A_2271 = arith.constant 0 : i32
      %dma_start3A_2272 = tpu.memref_slice %arg7[%dma_start3A_2270, %dma_start3A_2271] : memref<256x128xf32, #tpu.memory_space<vmem>> -> memref<8x128xf32, #tpu.memory_space<vmem>>
      %dma_start3A_2273 = arith.constant 0 : i32
      %dma_start3A_2274 = arith.constant 0 : i32
      %dma_start3A_2275 = tpu.memref_slice %arg4[%select_n3A_2144, %dma_start3A_2269, %add3A_2163, %dma_start3A_2273, %dma_start3A_2274] : memref<50x8x128x8x128xf32, #tpu.memory_space<hbm>> -> memref<1x1x1x8x128xf32, #tpu.memory_space<hbm>>
      %dma_start3A_2276 = tpu.memref_squeeze %dma_start3A_2275 : memref<1x1x1x8x128xf32, #tpu.memory_space<hbm>> -> memref<8x128xf32, #tpu.memory_space<hbm>>
      %dma_start3A_2277 = arith.constant 0 : i32
      %dma_start3A_2278 = arith.constant 0 : i32
      %dma_start3A_2279 = tpu.memref_slice %arg4[%select_n3A_2144, %dma_start3A_2269, %add3A_2163, %dma_start3A_2277, %dma_start3A_2278] : memref<50x8x128x8x128xf32, #tpu.memory_space<hbm>> -> memref<1x1x1x8x128xf32, #tpu.memory_space<hbm>>
      %dma_start3A_2280 = tpu.memref_squeeze %dma_start3A_2279 : memref<1x1x1x8x128xf32, #tpu.memory_space<hbm>> -> memref<8x128xf32, #tpu.memory_space<hbm>>
      %dma_start3A_2281 = arith.constant 248 : i32
      %dma_start3A_2282 = arith.constant 0 : i32
      %dma_start3A_2283 = tpu.memref_slice %arg7[%dma_start3A_2281, %dma_start3A_2282] : memref<256x128xf32, #tpu.memory_space<vmem>> -> memref<8x128xf32, #tpu.memory_space<vmem>>
      tpu.enqueue_dma source(%dma_start3A_2283 : memref<8x128xf32, #tpu.memory_space<vmem>>) target(%dma_start3A_2280 : memref<8x128xf32, #tpu.memory_space<hbm>>) target_semaphore(%arg16 : memref<!tpu.dma_semaphore, #tpu.memory_space<semaphore_mem>>)
    }
    %scan3A_1447 = arith.constant 50 : i32
    %dma_wait3A_1448 = arith.constant 0 : i32
    %dma_wait3A_1449 = arith.constant 0 : i32
    %dma_wait3A_1450 = tpu.memref_slice %arg6[%dma_wait3A_1448, %dma_wait3A_1449] : memref<512x64xf32, #tpu.memory_space<vmem>> -> memref<128x64xf32, #tpu.memory_space<vmem>>
    %dma_wait3A_1451 = arith.constant 0 : i32
    %dma_wait3A_1452 = arith.constant 0 : i32
    %dma_wait3A_1453 = tpu.memref_slice %arg3[%dma_wait3A_1451, %dma_wait3A_1452] : memref<1000000x64xf32, #tpu.memory_space<hbm>> -> memref<128x64xf32, #tpu.memory_space<hbm>>
    %dma_wait3A_1454 = arith.constant 0 : i32
    %dma_wait3A_1455 = arith.constant 0 : i32
    %dma_wait3A_1456 = tpu.memref_slice %arg6[%dma_wait3A_1454, %dma_wait3A_1455] : memref<512x64xf32, #tpu.memory_space<vmem>> -> memref<128x64xf32, #tpu.memory_space<vmem>>
    %dma_wait3A_1457 = arith.constant 0 : i32
    %dma_wait3A_1458 = arith.constant 0 : i32
    %dma_wait3A_1459 = tpu.memref_slice %arg3[%dma_wait3A_1457, %dma_wait3A_1458] : memref<1000000x64xf32, #tpu.memory_space<hbm>> -> memref<128x64xf32, #tpu.memory_space<hbm>>
    tpu.wait_dma2 semaphore(%arg13 : memref<!tpu.dma_semaphore, #tpu.memory_space<semaphore_mem>>) src(%dma_wait3A_1459 : memref<128x64xf32, #tpu.memory_space<hbm>>) dst(%dma_wait3A_1456 : memref<128x64xf32, #tpu.memory_space<vmem>>)
    %dma_wait3A_1460 = arith.constant 128 : i32
    %dma_wait3A_1461 = arith.constant 0 : i32
    %dma_wait3A_1462 = tpu.memref_slice %arg6[%dma_wait3A_1460, %dma_wait3A_1461] : memref<512x64xf32, #tpu.memory_space<vmem>> -> memref<128x64xf32, #tpu.memory_space<vmem>>
    %dma_wait3A_1463 = arith.constant 0 : i32
    %dma_wait3A_1464 = arith.constant 0 : i32
    %dma_wait3A_1465 = tpu.memref_slice %arg3[%dma_wait3A_1463, %dma_wait3A_1464] : memref<1000000x64xf32, #tpu.memory_space<hbm>> -> memref<128x64xf32, #tpu.memory_space<hbm>>
    %dma_wait3A_1466 = arith.constant 128 : i32
    %dma_wait3A_1467 = arith.constant 0 : i32
    %dma_wait3A_1468 = tpu.memref_slice %arg6[%dma_wait3A_1466, %dma_wait3A_1467] : memref<512x64xf32, #tpu.memory_space<vmem>> -> memref<128x64xf32, #tpu.memory_space<vmem>>
    %dma_wait3A_1469 = arith.constant 0 : i32
    %dma_wait3A_1470 = arith.constant 0 : i32
    %dma_wait3A_1471 = tpu.memref_slice %arg3[%dma_wait3A_1469, %dma_wait3A_1470] : memref<1000000x64xf32, #tpu.memory_space<hbm>> -> memref<128x64xf32, #tpu.memory_space<hbm>>
    tpu.wait_dma2 semaphore(%arg14 : memref<!tpu.dma_semaphore, #tpu.memory_space<semaphore_mem>>) src(%dma_wait3A_1471 : memref<128x64xf32, #tpu.memory_space<hbm>>) dst(%dma_wait3A_1468 : memref<128x64xf32, #tpu.memory_space<vmem>>)
    %dma_wait3A_1472 = arith.constant 256 : i32
    %dma_wait3A_1473 = arith.constant 0 : i32
    %dma_wait3A_1474 = tpu.memref_slice %arg6[%dma_wait3A_1472, %dma_wait3A_1473] : memref<512x64xf32, #tpu.memory_space<vmem>> -> memref<128x64xf32, #tpu.memory_space<vmem>>
    %dma_wait3A_1475 = arith.constant 0 : i32
    %dma_wait3A_1476 = arith.constant 0 : i32
    %dma_wait3A_1477 = tpu.memref_slice %arg3[%dma_wait3A_1475, %dma_wait3A_1476] : memref<1000000x64xf32, #tpu.memory_space<hbm>> -> memref<128x64xf32, #tpu.memory_space<hbm>>
    %dma_wait3A_1478 = arith.constant 256 : i32
    %dma_wait3A_1479 = arith.constant 0 : i32
    %dma_wait3A_1480 = tpu.memref_slice %arg6[%dma_wait3A_1478, %dma_wait3A_1479] : memref<512x64xf32, #tpu.memory_space<vmem>> -> memref<128x64xf32, #tpu.memory_space<vmem>>
    %dma_wait3A_1481 = arith.constant 0 : i32
    %dma_wait3A_1482 = arith.constant 0 : i32
    %dma_wait3A_1483 = tpu.memref_slice %arg3[%dma_wait3A_1481, %dma_wait3A_1482] : memref<1000000x64xf32, #tpu.memory_space<hbm>> -> memref<128x64xf32, #tpu.memory_space<hbm>>
    tpu.wait_dma2 semaphore(%arg15 : memref<!tpu.dma_semaphore, #tpu.memory_space<semaphore_mem>>) src(%dma_wait3A_1483 : memref<128x64xf32, #tpu.memory_space<hbm>>) dst(%dma_wait3A_1480 : memref<128x64xf32, #tpu.memory_space<vmem>>)
    %dma_wait3A_1484 = arith.constant 384 : i32
    %dma_wait3A_1485 = arith.constant 0 : i32
    %dma_wait3A_1486 = tpu.memref_slice %arg6[%dma_wait3A_1484, %dma_wait3A_1485] : memref<512x64xf32, #tpu.memory_space<vmem>> -> memref<128x64xf32, #tpu.memory_space<vmem>>
    %dma_wait3A_1487 = arith.constant 0 : i32
    %dma_wait3A_1488 = arith.constant 0 : i32
    %dma_wait3A_1489 = tpu.memref_slice %arg3[%dma_wait3A_1487, %dma_wait3A_1488] : memref<1000000x64xf32, #tpu.memory_space<hbm>> -> memref<128x64xf32, #tpu.memory_space<hbm>>
    %dma_wait3A_1490 = arith.constant 384 : i32
    %dma_wait3A_1491 = arith.constant 0 : i32
    %dma_wait3A_1492 = tpu.memref_slice %arg6[%dma_wait3A_1490, %dma_wait3A_1491] : memref<512x64xf32, #tpu.memory_space<vmem>> -> memref<128x64xf32, #tpu.memory_space<vmem>>
    %dma_wait3A_1493 = arith.constant 0 : i32
    %dma_wait3A_1494 = arith.constant 0 : i32
    %dma_wait3A_1495 = tpu.memref_slice %arg3[%dma_wait3A_1493, %dma_wait3A_1494] : memref<1000000x64xf32, #tpu.memory_space<hbm>> -> memref<128x64xf32, #tpu.memory_space<hbm>>
    tpu.wait_dma2 semaphore(%arg16 : memref<!tpu.dma_semaphore, #tpu.memory_space<semaphore_mem>>) src(%dma_wait3A_1495 : memref<128x64xf32, #tpu.memory_space<hbm>>) dst(%dma_wait3A_1492 : memref<128x64xf32, #tpu.memory_space<vmem>>)
    return
  }
}

</mosaic_0001>

<sc_bundles>
// kernel: kernel.3.cloned.1.call-start
scs
__scs_entry_jumppad:
0x0: {  	(pc) =	sbr.rel $0x88, $3  }
0x1: {  	(tag) =	ssettag $0x0;
	lr =	simm.s32 $0x1  }
0x2: {  	[smem:$0x3F9F] =	sst lr;
	_ =	strace $0xD0000000  }
0x3: {  	_ = 	snop  }
0x4: {  	_ = 	snop  }
0x5: {  	_ = 	snop  }
0x6: {  	_ = 	snop  }
0x7: {  	_ = 	snop  }
__scs_overlays_trampoline_lowered:
0x8: {  	[smem:$0x3FAE] =	sst s0  }
0x9: {  	[smem:$0x3FAF] =	sst s1  }
0xa: {  	[smem:$0x3FB0] =	sst s2  }
0xb: {  	[smem:$0x3FB1] =	sst s3  }
0xc: {  	[smem:$0x3FB2] =	sst s4  }
0xd: {  	[smem:$0x3FB3] =	sst s5  }
0xe: {  	[smem:$0x3FB4] =	sst s6  }
0xf: {  	[smem:$0x3FB5] =	sst s7  }
0x10: {  	[smem:$0x3FB6] =	sst s8  }
0x11: {  	[smem:$0x3FB7] =	sst s9;
	s0 =	simm.s32 @!p0 $0x0  }
0x12: {  	s1 =	sld [smem:$0x3F9D];
	s0 =	simm.s32 @p0 $0x1  }
0x13: {  	[smem:$0x3FB8] =	sst s0;
	s0 =	simm.s32 @!p1 $0x0  }
0x14: {  	s2 =	sld [smem:$0x3F9C];
	s0 =	simm.s32 @p1 $0x1  }
0x15: {  	[smem:$0x3FB9] =	sst s0;
	s0 =	simm.s32 @!p2 $0x0  }
0x16: {  	s3 =	sld [smem:$0x3FDB];
	s0 =	simm.s32 @p2 $0x1  }
0x17: {  	s4 =	simm.s32 $0x1BF5;
	[smem:$0x3FBB] =	sst s0  }
0x18: {  	s0 =	sld [smem:$0x3F9E];
	_ =	swait.ge [sflag:s4], $0x0  }
0x19: {  	s7 =	sld [smem:$0x3F9F]  }
0x1a: {  	s8 =	sadd.s32 $0xFFFFE003, lr  }
0x1b: {  	s9 =	sadd.s32 $0xFFFFFEF7, lr;
	s5 =	simm.s32 $0xFFFFFFFF;
	p2 =	slt.u32 s8, $0xFFFFF086  }
0x1c: {  	p1 =	slt.u32 s9, $0xF7A;
	s5 =	simm.s32 @!p2 $0x0  }
0x1d: {  	s5 =	simm.s32 @p1 $0x1;
	p0 =	seq.s32 s7, s2  }
0x1e: {  	s7 =	smul.u32 @!p0 $0xF7A, s2;
	p2 =	seq.s32 @!p0 s5, $0x0  }
0x1f: {  	s9 =	smul.u32 $0xF7A, s1;
	s8 =	simm.s32 @!p0 $0x1BF5;
	p2 =	por !p2, p0  }
0x20: {  	[sflag:s8] =	ssyncset.s32 @!p0 $0xFFFFF086;
	s6 =	sadd.s32 @!p0 s3, s7;
	s7 =	simm.s32 @!p0 $0x108  }
0x21: {  	s3 =	sadd.s32 s3, s9;
	s6 =	sadd.s32 @!p0 $0x88, s6;
	s7 =	simm.s32 @p2 $0x1082  }
0x22: {  	[simem:s7], [sflag:s8] =	dma.local @!p0 [hbm:s6], $0xF7A  }
0x23: {  	s9 =	sor.u32 $0xD0000000, s2;
	s6 =	simm.s32 $0x108;
	_ =	swait.ge @!p0 [sflag:s8], $0x0  }
0x24: {  	s3 =	sadd.s32 $0x88, s3;
	s6 =	simm.s32 @!p1 $0x1082;
	[sflag:s4] =	ssyncset.s32 $0xFFFFF086  }
0x25: {  	[simem:s6], [sflag:s4] =	dma.local [hbm:s3], $0xF7A  }
0x26: {  	[smem:$0x3F9F] =	sst s1;
	(tag) =	ssettag s2;
	_ =	strace s9  }
0x27: {  	s1 =	sld [smem:$0x3FAF]  }
0x28: {  	s2 =	sld [smem:$0x3FB0]  }
0x29: {  	s4 =	sld [smem:$0x3FB2]  }
0x2a: {  	p0 =	seq.s32 s5, $0x0;
	s5 =	sld [smem:$0x3FB3]  }
0x2b: {  	s6 =	sld [smem:$0x3FB4]  }
0x2c: {  	s7 =	sld [smem:$0x3FB5]  }
0x2d: {  	s3 =	simm.s32 $0x108;
	s8 =	sld [smem:$0x3FB6]  }
0x2e: {  	s3 =	simm.s32 @!p0 $0x1082;
	s9 =	sld [smem:$0x3FB7]  }
0x2f: {  	lr =	sadd.s32 s0, s3;
	s0 =	sld [smem:$0x3FAE]  }
0x30: {  	s3 =	sld [smem:$0x3FB1]  }
0x31: {  	[smem:$0x3FBA] =	sst s10  }
0x32: {  	s10 =	sld [smem:$0x3FB8];
	_ =	sdelay $0x3  }
0x33: {  	p0 =	seq.s32 s10, $0x1;
	s10 =	sld [smem:$0x3FBA];
	_ =	sdelay $0x3  }
0x34: {  	[smem:$0x3FBA] =	sst s10  }
0x35: {  	s10 =	sld [smem:$0x3FB9];
	_ =	sdelay $0x3  }
0x36: {  	p1 =	seq.s32 s10, $0x1;
	s10 =	sld [smem:$0x3FBA];
	_ =	sdelay $0x3  }
0x37: {  	[smem:$0x3FBA] =	sst s10  }
0x38: {  	s10 =	sld [smem:$0x3FBB]  }
0x39: {  	_ = 	snop;
	(pc) =	sbr.ind lr, $3  }
0x3a: {  	_ = 	snop  }
0x3b: {  	_ = 	snop  }
0x3c: {  	p2 =	seq.s32 s10, $0x1;
	s10 =	sld [smem:$0x3FBA]  }
0x3d: {  	_ =	shalt  }
0x3e: {  	_ =	shalt  }
0x3f: {  	_ =	shalt  }
0x40: {  	_ =	shalt  }
0x41: {  	_ =	shalt  }
0x42: {  	_ =	shalt  }
0x43: {  	_ =	shalt  }
0x44: {  	_ =	shalt  }
0x45: {  	_ =	shalt  }
0x46: {  	_ =	shalt  }
0x47: {  	_ =	shalt  }
0x48: {  	_ =	shalt  }
0x49: {  	_ =	shalt  }
0x4a: {  	_ =	shalt  }
0x4b: {  	_ =	shalt  }
0x4c: {  	_ =	shalt  }
0x4d: {  	_ =	shalt  }
0x4e: {  	_ =	shalt  }
0x4f: {  	_ =	shalt  }
0x50: {  	_ =	shalt  }
0x51: {  	_ =	shalt  }
0x52: {  	_ =	shalt  }
0x53: {  	_ =	shalt  }
0x54: {  	_ =	shalt  }
0x55: {  	_ =	shalt  }
0x56: {  	_ =	shalt  }
0x57: {  	_ =	shalt  }
0x58: {  	_ =	shalt  }
0x59: {  	_ =	shalt  }
0x5a: {  	_ =	shalt  }
0x5b: {  	_ =	shalt  }
0x5c: {  	_ =	shalt  }
0x5d: {  	_ =	shalt  }
0x5e: {  	_ =	shalt  }
0x5f: {  	_ =	shalt  }
0x60: {  	_ =	shalt  }
0x61: {  	_ =	shalt  }
0x62: {  	_ =	shalt  }
0x63: {  	_ =	shalt  }
0x64: {  	_ =	shalt  }
0x65: {  	_ =	shalt  }
0x66: {  	_ =	shalt  }
0x67: {  	_ =	shalt  }
0x68: {  	_ =	shalt  }
0x69: {  	_ =	shalt  }
0x6a: {  	_ =	shalt  }
0x6b: {  	_ =	shalt  }
0x6c: {  	_ =	shalt  }
0x6d: {  	_ =	shalt  }
0x6e: {  	_ =	shalt  }
0x6f: {  	_ =	shalt  }
0x70: {  	_ =	shalt  }
0x71: {  	_ =	shalt  }
0x72: {  	_ =	shalt  }
0x73: {  	_ =	shalt  }
0x74: {  	_ =	shalt  }
0x75: {  	_ =	shalt  }
0x76: {  	_ =	shalt  }
0x77: {  	_ =	shalt  }
0x78: {  	_ =	shalt  }
0x79: {  	_ =	shalt  }
0x7a: {  	_ =	shalt  }
0x7b: {  	_ =	shalt  }
0x7c: {  	_ =	shalt  }
0x7d: {  	_ =	shalt  }
0x7e: {  	_ =	shalt  }
0x7f: {  	_ =	shalt  }
0x80: {  	_ =	shalt  }
0x81: {  	_ =	shalt  }
0x82: {  	_ =	shalt  }
0x83: {  	_ =	shalt  }
0x84: {  	_ =	shalt  }
0x85: {  	_ =	shalt  }
0x86: {  	_ =	shalt  }
0x87: {  	_ =	shalt  }
.Lfunc_end0:
.L_simem_size_0:
called_computation_lowered:
.L_overlay_start_0:
0x88: {  	s2 =	sld [smem:$0x3FD9]  }
0x89: {  	s3 =	sld [smem:$0x3FFE];
	_ =	sdelay $0x1  }
0x8a: {  	s1 =	srdreg.scid  }
0x8b: {  	s0 =	sand.u32 $0x1, s1  }
0x8c: {  	s17 =	sshll.u32 s0, $0xA;
	s2 =	sadd.s32 s3, s2  }
0x8d: {  	s2 =	sadd.s32 s2, s17  }
0x8e: {  	[smem:$0x3FC6] =	sst s2  }
0x8f: {  	_ = 	snop  }
0x90: {  	s2 =	sld [smem:$0x3FD0];
	(tm) =	ssettm $0x1  }
0x91: {  	s18 =	sld [smem:$0x3FFB];
	_ =	sdelay $0x3  }
0x92: {  	_ =	strace s18  }
0x93: {  	s3 =	sld [smem:$0x3FFC];
	_ =	sdelay $0x3  }
0x94: {  	_ =	strace s3  }
0x95: {  	s3 =	sld [smem:$0x3FFD];
	_ =	sdelay $0x3  }
0x96: {  	_ =	strace s3  }
0x97: {  	_ =	strace $0x8FFFFFFF  }
0x98: {  	s19 =	sld [smem:$0x3FDB];
	_ =	sdelay $0x1  }
0x99: {  	s4 =	simm.s32 $_scs_section_size  }
0x9a: {  	s5 =	simm.s32 $_size__tile_overlayer_lowered;
	s6 =	simm.s32 $_tile_overlayer_lowered  }
0x9b: {  	s22 =	simm.s32 $0x1BFF;
	s21 =	sshll.u32 s6, $0x1;
	s3 =	sadd.s32 s4, s19  }
0x9c: {  	s7 =	simm.s32 $0x0;
	s20 =	sshll.u32 s5, $0x1;
	s5 =	sadd.s32 s21, s3  }
0x9d: {  	[timem:s7], [sflag:s22] =	dma.local [hbm:s5], s20  }
0x9e: {  	_ =	swait.ge [sflag:s22], s20  }
0x9f: {  	s4 =	ssub.s32 $0x0, s20;
	[sflag:s22] =	ssyncset.done $0x0  }
0xa0: {  	[sflag:s22] =	ssyncadd.s32 s4;
	_ =	sdelay $0x1  }
0xa1: {  	s23 =	simm.s32 $0x1B8B  }
0xa2: {  	_ =	swait.ge [sflag:s23], $0x1  }
0xa3: {  	[sflag:s23] =	ssyncset.done $0x0  }
0xa4: {  	s25 =	simm.s32 $0x1B8E;
	s24 =	sld [smem:$0x3FFE];
	[sflag:s23] =	ssyncadd.s32 $0xFFFFFFFF  }
0xa5: {  	s26 =	simm.s32 $execute0_lowered;
	[smem:$0x3FD2] =	sst s25  }
0xa6: {  	s5 =	sshll.u32 s26, $0x1;
	_ =	strace $0x80000046;
	[dreg:$0x1] =	wrdreg $0xFFFFFFFF  }
0xa7: {  	s28 =	simm.s32 $_size_execute0_lowered;
	s3 =	sadd.s32 s3, s5;
	[dreg:$0x0] =	wrdreg $0x0  }
0xa8: {  	s5 =	sshll.u32 s28, $0x1;
	[dreg:$0x2] =	wrdreg s3  }
0xa9: {  	[dreg:$0x3] =	wrdreg s5  }
0xaa: {  	[dreg:$0x4] =	wrdreg $0xC0  }
0xab: {  	_ =	task [dreg:s7], $0x5FFFF  }
0xac: {  	[dreg:$0x1] =	wrdreg $0xFFFFFFFF  }
0xad: {  	[dreg:$0x0] =	wrdreg $0x60  }
0xae: {  	[dreg:$0x2] =	wrdreg s24  }
0xaf: {  	[dreg:$0x3] =	wrdreg s2  }
0xb0: {  	[dreg:$0x4] =	wrdreg $0x9  }
0xb1: {  	_ =	task.clear_ibuf [dreg:s7], $0x5FFFF;
	_ =	strace $0x90000046  }
0xb2: {  	s29 =	simm.s32 $0x9;
	_ =	strace $0x80000048  }
0xb3: {  	_ =	swait.ge [sflag:s29], $0x1  }
0xb4: {  	[sflag:s29] =	ssyncadd.s32 $0xFFFFFFFF  }
0xb5: {  	_ =	strace $0x90000048  }
0xb6: {  	_ =	sfence  }
0xb7: {  	s30 =	sld [smem:$0x0];
	_ =	sdelay $0x2  }
0xb8: {  	s31 =	sshll.u32 s1, $0xD;
	s1 =	sshrl.u32 s1, $0x2  }
0xb9: {  	s3 =	sand.u32 $0x4000, s31;
	s1 =	sadd.s32 s1, s30  }
0xba: {  	s0 =	sor.u32 s3, s0;
	s1 =	sshll.u32 s1, $0x11  }
0xbb: {  	s0 =	sor.u32 s1, s0  }
0xbc: {  	s0 =	sadd.s32 $0x8F2B, s0  }
0xbd: {  	[sflag:s0] =	ssyncadd.remote.s32 $0x1  }
0xbe: {  	_ =	sfence.sel $0xFFFF  }
0xbf: {  	[dreg:$0x0] =	wrdreg $0xFFFFFFFF;
	(pc) =	sbr.abs _section_cstart, $3  }
0xc0: {  	[dreg:$0x1] =	wrdreg $0xFFFFFFFF  }
0xc1: {  	_ =	task.clear_ibuf [dreg:s7], $0x2FFFF;
	_ =	strace $0x9FFFFFFF  }
0xc2: {  	(tm) =	ssettm $0x7FFFFFFF  }
0xc3: {  	_ =	shalt  }
tec
execute0_lowered:
.L_overlay_start_1:
0x0: {  	(tag) =	ssettag $0x1  }
0x1: {  	s1 =	srdreg.scid;
	s4 =	stileid.u32  }
0x2: {  	s1 =	sand.u32 $0x1, s1;
	s4 =	sshll.u32 s4, $0x1  }
0x3: {  	s5 =	sor.u32 s1, s4  }
0x4: {  	s0 =	rddreg [dreg:$0x0];
	s4 =	sshll.u32 s5, $0x6  }
0x5: {  	s2 =	rddreg [dreg:$0x1];
	s3 =	simm.s32 $0x0;
	s7 =	sadd.s32 s4, s0  }
0x6: {  	[smem:$0x7FF] =	sst s3;
	s18 =	sadd.s32 $0x600, s7  }
0x7: {  	_ =	strace $0x80000047;
	s19 =	sadd.s32 $0xE00, s7;
	[dreg:$0x3] =	wrdreg s18  }
0x8: {  	s20 =	sadd.s32 $0x1600, s7;
	[dreg:$0x4] =	wrdreg s19  }
0x9: {  	s21 =	sadd.s32 $0x1E00, s7;
	[dreg:$0x5] =	wrdreg s20  }
0xa: {  	s22 =	sadd.s32 $0x2600, s7;
	[dreg:$0x6] =	wrdreg s21  }
0xb: {  	s23 =	sadd.s32 $0x2E00, s7;
	[dreg:$0x7] =	wrdreg s22  }
0xc: {  	s24 =	sadd.s32 $0x3600, s7;
	[dreg:$0x8] =	wrdreg s23  }
0xd: {  	s25 =	sadd.s32 $0x3E00, s7;
	[dreg:$0x9] =	wrdreg s24  }
0xe: {  	s26 =	sadd.s32 $0x4600, s7;
	[dreg:$0xa] =	wrdreg s25  }
0xf: {  	s1 =	ssub.s32 $0x2, s1;
	s28 =	sadd.s32 $0x4E00, s7;
	[dreg:$0xb] =	wrdreg s26  }
0x10: {  	s6 =	sshrl.u32 s1, $0x1;
	s30 =	sadd.s32 $0x5600, s7;
	[dreg:$0xc] =	wrdreg s28  }
0x11: {  	s4 =	sadd.s32 $0xF42A00, s0;
	s31 =	sadd.s32 $0x5E00, s7;
	[dreg:$0xd] =	wrdreg s30  }
0x12: {  	s0 =	ssub.s32 s1, s6;
	s6 =	sadd.s32 $0x6600, s7;
	[dreg:$0xe] =	wrdreg s31  }
0x13: {  	s8 =	sadd.s32 $0x6E00, s7;
	[dreg:$0xf] =	wrdreg s6  }
0x14: {  	s9 =	sadd.s32 $0x7600, s7;
	[dreg:$0x10] =	wrdreg s8  }
0x15: {  	s10 =	sadd.s32 $0x7E00, s7;
	[dreg:$0x11] =	wrdreg s9  }
0x16: {  	s11 =	sadd.s32 $0x8600, s7;
	[dreg:$0x12] =	wrdreg s10  }
0x17: {  	s12 =	sadd.s32 $0x8E00, s7;
	[dreg:$0x13] =	wrdreg s11  }
0x18: {  	s13 =	sadd.s32 $0x9600, s7;
	[dreg:$0x14] =	wrdreg s12  }
0x19: {  	s14 =	sadd.s32 $0x9E00, s7;
	[dreg:$0x15] =	wrdreg s13  }
0x1a: {  	s15 =	sadd.s32 $0xA600, s7;
	[dreg:$0x16] =	wrdreg s14  }
0x1b: {  	s16 =	sadd.s32 $0xAE00, s7;
	[dreg:$0x17] =	wrdreg s15  }
0x1c: {  	s17 =	sadd.s32 $0xB600, s7;
	[dreg:$0x18] =	wrdreg s16  }
0x1d: {  	s0 =	smax.u32 s0, $0x1;
	[dreg:$0x19] =	wrdreg s17  }
0x1e: {  	s18 =	sadd.s32 $0xBE00, s7;
	[smem:$0x7F6] =	sst s0  }
0x1f: {  	s19 =	sadd.s32 $0xC600, s7;
	[dreg:$0x1a] =	wrdreg s18  }
0x20: {  	s20 =	sadd.s32 $0xCE00, s7;
	[dreg:$0x1b] =	wrdreg s19  }
0x21: {  	v0 =	vimm.s32 $0xFEDCBA9;
	s21 =	sadd.s32 $0xD600, s7;
	[dreg:$0x1c] =	wrdreg s20  }
0x22: {  	v1 =	vimm.s32 $0x87654321;
	v2 =	vimm.s32 $0x10FEDCBA;
	s22 =	sadd.s32 $0xDE00, s7;
	[dreg:$0x1d] =	wrdreg s21  }
0x23: {  	v3 =	vimm.s32 $0x98765432;
	v6 =	vimm.s32 $0x43210FED;
	s23 =	sadd.s32 $0xE600, s7;
	[dreg:$0x1e] =	wrdreg s22  }
0x24: {  	v15 =	vimm.s32 $0xCBA98765;
	v0 =	vunpack.c.l.s4.s8 v0;
	v1 =	vunpack.c.l.s4.s8 v1;
	s24 =	sadd.s32 $0xEE00, s7;
	[dreg:$0x1f] =	wrdreg s23  }
0x25: {  	v17 =	vimm.s32 $0xEDCBA987;
	v23 =	vimm.s32 $0x76543210;
	v6 =	vunpack.c.l.s4.s8 v6;
	s25 =	sadd.s32 $0xF600, s7;
	[smem:$0x7E1] =	sst s24  }
0x26: {  	v23 =	vunpack.c.l.s4.s8 v23;
	v8 =	vunpack.c.0.s8.s32 v0;
	v9 =	vunpack.c.0.s8.s32 v1;
	s26 =	sadd.s32 $0xFE00, s7;
	[smem:$0x7E2] =	sst s25  }
0x27: {  	v0 =	vimm.s32 $0x210FEDCB;
	v1 =	vunpack.c.l.s4.s8 v2;
	v2 =	vunpack.c.l.s4.s8 v3;
	s28 =	sadd.s32 $0x10600, s7;
	[smem:$0x7E3] =	sst s26  }
0x28: {  	v3 =	vimm.s32 $0xA9876543;
	v18 =	vunpack.c.0.s8.s32 v6;
	v23 =	vunpack.c.0.s8.s32 v23;
	s30 =	sadd.s32 $0x10E00, s7;
	[smem:$0x7E4] =	sst s28  }
0x29: {  	v0 =	vunpack.c.l.s4.s8 v0;
	v3 =	vunpack.c.l.s4.s8 v3;
	v4 =	vcombine.low v9, v8;
	s31 =	sadd.s32 $0x11600, s7;
	[smem:$0x7E5] =	sst s30  }
0x2a: {  	v10 =	vunpack.c.0.s8.s32 v1;
	v11 =	vunpack.c.0.s8.s32 v2;
	v2 =	vimm.s32 $0x3210FEDC;
	s6 =	sadd.s32 $0x11E00, s7;
	[smem:$0x7E6] =	sst s31  }
0x2b: {  	v9 =	vcombine.low v8, v9;
	s8 =	sadd.s32 $0x12600, s7;
	v12 =	vunpack.c.0.s8.s32 v0;
	v13 =	vunpack.c.0.s8.s32 v3;
	[smem:$0x7E7] =	sst s6  }
0x2c: {  	s9 =	sadd.s32 $0x12E00, s7;
	v3 =	vimm.s32 $0xBA987654;
	v7 =	vunpack.c.l.s4.s8 v2;
	[smem:$0x7E8] =	sst s8;
	v0 =	vand.u32 $0xF, v4  }
0x2d: {  	s10 =	sadd.s32 $0x13600, s7;
	[smem:$0x7E9] =	sst s9;
	v4 =	vcombine.low v11, v10;
	v14 =	vunpack.c.l.s4.s8 v3;
	v10 =	vcombine.low v10, v11  }
0x2e: {  	s11 =	sadd.s32 $0x13E00, s7;
	[smem:$0x7EA] =	sst s10;
	v5 =	vcombine.low v13, v12;
	v16 =	vunpack.c.0.s8.s32 v7;
	v7 =	vunpack.c.l.s4.s8 v15  }
0x2f: {  	s12 =	sadd.s32 $0x14600, s7;
	[smem:$0x7EB] =	sst s11;
	v15 =	vimm.s32 $0x6543210F;
	v11 =	vcombine.low v12, v13;
	v3 =	vmovc v0;
	v0 =	vand.u32 $0xF, v4  }
0x30: {  	s13 =	sadd.s32 $0x14E00, s7;
	[smem:$0x7EC] =	sst s12;
	v4 =	vimm.s32 $0x543210FE;
	v14 =	vunpack.c.0.s8.s32 v14;
	v6 =	vunpack.c.l.s4.s8 v15  }
0x31: {  	s14 =	sadd.s32 $0x15600, s7;
	[smem:$0x7ED] =	sst s13;
	v15 =	vunpack.c.l.s4.s8 v17;
	v1 =	vand.u32 $0xF, v5;
	v5 =	vimm.s32 $0xDCBA9876  }
0x32: {  	s15 =	sadd.s32 $0x15E00, s7;
	[smem:$0x7EE] =	sst s14;
	v4 =	vunpack.c.l.s4.s8 v4;
	v17 =	vunpack.c.0.s8.s32 v7;
	v7 =	vimm.s32 $0xFEDCBA98  }
0x33: {  	s16 =	sadd.s32 $0x16600, s7;
	[smem:$0x7EF] =	sst s15;
	v5 =	vunpack.c.l.s4.s8 v5;
	v21 =	vunpack.c.0.s8.s32 v6;
	v15 =	vunpack.c.0.s8.s32 v15  }
0x34: {  	s17 =	sadd.s32 $0x16E00, s7;
	[smem:$0x7F0] =	sst s16;
	v24 =	vunpack.c.l.s4.s8 v7;
	v12 =	vcombine.low v16, v14;
	v19 =	vunpack.c.0.s8.s32 v4  }
0x35: {  	[smem:$0x7F1] =	sst s17;
	s18 =	sadd.s32 $0x17600, s7;
	v4 =	vcombine.low v14, v16;
	v20 =	vunpack.c.0.s8.s32 v5;
	v5 =	vcombine.low v17, v18  }
0x36: {  	s19 =	sadd.s32 $0x17E00, s7;
	[smem:$0x7F2] =	sst s18;
	v13 =	vcombine.low v18, v17;
	v16 =	vimm.s32 $0x7654321;
	v22 =	vcombine.low v15, v21  }
0x37: {  	s29 =	simm.s32 $0x10400;
	s20 =	sadd.s32 $0x18600, s7;
	[smem:$0x7F3] =	sst s19;
	v15 =	vcombine.low v21, v15;
	v17 =	vunpack.c.l.s4.s8 v16;
	v18 =	vimm.s32 $0x10765432  }
0x38: {  	s21 =	sadd.s32 $0x18E00, s7;
	[smem:$0x7F4] =	sst s20;
	v21 =	vimm.s32 $0x43210765;
	v2 =	vand.u32 $0xF, v4;
	v6 =	vcombine.low v20, v19  }
0x39: {  	s22 =	sshll.u32 s5, $0xC;
	s23 =	sadd.s32 $0x4000, s2;
	[smem:$0x7F5] =	sst s21;
	v7 =	vand.u32 $0xF, v5;
	v5 =	vmovc v1;
	v1 =	vand.u32 $0xF, v22;
	v22 =	vunpack.c.0.s8.s32 v24  }
0x3a: {  	s24 =	sadd.s32 $0x8000, s2;
	s25 =	sadd.s32 $0xC000, s2;
	[smem:$0x7F7] =	sst s23;
	v18 =	vunpack.c.l.s4.s8 v18;
	v21 =	vunpack.c.l.s4.s8 v21;
	v14 =	vcombine.low v19, v20  }
0x3b: {  	v19 =	vimm.s32 $0x21076543;
	v20 =	vimm.s32 $0x32107654;
	v8 =	vand.u32 $0xF, v22  }
0x3c: {  	s26 =	sadd.s32 $0x10000, s2;
	s28 =	sadd.s32 $0x14000, s2;
	[smem:$0x7F8] =	sst s24;
	v4 =	vmovc v0;
	v19 =	vunpack.c.l.s4.s8 v19;
	v20 =	vunpack.c.l.s4.s8 v20;
	v0 =	vand.u32 $0xF, v6  }
0x3d: {  	s1 =	simm.s32 $0x0;
	s30 =	sadd.s32 $0x18000, s2;
	[smem:$0x7F9] =	sst s25;
	v6 =	vmovc v2;
	v22 =	vimm.s32 $0x54321076;
	v2 =	vcombine.low v8, v23;
	v23 =	vimm.s32 $0x65432107  }
0x3e: {  	s31 =	sadd.s32 $0x1C000, s2;
	s11 =	simm.s32 $0x1;
	[smem:$0x7FA] =	sst s26;
	v22 =	vunpack.c.l.s4.s8 v22;
	v23 =	vunpack.c.l.s4.s8 v23;
	v8 =	vmovc v0;
	v0 =	vand.u32 $0xF, v9;
	v9 =	vmovc v1  }
0x3f: {  	s13 =	simm.s32 $0x6400;
	s14 =	simm.s32 $0x8400;
	[smem:$0x7FB] =	sst s28;
	v1 =	vand.u32 $0xF, v10;
	v10 =	vmovc v2;
	v2 =	vand.u32 $0xF, v11;
	v11 =	vmovc v0;
	v0 =	vand.u32 $0xF, v12  }
0x40: {  	s15 =	simm.s32 $0xA400;
	s16 =	simm.s32 $0xC400;
	[smem:$0x7FC] =	sst s30;
	v12 =	vmovc v1;
	v1 =	vand.u32 $0xF, v13;
	v13 =	vmovc v2;
	v2 =	vand.u32 $0xF, v14;
	v14 =	vmov v0  }
0x41: {  	s17 =	simm.s32 $0x2;
	[smem:$0x7FD] =	sst s31;
	s8 =	sor.u32 $0x400, s22;
	v0 =	vand.u32 $0xF, v15;
	v15 =	vmovc v1;
	v1 =	vunpack.c.0.s8.s32 v17;
	v17 =	vmovc v2;
	v2 =	vunpack.c.0.s8.s32 v18  }
0x42: {  	s9 =	sor.u32 $0x800, s22;
	s7 =	smov.u32 s22;
	s10 =	sor.u32 $0xC00, s22;
	v61 =	vunpack.c.0.s8.s32 v22;
	v62 =	vunpack.c.0.s8.s32 v23;
	v18 =	vmov v0  }
0x43: {  	s18 =	simm.s32 $0xE400;
	s26 =	simm.s32 $0x3;
	s19 =	simm.s32 $0x4;
	v0 =	vunpack.c.0.s8.s32 v19;
	v19 =	vmovc v1;
	v1 =	vunpack.c.0.s8.s32 v20;
	v20 =	vmovc v2;
	v2 =	vunpack.c.0.s8.s32 v21  }
0x44: {  	v63 =	vlaneseq.u32;
	s20 =	simm.s32 $0x12400;
	s23 =	simm.s32 $0x5;
	s24 =	simm.s32 $0x14400;
	[tilespmem:$0x1FFE0] =	vst v61  }
0x45: {  	s21 =	simm.s32 $0x7;
	s22 =	simm.s32 $0x8;
	s25 =	simm.s32 $0x9;
	v16 =	vand.u32 $0x7, v63;
	[tilespmem:$0x1FFF0] =	vst v62;
	v21 =	vmovc v0;
	v22 =	vmov v1;
	v23 =	vmov v2  }
.LBB2_1:
0x46: {  	s0 =	rddreg [dreg:$0x3]  }
0x47: {  	s12 =	rddreg [dreg:$0x4]  }
0x48: {  	[tilespmem:s3], [sflag:$0x1] =	stream.linear.gather [hbm4b:s0+s3], $0x200, $0x38;
	[tilespmem:$0x16400] =	vst v63  }
0x49: {  	s28 =	simm.s32 $0x200;
	s30 =	rddreg [dreg:$0x5]  }
0x4a: {  	[tilespmem:s28], [sflag:$0x1] =	stream.linear.gather [hbm4b:s12+s3], $0x200, $0x38;
	[tilespmem:$0x16400] =	vst v63  }
0x4b: {  	s31 =	simm.s32 $0x400;
	s5 =	rddreg [dreg:$0x6]  }
0x4c: {  	[tilespmem:s31], [sflag:$0x1] =	stream.linear.gather [hbm4b:s30+s3], $0x200, $0x38;
	[tilespmem:$0x16400] =	vst v63  }
0x4d: {  	s6 =	simm.s32 $0x600;
	s12 =	rddreg [dreg:$0x7]  }
0x4e: {  	[tilespmem:s6], [sflag:$0x1] =	stream.linear.gather [hbm4b:s5+s3], $0x200, $0x38;
	[tilespmem:$0x16400] =	vst v63  }
0x4f: {  	s28 =	simm.s32 $0x800;
	s30 =	rddreg [dreg:$0x8]  }
0x50: {  	[tilespmem:s28], [sflag:$0x1] =	stream.linear.gather [hbm4b:s12+s3], $0x200, $0x38;
	[tilespmem:$0x16400] =	vst v63  }
0x51: {  	s31 =	simm.s32 $0xA00;
	s5 =	rddreg [dreg:$0x9]  }
0x52: {  	[tilespmem:s31], [sflag:$0x1] =	stream.linear.gather [hbm4b:s30+s3], $0x200, $0x38;
	[tilespmem:$0x16400] =	vst v63  }
0x53: {  	s6 =	simm.s32 $0xC00;
	s12 =	rddreg [dreg:$0xa]  }
0x54: {  	[tilespmem:s6], [sflag:$0x1] =	stream.linear.gather [hbm4b:s5+s3], $0x200, $0x38;
	[tilespmem:$0x16400] =	vst v63  }
0x55: {  	s28 =	simm.s32 $0xE00;
	s30 =	rddreg [dreg:$0xb]  }
0x56: {  	[tilespmem:s28], [sflag:$0x1] =	stream.linear.gather [hbm4b:s12+s3], $0x200, $0x38;
	[tilespmem:$0x16400] =	vst v63  }
0x57: {  	s31 =	simm.s32 $0x1000;
	s5 =	rddreg [dreg:$0xc]  }
0x58: {  	[tilespmem:s31], [sflag:$0x1] =	stream.linear.gather [hbm4b:s30+s3], $0x200, $0x38;
	[tilespmem:$0x16400] =	vst v63  }
0x59: {  	s6 =	simm.s32 $0x1200;
	s12 =	rddreg [dreg:$0xd]  }
0x5a: {  	[tilespmem:s6], [sflag:$0x1] =	stream.linear.gather [hbm4b:s5+s3], $0x200, $0x38;
	[tilespmem:$0x16400] =	vst v63  }
0x5b: {  	s28 =	simm.s32 $0x1400;
	s30 =	rddreg [dreg:$0xe]  }
0x5c: {  	[tilespmem:s28], [sflag:$0x1] =	stream.linear.gather [hbm4b:s12+s3], $0x200, $0x38;
	[tilespmem:$0x16400] =	vst v63  }
0x5d: {  	s31 =	simm.s32 $0x1600;
	s5 =	rddreg [dreg:$0xf]  }
0x5e: {  	[tilespmem:s31], [sflag:$0x1] =	stream.linear.gather [hbm4b:s30+s3], $0x200, $0x38;
	[tilespmem:$0x16400] =	vst v63  }
0x5f: {  	s6 =	simm.s32 $0x1800;
	s12 =	rddreg [dreg:$0x10]  }
0x60: {  	[tilespmem:s6], [sflag:$0x1] =	stream.linear.gather [hbm4b:s5+s3], $0x200, $0x38;
	[tilespmem:$0x16400] =	vst v63  }
0x61: {  	s28 =	simm.s32 $0x1A00;
	s30 =	rddreg [dreg:$0x11]  }
0x62: {  	[tilespmem:s28], [sflag:$0x1] =	stream.linear.gather [hbm4b:s12+s3], $0x200, $0x38;
	[tilespmem:$0x16400] =	vst v63  }
0x63: {  	s31 =	simm.s32 $0x1C00;
	s5 =	rddreg [dreg:$0x12]  }
0x64: {  	[tilespmem:s31], [sflag:$0x1] =	stream.linear.gather [hbm4b:s30+s3], $0x200, $0x38;
	[tilespmem:$0x16400] =	vst v63  }
0x65: {  	s6 =	simm.s32 $0x1E00;
	s12 =	rddreg [dreg:$0x13]  }
0x66: {  	[tilespmem:s6], [sflag:$0x1] =	stream.linear.gather [hbm4b:s5+s3], $0x200, $0x38;
	[tilespmem:$0x16400] =	vst v63  }
0x67: {  	s28 =	simm.s32 $0x2000;
	s30 =	rddreg [dreg:$0x14]  }
0x68: {  	[tilespmem:s28], [sflag:$0x1] =	stream.linear.gather [hbm4b:s12+s3], $0x200, $0x38;
	[tilespmem:$0x16400] =	vst v63  }
0x69: {  	s31 =	simm.s32 $0x2200;
	s5 =	rddreg [dreg:$0x15]  }
0x6a: {  	[tilespmem:s31], [sflag:$0x1] =	stream.linear.gather [hbm4b:s30+s3], $0x200, $0x38;
	[tilespmem:$0x16400] =	vst v63  }
0x6b: {  	s6 =	simm.s32 $0x2400;
	s12 =	rddreg [dreg:$0x16]  }
0x6c: {  	[tilespmem:s6], [sflag:$0x1] =	stream.linear.gather [hbm4b:s5+s3], $0x200, $0x38;
	[tilespmem:$0x16400] =	vst v63  }
0x6d: {  	s28 =	simm.s32 $0x2600;
	s30 =	rddreg [dreg:$0x17]  }
0x6e: {  	[tilespmem:s28], [sflag:$0x1] =	stream.linear.gather [hbm4b:s12+s3], $0x200, $0x38;
	[tilespmem:$0x16400] =	vst v63  }
0x6f: {  	s31 =	simm.s32 $0x2800;
	s5 =	rddreg [dreg:$0x18]  }
0x70: {  	[tilespmem:s31], [sflag:$0x1] =	stream.linear.gather [hbm4b:s30+s3], $0x200, $0x38;
	[tilespmem:$0x16400] =	vst v63  }
0x71: {  	s6 =	simm.s32 $0x2A00;
	s12 =	rddreg [dreg:$0x19]  }
0x72: {  	[tilespmem:s6], [sflag:$0x1] =	stream.linear.gather [hbm4b:s5+s3], $0x200, $0x38;
	[tilespmem:$0x16400] =	vst v63  }
0x73: {  	s28 =	simm.s32 $0x2C00;
	s30 =	rddreg [dreg:$0x1a]  }
0x74: {  	[tilespmem:s28], [sflag:$0x1] =	stream.linear.gather [hbm4b:s12+s3], $0x200, $0x38;
	[tilespmem:$0x16400] =	vst v63  }
0x75: {  	s31 =	simm.s32 $0x2E00;
	s5 =	rddreg [dreg:$0x1b]  }
0x76: {  	[tilespmem:s31], [sflag:$0x1] =	stream.linear.gather [hbm4b:s30+s3], $0x200, $0x38;
	[tilespmem:$0x16400] =	vst v63  }
0x77: {  	s6 =	simm.s32 $0x3000;
	s12 =	rddreg [dreg:$0x1c]  }
0x78: {  	[tilespmem:s6], [sflag:$0x1] =	stream.linear.gather [hbm4b:s5+s3], $0x200, $0x38;
	[tilespmem:$0x16400] =	vst v63  }
0x79: {  	s28 =	simm.s32 $0x3200;
	s30 =	rddreg [dreg:$0x1d]  }
0x7a: {  	[tilespmem:s28], [sflag:$0x1] =	stream.linear.gather [hbm4b:s12+s3], $0x200, $0x38;
	[tilespmem:$0x16400] =	vst v63  }
0x7b: {  	s31 =	simm.s32 $0x3400;
	s5 =	rddreg [dreg:$0x1e]  }
0x7c: {  	[tilespmem:s31], [sflag:$0x1] =	stream.linear.gather [hbm4b:s30+s3], $0x200, $0x38;
	[tilespmem:$0x16400] =	vst v63  }
0x7d: {  	s6 =	simm.s32 $0x3600;
	s12 =	rddreg [dreg:$0x1f]  }
0x7e: {  	[tilespmem:s6], [sflag:$0x1] =	stream.linear.gather [hbm4b:s5+s3], $0x200, $0x38;
	[tilespmem:$0x16400] =	vst v63  }
0x7f: {  	s28 =	simm.s32 $0x3800;
	s30 =	sld [smem:$0x7E1]  }
0x80: {  	[tilespmem:s28], [sflag:$0x1] =	stream.linear.gather [hbm4b:s12+s3], $0x200, $0x38;
	[tilespmem:$0x16400] =	vst v63  }
0x81: {  	s31 =	simm.s32 $0x3A00;
	s5 =	sld [smem:$0x7E2]  }
0x82: {  	[tilespmem:s31], [sflag:$0x1] =	stream.linear.gather [hbm4b:s30+s3], $0x200, $0x38;
	[tilespmem:$0x16400] =	vst v63  }
0x83: {  	s6 =	simm.s32 $0x3C00;
	s12 =	sld [smem:$0x7E3]  }
0x84: {  	[tilespmem:s6], [sflag:$0x1] =	stream.linear.gather [hbm4b:s5+s3], $0x200, $0x38;
	[tilespmem:$0x16400] =	vst v63  }
0x85: {  	s28 =	simm.s32 $0x3E00;
	s30 =	sld [smem:$0x7E4]  }
0x86: {  	[tilespmem:s28], [sflag:$0x1] =	stream.linear.gather [hbm4b:s12+s3], $0x200, $0x38;
	[tilespmem:$0x16400] =	vst v63  }
0x87: {  	s31 =	simm.s32 $0x4000;
	s5 =	sld [smem:$0x7E5]  }
0x88: {  	[tilespmem:s31], [sflag:$0x1] =	stream.linear.gather [hbm4b:s30+s3], $0x200, $0x38;
	[tilespmem:$0x16400] =	vst v63  }
0x89: {  	s6 =	simm.s32 $0x4200;
	s12 =	sld [smem:$0x7E6]  }
0x8a: {  	[tilespmem:s6], [sflag:$0x1] =	stream.linear.gather [hbm4b:s5+s3], $0x200, $0x38;
	[tilespmem:$0x16400] =	vst v63  }
0x8b: {  	s28 =	simm.s32 $0x4400;
	s30 =	sld [smem:$0x7E7]  }
0x8c: {  	[tilespmem:s28], [sflag:$0x1] =	stream.linear.gather [hbm4b:s12+s3], $0x200, $0x38;
	[tilespmem:$0x16400] =	vst v63  }
0x8d: {  	s31 =	simm.s32 $0x4600;
	s5 =	sld [smem:$0x7E8]  }
0x8e: {  	[tilespmem:s31], [sflag:$0x1] =	stream.linear.gather [hbm4b:s30+s3], $0x200, $0x38;
	[tilespmem:$0x16400] =	vst v63  }
0x8f: {  	s6 =	simm.s32 $0x4800;
	s12 =	sld [smem:$0x7E9]  }
0x90: {  	[tilespmem:s6], [sflag:$0x1] =	stream.linear.gather [hbm4b:s5+s3], $0x200, $0x38;
	[tilespmem:$0x16400] =	vst v63  }
0x91: {  	s28 =	simm.s32 $0x4A00;
	s30 =	sld [smem:$0x7EA]  }
0x92: {  	[tilespmem:s28], [sflag:$0x1] =	stream.linear.gather [hbm4b:s12+s3], $0x200, $0x38;
	[tilespmem:$0x16400] =	vst v63  }
0x93: {  	s31 =	simm.s32 $0x4C00;
	s5 =	sld [smem:$0x7EB]  }
0x94: {  	[tilespmem:s31], [sflag:$0x1] =	stream.linear.gather [hbm4b:s30+s3], $0x200, $0x38;
	[tilespmem:$0x16400] =	vst v63  }
0x95: {  	s6 =	simm.s32 $0x4E00;
	s12 =	sld [smem:$0x7EC]  }
0x96: {  	[tilespmem:s6], [sflag:$0x1] =	stream.linear.gather [hbm4b:s5+s3], $0x200, $0x38;
	[tilespmem:$0x16400] =	vst v63  }
0x97: {  	s28 =	simm.s32 $0x5000;
	s30 =	sld [smem:$0x7ED]  }
0x98: {  	[tilespmem:s28], [sflag:$0x1] =	stream.linear.gather [hbm4b:s12+s3], $0x200, $0x38;
	[tilespmem:$0x16400] =	vst v63  }
0x99: {  	s31 =	simm.s32 $0x5200;
	s5 =	sld [smem:$0x7EE]  }
0x9a: {  	[tilespmem:s31], [sflag:$0x1] =	stream.linear.gather [hbm4b:s30+s3], $0x200, $0x38;
	[tilespmem:$0x16400] =	vst v63  }
0x9b: {  	s6 =	simm.s32 $0x5400;
	s12 =	sld [smem:$0x7EF]  }
0x9c: {  	[tilespmem:s6], [sflag:$0x1] =	stream.linear.gather [hbm4b:s5+s3], $0x200, $0x38;
	[tilespmem:$0x16400] =	vst v63  }
0x9d: {  	s28 =	simm.s32 $0x5600;
	s30 =	sld [smem:$0x7F0]  }
0x9e: {  	[tilespmem:s28], [sflag:$0x1] =	stream.linear.gather [hbm4b:s12+s3], $0x200, $0x38;
	[tilespmem:$0x16400] =	vst v63  }
0x9f: {  	s31 =	simm.s32 $0x5800;
	s5 =	sld [smem:$0x7F1]  }
0xa0: {  	[tilespmem:s31], [sflag:$0x1] =	stream.linear.gather [hbm4b:s30+s3], $0x200, $0x38;
	[tilespmem:$0x16400] =	vst v63  }
0xa1: {  	s6 =	simm.s32 $0x5A00;
	s12 =	sld [smem:$0x7F2]  }
0xa2: {  	[tilespmem:s6], [sflag:$0x1] =	stream.linear.gather [hbm4b:s5+s3], $0x200, $0x38;
	[tilespmem:$0x16400] =	vst v63  }
0xa3: {  	s28 =	simm.s32 $0x5C00;
	s30 =	sld [smem:$0x7F3]  }
0xa4: {  	[tilespmem:s28], [sflag:$0x1] =	stream.linear.gather [hbm4b:s12+s3], $0x200, $0x38;
	[tilespmem:$0x16400] =	vst v63  }
0xa5: {  	s31 =	simm.s32 $0x5E00;
	s5 =	sld [smem:$0x7F4]  }
0xa6: {  	[tilespmem:s31], [sflag:$0x1] =	stream.linear.gather [hbm4b:s30+s3], $0x200, $0x38;
	[tilespmem:$0x16400] =	vst v63  }
0xa7: {  	s6 =	simm.s32 $0x6000;
	s12 =	sld [smem:$0x7F5]  }
0xa8: {  	[tilespmem:s6], [sflag:$0x1] =	stream.linear.gather [hbm4b:s5+s3], $0x200, $0x38;
	[tilespmem:$0x16400] =	vst v63  }
0xa9: {  	[smem:$0x7E0] =	sst s1;
	s28 =	simm.s32 $0x6200  }
0xaa: {  	[tilespmem:s28], [sflag:$0x1] =	stream.linear.gather [hbm4b:s12+s3], $0x200, $0x38;
	[tilespmem:$0x16400] =	vst v63  }
0xab: {  	_ =	swait.ge [sflag:s11], $0x200  }
0xac: {  	[sflag:s11] =	ssyncset.done $0x0  }
0xad: {  	[sflag:s11] =	ssyncadd.s32 $0xFFFFFE00  }
0xae: {  	_ =	swait.ge [sflag:s11], $0x200  }
0xaf: {  	[sflag:s11] =	ssyncset.done $0x0  }
0xb0: {  	[sflag:s11] =	ssyncadd.s32 $0xFFFFFE00  }
0xb1: {  	_ =	swait.ge [sflag:s11], $0x200  }
0xb2: {  	[sflag:s11] =	ssyncset.done $0x0  }
0xb3: {  	[sflag:s11] =	ssyncadd.s32 $0xFFFFFE00  }
0xb4: {  	_ =	swait.ge [sflag:s11], $0x200  }
0xb5: {  	[sflag:s11] =	ssyncset.done $0x0  }
0xb6: {  	[sflag:s11] =	ssyncadd.s32 $0xFFFFFE00  }
0xb7: {  	_ =	swait.ge [sflag:s11], $0x200  }
0xb8: {  	[sflag:s11] =	ssyncset.done $0x0  }
0xb9: {  	[sflag:s11] =	ssyncadd.s32 $0xFFFFFE00  }
0xba: {  	_ =	swait.ge [sflag:s11], $0x200  }
0xbb: {  	[sflag:s11] =	ssyncset.done $0x0  }
0xbc: {  	[sflag:s11] =	ssyncadd.s32 $0xFFFFFE00  }
0xbd: {  	_ =	swait.ge [sflag:s11], $0x200  }
0xbe: {  	[sflag:s11] =	ssyncset.done $0x0  }
0xbf: {  	[sflag:s11] =	ssyncadd.s32 $0xFFFFFE00  }
0xc0: {  	_ =	swait.ge [sflag:s11], $0x200  }
0xc1: {  	[sflag:s11] =	ssyncset.done $0x0  }
0xc2: {  	[sflag:s11] =	ssyncadd.s32 $0xFFFFFE00  }
0xc3: {  	_ =	swait.ge [sflag:s11], $0x200  }
0xc4: {  	[sflag:s11] =	ssyncset.done $0x0  }
0xc5: {  	[sflag:s11] =	ssyncadd.s32 $0xFFFFFE00  }
0xc6: {  	_ =	swait.ge [sflag:s11], $0x200  }
0xc7: {  	[sflag:s11] =	ssyncset.done $0x0  }
0xc8: {  	[sflag:s11] =	ssyncadd.s32 $0xFFFFFE00  }
0xc9: {  	_ =	swait.ge [sflag:s11], $0x200  }
0xca: {  	[sflag:s11] =	ssyncset.done $0x0  }
0xcb: {  	[sflag:s11] =	ssyncadd.s32 $0xFFFFFE00  }
0xcc: {  	_ =	swait.ge [sflag:s11], $0x200  }
0xcd: {  	[sflag:s11] =	ssyncset.done $0x0  }
0xce: {  	[sflag:s11] =	ssyncadd.s32 $0xFFFFFE00  }
0xcf: {  	_ =	swait.ge [sflag:s11], $0x200  }
0xd0: {  	[sflag:s11] =	ssyncset.done $0x0  }
0xd1: {  	[sflag:s11] =	ssyncadd.s32 $0xFFFFFE00  }
0xd2: {  	_ =	swait.ge [sflag:s11], $0x200  }
0xd3: {  	[sflag:s11] =	ssyncset.done $0x0  }
0xd4: {  	[sflag:s11] =	ssyncadd.s32 $0xFFFFFE00  }
0xd5: {  	_ =	swait.ge [sflag:s11], $0x200  }
0xd6: {  	[sflag:s11] =	ssyncset.done $0x0  }
0xd7: {  	[sflag:s11] =	ssyncadd.s32 $0xFFFFFE00  }
0xd8: {  	_ =	swait.ge [sflag:s11], $0x200  }
0xd9: {  	[sflag:s11] =	ssyncset.done $0x0  }
0xda: {  	[sflag:s11] =	ssyncadd.s32 $0xFFFFFE00  }
0xdb: {  	_ =	swait.ge [sflag:s11], $0x200  }
0xdc: {  	[sflag:s11] =	ssyncset.done $0x0  }
0xdd: {  	[sflag:s11] =	ssyncadd.s32 $0xFFFFFE00  }
0xde: {  	_ =	swait.ge [sflag:s11], $0x200  }
0xdf: {  	[sflag:s11] =	ssyncset.done $0x0  }
0xe0: {  	[sflag:s11] =	ssyncadd.s32 $0xFFFFFE00  }
0xe1: {  	_ =	swait.ge [sflag:s11], $0x200  }
0xe2: {  	[sflag:s11] =	ssyncset.done $0x0  }
0xe3: {  	[sflag:s11] =	ssyncadd.s32 $0xFFFFFE00  }
0xe4: {  	_ =	swait.ge [sflag:s11], $0x200  }
0xe5: {  	[sflag:s11] =	ssyncset.done $0x0  }
0xe6: {  	[sflag:s11] =	ssyncadd.s32 $0xFFFFFE00  }
0xe7: {  	_ =	swait.ge [sflag:s11], $0x200  }
0xe8: {  	[sflag:s11] =	ssyncset.done $0x0  }
0xe9: {  	[sflag:s11] =	ssyncadd.s32 $0xFFFFFE00  }
0xea: {  	_ =	swait.ge [sflag:s11], $0x200  }
0xeb: {  	[sflag:s11] =	ssyncset.done $0x0  }
0xec: {  	[sflag:s11] =	ssyncadd.s32 $0xFFFFFE00  }
0xed: {  	_ =	swait.ge [sflag:s11], $0x200  }
0xee: {  	[sflag:s11] =	ssyncset.done $0x0  }
0xef: {  	[sflag:s11] =	ssyncadd.s32 $0xFFFFFE00  }
0xf0: {  	_ =	swait.ge [sflag:s11], $0x200  }
0xf1: {  	[sflag:s11] =	ssyncset.done $0x0  }
0xf2: {  	[sflag:s11] =	ssyncadd.s32 $0xFFFFFE00  }
0xf3: {  	_ =	swait.ge [sflag:s11], $0x200  }
0xf4: {  	[sflag:s11] =	ssyncset.done $0x0  }
0xf5: {  	[sflag:s11] =	ssyncadd.s32 $0xFFFFFE00  }
0xf6: {  	_ =	swait.ge [sflag:s11], $0x200  }
0xf7: {  	[sflag:s11] =	ssyncset.done $0x0  }
0xf8: {  	[sflag:s11] =	ssyncadd.s32 $0xFFFFFE00  }
0xf9: {  	_ =	swait.ge [sflag:s11], $0x200  }
0xfa: {  	[sflag:s11] =	ssyncset.done $0x0  }
0xfb: {  	[sflag:s11] =	ssyncadd.s32 $0xFFFFFE00  }
0xfc: {  	_ =	swait.ge [sflag:s11], $0x200  }
0xfd: {  	[sflag:s11] =	ssyncset.done $0x0  }
0xfe: {  	[sflag:s11] =	ssyncadd.s32 $0xFFFFFE00  }
0xff: {  	_ =	swait.ge [sflag:s11], $0x200  }
0x100: {  	[sflag:s11] =	ssyncset.done $0x0  }
0x101: {  	[sflag:s11] =	ssyncadd.s32 $0xFFFFFE00  }
0x102: {  	_ =	swait.ge [sflag:s11], $0x200  }
0x103: {  	[sflag:s11] =	ssyncset.done $0x0  }
0x104: {  	[sflag:s11] =	ssyncadd.s32 $0xFFFFFE00  }
0x105: {  	_ =	swait.ge [sflag:s11], $0x200  }
0x106: {  	[sflag:s11] =	ssyncset.done $0x0  }
0x107: {  	[sflag:s11] =	ssyncadd.s32 $0xFFFFFE00  }
0x108: {  	_ =	swait.ge [sflag:s11], $0x200  }
0x109: {  	[sflag:s11] =	ssyncset.done $0x0  }
0x10a: {  	[sflag:s11] =	ssyncadd.s32 $0xFFFFFE00  }
0x10b: {  	_ =	swait.ge [sflag:s11], $0x200  }
0x10c: {  	[sflag:s11] =	ssyncset.done $0x0  }
0x10d: {  	[sflag:s11] =	ssyncadd.s32 $0xFFFFFE00  }
0x10e: {  	_ =	swait.ge [sflag:s11], $0x200  }
0x10f: {  	[sflag:s11] =	ssyncset.done $0x0  }
0x110: {  	[sflag:s11] =	ssyncadd.s32 $0xFFFFFE00  }
0x111: {  	_ =	swait.ge [sflag:s11], $0x200  }
0x112: {  	[sflag:s11] =	ssyncset.done $0x0  }
0x113: {  	[sflag:s11] =	ssyncadd.s32 $0xFFFFFE00  }
0x114: {  	_ =	swait.ge [sflag:s11], $0x200  }
0x115: {  	[sflag:s11] =	ssyncset.done $0x0  }
0x116: {  	[sflag:s11] =	ssyncadd.s32 $0xFFFFFE00  }
0x117: {  	_ =	swait.ge [sflag:s11], $0x200  }
0x118: {  	[sflag:s11] =	ssyncset.done $0x0  }
0x119: {  	[sflag:s11] =	ssyncadd.s32 $0xFFFFFE00  }
0x11a: {  	_ =	swait.ge [sflag:s11], $0x200  }
0x11b: {  	[sflag:s11] =	ssyncset.done $0x0  }
0x11c: {  	[sflag:s11] =	ssyncadd.s32 $0xFFFFFE00  }
0x11d: {  	_ =	swait.ge [sflag:s11], $0x200  }
0x11e: {  	[sflag:s11] =	ssyncset.done $0x0  }
0x11f: {  	[sflag:s11] =	ssyncadd.s32 $0xFFFFFE00  }
0x120: {  	_ =	swait.ge [sflag:s11], $0x200  }
0x121: {  	[sflag:s11] =	ssyncset.done $0x0  }
0x122: {  	[sflag:s11] =	ssyncadd.s32 $0xFFFFFE00  }
0x123: {  	_ =	swait.ge [sflag:s11], $0x200  }
0x124: {  	[sflag:s11] =	ssyncset.done $0x0  }
0x125: {  	[sflag:s11] =	ssyncadd.s32 $0xFFFFFE00  }
0x126: {  	_ =	swait.ge [sflag:s11], $0x200  }
0x127: {  	[sflag:s11] =	ssyncset.done $0x0  }
0x128: {  	[sflag:s11] =	ssyncadd.s32 $0xFFFFFE00  }
0x129: {  	_ =	swait.ge [sflag:s11], $0x200  }
0x12a: {  	[sflag:s11] =	ssyncset.done $0x0  }
0x12b: {  	[sflag:s11] =	ssyncadd.s32 $0xFFFFFE00  }
0x12c: {  	_ =	swait.ge [sflag:s11], $0x200  }
0x12d: {  	[sflag:s11] =	ssyncset.done $0x0  }
0x12e: {  	[sflag:s11] =	ssyncadd.s32 $0xFFFFFE00  }
0x12f: {  	_ =	swait.ge [sflag:s11], $0x200  }
0x130: {  	[sflag:s11] =	ssyncset.done $0x0  }
0x131: {  	[sflag:s11] =	ssyncadd.s32 $0xFFFFFE00  }
0x132: {  	_ =	swait.ge [sflag:s11], $0x200  }
0x133: {  	[sflag:s11] =	ssyncset.done $0x0  }
0x134: {  	[sflag:s11] =	ssyncadd.s32 $0xFFFFFE00  }
0x135: {  	_ =	swait.ge [sflag:s11], $0x200  }
0x136: {  	[sflag:s11] =	ssyncset.done $0x0  }
0x137: {  	[sflag:s11] =	ssyncadd.s32 $0xFFFFFE00  }
0x138: {  	_ =	swait.ge [sflag:s11], $0x200  }
0x139: {  	[sflag:s11] =	ssyncset.done $0x0  }
0x13a: {  	[sflag:s11] =	ssyncadd.s32 $0xFFFFFE00  }
0x13b: {  	_ =	swait.ge [sflag:s11], $0x200  }
0x13c: {  	[sflag:s11] =	ssyncset.done $0x0  }
0x13d: {  	[sflag:s11] =	ssyncadd.s32 $0xFFFFFE00  }
0x13e: {  	_ =	swait.ge [sflag:s11], $0x200  }
0x13f: {  	[sflag:s11] =	ssyncset.done $0x0  }
0x140: {  	s30 =	simm.s32 $0x80;
	[sflag:s11] =	ssyncadd.s32 $0xFFFFFE00  }
0x141: {  	[tilespmem:s13], [sflag:$0x2] =	stream.indirect.gather [hbm4b:s4+s30], $0x40, s3, s30, $0xb8;
	[tilespmem:$0x16400] =	vst v63  }
0x142: {  	_ = 	snop  }
0x143: {  	[tilespmem:s14], [sflag:$0x3] =	stream.indirect.gather [hbm4b:s4+s30], $0x40, s30, s30, $0xb8;
	[tilespmem:$0x16400] =	vst v63  }
0x144: {  	s31 =	simm.s32 $0x100;
	s12 =	simm.s32 $0x0  }
0x145: {  	[tilespmem:s15], [sflag:$0x4] =	stream.indirect.gather [hbm4b:s4+s30], $0x40, s31, s30, $0xb8;
	[tilespmem:$0x16400] =	vst v63  }
.LBB2_2:
0x146: {  	s0 =	simm.s32 $0x0  }
0x147: {  	s1 =	sand.u32 $0x70, s0;
	s0 =	sand.u32 $0x30, s0  }
0x148: {  	v24 =	vor.u32 s1, v63;
	v25 =	vor.u32 s0, v63  }
0x149: {  	v26 =	vor.u32 s0, v3;
	v27 =	vor.u32 s0, v11;
	v34 =	vor.u32 s0, v5  }
0x14a: {  	v38 =	vor.u32 s0, v18;
	v39 =	vor.u32 s0, v8;
	v40 =	vor.u32 s0, v10  }
0x14b: {  	v42 =	vor.u32 s0, v7;
	v47 =	vor.u32 s0, v17;
	v49 =	vor.u32 s0, v6  }
0x14c: {  	s5 =	sshll.u32 s12, $0x9;
	v50 =	vor.u32 s0, v14;
	v52 =	vor.u32 s0, v9;
	v53 =	vor.u32 s0, v12  }
0x14d: {  	p0 =	seq.s32 s12, $0x0;
	s31 =	sand.u32 $0x3FFFFE00, s5;
	v54 =	vor.u32 s0, v13;
	v28 =	vshll.u32 v24, $0x6;
	v29 =	vand.u32 $0x38, v25  }
0x14e: {  	s28 =	simm.s32 $0x80;
	s6 =	sor.u32 $0x180, s31;
	s1 =	simm.s32 @!p0 $0x6;
	v31 =	vshll.u32 v27, $0x7;
	v0 =	vshll.u32 v25, $0x7;
	v25 =	vor.u32 s0, v4  }
0x14f: {  	[tilespmem:s16], [sflag:$0x5] =	stream.indirect.gather [hbm4b:s4+s28], $0x40, s6, s28, $0xb8;
	v27 =	vand.u32 $0x38, v27;
	v35 =	vand.u32 $0x38, v34;
	v37 =	vshll.u32 v26, $0x7;
	[tilespmem:$0x16400] =	vst v63  }
0x150: {  	v26 =	vand.u32 $0x38, v26;
	v44 =	vshll.u32 v40, $0x7;
	v36 =	vor.u32 v21, v28;
	_ =	swait.ge @!p0 [sflag:s1], $0x2000  }
0x151: {  	v45 =	vand.u32 $0x38, v42;
	v32 =	vor.u32 v19, v28;
	v35 =	vor.u32 v35, v36;
	[sflag:s1] =	ssyncset.done @!p0 $0x0  }
0x152: {  	v46 =	vand.u32 $0x38, v38;
	v43 =	vor.u32 v23, v28;
	v26 =	vor.u32 v26, v32;
	[sflag:s1] =	ssyncadd.s32 @!p0 $0xFFFFE000  }
0x153: {  	v51 =	vshll.u32 v47, $0x7;
	v30 =	vor.u32 v16, v28;
	v45 =	vor.u32 v45, v43;
	_ =	swait.ge [sflag:s17], $0x2000  }
0x154: {  	v55 =	vand.u32 $0x38, v53;
	v56 =	vshll.u32 v52, $0x7;
	v29 =	vor.u32 v29, v30;
	[sflag:s17] =	ssyncset.done $0x0  }
0x155: {  	v52 =	vand.u32 $0x38, v52;
	v53 =	vshll.u32 v53, $0x7;
	v42 =	vshll.u32 v42, $0x7;
	[sflag:s17] =	ssyncadd.s32 $0xFFFFE000  }
0x156: {  	v59 =	vshll.u32 v50, $0x7;
	v60 =	vand.u32 $0x38, v39;
	v34 =	vshll.u32 v34, $0x7;
	v35 =	vld.idx.msk [tilespmem:v35+s13+$0x0], $0xffff  }
0x157: {  	v39 =	vshll.u32 v39, $0x7;
	v41 =	vand.u32 $0x38, v25;
	v48 =	vor.u32 v20, v28;
	v26 =	vld.idx.msk [tilespmem:v26+s13+$0x0], $0xffff  }
0x158: {  	v41 =	vor.u32 v41, v48;
	v27 =	vor.u32 v27, v32;
	v32 =	vshll.u32 v25, $0x7;
	v25 =	vld.idx.msk [tilespmem:v45+s13+$0x0], $0xffff  }
0x159: {  	v47 =	vand.u32 $0x38, v47;
	v57 =	vor.u32 v61, v28;
	v58 =	vor.u32 v62, v28;
	v29 =	vld.idx.msk [tilespmem:v29+s13+$0x0], $0xffff  }
0x15a: {  	v62 =	vshll.u32 v49, $0x7;
	v28 =	vor.u32 v22, v28;
	v52 =	vor.u32 v52, v58  }
0x15b: {  	v60 =	vor.u32 v60, v57;
	v47 =	vor.u32 v47, v57;
	v46 =	vor.u32 v46, v58  }
0x15c: {  	v61 =	vmul.f32 $8.000000000e+00, v35;
	v35 =	vand.u32 $0x38, v50;
	v50 =	vand.u32 $0x78, v24  }
0x15d: {  	v24 =	vld.idx.msk [tilespmem:v41+s13+$0x0], $0xffff;
	v41 =	vor.u32 s0, v15;
	v45 =	vmul.f32 $8.000000000e+00, v26;
	v26 =	vand.u32 $0x38, v49  }
0x15e: {  	v49 =	vand.u32 $0x38, v54;
	v25 =	vmul.f32 $8.000000000e+00, v25;
	v29 =	vmul.f32 $8.000000000e+00, v29  }
0x15f: {  	v37 =	vor.u32 v50, v37;
	v26 =	vor.u32 v26, v28;
	v57 =	vor.u32 v50, v34  }
0x160: {  	v34 =	vand.u32 $0x38, v41;
	v42 =	vor.u32 v50, v42;
	v63 =	vor.u32 v50, v39  }
0x161: {  	v52 =	vld.idx.msk [tilespmem:v52+s13+$0x0], $0xffff;
	v39 =	vand.u32 $0x38, v40;
	v40 =	vor.u32 v50, v56;
	v36 =	vor.u32 v49, v36  }
0x162: {  	v47 =	vld.idx.msk [tilespmem:v47+s13+$0x0], $0xffff;
	v28 =	vor.u32 v35, v28;
	v49 =	vor.u32 v50, v44;
	v44 =	vor.u32 v50, v59  }
0x163: {  	v56 =	vld.idx.msk [tilespmem:v60+s13+$0x0], $0xffff;
	v33 =	vmul.f32 $8.000000000e+00, v24;
	v24 =	vor.u32 v50, v31;
	v31 =	vor.u32 v55, v48  }
0x164: {  	v58 =	vor.u32 v50, v0;
	v48 =	vld.idx.msk [tilespmem:v26+s13+$0x0], $0xffff;
	v26 =	vor.u32 v39, v30;
	v30 =	vor.u32 v34, v43  }
0x165: {  	v35 =	vor.u32 v50, v32;
	v59 =	vshll.u32 v41, $0x7;
	v60 =	vshll.u32 v54, $0x7;
	v43 =	vld.idx.msk [tilespmem:v27+s13+$0x0], $0xffff  }
0x166: {  	v51 =	vor.u32 v50, v51;
	v53 =	vor.u32 v50, v53;
	v27 =	vshll.u32 v38, $0x7;
	v38 =	vld.idx.msk [tilespmem:v36+s13+$0x0], $0xffff  }
0x167: {  	v41 =	vor.u32 v50, v59;
	v42 =	vor.u32 v16, v42;
	v55 =	vor.u32 v16, v58;
	v39 =	vld.idx.msk [tilespmem:v28+s13+$0x0], $0xffff  }
0x168: {  	v58 =	vor.u32 v16, v37;
	v24 =	vor.u32 v16, v24;
	v34 =	vmul.f32 $8.000000000e+00, v56;
	v54 =	vld.idx.msk [tilespmem:v31+s13+$0x0], $0xffff  }
0x169: {  	v28 =	vor.u32 v16, v44;
	v31 =	vor.u32 v50, v60;
	v60 =	vor.u32 v16, v35;
	v32 =	vld.idx.msk [tilespmem:v30+s13+$0x0], $0xffff  }
0x16a: {  	v44 =	vor.u32 v16, v40;
	v59 =	vld.idx.msk [tilespmem:v26+s13+$0x0], $0xffff;
	v30 =	vor.u32 v50, v62;
	v62 =	vor.u32 v16, v57  }
0x16b: {  	v36 =	vld.idx.msk [tilespmem:v46+s13+$0x0], $0xffff;
	v40 =	vor.u32 v16, v53;
	v27 =	vor.u32 v50, v27;
	v35 =	vmul.f32 $8.000000000e+00, v52  }
0x16c: {  	v26 =	vor.u32 v16, v27;
	v27 =	vor.u32 v16, v41;
	v46 =	vmul.f32 $8.000000000e+00, v48;
	[tilespmem:v55+s18+$0x0] =	vst.idx.msk $0xffff, v29  }
0x16d: {  	v37 =	vmul.f32 $8.000000000e+00, v43;
	v43 =	vor.u32 v16, v63;
	v41 =	vor.u32 v16, v30;
	[tilespmem:v58+s18+$0x0] =	vst.idx.msk $0xffff, v45  }
0x16e: {  	v29 =	vor.u32 v16, v51;
	v30 =	vmul.f32 $8.000000000e+00, v38;
	v38 =	vmul.f32 $8.000000000e+00, v54;
	[tilespmem:v60+s18+$0x0] =	vst.idx.msk $0xffff, v33  }
0x16f: {  	s30 =	simm.s32 $0x4;
	s1 =	simm.s32 $0x10;
	v33 =	vmul.f32 $8.000000000e+00, v47;
	v47 =	vor.u32 v16, v49;
	v45 =	vmul.f32 $8.000000000e+00, v59;
	[tilespmem:v62+s18+$0x0] =	vst.idx.msk $0xffff, v61  }
.LBB2_3:
0x170: {  	v32 =	vmul.f32 $8.000000000e+00, v32  }
0x171: {  	s5 =	sand.u32 $0x70, s30;
	s28 =	sand.u32 $0x30, s1;
	v31 =	vor.u32 v16, v31;
	v0 =	vlaneseq.u32;
	v39 =	vmul.f32 $8.000000000e+00, v39  }
0x172: {  	[tilespmem:v41+s18+$0x0] =	vst.idx.msk $0xffff, v46;
	v41 =	vor.u32 s5, v0;
	v60 =	vor.u32 s28, v0;
	v36 =	vmul.f32 $8.000000000e+00, v36  }
0x173: {  	v61 =	vor.u32 s28, v11;
	v46 =	vor.u32 s28, v5;
	v52 =	vor.u32 s28, v9  }
0x174: {  	v53 =	vor.u32 s28, v12;
	v54 =	vor.u32 s28, v13;
	[tilespmem:v42+s18+$0x0] =	vst.idx.msk $0xffff, v25;
	v25 =	vor.u32 s28, v3  }
0x175: {  	v48 =	vshll.u32 v41, $0x6;
	v62 =	vand.u32 $0x38, v60;
	v49 =	vshll.u32 v61, $0x7  }
0x176: {  	v0 =	vld [tilespmem:$0x1FFE0];
	v42 =	vand.u32 $0x38, v61;
	v55 =	vand.u32 $0x38, v53;
	v56 =	vshll.u32 v52, $0x7;
	[tilespmem:v43+s18+$0x0] =	vst.idx.msk $0xffff, v34  }
0x177: {  	v52 =	vand.u32 $0x38, v52;
	v53 =	vshll.u32 v53, $0x7;
	v43 =	vor.u32 v16, v48;
	[tilespmem:v44+s18+$0x0] =	vst.idx.msk $0xffff, v35  }
0x178: {  	v34 =	vor.u32 v62, v43;
	v35 =	vor.u32 v19, v48;
	v44 =	vshll.u32 v60, $0x7;
	[tilespmem:v47+s18+$0x0] =	vst.idx.msk $0xffff, v45  }
0x179: {  	v45 =	vor.u32 s28, v4;
	v47 =	vshll.u32 v25, $0x7;
	v25 =	vand.u32 $0x38, v25;
	[tilespmem:v24+s18+$0x0] =	vst.idx.msk $0xffff, v37  }
0x17a: {  	v24 =	vand.u32 $0x38, v46;
	v37 =	vor.u32 v21, v48;
	v25 =	vor.u32 v25, v35;
	[tilespmem:v40+s18+$0x0] =	vst.idx.msk $0xffff, v38  }
0x17b: {  	v63 =	vand.u32 $0x38, v45;
	v57 =	vor.u32 v0, v48;
	v24 =	vor.u32 v24, v37;
	[tilespmem:v31+s18+$0x0] =	vst.idx.msk $0xffff, v30  }
0x17c: {  	v0 =	vld [tilespmem:$0x1FFF0];
	v46 =	vshll.u32 v46, $0x7;
	v35 =	vor.u32 v42, v35;
	v42 =	vor.u32 s28, v15;
	[tilespmem:v28+s18+$0x0] =	vst.idx.msk $0xffff, v39  }
0x17d: {  	v38 =	vor.u32 s28, v18;
	v30 =	vor.u32 s28, v8;
	v31 =	vor.u32 s28, v10;
	[tilespmem:v27+s18+$0x0] =	vst.idx.msk $0xffff, v32  }
0x17e: {  	v28 =	vor.u32 s28, v7;
	v39 =	vor.u32 v23, v48;
	v50 =	vshll.u32 v31, $0x7;
	[tilespmem:v29+s18+$0x0] =	vst.idx.msk $0xffff, v33  }
0x17f: {  	v60 =	vand.u32 $0x38, v30;
	v27 =	vand.u32 $0x38, v28;
	v32 =	vand.u32 $0x38, v38;
	[tilespmem:v26+s18+$0x0] =	vst.idx.msk $0xffff, v36  }
0x180: {  	v28 =	vshll.u32 v28, $0x7;
	v29 =	vor.u32 s28, v17;
	v33 =	vor.u32 v20, v48;
	v24 =	vld.idx.msk [tilespmem:v24+s13+$0x0], $0xffff  }
0x181: {  	v27 =	vor.u32 v27, v39;
	v58 =	vor.u32 v0, v48;
	v40 =	vor.u32 v63, v33  }
0x182: {  	v48 =	vor.u32 v22, v48;
	v26 =	vor.u32 s28, v6;
	v36 =	vor.u32 s28, v14;
	v25 =	vld.idx.msk [tilespmem:v25+s13+$0x0], $0xffff  }
0x183: {  	v51 =	vshll.u32 v29, $0x7;
	v52 =	vor.u32 v52, v58;
	v29 =	vand.u32 $0x38, v29  }
0x184: {  	v59 =	vshll.u32 v36, $0x7;
	v36 =	vand.u32 $0x38, v36;
	v29 =	vor.u32 v29, v57  }
0x185: {  	v36 =	vor.u32 v36, v48;
	v61 =	vmul.f32 $8.000000000e+00, v24;
	v24 =	vshll.u32 v30, $0x7  }
0x186: {  	v30 =	vld.idx.msk [tilespmem:v40+s13+$0x0], $0xffff;
	v40 =	vand.u32 $0x78, v41;
	v41 =	vshll.u32 v45, $0x7;
	v45 =	vor.u32 v60, v57  }
0x187: {  	v60 =	vshll.u32 v26, $0x7;
	v62 =	vmul.f32 $8.000000000e+00, v25;
	v25 =	vand.u32 $0x38, v26  }
0x188: {  	v27 =	vld.idx.msk [tilespmem:v27+s13+$0x0], $0xffff;
	v26 =	vand.u32 $0x38, v54;
	v57 =	vand.u32 $0x38, v42;
	v47 =	vor.u32 v40, v47  }
0x189: {  	v52 =	vld.idx.msk [tilespmem:v52+s13+$0x0], $0xffff;
	v63 =	vor.u32 v25, v48;
	v46 =	vor.u32 v40, v46;
	v0 =	vor.u32 v40, v28  }
0x18a: {  	v1 =	vor.u32 v40, v24;
	v28 =	vand.u32 $0x38, v31;
	v24 =	vor.u32 v40, v49;
	v49 =	vld.idx.msk [tilespmem:v29+s13+$0x0], $0xffff  }
0x18b: {  	v26 =	vor.u32 v26, v37;
	v31 =	vor.u32 v55, v33;
	v55 =	vor.u32 v57, v39;
	v39 =	vld.idx.msk [tilespmem:v36+s13+$0x0], $0xffff  }
0x18c: {  	v56 =	vor.u32 v40, v56;
	v33 =	vor.u32 v32, v58;
	v28 =	vor.u32 v28, v43;
	v43 =	vld.idx.msk [tilespmem:v35+s13+$0x0], $0xffff  }
0x18d: {  	v48 =	vor.u32 v40, v50;
	v57 =	vshll.u32 v38, $0x7;
	v25 =	vmul.f32 $8.000000000e+00, v27;
	v27 =	vld.idx.msk [tilespmem:v45+s13+$0x0], $0xffff  }
0x18e: {  	v29 =	vor.u32 v40, v44;
	v58 =	vor.u32 v40, v41;
	v2 =	vmul.f32 $8.000000000e+00, v30;
	v30 =	vld.idx.msk [tilespmem:v34+s13+$0x0], $0xffff  }
0x18f: {  	v44 =	vor.u32 v40, v51;
	v53 =	vor.u32 v40, v53;
	v24 =	vor.u32 v16, v24;
	v37 =	vld.idx.msk [tilespmem:v63+s13+$0x0], $0xffff  }
0x190: {  	v29 =	vor.u32 v16, v29;
	v45 =	vor.u32 v40, v59;
	v59 =	vshll.u32 v42, $0x7;
	v42 =	vld.idx.msk [tilespmem:v26+s13+$0x0], $0xffff  }
0x191: {  	v47 =	vor.u32 v16, v47;
	v35 =	vmul.f32 $8.000000000e+00, v52;
	v26 =	vshll.u32 v54, $0x7;
	v50 =	vld.idx.msk [tilespmem:v31+s13+$0x0], $0xffff  }
0x192: {  	v38 =	vor.u32 v40, v59;
	v32 =	vld.idx.msk [tilespmem:v55+s13+$0x0], $0xffff;
	v55 =	vor.u32 v16, v58;
	v63 =	vor.u32 v16, v46  }
0x193: {  	v36 =	vld.idx.msk [tilespmem:v33+s13+$0x0], $0xffff;
	v33 =	vmul.f32 $8.000000000e+00, v49;
	v31 =	vor.u32 v40, v26;
	v26 =	vor.u32 v40, v57  }
0x194: {  	p0 =	sne.s32 s1, $0x1F0;
	v54 =	vld.idx.msk [tilespmem:v28+s13+$0x0], $0xffff;
	v28 =	vor.u32 v40, v60;
	v40 =	vor.u32 v16, v53;
	v51 =	vmul.f32 $8.000000000e+00, v30  }
.Ltmp0:
0x195: {  	v26 =	vor.u32 v16, v26;
	v41 =	vor.u32 v16, v28;
	v28 =	vor.u32 v16, v45;
	(pc) =	sbr.rel @p0 .LBB2_3-.Ltmp0, $4  }
0x196: {  	v34 =	vmul.f32 $8.000000000e+00, v27;
	v27 =	vor.u32 v16, v38;
	v46 =	vmul.f32 $8.000000000e+00, v37;
	[tilespmem:v29+s18+$0x0] =	vst.idx.msk $0xffff, v51  }
0x197: {  	s0 =	smov.u32 s1;
	v30 =	vmul.f32 $8.000000000e+00, v42;
	v42 =	vor.u32 v16, v0;
	v37 =	vmul.f32 $8.000000000e+00, v43;
	[tilespmem:v47+s18+$0x0] =	vst.idx.msk $0xffff, v62  }
0x198: {  	s0 =	sadd.s32 $0x10, s1;
	v43 =	vor.u32 v16, v1;
	v38 =	vmul.f32 $8.000000000e+00, v50;
	v29 =	vor.u32 v16, v44;
	[tilespmem:v55+s18+$0x0] =	vst.idx.msk $0xffff, v2  }
0x199: {  	s30 =	sadd.s32 $0x4, s30;
	s1 =	smov.u32 s0;
	v44 =	vor.u32 v16, v56;
	v45 =	vmul.f32 $8.000000000e+00, v54;
	v47 =	vor.u32 v16, v48;
	[tilespmem:v63+s18+$0x0] =	vst.idx.msk $0xffff, v61  }
0x19a: {  	_ =	sdelay $0x3  }
0x19b: {  	[tilespmem:v41+s18+$0x0] =	vst.idx.msk $0xffff, v46  }
0x19c: {  	[tilespmem:v42+s18+$0x0] =	vst.idx.msk $0xffff, v25  }
0x19d: {  	v0 =	vor.u32 v16, v31;
	[tilespmem:v43+s18+$0x0] =	vst.idx.msk $0xffff, v34  }
0x19e: {  	[tilespmem:v44+s18+$0x0] =	vst.idx.msk $0xffff, v35  }
0x19f: {  	[tilespmem:v47+s18+$0x0] =	vst.idx.msk $0xffff, v45  }
0x1a0: {  	[tilespmem:v24+s18+$0x0] =	vst.idx.msk $0xffff, v37  }
0x1a1: {  	v1 =	vmul.f32 $8.000000000e+00, v39;
	[tilespmem:v40+s18+$0x0] =	vst.idx.msk $0xffff, v38  }
0x1a2: {  	v2 =	vmul.f32 $8.000000000e+00, v32;
	[tilespmem:v0+s18+$0x0] =	vst.idx.msk $0xffff, v30  }
0x1a3: {  	s30 =	sshll.u32 s12, $0x14;
	[tilespmem:v28+s18+$0x0] =	vst.idx.msk $0xffff, v1  }
0x1a4: {  	s0 =	sor.u32 s7, s30;
	v0 =	vmul.f32 $8.000000000e+00, v36;
	[tilespmem:v27+s18+$0x0] =	vst.idx.msk $0xffff, v2  }
0x1a5: {  	s6 =	sld [smem:$0x7F7];
	s0 =	sshrl.u32 s0, $0x3;
	[tilespmem:v29+s18+$0x0] =	vst.idx.msk $0xffff, v33  }
0x1a6: {  	s1 =	sadd.s32 s2, s0;
	[tilespmem:v26+s18+$0x0] =	vst.idx.msk $0xffff, v0  }
0x1a7: {  	[hbm4b:s1+s3] =	stream.linear.scatter [tilespmem:s18], [sflag:$0x6], $0x400, $0x38;
	[tilespmem:$0x16400] =	vst v63  }
0x1a8: {  	s5 =	simm.s32 $0xE800;
	s1 =	sadd.s32 s0, s6  }
0x1a9: {  	[hbm4b:s1+s3] =	stream.linear.scatter [tilespmem:s5], [sflag:$0x6], $0x400, $0x38;
	[tilespmem:$0x16400] =	vst v63  }
0x1aa: {  	s5 =	sld [smem:$0x7F8];
	_ =	sdelay $0x2  }
0x1ab: {  	s1 =	sadd.s32 s0, s5;
	s5 =	sld [smem:$0x7F9]  }
0x1ac: {  	s6 =	simm.s32 $0xEC00  }
0x1ad: {  	[hbm4b:s1+s3] =	stream.linear.scatter [tilespmem:s6], [sflag:$0x6], $0x400, $0x38;
	[tilespmem:$0x16400] =	vst v63  }
0x1ae: {  	s1 =	sadd.s32 s0, s5;
	s5 =	sld [smem:$0x7FA]  }
0x1af: {  	s6 =	simm.s32 $0xF000  }
0x1b0: {  	[hbm4b:s1+s3] =	stream.linear.scatter [tilespmem:s6], [sflag:$0x6], $0x400, $0x38;
	[tilespmem:$0x16400] =	vst v63  }
0x1b1: {  	s1 =	sadd.s32 s0, s5;
	s5 =	sld [smem:$0x7FB]  }
0x1b2: {  	s6 =	simm.s32 $0xF400  }
0x1b3: {  	[hbm4b:s1+s3] =	stream.linear.scatter [tilespmem:s6], [sflag:$0x6], $0x400, $0x38;
	[tilespmem:$0x16400] =	vst v63  }
0x1b4: {  	s1 =	sadd.s32 s0, s5;
	s5 =	sld [smem:$0x7FC]  }
0x1b5: {  	s6 =	simm.s32 $0xF800  }
0x1b6: {  	[hbm4b:s1+s3] =	stream.linear.scatter [tilespmem:s6], [sflag:$0x6], $0x400, $0x38;
	[tilespmem:$0x16400] =	vst v63  }
0x1b7: {  	s1 =	sadd.s32 s0, s5;
	s5 =	sld [smem:$0x7FD]  }
0x1b8: {  	s6 =	simm.s32 $0xFC00  }
0x1b9: {  	[hbm4b:s1+s3] =	stream.linear.scatter [tilespmem:s6], [sflag:$0x6], $0x400, $0x38;
	[tilespmem:$0x16400] =	vst v63  }
0x1ba: {  	p0 =	seq.s32 s12, $0x31;
	s6 =	simm.s32 $0x10000;
	s0 =	sadd.s32 s0, s5  }
0x1bb: {  	[hbm4b:s0+s3] =	stream.linear.scatter [tilespmem:s6], [sflag:$0x6], $0x400, $0x38;
	[tilespmem:$0x16400] =	vst v63  }
0x1bc: {  	s1 =	simm.s32 @!p0 $0x80;
	s5 =	simm.s32 @!p0 $0x6400;
	s0 =	sadd.s32 @!p0 $0x200, s31  }
0x1bd: {  	[tilespmem:s5], [sflag:$0x2] =	stream.indirect.gather @!p0 [hbm4b:s4+s1], $0x40, s0, s1, $0xb8;
	[tilespmem:$0x16400] =	vst v63  }
0x1be: {  	s5 =	simm.s32 $0x0  }
0x1bf: {  	v63 =	vlaneseq.u32;
	s6 =	sand.u32 $0x70, s5;
	s0 =	sand.u32 $0x30, s5  }
0x1c0: {  	v0 =	vor.u32 s6, v63;
	v1 =	vor.u32 s0, v63;
	v2 =	vor.u32 s0, v3  }
0x1c1: {  	v24 =	vor.u32 s0, v11;
	v30 =	vor.u32 s0, v4;
	v31 =	vor.u32 s0, v5  }
0x1c2: {  	v35 =	vor.u32 s0, v18;
	v36 =	vor.u32 s0, v8;
	v37 =	vor.u32 s0, v10  }
0x1c3: {  	v58 =	vor.u32 s0, v7;
	v44 =	vor.u32 s0, v17;
	v46 =	vor.u32 s0, v6  }
0x1c4: {  	v47 =	vor.u32 s0, v14;
	v49 =	vor.u32 s0, v9;
	v50 =	vor.u32 s0, v12  }
0x1c5: {  	v51 =	vor.u32 s0, v13;
	v25 =	vshll.u32 v0, $0x6;
	v26 =	vand.u32 $0x38, v1  }
0x1c6: {  	p1 =	seq.s32 @!p0 s12, $0x0;
	v28 =	vshll.u32 v24, $0x7;
	v1 =	vshll.u32 v1, $0x7;
	v24 =	vand.u32 $0x38, v24  }
0x1c7: {  	p1 =	por p0, !p1;
	v56 =	vand.u32 $0x38, v31;
	v34 =	vshll.u32 v2, $0x7;
	v2 =	vand.u32 $0x38, v2  }
0x1c8: {  	_ =	swait.ge @p1 [sflag:s21], $0x2000;
	v57 =	vand.u32 $0x38, v30;
	v41 =	vshll.u32 v37, $0x7;
	v59 =	vand.u32 $0x38, v58  }
0x1c9: {  	[sflag:s21] =	ssyncset.done @p1 $0x0;
	v43 =	vand.u32 $0x38, v35;
	v48 =	vshll.u32 v44, $0x7;
	v52 =	vand.u32 $0x38, v50  }
0x1ca: {  	[sflag:s21] =	ssyncadd.s32 @p1 $0xFFFFE000;
	v53 =	vshll.u32 v49, $0x7;
	v49 =	vand.u32 $0x38, v49;
	v33 =	vor.u32 v21, v25  }
0x1cb: {  	v50 =	vshll.u32 v50, $0x7;
	v29 =	vor.u32 v19, v25;
	_ =	swait.ge [sflag:s26], $0x2000;
	v32 =	vor.u32 v56, v33  }
0x1cc: {  	v39 =	vshll.u32 v58, $0x7;
	v45 =	vor.u32 v20, v25;
	v2 =	vor.u32 v2, v29;
	v62 =	vld [tilespmem:$0x1FFF0]  }
0x1cd: {  	v31 =	vshll.u32 v31, $0x7;
	v0 =	vand.u32 $0x78, v0;
	v38 =	vor.u32 v57, v45  }
0x1ce: {  	v30 =	vshll.u32 v30, $0x7;
	v37 =	vand.u32 $0x38, v37;
	v35 =	vshll.u32 v35, $0x7;
	[sflag:s26] =	ssyncset.done $0x0  }
0x1cf: {  	v27 =	vor.u32 v16, v25;
	v40 =	vor.u32 v23, v25;
	v60 =	vor.u32 v22, v25;
	v61 =	vld [tilespmem:$0x1FFE0];
	[sflag:s26] =	ssyncadd.s32 $0xFFFFE000  }
0x1d0: {  	v34 =	vor.u32 v0, v34;
	v53 =	vor.u32 v0, v53;
	v1 =	vor.u32 v0, v1;
	v32 =	vld.idx.msk [tilespmem:v32+s14+$0x0], $0xffff  }
0x1d1: {  	v30 =	vor.u32 v0, v30;
	v42 =	vor.u32 v59, v40;
	v2 =	vld.idx.msk [tilespmem:v2+s14+$0x0], $0xffff;
	v55 =	vor.u32 v62, v25  }
0x1d2: {  	v50 =	vor.u32 v0, v50;
	v29 =	vor.u32 v24, v29;
	v24 =	vld.idx.msk [tilespmem:v38+s14+$0x0], $0xffff;
	v49 =	vor.u32 v49, v55  }
0x1d3: {  	v26 =	vor.u32 v26, v27;
	v56 =	vshll.u32 v47, $0x7;
	v57 =	vand.u32 $0x38, v36  }
0x1d4: {  	v36 =	vshll.u32 v36, $0x7;
	v59 =	vand.u32 $0x38, v51;
	v27 =	vor.u32 v37, v27  }
0x1d5: {  	v1 =	vor.u32 v16, v1;
	v58 =	vor.u32 v0, v36;
	v33 =	vor.u32 v59, v33  }
0x1d6: {  	v54 =	vor.u32 v61, v25;
	v38 =	vor.u32 s0, v15;
	v42 =	vld.idx.msk [tilespmem:v42+s14+$0x0], $0xffff;
	v32 =	vmul.f32 $8.000000000e+00, v32  }
0x1d7: {  	v25 =	vand.u32 $0x38, v44;
	v2 =	vmul.f32 $8.000000000e+00, v2;
	v36 =	vld.idx.msk [tilespmem:v49+s14+$0x0], $0xffff;
	v49 =	vmul.f32 $8.000000000e+00, v24  }
0x1d8: {  	v26 =	vld.idx.msk [tilespmem:v26+s14+$0x0], $0xffff;
	v24 =	vor.u32 v0, v28;
	v28 =	vor.u32 v52, v45;
	[tilespmem:$0x1FFD0] =	vst v32;
	v32 =	vand.u32 $0x38, v47  }
0x1d9: {  	v29 =	vld.idx.msk [tilespmem:v29+s14+$0x0], $0xffff;
	v47 =	vor.u32 v57, v54;
	v57 =	vshll.u32 v46, $0x7;
	v46 =	vand.u32 $0x38, v46  }
0x1da: {  	[tilespmem:$0x1FFC0] =	vst v2;
	v2 =	vor.u32 v0, v39;
	v44 =	vor.u32 v46, v60;
	v46 =	vor.u32 v25, v54  }
0x1db: {  	v59 =	vld.idx.msk [tilespmem:v27+s14+$0x0], $0xffff;
	v54 =	vor.u32 v0, v31;
	v31 =	vand.u32 $0x38, v38;
	v25 =	vmul.f32 $8.000000000e+00, v42  }
0x1dc: {  	v33 =	vld.idx.msk [tilespmem:v33+s14+$0x0], $0xffff;
	v42 =	vor.u32 v43, v55;
	v37 =	vor.u32 v32, v60;
	v60 =	vor.u32 v31, v40  }
0x1dd: {  	v40 =	vor.u32 v0, v56;
	v31 =	vshll.u32 v38, $0x7;
	v56 =	vshll.u32 v51, $0x7;
	v45 =	vld.idx.msk [tilespmem:v28+s14+$0x0], $0xffff  }
0x1de: {  	v28 =	vor.u32 v0, v35;
	v39 =	vld.idx.msk [tilespmem:v47+s14+$0x0], $0xffff;
	v47 =	vor.u32 v0, v41;
	v41 =	vor.u32 v0, v31  }
0x1df: {  	v31 =	vor.u32 v0, v56;
	v43 =	vld.idx.msk [tilespmem:v44+s14+$0x0], $0xffff;
	v44 =	vor.u32 v0, v48;
	v0 =	vor.u32 v0, v57  }
0x1e0: {  	v48 =	vor.u32 v16, v34;
	v27 =	vor.u32 v16, v41;
	v41 =	vor.u32 v16, v0;
	v0 =	vld [tilespmem:$0x1FFC0]  }
0x1e1: {  	v52 =	vld.idx.msk [tilespmem:v46+s14+$0x0], $0xffff  }
0x1e2: {  	v38 =	vmul.f32 $8.000000000e+00, v26;
	v35 =	vmul.f32 $8.000000000e+00, v36;
	v36 =	vld.idx.msk [tilespmem:v42+s14+$0x0], $0xffff  }
0x1e3: {  	v32 =	vld.idx.msk [tilespmem:v60+s14+$0x0], $0xffff  }
0x1e4: {  	v60 =	vor.u32 v16, v30;
	v34 =	vmul.f32 $8.000000000e+00, v39;
	v39 =	vld.idx.msk [tilespmem:v37+s14+$0x0], $0xffff;
	[tilespmem:v1+s29+$0x0] =	vst.idx.msk $0xffff, v38  }
0x1e5: {  	v54 =	vor.u32 v16, v54;
	[tilespmem:v48+s29+$0x0] =	vst.idx.msk $0xffff, v0;
	v0 =	vld [tilespmem:$0x1FFD0]  }
0x1e6: {  	v24 =	vor.u32 v16, v24;
	v26 =	vor.u32 v16, v28;
	v28 =	vor.u32 v16, v40  }
0x1e7: {  	v40 =	vor.u32 v16, v50;
	v42 =	vor.u32 v16, v2;
	v47 =	vor.u32 v16, v47  }
0x1e8: {  	v30 =	vmul.f32 $8.000000000e+00, v33;
	v37 =	vmul.f32 $8.000000000e+00, v29;
	v29 =	vor.u32 v16, v44  }
0x1e9: {  	v38 =	vmul.f32 $8.000000000e+00, v45;
	v46 =	vmul.f32 $8.000000000e+00, v43;
	v43 =	vor.u32 v16, v58;
	[tilespmem:v60+s29+$0x0] =	vst.idx.msk $0xffff, v49  }
0x1ea: {  	s28 =	simm.s32 $0x10;
	s0 =	simm.s32 $0x4;
	v44 =	vor.u32 v16, v53;
	v45 =	vmul.f32 $8.000000000e+00, v59;
	v33 =	vmul.f32 $8.000000000e+00, v52;
	[tilespmem:v54+s29+$0x0] =	vst.idx.msk $0xffff, v0  }
.LBB2_5:
0x1eb: {  	s5 =	smov.u32 s28  }
0x1ec: {  	s6 =	sand.u32 $0x70, s0;
	s1 =	sand.u32 $0x30, s28;
	v0 =	vmul.f32 $8.000000000e+00, v39;
	v1 =	vmul.f32 $8.000000000e+00, v32;
	[tilespmem:v41+s29+$0x0] =	vst.idx.msk $0xffff, v46;
	v2 =	vor.u32 v16, v31;
	s5 =	sadd.s32 $0x10, s28  }
0x1ed: {  	p2 =	sne.s32 s28, $0x1F0;
	v36 =	vmul.f32 $8.000000000e+00, v36;
	v31 =	vor.u32 s6, v63;
	v32 =	vor.u32 s1, v63;
	[tilespmem:v42+s29+$0x0] =	vst.idx.msk $0xffff, v25  }
0x1ee: {  	v39 =	vor.u32 s1, v11;
	v25 =	vor.u32 s1, v3;
	v41 =	vshll.u32 v31, $0x6;
	[tilespmem:v43+s29+$0x0] =	vst.idx.msk $0xffff, v34  }
0x1ef: {  	v34 =	vand.u32 $0x38, v32;
	v42 =	vor.u32 v16, v41;
	v43 =	vshll.u32 v39, $0x7;
	[tilespmem:v44+s29+$0x0] =	vst.idx.msk $0xffff, v35  }
0x1f0: {  	v32 =	vshll.u32 v32, $0x7;
	v34 =	vor.u32 v34, v42;
	v35 =	vor.u32 v19, v41;
	[tilespmem:v47+s29+$0x0] =	vst.idx.msk $0xffff, v45  }
0x1f1: {  	v39 =	vand.u32 $0x38, v39;
	v44 =	vor.u32 s1, v4;
	v45 =	vor.u32 s1, v5;
	[tilespmem:v24+s29+$0x0] =	vst.idx.msk $0xffff, v37  }
0x1f2: {  	v46 =	vshll.u32 v25, $0x7;
	v24 =	vand.u32 $0x38, v45;
	v37 =	vor.u32 v21, v41;
	[tilespmem:v40+s29+$0x0] =	vst.idx.msk $0xffff, v38  }
0x1f3: {  	v25 =	vand.u32 $0x38, v25;
	v38 =	vor.u32 s1, v18;
	v24 =	vor.u32 v24, v37;
	[tilespmem:v2+s29+$0x0] =	vst.idx.msk $0xffff, v30  }
0x1f4: {  	v40 =	vand.u32 $0x38, v44;
	v2 =	vor.u32 s1, v8;
	v30 =	vor.u32 s1, v10;
	[tilespmem:v28+s29+$0x0] =	vst.idx.msk $0xffff, v0  }
0x1f5: {  	v0 =	vor.u32 s1, v7;
	v28 =	vor.u32 v23, v41;
	v47 =	vshll.u32 v30, $0x7;
	[tilespmem:v27+s29+$0x0] =	vst.idx.msk $0xffff, v1  }
0x1f6: {  	v1 =	vor.u32 v25, v35;
	v25 =	vand.u32 $0x38, v0;
	v27 =	vand.u32 $0x38, v38;
	[tilespmem:v29+s29+$0x0] =	vst.idx.msk $0xffff, v33  }
0x1f7: {  	v29 =	vor.u32 s1, v17;
	v33 =	vor.u32 v20, v41;
	v25 =	vor.u32 v25, v28;
	[tilespmem:v26+s29+$0x0] =	vst.idx.msk $0xffff, v36  }
0x1f8: {  	v26 =	vor.u32 s1, v6;
	v36 =	vor.u32 s1, v14;
	v48 =	vshll.u32 v29, $0x7;
	v24 =	vld.idx.msk [tilespmem:v24+s14+$0x0], $0xffff  }
0x1f9: {  	v49 =	vor.u32 s1, v9;
	v50 =	vor.u32 s1, v12;
	v51 =	vor.u32 s1, v13  }
0x1fa: {  	v52 =	vand.u32 $0x38, v50;
	v53 =	vshll.u32 v49, $0x7;
	v40 =	vor.u32 v40, v33  }
0x1fb: {  	v49 =	vand.u32 $0x38, v49;
	v50 =	vshll.u32 v50, $0x7;
	v54 =	vor.u32 v61, v41;
	v1 =	vld.idx.msk [tilespmem:v1+s14+$0x0], $0xffff  }
0x1fc: {  	v55 =	vor.u32 v62, v41;
	v0 =	vshll.u32 v0, $0x7;
	v56 =	vshll.u32 v36, $0x7  }
0x1fd: {  	v49 =	vor.u32 v49, v55;
	v45 =	vshll.u32 v45, $0x7;
	v57 =	vand.u32 $0x38, v2;
	v25 =	vld.idx.msk [tilespmem:v25+s14+$0x0], $0xffff  }
0x1fe: {  	v2 =	vshll.u32 v2, $0x7;
	v36 =	vand.u32 $0x38, v36;
	v58 =	vmul.f32 $8.000000000e+00, v24  }
0x1ff: {  	v35 =	vor.u32 v39, v35;
	v39 =	vand.u32 $0x78, v31;
	v31 =	vshll.u32 v44, $0x7;
	v24 =	vld.idx.msk [tilespmem:v40+s14+$0x0], $0xffff  }
0x200: {  	v44 =	vor.u32 v57, v54;
	v57 =	vshll.u32 v26, $0x7;
	v40 =	vor.u32 s1, v15  }
0x201: {  	v59 =	vand.u32 $0x38, v51;
	v26 =	vand.u32 $0x38, v26;
	v1 =	vmul.f32 $8.000000000e+00, v1  }
0x202: {  	v41 =	vor.u32 v22, v41;
	v46 =	vor.u32 v39, v46;
	v29 =	vand.u32 $0x38, v29  }
0x203: {  	v45 =	vor.u32 v39, v45;
	v29 =	vor.u32 v29, v54;
	v26 =	vor.u32 v26, v41;
	v49 =	vld.idx.msk [tilespmem:v49+s14+$0x0], $0xffff  }
0x204: {  	v0 =	vor.u32 v39, v0;
	v2 =	vor.u32 v39, v2;
	v54 =	vand.u32 $0x38, v40  }
0x205: {  	v30 =	vand.u32 $0x38, v30;
	v53 =	vor.u32 v39, v53;
	v60 =	vmul.f32 $8.000000000e+00, v24  }
0x206: {  	v37 =	vor.u32 v59, v37;
	v25 =	vmul.f32 $8.000000000e+00, v25;
	v24 =	vor.u32 v39, v43;
	v44 =	vld.idx.msk [tilespmem:v44+s14+$0x0], $0xffff  }
0x207: {  	v33 =	vor.u32 v52, v33;
	v43 =	vor.u32 v27, v55;
	v24 =	vor.u32 v16, v24;
	v34 =	vld.idx.msk [tilespmem:v34+s14+$0x0], $0xffff  }
0x208: {  	v28 =	vor.u32 v54, v28;
	v27 =	vor.u32 v36, v41;
	v52 =	vld.idx.msk [tilespmem:v26+s14+$0x0], $0xffff;
	v26 =	vor.u32 v30, v42  }
0x209: {  	v47 =	vor.u32 v39, v47;
	v30 =	vor.u32 v39, v56;
	v54 =	vld.idx.msk [tilespmem:v35+s14+$0x0], $0xffff;
	v35 =	vshll.u32 v38, $0x7  }
0x20a: {  	v36 =	vor.u32 v39, v31;
	v31 =	vshll.u32 v40, $0x7;
	v55 =	vld.idx.msk [tilespmem:v29+s14+$0x0], $0xffff;
	v29 =	vor.u32 v39, v32  }
0x20b: {  	v40 =	vor.u32 v39, v48;
	v38 =	vor.u32 v39, v31;
	v32 =	vshll.u32 v51, $0x7;
	v37 =	vld.idx.msk [tilespmem:v37+s14+$0x0], $0xffff  }
0x20c: {  	v35 =	vor.u32 v39, v35;
	v29 =	vor.u32 v16, v29;
	v31 =	vor.u32 v39, v32;
	v33 =	vld.idx.msk [tilespmem:v33+s14+$0x0], $0xffff  }
0x20d: {  	v50 =	vor.u32 v39, v50;
	v48 =	vor.u32 v16, v46;
	v42 =	vmul.f32 $8.000000000e+00, v34;
	v32 =	vld.idx.msk [tilespmem:v28+s14+$0x0], $0xffff  }
0x20e: {  	v56 =	vor.u32 v16, v36;
	v28 =	vor.u32 v39, v57;
	v51 =	vld.idx.msk [tilespmem:v26+s14+$0x0], $0xffff;
	v26 =	vor.u32 v16, v35  }
0x20f: {  	v34 =	vmul.f32 $8.000000000e+00, v44;
	v57 =	vor.u32 v16, v45;
	v39 =	vld.idx.msk [tilespmem:v27+s14+$0x0], $0xffff;
	v27 =	vor.u32 v16, v38  }
.Ltmp1:
0x210: {  	v35 =	vmul.f32 $8.000000000e+00, v49;
	v41 =	vor.u32 v16, v28;
	v28 =	vor.u32 v16, v30;
	v36 =	vld.idx.msk [tilespmem:v43+s14+$0x0], $0xffff;
	(pc) =	sbr.rel @p2 .LBB2_5-.Ltmp1, $4  }
0x211: {  	v46 =	vmul.f32 $8.000000000e+00, v52;
	v30 =	vmul.f32 $8.000000000e+00, v37;
	[tilespmem:v29+s29+$0x0] =	vst.idx.msk $0xffff, v42;
	v42 =	vor.u32 v16, v0  }
0x212: {  	v37 =	vmul.f32 $8.000000000e+00, v54;
	v43 =	vor.u32 v16, v2;
	v29 =	vor.u32 v16, v40;
	[tilespmem:v48+s29+$0x0] =	vst.idx.msk $0xffff, v1  }
0x213: {  	v44 =	vor.u32 v16, v53;
	v38 =	vmul.f32 $8.000000000e+00, v33;
	v40 =	vor.u32 v16, v50;
	[tilespmem:v56+s29+$0x0] =	vst.idx.msk $0xffff, v60  }
0x214: {  	s0 =	sadd.s32 $0x4, s0;
	s28 =	smov.u32 s5;
	v47 =	vor.u32 v16, v47;
	v33 =	vmul.f32 $8.000000000e+00, v55;
	v45 =	vmul.f32 $8.000000000e+00, v51;
	[tilespmem:v57+s29+$0x0] =	vst.idx.msk $0xffff, v58  }
0x215: {  	_ =	sdelay $0x3  }
0x216: {  	[tilespmem:v41+s29+$0x0] =	vst.idx.msk $0xffff, v46  }
0x217: {  	[tilespmem:v42+s29+$0x0] =	vst.idx.msk $0xffff, v25  }
0x218: {  	v0 =	vor.u32 v16, v31;
	[tilespmem:v43+s29+$0x0] =	vst.idx.msk $0xffff, v34  }
0x219: {  	[tilespmem:v44+s29+$0x0] =	vst.idx.msk $0xffff, v35  }
0x21a: {  	[tilespmem:v47+s29+$0x0] =	vst.idx.msk $0xffff, v45  }
0x21b: {  	[tilespmem:v24+s29+$0x0] =	vst.idx.msk $0xffff, v37  }
0x21c: {  	v1 =	vmul.f32 $8.000000000e+00, v39;
	[tilespmem:v40+s29+$0x0] =	vst.idx.msk $0xffff, v38  }
0x21d: {  	v2 =	vmul.f32 $8.000000000e+00, v32;
	[tilespmem:v0+s29+$0x0] =	vst.idx.msk $0xffff, v30  }
0x21e: {  	[tilespmem:v28+s29+$0x0] =	vst.idx.msk $0xffff, v1  }
0x21f: {  	s0 =	sor.u32 s8, s30;
	v0 =	vmul.f32 $8.000000000e+00, v36;
	[tilespmem:v27+s29+$0x0] =	vst.idx.msk $0xffff, v2  }
0x220: {  	s0 =	sshrl.u32 s0, $0x3;
	[tilespmem:v29+s29+$0x0] =	vst.idx.msk $0xffff, v33  }
0x221: {  	s1 =	sadd.s32 s2, s0;
	s5 =	sor.u32 $0x4000, s0;
	[tilespmem:v26+s29+$0x0] =	vst.idx.msk $0xffff, v0  }
0x222: {  	[hbm4b:s1+s3] =	stream.linear.scatter [tilespmem:s29], [sflag:$0x7], $0x400, $0x38;
	[tilespmem:$0x16400] =	vst v63  }
0x223: {  	s6 =	sor.u32 $0x8000, s0;
	s1 =	sadd.s32 s2, s5;
	s5 =	simm.s32 $0x10800  }
0x224: {  	[hbm4b:s1+s3] =	stream.linear.scatter [tilespmem:s5], [sflag:$0x7], $0x400, $0x38;
	[tilespmem:$0x16400] =	vst v63  }
0x225: {  	s28 =	simm.s32 $0x10C00;
	s1 =	sadd.s32 s2, s6;
	s6 =	sor.u32 $0xC000, s0  }
0x226: {  	[hbm4b:s1+s3] =	stream.linear.scatter [tilespmem:s28], [sflag:$0x7], $0x400, $0x38;
	[tilespmem:$0x16400] =	vst v63  }
0x227: {  	s1 =	sadd.s32 s2, s6;
	s28 =	simm.s32 $0x11000;
	s6 =	sor.u32 $0x10000, s0  }
0x228: {  	[hbm4b:s1+s3] =	stream.linear.scatter [tilespmem:s28], [sflag:$0x7], $0x400, $0x38;
	[tilespmem:$0x16400] =	vst v63  }
0x229: {  	s1 =	sadd.s32 s2, s6;
	s28 =	simm.s32 $0x11400;
	s6 =	sor.u32 $0x14000, s0  }
0x22a: {  	[hbm4b:s1+s3] =	stream.linear.scatter [tilespmem:s28], [sflag:$0x7], $0x400, $0x38;
	[tilespmem:$0x16400] =	vst v63  }
0x22b: {  	s1 =	sadd.s32 s2, s6  }
0x22c: {  	s28 =	simm.s32 $0x11800;
	s6 =	sor.u32 $0x18000, s0;
	s0 =	sor.u32 $0x1C000, s0  }
0x22d: {  	[hbm4b:s1+s3] =	stream.linear.scatter [tilespmem:s28], [sflag:$0x7], $0x400, $0x38;
	[tilespmem:$0x16400] =	vst v63  }
0x22e: {  	s1 =	sadd.s32 s2, s6;
	s28 =	simm.s32 $0x11C00;
	s6 =	simm.s32 $0x0  }
0x22f: {  	[hbm4b:s1+s3] =	stream.linear.scatter [tilespmem:s28], [sflag:$0x7], $0x400, $0x38;
	[tilespmem:$0x16400] =	vst v63  }
0x230: {  	s5 =	simm.s32 $0x12000;
	s0 =	sadd.s32 s2, s0;
	s28 =	sand.u32 $0x70, s6  }
0x231: {  	v0 =	vor.u32 s28, v63;
	[hbm4b:s0+s3] =	stream.linear.scatter [tilespmem:s5], [sflag:$0x7], $0x400, $0x38;
	[tilespmem:$0x16400] =	vst v63  }
0x232: {  	s1 =	simm.s32 @!p0 $0x80;
	s0 =	sadd.s32 @!p0 $0x280, s31;
	s5 =	simm.s32 @!p0 $0x8400;
	v25 =	vshll.u32 v0, $0x6;
	v0 =	vand.u32 $0x78, v0  }
0x233: {  	v27 =	vor.u32 v16, v25;
	v29 =	vor.u32 v19, v25;
	v33 =	vor.u32 v21, v25;
	[tilespmem:s5], [sflag:$0x3] =	stream.indirect.gather @!p0 [hbm4b:s4+s1], $0x40, s0, s1, $0xb8;
	[tilespmem:$0x16400] =	vst v63  }
0x234: {  	v40 =	vor.u32 v23, v25;
	v45 =	vor.u32 v20, v25;
	v54 =	vor.u32 v61, v25;
	s0 =	sand.u32 $0x30, s6  }
0x235: {  	v55 =	vor.u32 v62, v25;
	v1 =	vor.u32 s0, v63;
	v2 =	vor.u32 s0, v3  }
0x236: {  	v24 =	vor.u32 s0, v11;
	v30 =	vor.u32 s0, v4;
	v31 =	vor.u32 s0, v5  }
0x237: {  	v35 =	vor.u32 s0, v18;
	v36 =	vor.u32 s0, v8;
	v37 =	vor.u32 s0, v10  }
0x238: {  	v58 =	vor.u32 s0, v7;
	v44 =	vor.u32 s0, v17;
	v46 =	vor.u32 s0, v6  }
0x239: {  	v60 =	vor.u32 s0, v14;
	v49 =	vor.u32 s0, v9;
	v50 =	vor.u32 s0, v12  }
0x23a: {  	v51 =	vor.u32 s0, v13;
	v26 =	vand.u32 $0x38, v1;
	v28 =	vshll.u32 v24, $0x7  }
0x23b: {  	v1 =	vshll.u32 v1, $0x7;
	v24 =	vand.u32 $0x38, v24;
	v56 =	vand.u32 $0x38, v31  }
0x23c: {  	v34 =	vshll.u32 v2, $0x7;
	v2 =	vand.u32 $0x38, v2;
	v57 =	vand.u32 $0x38, v30  }
0x23d: {  	v41 =	vshll.u32 v37, $0x7;
	v59 =	vand.u32 $0x38, v58;
	v43 =	vand.u32 $0x38, v35  }
0x23e: {  	v48 =	vshll.u32 v44, $0x7;
	v52 =	vand.u32 $0x38, v50;
	v53 =	vshll.u32 v49, $0x7  }
0x23f: {  	_ =	swait.ge @p1 [sflag:s22], $0x2000;
	v49 =	vand.u32 $0x38, v49;
	v50 =	vshll.u32 v50, $0x7;
	v39 =	vshll.u32 v58, $0x7  }
0x240: {  	[sflag:s22] =	ssyncset.done @p1 $0x0;
	v31 =	vshll.u32 v31, $0x7;
	v30 =	vshll.u32 v30, $0x7;
	v32 =	vor.u32 v56, v33  }
0x241: {  	v37 =	vand.u32 $0x38, v37;
	v35 =	vshll.u32 v35, $0x7;
	[sflag:s22] =	ssyncadd.s32 @p1 $0xFFFFE000;
	v2 =	vor.u32 v2, v29  }
0x242: {  	v26 =	vor.u32 v26, v27;
	v42 =	vor.u32 v59, v40;
	v38 =	vor.u32 v57, v45;
	_ =	swait.ge [sflag:s19], $0x2000  }
0x243: {  	v56 =	vshll.u32 v60, $0x7;
	v57 =	vand.u32 $0x38, v36;
	v49 =	vor.u32 v49, v55;
	[sflag:s19] =	ssyncset.done $0x0  }
0x244: {  	v36 =	vshll.u32 v36, $0x7;
	v29 =	vor.u32 v24, v29;
	v47 =	vor.u32 v57, v54;
	[sflag:s19] =	ssyncadd.s32 $0xFFFFE000  }
0x245: {  	v59 =	vand.u32 $0x38, v51;
	v34 =	vor.u32 v0, v34;
	v61 =	vor.u32 v0, v39;
	v32 =	vld.idx.msk [tilespmem:v32+s15+$0x0], $0xffff  }
0x246: {  	v53 =	vor.u32 v0, v53;
	v27 =	vor.u32 v37, v27;
	v1 =	vor.u32 v0, v1;
	v2 =	vld.idx.msk [tilespmem:v2+s15+$0x0], $0xffff  }
0x247: {  	v30 =	vor.u32 v0, v30;
	v50 =	vor.u32 v0, v50;
	v57 =	vshll.u32 v46, $0x7;
	v24 =	vld.idx.msk [tilespmem:v38+s15+$0x0], $0xffff  }
0x248: {  	v46 =	vand.u32 $0x38, v46;
	v62 =	vor.u32 v0, v36;
	v33 =	vor.u32 v59, v33;
	v42 =	vld.idx.msk [tilespmem:v42+s15+$0x0], $0xffff  }
0x249: {  	v59 =	vshll.u32 v51, $0x7;
	v1 =	vor.u32 v16, v1;
	v39 =	vld.idx.msk [tilespmem:v47+s15+$0x0], $0xffff;
	v47 =	vor.u32 v0, v41  }
0x24a: {  	v38 =	vor.u32 s0, v15;
	v47 =	vor.u32 v16, v47;
	v58 =	vmul.f32 $8.000000000e+00, v32  }
0x24b: {  	v26 =	vld.idx.msk [tilespmem:v26+s15+$0x0], $0xffff;
	v32 =	vand.u32 $0x38, v60;
	v60 =	vor.u32 v22, v25;
	v25 =	vand.u32 $0x38, v44  }
0x24c: {  	v36 =	vld.idx.msk [tilespmem:v49+s15+$0x0], $0xffff;
	v49 =	vmul.f32 $8.000000000e+00, v24;
	v24 =	vor.u32 v0, v28;
	v28 =	vor.u32 v52, v45  }
0x24d: {  	v2 =	vmul.f32 $8.000000000e+00, v2;
	v44 =	vor.u32 v46, v60;
	v46 =	vor.u32 v25, v54  }
0x24e: {  	v33 =	vld.idx.msk [tilespmem:v33+s15+$0x0], $0xffff;
	v54 =	vor.u32 v0, v31;
	v31 =	vand.u32 $0x38, v38;
	v25 =	vmul.f32 $8.000000000e+00, v42  }
0x24f: {  	v29 =	vld.idx.msk [tilespmem:v29+s15+$0x0], $0xffff;
	v42 =	vor.u32 v43, v55;
	v24 =	vor.u32 v16, v24;
	v37 =	vor.u32 v32, v60  }
0x250: {  	v51 =	vld.idx.msk [tilespmem:v27+s15+$0x0], $0xffff;
	v60 =	vmul.f32 $8.000000000e+00, v26;
	v32 =	vor.u32 v31, v40;
	v31 =	vshll.u32 v38, $0x7  }
0x251: {  	v40 =	vor.u32 v0, v56;
	v54 =	vor.u32 v16, v54;
	v41 =	vor.u32 v0, v31;
	v45 =	vld.idx.msk [tilespmem:v28+s15+$0x0], $0xffff  }
0x252: {  	v31 =	vor.u32 v0, v59;
	v43 =	vld.idx.msk [tilespmem:v44+s15+$0x0], $0xffff;
	v44 =	vor.u32 v0, v48;
	v48 =	vor.u32 v16, v34  }
0x253: {  	v59 =	vor.u32 v16, v30;
	v30 =	vmul.f32 $8.000000000e+00, v33;
	v27 =	vor.u32 v16, v41;
	v52 =	vld.idx.msk [tilespmem:v46+s15+$0x0], $0xffff  }
0x254: {  	v28 =	vor.u32 v0, v35;
	v35 =	vmul.f32 $8.000000000e+00, v36;
	v34 =	vmul.f32 $8.000000000e+00, v39;
	v39 =	vld.idx.msk [tilespmem:v37+s15+$0x0], $0xffff  }
0x255: {  	v0 =	vor.u32 v0, v57;
	v26 =	vor.u32 v16, v28;
	v36 =	vld.idx.msk [tilespmem:v42+s15+$0x0], $0xffff;
	v28 =	vor.u32 v16, v40  }
0x256: {  	v42 =	vor.u32 v16, v61;
	v32 =	vld.idx.msk [tilespmem:v32+s15+$0x0], $0xffff;
	v41 =	vor.u32 v16, v0;
	[tilespmem:v1+s20+$0x0] =	vst.idx.msk $0xffff, v60  }
0x257: {  	v37 =	vmul.f32 $8.000000000e+00, v29;
	v40 =	vor.u32 v16, v50;
	v29 =	vor.u32 v16, v44;
	[tilespmem:v48+s20+$0x0] =	vst.idx.msk $0xffff, v2  }
0x258: {  	v61 =	vld [tilespmem:$0x1FFE0];
	v38 =	vmul.f32 $8.000000000e+00, v45;
	v46 =	vmul.f32 $8.000000000e+00, v43;
	v43 =	vor.u32 v16, v62;
	[tilespmem:v59+s20+$0x0] =	vst.idx.msk $0xffff, v49  }
0x259: {  	s5 =	simm.s32 $0x10;
	s0 =	simm.s32 $0x4;
	v44 =	vor.u32 v16, v53;
	v45 =	vmul.f32 $8.000000000e+00, v51;
	v62 =	vld [tilespmem:$0x1FFF0];
	v33 =	vmul.f32 $8.000000000e+00, v52;
	[tilespmem:v54+s20+$0x0] =	vst.idx.msk $0xffff, v58  }
.LBB2_7:
0x25a: {  	s28 =	smov.u32 s5  }
0x25b: {  	s6 =	sand.u32 $0x70, s0;
	s1 =	sand.u32 $0x30, s5;
	v0 =	vmul.f32 $8.000000000e+00, v39;
	v1 =	vmul.f32 $8.000000000e+00, v32;
	[tilespmem:v41+s20+$0x0] =	vst.idx.msk $0xffff, v46;
	v2 =	vor.u32 v16, v31;
	s28 =	sadd.s32 $0x10, s5  }
0x25c: {  	p2 =	sne.s32 s5, $0x1F0;
	v36 =	vmul.f32 $8.000000000e+00, v36;
	v31 =	vor.u32 s6, v63;
	v32 =	vor.u32 s1, v63;
	[tilespmem:v42+s20+$0x0] =	vst.idx.msk $0xffff, v25  }
0x25d: {  	v39 =	vor.u32 s1, v11;
	v25 =	vor.u32 s1, v3;
	v41 =	vshll.u32 v31, $0x6;
	[tilespmem:v43+s20+$0x0] =	vst.idx.msk $0xffff, v34  }
0x25e: {  	v34 =	vand.u32 $0x38, v32;
	v42 =	vor.u32 v16, v41;
	v43 =	vshll.u32 v39, $0x7;
	[tilespmem:v44+s20+$0x0] =	vst.idx.msk $0xffff, v35  }
0x25f: {  	v32 =	vshll.u32 v32, $0x7;
	v34 =	vor.u32 v34, v42;
	v35 =	vor.u32 v19, v41;
	[tilespmem:v47+s20+$0x0] =	vst.idx.msk $0xffff, v45  }
0x260: {  	v39 =	vand.u32 $0x38, v39;
	v44 =	vor.u32 s1, v4;
	v45 =	vor.u32 s1, v5;
	[tilespmem:v24+s20+$0x0] =	vst.idx.msk $0xffff, v37  }
0x261: {  	v46 =	vshll.u32 v25, $0x7;
	v24 =	vand.u32 $0x38, v45;
	v37 =	vor.u32 v21, v41;
	[tilespmem:v40+s20+$0x0] =	vst.idx.msk $0xffff, v38  }
0x262: {  	v25 =	vand.u32 $0x38, v25;
	v38 =	vor.u32 s1, v18;
	v24 =	vor.u32 v24, v37;
	[tilespmem:v2+s20+$0x0] =	vst.idx.msk $0xffff, v30  }
0x263: {  	v40 =	vand.u32 $0x38, v44;
	v2 =	vor.u32 s1, v8;
	v30 =	vor.u32 s1, v10;
	[tilespmem:v28+s20+$0x0] =	vst.idx.msk $0xffff, v0  }
0x264: {  	v0 =	vor.u32 s1, v7;
	v28 =	vor.u32 v23, v41;
	v47 =	vshll.u32 v30, $0x7;
	[tilespmem:v27+s20+$0x0] =	vst.idx.msk $0xffff, v1  }
0x265: {  	v1 =	vor.u32 v25, v35;
	v25 =	vand.u32 $0x38, v0;
	v27 =	vand.u32 $0x38, v38;
	[tilespmem:v29+s20+$0x0] =	vst.idx.msk $0xffff, v33  }
0x266: {  	v29 =	vor.u32 s1, v17;
	v33 =	vor.u32 v20, v41;
	v25 =	vor.u32 v25, v28;
	[tilespmem:v26+s20+$0x0] =	vst.idx.msk $0xffff, v36  }
0x267: {  	v26 =	vor.u32 s1, v6;
	v36 =	vor.u32 s1, v14;
	v48 =	vshll.u32 v29, $0x7;
	v24 =	vld.idx.msk [tilespmem:v24+s15+$0x0], $0xffff  }
0x268: {  	v49 =	vor.u32 s1, v9;
	v50 =	vor.u32 s1, v12;
	v51 =	vor.u32 s1, v13  }
0x269: {  	v52 =	vand.u32 $0x38, v50;
	v53 =	vshll.u32 v49, $0x7;
	v40 =	vor.u32 v40, v33  }
0x26a: {  	v49 =	vand.u32 $0x38, v49;
	v50 =	vshll.u32 v50, $0x7;
	v54 =	vor.u32 v61, v41;
	v1 =	vld.idx.msk [tilespmem:v1+s15+$0x0], $0xffff  }
0x26b: {  	v55 =	vor.u32 v62, v41;
	v0 =	vshll.u32 v0, $0x7;
	v56 =	vshll.u32 v36, $0x7  }
0x26c: {  	v49 =	vor.u32 v49, v55;
	v45 =	vshll.u32 v45, $0x7;
	v57 =	vand.u32 $0x38, v2;
	v25 =	vld.idx.msk [tilespmem:v25+s15+$0x0], $0xffff  }
0x26d: {  	v2 =	vshll.u32 v2, $0x7;
	v36 =	vand.u32 $0x38, v36;
	v58 =	vmul.f32 $8.000000000e+00, v24  }
0x26e: {  	v35 =	vor.u32 v39, v35;
	v39 =	vand.u32 $0x78, v31;
	v31 =	vshll.u32 v44, $0x7;
	v24 =	vld.idx.msk [tilespmem:v40+s15+$0x0], $0xffff  }
0x26f: {  	v44 =	vor.u32 v57, v54;
	v57 =	vshll.u32 v26, $0x7;
	v40 =	vor.u32 s1, v15  }
0x270: {  	v59 =	vand.u32 $0x38, v51;
	v26 =	vand.u32 $0x38, v26;
	v1 =	vmul.f32 $8.000000000e+00, v1  }
0x271: {  	v41 =	vor.u32 v22, v41;
	v46 =	vor.u32 v39, v46;
	v29 =	vand.u32 $0x38, v29  }
0x272: {  	v45 =	vor.u32 v39, v45;
	v29 =	vor.u32 v29, v54;
	v26 =	vor.u32 v26, v41;
	v49 =	vld.idx.msk [tilespmem:v49+s15+$0x0], $0xffff  }
0x273: {  	v0 =	vor.u32 v39, v0;
	v2 =	vor.u32 v39, v2;
	v54 =	vand.u32 $0x38, v40  }
0x274: {  	v30 =	vand.u32 $0x38, v30;
	v53 =	vor.u32 v39, v53;
	v60 =	vmul.f32 $8.000000000e+00, v24  }
0x275: {  	v37 =	vor.u32 v59, v37;
	v25 =	vmul.f32 $8.000000000e+00, v25;
	v24 =	vor.u32 v39, v43;
	v44 =	vld.idx.msk [tilespmem:v44+s15+$0x0], $0xffff  }
0x276: {  	v33 =	vor.u32 v52, v33;
	v43 =	vor.u32 v27, v55;
	v24 =	vor.u32 v16, v24;
	v34 =	vld.idx.msk [tilespmem:v34+s15+$0x0], $0xffff  }
0x277: {  	v28 =	vor.u32 v54, v28;
	v27 =	vor.u32 v36, v41;
	v52 =	vld.idx.msk [tilespmem:v26+s15+$0x0], $0xffff;
	v26 =	vor.u32 v30, v42  }
0x278: {  	v47 =	vor.u32 v39, v47;
	v30 =	vor.u32 v39, v56;
	v54 =	vld.idx.msk [tilespmem:v35+s15+$0x0], $0xffff;
	v35 =	vshll.u32 v38, $0x7  }
0x279: {  	v36 =	vor.u32 v39, v31;
	v31 =	vshll.u32 v40, $0x7;
	v55 =	vld.idx.msk [tilespmem:v29+s15+$0x0], $0xffff;
	v29 =	vor.u32 v39, v32  }
0x27a: {  	v40 =	vor.u32 v39, v48;
	v38 =	vor.u32 v39, v31;
	v32 =	vshll.u32 v51, $0x7;
	v37 =	vld.idx.msk [tilespmem:v37+s15+$0x0], $0xffff  }
0x27b: {  	v35 =	vor.u32 v39, v35;
	v29 =	vor.u32 v16, v29;
	v31 =	vor.u32 v39, v32;
	v33 =	vld.idx.msk [tilespmem:v33+s15+$0x0], $0xffff  }
0x27c: {  	v50 =	vor.u32 v39, v50;
	v48 =	vor.u32 v16, v46;
	v42 =	vmul.f32 $8.000000000e+00, v34;
	v32 =	vld.idx.msk [tilespmem:v28+s15+$0x0], $0xffff  }
0x27d: {  	v56 =	vor.u32 v16, v36;
	v28 =	vor.u32 v39, v57;
	v51 =	vld.idx.msk [tilespmem:v26+s15+$0x0], $0xffff;
	v26 =	vor.u32 v16, v35  }
0x27e: {  	v34 =	vmul.f32 $8.000000000e+00, v44;
	v57 =	vor.u32 v16, v45;
	v39 =	vld.idx.msk [tilespmem:v27+s15+$0x0], $0xffff;
	v27 =	vor.u32 v16, v38  }
.Ltmp2:
0x27f: {  	v35 =	vmul.f32 $8.000000000e+00, v49;
	v41 =	vor.u32 v16, v28;
	v28 =	vor.u32 v16, v30;
	v36 =	vld.idx.msk [tilespmem:v43+s15+$0x0], $0xffff;
	(pc) =	sbr.rel @p2 .LBB2_7-.Ltmp2, $4  }
0x280: {  	v46 =	vmul.f32 $8.000000000e+00, v52;
	v30 =	vmul.f32 $8.000000000e+00, v37;
	[tilespmem:v29+s20+$0x0] =	vst.idx.msk $0xffff, v42;
	v42 =	vor.u32 v16, v0  }
0x281: {  	v37 =	vmul.f32 $8.000000000e+00, v54;
	v43 =	vor.u32 v16, v2;
	v29 =	vor.u32 v16, v40;
	[tilespmem:v48+s20+$0x0] =	vst.idx.msk $0xffff, v1  }
0x282: {  	v44 =	vor.u32 v16, v53;
	v38 =	vmul.f32 $8.000000000e+00, v33;
	v40 =	vor.u32 v16, v50;
	[tilespmem:v56+s20+$0x0] =	vst.idx.msk $0xffff, v60  }
0x283: {  	s0 =	sadd.s32 $0x4, s0;
	s5 =	smov.u32 s28;
	v47 =	vor.u32 v16, v47;
	v33 =	vmul.f32 $8.000000000e+00, v55;
	v45 =	vmul.f32 $8.000000000e+00, v51;
	[tilespmem:v57+s20+$0x0] =	vst.idx.msk $0xffff, v58  }
0x284: {  	_ =	sdelay $0x3  }
0x285: {  	[tilespmem:v41+s20+$0x0] =	vst.idx.msk $0xffff, v46  }
0x286: {  	[tilespmem:v42+s20+$0x0] =	vst.idx.msk $0xffff, v25  }
0x287: {  	v0 =	vor.u32 v16, v31;
	[tilespmem:v43+s20+$0x0] =	vst.idx.msk $0xffff, v34  }
0x288: {  	[tilespmem:v44+s20+$0x0] =	vst.idx.msk $0xffff, v35  }
0x289: {  	[tilespmem:v47+s20+$0x0] =	vst.idx.msk $0xffff, v45  }
0x28a: {  	[tilespmem:v24+s20+$0x0] =	vst.idx.msk $0xffff, v37  }
0x28b: {  	v1 =	vmul.f32 $8.000000000e+00, v39;
	[tilespmem:v40+s20+$0x0] =	vst.idx.msk $0xffff, v38  }
0x28c: {  	v2 =	vmul.f32 $8.000000000e+00, v32;
	[tilespmem:v0+s20+$0x0] =	vst.idx.msk $0xffff, v30  }
0x28d: {  	[tilespmem:v28+s20+$0x0] =	vst.idx.msk $0xffff, v1  }
0x28e: {  	s0 =	sor.u32 s9, s30;
	v0 =	vmul.f32 $8.000000000e+00, v36;
	[tilespmem:v27+s20+$0x0] =	vst.idx.msk $0xffff, v2  }
0x28f: {  	s0 =	sshrl.u32 s0, $0x3;
	[tilespmem:v29+s20+$0x0] =	vst.idx.msk $0xffff, v33  }
0x290: {  	s28 =	simm.s32 $0x12C00;
	s1 =	sadd.s32 s2, s0;
	s5 =	sor.u32 $0x4000, s0;
	[tilespmem:v26+s20+$0x0] =	vst.idx.msk $0xffff, v0  }
0x291: {  	[hbm4b:s1+s3] =	stream.linear.scatter [tilespmem:s20], [sflag:$0x8], $0x400, $0x38;
	[tilespmem:$0x16400] =	vst v63  }
0x292: {  	s6 =	sor.u32 $0x8000, s0;
	s1 =	sadd.s32 s2, s5;
	s5 =	simm.s32 $0x12800  }
0x293: {  	[hbm4b:s1+s3] =	stream.linear.scatter [tilespmem:s5], [sflag:$0x8], $0x400, $0x38;
	[tilespmem:$0x16400] =	vst v63  }
0x294: {  	s1 =	sadd.s32 s2, s6;
	s6 =	sor.u32 $0xC000, s0;
	s5 =	simm.s32 @!p0 $0xA400  }
0x295: {  	[hbm4b:s1+s3] =	stream.linear.scatter [tilespmem:s28], [sflag:$0x8], $0x400, $0x38;
	[tilespmem:$0x16400] =	vst v63  }
0x296: {  	s1 =	sadd.s32 s2, s6;
	s28 =	simm.s32 $0x13000;
	s6 =	sor.u32 $0x10000, s0  }
0x297: {  	[hbm4b:s1+s3] =	stream.linear.scatter [tilespmem:s28], [sflag:$0x8], $0x400, $0x38;
	[tilespmem:$0x16400] =	vst v63  }
0x298: {  	s1 =	sadd.s32 s2, s6;
	s28 =	simm.s32 $0x13400;
	s6 =	sor.u32 $0x14000, s0  }
0x299: {  	[hbm4b:s1+s3] =	stream.linear.scatter [tilespmem:s28], [sflag:$0x8], $0x400, $0x38;
	[tilespmem:$0x16400] =	vst v63  }
0x29a: {  	s1 =	sadd.s32 s2, s6;
	s28 =	simm.s32 $0x13800;
	s6 =	sor.u32 $0x18000, s0  }
0x29b: {  	[hbm4b:s1+s3] =	stream.linear.scatter [tilespmem:s28], [sflag:$0x8], $0x400, $0x38;
	[tilespmem:$0x16400] =	vst v63  }
0x29c: {  	s0 =	sor.u32 $0x1C000, s0;
	s1 =	sadd.s32 s2, s6;
	s28 =	simm.s32 $0x13C00  }
0x29d: {  	[hbm4b:s1+s3] =	stream.linear.scatter [tilespmem:s28], [sflag:$0x8], $0x400, $0x38;
	[tilespmem:$0x16400] =	vst v63  }
0x29e: {  	s0 =	sadd.s32 s2, s0;
	s6 =	simm.s32 $0x14000;
	s28 =	simm.s32 $0x0  }
0x29f: {  	[hbm4b:s0+s3] =	stream.linear.scatter [tilespmem:s6], [sflag:$0x8], $0x400, $0x38;
	[tilespmem:$0x16400] =	vst v63  }
0x2a0: {  	s1 =	simm.s32 @!p0 $0x80;
	s0 =	sadd.s32 @!p0 $0x300, s31;
	s31 =	sand.u32 $0x70, s28  }
0x2a1: {  	v0 =	vor.u32 s31, v63;
	[tilespmem:s5], [sflag:$0x4] =	stream.indirect.gather @!p0 [hbm4b:s4+s1], $0x40, s0, s1, $0xb8;
	[tilespmem:$0x16400] =	vst v63  }
0x2a2: {  	s0 =	sand.u32 $0x30, s28;
	v25 =	vshll.u32 v0, $0x6;
	v0 =	vand.u32 $0x78, v0  }
0x2a3: {  	v1 =	vor.u32 s0, v63;
	v2 =	vor.u32 s0, v3;
	v24 =	vor.u32 s0, v11  }
0x2a4: {  	v27 =	vor.u32 v16, v25;
	v29 =	vor.u32 v19, v25;
	v30 =	vor.u32 s0, v4  }
0x2a5: {  	v31 =	vor.u32 s0, v5;
	v33 =	vor.u32 v21, v25;
	v35 =	vor.u32 s0, v18  }
0x2a6: {  	v36 =	vor.u32 s0, v8;
	v37 =	vor.u32 s0, v10;
	v58 =	vor.u32 s0, v7  }
0x2a7: {  	v40 =	vor.u32 v23, v25;
	v44 =	vor.u32 s0, v17;
	v45 =	vor.u32 v20, v25  }
0x2a8: {  	v46 =	vor.u32 s0, v6;
	v60 =	vor.u32 s0, v14;
	v49 =	vor.u32 s0, v9  }
0x2a9: {  	v50 =	vor.u32 s0, v12;
	v51 =	vor.u32 s0, v13;
	v54 =	vor.u32 v61, v25  }
0x2aa: {  	v55 =	vor.u32 v62, v25;
	v26 =	vand.u32 $0x38, v1;
	v28 =	vshll.u32 v24, $0x7  }
0x2ab: {  	v1 =	vshll.u32 v1, $0x7;
	v24 =	vand.u32 $0x38, v24;
	v56 =	vand.u32 $0x38, v31  }
0x2ac: {  	v34 =	vshll.u32 v2, $0x7;
	v2 =	vand.u32 $0x38, v2;
	v57 =	vand.u32 $0x38, v30  }
0x2ad: {  	v41 =	vshll.u32 v37, $0x7;
	v59 =	vand.u32 $0x38, v58;
	v43 =	vand.u32 $0x38, v35  }
0x2ae: {  	v48 =	vshll.u32 v44, $0x7;
	v52 =	vand.u32 $0x38, v50;
	v53 =	vshll.u32 v49, $0x7  }
0x2af: {  	_ =	swait.ge @p1 [sflag:s25], $0x2000;
	v49 =	vand.u32 $0x38, v49;
	v50 =	vshll.u32 v50, $0x7;
	v39 =	vshll.u32 v58, $0x7  }
0x2b0: {  	[sflag:s25] =	ssyncset.done @p1 $0x0;
	v31 =	vshll.u32 v31, $0x7;
	v30 =	vshll.u32 v30, $0x7;
	v32 =	vor.u32 v56, v33  }
0x2b1: {  	v37 =	vand.u32 $0x38, v37;
	v35 =	vshll.u32 v35, $0x7;
	[sflag:s25] =	ssyncadd.s32 @p1 $0xFFFFE000;
	v2 =	vor.u32 v2, v29  }
0x2b2: {  	v26 =	vor.u32 v26, v27;
	v42 =	vor.u32 v59, v40;
	v38 =	vor.u32 v57, v45;
	_ =	swait.ge [sflag:s23], $0x2000  }
0x2b3: {  	v56 =	vshll.u32 v60, $0x7;
	v57 =	vand.u32 $0x38, v36;
	v49 =	vor.u32 v49, v55;
	[sflag:s23] =	ssyncset.done $0x0  }
0x2b4: {  	v36 =	vshll.u32 v36, $0x7;
	v29 =	vor.u32 v24, v29;
	v47 =	vor.u32 v57, v54;
	[sflag:s23] =	ssyncadd.s32 $0xFFFFE000  }
0x2b5: {  	v59 =	vand.u32 $0x38, v51;
	v34 =	vor.u32 v0, v34;
	v61 =	vor.u32 v0, v39;
	v32 =	vld.idx.msk [tilespmem:v32+s16+$0x0], $0xffff  }
0x2b6: {  	v53 =	vor.u32 v0, v53;
	v27 =	vor.u32 v37, v27;
	v1 =	vor.u32 v0, v1;
	v2 =	vld.idx.msk [tilespmem:v2+s16+$0x0], $0xffff  }
0x2b7: {  	v30 =	vor.u32 v0, v30;
	v50 =	vor.u32 v0, v50;
	v57 =	vshll.u32 v46, $0x7;
	v24 =	vld.idx.msk [tilespmem:v38+s16+$0x0], $0xffff  }
0x2b8: {  	v46 =	vand.u32 $0x38, v46;
	v62 =	vor.u32 v0, v36;
	v33 =	vor.u32 v59, v33;
	v42 =	vld.idx.msk [tilespmem:v42+s16+$0x0], $0xffff  }
0x2b9: {  	v59 =	vshll.u32 v51, $0x7;
	v1 =	vor.u32 v16, v1;
	v39 =	vld.idx.msk [tilespmem:v47+s16+$0x0], $0xffff;
	v47 =	vor.u32 v0, v41  }
0x2ba: {  	v38 =	vor.u32 s0, v15;
	v47 =	vor.u32 v16, v47;
	v58 =	vmul.f32 $8.000000000e+00, v32  }
0x2bb: {  	v26 =	vld.idx.msk [tilespmem:v26+s16+$0x0], $0xffff;
	v32 =	vand.u32 $0x38, v60;
	v60 =	vor.u32 v22, v25;
	v25 =	vand.u32 $0x38, v44  }
0x2bc: {  	v36 =	vld.idx.msk [tilespmem:v49+s16+$0x0], $0xffff;
	v49 =	vmul.f32 $8.000000000e+00, v24;
	v24 =	vor.u32 v0, v28;
	v28 =	vor.u32 v52, v45  }
0x2bd: {  	v2 =	vmul.f32 $8.000000000e+00, v2;
	v44 =	vor.u32 v46, v60;
	v46 =	vor.u32 v25, v54  }
0x2be: {  	v33 =	vld.idx.msk [tilespmem:v33+s16+$0x0], $0xffff;
	v54 =	vor.u32 v0, v31;
	v31 =	vand.u32 $0x38, v38;
	v25 =	vmul.f32 $8.000000000e+00, v42  }
0x2bf: {  	v29 =	vld.idx.msk [tilespmem:v29+s16+$0x0], $0xffff;
	v42 =	vor.u32 v43, v55;
	v24 =	vor.u32 v16, v24;
	v37 =	vor.u32 v32, v60  }
0x2c0: {  	v51 =	vld.idx.msk [tilespmem:v27+s16+$0x0], $0xffff;
	v60 =	vmul.f32 $8.000000000e+00, v26;
	v32 =	vor.u32 v31, v40;
	v31 =	vshll.u32 v38, $0x7  }
0x2c1: {  	v40 =	vor.u32 v0, v56;
	v54 =	vor.u32 v16, v54;
	v41 =	vor.u32 v0, v31;
	v45 =	vld.idx.msk [tilespmem:v28+s16+$0x0], $0xffff  }
0x2c2: {  	v31 =	vor.u32 v0, v59;
	v43 =	vld.idx.msk [tilespmem:v44+s16+$0x0], $0xffff;
	v44 =	vor.u32 v0, v48;
	v48 =	vor.u32 v16, v34  }
0x2c3: {  	v59 =	vor.u32 v16, v30;
	v30 =	vmul.f32 $8.000000000e+00, v33;
	v27 =	vor.u32 v16, v41;
	v52 =	vld.idx.msk [tilespmem:v46+s16+$0x0], $0xffff  }
0x2c4: {  	v28 =	vor.u32 v0, v35;
	v35 =	vmul.f32 $8.000000000e+00, v36;
	v34 =	vmul.f32 $8.000000000e+00, v39;
	v39 =	vld.idx.msk [tilespmem:v37+s16+$0x0], $0xffff  }
0x2c5: {  	v0 =	vor.u32 v0, v57;
	v26 =	vor.u32 v16, v28;
	v36 =	vld.idx.msk [tilespmem:v42+s16+$0x0], $0xffff;
	v28 =	vor.u32 v16, v40  }
0x2c6: {  	v42 =	vor.u32 v16, v61;
	v32 =	vld.idx.msk [tilespmem:v32+s16+$0x0], $0xffff;
	v41 =	vor.u32 v16, v0;
	[tilespmem:v1+s24+$0x0] =	vst.idx.msk $0xffff, v60  }
0x2c7: {  	v37 =	vmul.f32 $8.000000000e+00, v29;
	v40 =	vor.u32 v16, v50;
	v29 =	vor.u32 v16, v44;
	[tilespmem:v48+s24+$0x0] =	vst.idx.msk $0xffff, v2  }
0x2c8: {  	v61 =	vld [tilespmem:$0x1FFE0];
	v38 =	vmul.f32 $8.000000000e+00, v45;
	v46 =	vmul.f32 $8.000000000e+00, v43;
	v43 =	vor.u32 v16, v62;
	[tilespmem:v59+s24+$0x0] =	vst.idx.msk $0xffff, v49  }
0x2c9: {  	s5 =	simm.s32 $0x10;
	s0 =	simm.s32 $0x4;
	v44 =	vor.u32 v16, v53;
	v45 =	vmul.f32 $8.000000000e+00, v51;
	v62 =	vld [tilespmem:$0x1FFF0];
	v33 =	vmul.f32 $8.000000000e+00, v52;
	[tilespmem:v54+s24+$0x0] =	vst.idx.msk $0xffff, v58  }
.LBB2_9:
0x2ca: {  	s28 =	smov.u32 s5  }
0x2cb: {  	s6 =	sand.u32 $0x70, s0;
	s1 =	sand.u32 $0x30, s5;
	v0 =	vmul.f32 $8.000000000e+00, v39;
	v1 =	vmul.f32 $8.000000000e+00, v32;
	[tilespmem:v41+s24+$0x0] =	vst.idx.msk $0xffff, v46;
	v2 =	vor.u32 v16, v31;
	s28 =	sadd.s32 $0x10, s5  }
0x2cc: {  	p0 =	sne.s32 s5, $0x1F0;
	v36 =	vmul.f32 $8.000000000e+00, v36;
	v31 =	vor.u32 s6, v63;
	v32 =	vor.u32 s1, v63;
	[tilespmem:v42+s24+$0x0] =	vst.idx.msk $0xffff, v25  }
0x2cd: {  	v39 =	vor.u32 s1, v11;
	v25 =	vor.u32 s1, v3;
	v41 =	vshll.u32 v31, $0x6;
	[tilespmem:v43+s24+$0x0] =	vst.idx.msk $0xffff, v34  }
0x2ce: {  	v34 =	vand.u32 $0x38, v32;
	v42 =	vor.u32 v16, v41;
	v43 =	vshll.u32 v39, $0x7;
	[tilespmem:v44+s24+$0x0] =	vst.idx.msk $0xffff, v35  }
0x2cf: {  	v32 =	vshll.u32 v32, $0x7;
	v34 =	vor.u32 v34, v42;
	v35 =	vor.u32 v19, v41;
	[tilespmem:v47+s24+$0x0] =	vst.idx.msk $0xffff, v45  }
0x2d0: {  	v39 =	vand.u32 $0x38, v39;
	v44 =	vor.u32 s1, v4;
	v45 =	vor.u32 s1, v5;
	[tilespmem:v24+s24+$0x0] =	vst.idx.msk $0xffff, v37  }
0x2d1: {  	v46 =	vshll.u32 v25, $0x7;
	v24 =	vand.u32 $0x38, v45;
	v37 =	vor.u32 v21, v41;
	[tilespmem:v40+s24+$0x0] =	vst.idx.msk $0xffff, v38  }
0x2d2: {  	v25 =	vand.u32 $0x38, v25;
	v38 =	vor.u32 s1, v18;
	v24 =	vor.u32 v24, v37;
	[tilespmem:v2+s24+$0x0] =	vst.idx.msk $0xffff, v30  }
0x2d3: {  	v40 =	vand.u32 $0x38, v44;
	v2 =	vor.u32 s1, v8;
	v30 =	vor.u32 s1, v10;
	[tilespmem:v28+s24+$0x0] =	vst.idx.msk $0xffff, v0  }
0x2d4: {  	v0 =	vor.u32 s1, v7;
	v28 =	vor.u32 v23, v41;
	v47 =	vshll.u32 v30, $0x7;
	[tilespmem:v27+s24+$0x0] =	vst.idx.msk $0xffff, v1  }
0x2d5: {  	v1 =	vor.u32 v25, v35;
	v25 =	vand.u32 $0x38, v0;
	v27 =	vand.u32 $0x38, v38;
	[tilespmem:v29+s24+$0x0] =	vst.idx.msk $0xffff, v33  }
0x2d6: {  	v29 =	vor.u32 s1, v17;
	v33 =	vor.u32 v20, v41;
	v25 =	vor.u32 v25, v28;
	[tilespmem:v26+s24+$0x0] =	vst.idx.msk $0xffff, v36  }
0x2d7: {  	v26 =	vor.u32 s1, v6;
	v36 =	vor.u32 s1, v14;
	v48 =	vshll.u32 v29, $0x7;
	v24 =	vld.idx.msk [tilespmem:v24+s16+$0x0], $0xffff  }
0x2d8: {  	v49 =	vor.u32 s1, v9;
	v50 =	vor.u32 s1, v12;
	v51 =	vor.u32 s1, v13  }
0x2d9: {  	v52 =	vand.u32 $0x38, v50;
	v53 =	vshll.u32 v49, $0x7;
	v40 =	vor.u32 v40, v33  }
0x2da: {  	v49 =	vand.u32 $0x38, v49;
	v50 =	vshll.u32 v50, $0x7;
	v54 =	vor.u32 v61, v41;
	v1 =	vld.idx.msk [tilespmem:v1+s16+$0x0], $0xffff  }
0x2db: {  	v55 =	vor.u32 v62, v41;
	v0 =	vshll.u32 v0, $0x7;
	v56 =	vshll.u32 v36, $0x7  }
0x2dc: {  	v49 =	vor.u32 v49, v55;
	v45 =	vshll.u32 v45, $0x7;
	v57 =	vand.u32 $0x38, v2;
	v25 =	vld.idx.msk [tilespmem:v25+s16+$0x0], $0xffff  }
0x2dd: {  	v2 =	vshll.u32 v2, $0x7;
	v36 =	vand.u32 $0x38, v36;
	v58 =	vmul.f32 $8.000000000e+00, v24  }
0x2de: {  	v35 =	vor.u32 v39, v35;
	v39 =	vand.u32 $0x78, v31;
	v31 =	vshll.u32 v44, $0x7;
	v24 =	vld.idx.msk [tilespmem:v40+s16+$0x0], $0xffff  }
0x2df: {  	v44 =	vor.u32 v57, v54;
	v57 =	vshll.u32 v26, $0x7;
	v40 =	vor.u32 s1, v15  }
0x2e0: {  	v59 =	vand.u32 $0x38, v51;
	v26 =	vand.u32 $0x38, v26;
	v1 =	vmul.f32 $8.000000000e+00, v1  }
0x2e1: {  	v41 =	vor.u32 v22, v41;
	v46 =	vor.u32 v39, v46;
	v29 =	vand.u32 $0x38, v29  }
0x2e2: {  	v45 =	vor.u32 v39, v45;
	v29 =	vor.u32 v29, v54;
	v26 =	vor.u32 v26, v41;
	v49 =	vld.idx.msk [tilespmem:v49+s16+$0x0], $0xffff  }
0x2e3: {  	v0 =	vor.u32 v39, v0;
	v2 =	vor.u32 v39, v2;
	v54 =	vand.u32 $0x38, v40  }
0x2e4: {  	v30 =	vand.u32 $0x38, v30;
	v53 =	vor.u32 v39, v53;
	v60 =	vmul.f32 $8.000000000e+00, v24  }
0x2e5: {  	v37 =	vor.u32 v59, v37;
	v25 =	vmul.f32 $8.000000000e+00, v25;
	v24 =	vor.u32 v39, v43;
	v44 =	vld.idx.msk [tilespmem:v44+s16+$0x0], $0xffff  }
0x2e6: {  	v33 =	vor.u32 v52, v33;
	v43 =	vor.u32 v27, v55;
	v24 =	vor.u32 v16, v24;
	v34 =	vld.idx.msk [tilespmem:v34+s16+$0x0], $0xffff  }
0x2e7: {  	v28 =	vor.u32 v54, v28;
	v27 =	vor.u32 v36, v41;
	v52 =	vld.idx.msk [tilespmem:v26+s16+$0x0], $0xffff;
	v26 =	vor.u32 v30, v42  }
0x2e8: {  	v47 =	vor.u32 v39, v47;
	v30 =	vor.u32 v39, v56;
	v54 =	vld.idx.msk [tilespmem:v35+s16+$0x0], $0xffff;
	v35 =	vshll.u32 v38, $0x7  }
0x2e9: {  	v36 =	vor.u32 v39, v31;
	v31 =	vshll.u32 v40, $0x7;
	v55 =	vld.idx.msk [tilespmem:v29+s16+$0x0], $0xffff;
	v29 =	vor.u32 v39, v32  }
0x2ea: {  	v40 =	vor.u32 v39, v48;
	v38 =	vor.u32 v39, v31;
	v32 =	vshll.u32 v51, $0x7;
	v37 =	vld.idx.msk [tilespmem:v37+s16+$0x0], $0xffff  }
0x2eb: {  	v35 =	vor.u32 v39, v35;
	v29 =	vor.u32 v16, v29;
	v31 =	vor.u32 v39, v32;
	v33 =	vld.idx.msk [tilespmem:v33+s16+$0x0], $0xffff  }
0x2ec: {  	v50 =	vor.u32 v39, v50;
	v48 =	vor.u32 v16, v46;
	v42 =	vmul.f32 $8.000000000e+00, v34;
	v32 =	vld.idx.msk [tilespmem:v28+s16+$0x0], $0xffff  }
0x2ed: {  	v56 =	vor.u32 v16, v36;
	v28 =	vor.u32 v39, v57;
	v51 =	vld.idx.msk [tilespmem:v26+s16+$0x0], $0xffff;
	v26 =	vor.u32 v16, v35  }
0x2ee: {  	v34 =	vmul.f32 $8.000000000e+00, v44;
	v57 =	vor.u32 v16, v45;
	v39 =	vld.idx.msk [tilespmem:v27+s16+$0x0], $0xffff;
	v27 =	vor.u32 v16, v38  }
.Ltmp3:
0x2ef: {  	v35 =	vmul.f32 $8.000000000e+00, v49;
	v41 =	vor.u32 v16, v28;
	v28 =	vor.u32 v16, v30;
	v36 =	vld.idx.msk [tilespmem:v43+s16+$0x0], $0xffff;
	(pc) =	sbr.rel @p0 .LBB2_9-.Ltmp3, $4  }
0x2f0: {  	v46 =	vmul.f32 $8.000000000e+00, v52;
	v30 =	vmul.f32 $8.000000000e+00, v37;
	[tilespmem:v29+s24+$0x0] =	vst.idx.msk $0xffff, v42;
	v42 =	vor.u32 v16, v0  }
0x2f1: {  	v37 =	vmul.f32 $8.000000000e+00, v54;
	v43 =	vor.u32 v16, v2;
	v29 =	vor.u32 v16, v40;
	[tilespmem:v48+s24+$0x0] =	vst.idx.msk $0xffff, v1  }
0x2f2: {  	v44 =	vor.u32 v16, v53;
	v38 =	vmul.f32 $8.000000000e+00, v33;
	v40 =	vor.u32 v16, v50;
	[tilespmem:v56+s24+$0x0] =	vst.idx.msk $0xffff, v60  }
0x2f3: {  	s0 =	sadd.s32 $0x4, s0;
	s5 =	smov.u32 s28;
	v47 =	vor.u32 v16, v47;
	v33 =	vmul.f32 $8.000000000e+00, v55;
	v45 =	vmul.f32 $8.000000000e+00, v51;
	[tilespmem:v57+s24+$0x0] =	vst.idx.msk $0xffff, v58  }
0x2f4: {  	_ =	sdelay $0x3  }
0x2f5: {  	[tilespmem:v41+s24+$0x0] =	vst.idx.msk $0xffff, v46  }
0x2f6: {  	[tilespmem:v42+s24+$0x0] =	vst.idx.msk $0xffff, v25  }
0x2f7: {  	v0 =	vor.u32 v16, v31;
	[tilespmem:v43+s24+$0x0] =	vst.idx.msk $0xffff, v34  }
0x2f8: {  	[tilespmem:v44+s24+$0x0] =	vst.idx.msk $0xffff, v35  }
0x2f9: {  	[tilespmem:v47+s24+$0x0] =	vst.idx.msk $0xffff, v45  }
0x2fa: {  	[tilespmem:v24+s24+$0x0] =	vst.idx.msk $0xffff, v37  }
0x2fb: {  	v1 =	vmul.f32 $8.000000000e+00, v39;
	[tilespmem:v40+s24+$0x0] =	vst.idx.msk $0xffff, v38  }
0x2fc: {  	v2 =	vmul.f32 $8.000000000e+00, v32;
	[tilespmem:v0+s24+$0x0] =	vst.idx.msk $0xffff, v30  }
0x2fd: {  	[tilespmem:v28+s24+$0x0] =	vst.idx.msk $0xffff, v1  }
0x2fe: {  	s0 =	sor.u32 s10, s30;
	v0 =	vmul.f32 $8.000000000e+00, v36;
	[tilespmem:v27+s24+$0x0] =	vst.idx.msk $0xffff, v2  }
0x2ff: {  	s0 =	sshrl.u32 s0, $0x3;
	[tilespmem:v29+s24+$0x0] =	vst.idx.msk $0xffff, v33  }
0x300: {  	s5 =	simm.s32 $0x14800;
	s1 =	sadd.s32 s2, s0;
	s28 =	sor.u32 $0x4000, s0;
	[tilespmem:v26+s24+$0x0] =	vst.idx.msk $0xffff, v0  }
0x301: {  	[hbm4b:s1+s3] =	stream.linear.scatter [tilespmem:s24], [sflag:$0x9], $0x400, $0x38;
	[tilespmem:$0x16400] =	vst v63  }
0x302: {  	s31 =	simm.s32 $0x14C00;
	s30 =	sor.u32 $0x8000, s0;
	s1 =	sadd.s32 s2, s28  }
0x303: {  	[hbm4b:s1+s3] =	stream.linear.scatter [tilespmem:s5], [sflag:$0x9], $0x400, $0x38;
	[tilespmem:$0x16400] =	vst v63  }
0x304: {  	s12 =	sadd.s32 $0x1, s12;
	s6 =	sor.u32 $0xC000, s0;
	s1 =	sadd.s32 s2, s30  }
0x305: {  	[hbm4b:s1+s3] =	stream.linear.scatter [tilespmem:s31], [sflag:$0x9], $0x400, $0x38;
	[tilespmem:$0x16400] =	vst v63  }
0x306: {  	s28 =	simm.s32 $0x15000;
	s30 =	sor.u32 $0x10000, s0;
	s1 =	sadd.s32 s2, s6  }
0x307: {  	[hbm4b:s1+s3] =	stream.linear.scatter [tilespmem:s28], [sflag:$0x9], $0x400, $0x38;
	[tilespmem:$0x16400] =	vst v63  }
0x308: {  	s5 =	sor.u32 $0x14000, s0;
	s31 =	simm.s32 $0x15400;
	s1 =	sadd.s32 s2, s30  }
0x309: {  	[hbm4b:s1+s3] =	stream.linear.scatter [tilespmem:s31], [sflag:$0x9], $0x400, $0x38;
	[tilespmem:$0x16400] =	vst v63  }
0x30a: {  	p0 =	sne.s32 s12, $0x32;
	s6 =	simm.s32 $0x15800;
	s1 =	sadd.s32 s2, s5  }
0x30b: {  	[hbm4b:s1+s3] =	stream.linear.scatter [tilespmem:s6], [sflag:$0x9], $0x400, $0x38;
	[tilespmem:$0x16400] =	vst v63  }
.Ltmp4:
0x30c: {  	s28 =	sor.u32 $0x18000, s0;
	(pc) =	sbr.rel @p0 .LBB2_2-.Ltmp4, $4  }
0x30d: {  	s30 =	simm.s32 $0x15C00;
	s0 =	sor.u32 $0x1C000, s0;
	s1 =	sadd.s32 s2, s28  }
0x30e: {  	[hbm4b:s1+s3] =	stream.linear.scatter [tilespmem:s30], [sflag:$0x9], $0x400, $0x38;
	[tilespmem:$0x16400] =	vst v63  }
0x30f: {  	s0 =	sadd.s32 s2, s0;
	s31 =	simm.s32 $0x16000  }
0x310: {  	[hbm4b:s0+s3] =	stream.linear.scatter [tilespmem:s31], [sflag:$0x9], $0x400, $0x38;
	[tilespmem:$0x16400] =	vst v63  }
0x311: {  	s0 =	simm.s32 $0x6  }
0x312: {  	_ =	swait.ge [sflag:s0], $0x2000  }
0x313: {  	[sflag:s0] =	ssyncset.done $0x0  }
0x314: {  	[sflag:s0] =	ssyncadd.s32 $0xFFFFE000  }
0x315: {  	_ =	swait.ge [sflag:s21], $0x2000  }
0x316: {  	[sflag:s21] =	ssyncset.done $0x0  }
0x317: {  	[sflag:s21] =	ssyncadd.s32 $0xFFFFE000  }
0x318: {  	_ =	swait.ge [sflag:s22], $0x2000  }
0x319: {  	[sflag:s22] =	ssyncset.done $0x0  }
0x31a: {  	[sflag:s22] =	ssyncadd.s32 $0xFFFFE000  }
0x31b: {  	_ =	swait.ge [sflag:s25], $0x2000  }
0x31c: {  	s1 =	sld [smem:$0x7E0]  }
0x31d: {  	s31 =	sld [smem:$0x7F6];
	_ =	sdelay $0x1  }
0x31e: {  	s1 =	sadd.s32 $0x1, s1  }
0x31f: {  	p0 =	sne.s32 s1, s31  }
.Ltmp5:
0x320: {  	_ = 	snop;
	(pc) =	sbr.rel @p0 .LBB2_1-.Ltmp5, $3  }
0x321: {  	_ =	sdelay $0x1  }
0x322: {  	[sflag:s25] =	ssyncset.done $0x0  }
0x323: {  	[sflag:s25] =	ssyncadd.s32 $0xFFFFE000  }
0x324: {  	_ =	sfence.sel $0x180000  }
0x325: {  	[bflag:$0x0] =	sbarrier.arrive $0xFFFF  }
0x326: {  	_ =	strace $0x90000047  }
0x327: {  	s0 =	stileid.u32;
	[bflag:$0x2] =	sbarrier.arrive $0xFFFF  }
0x328: {  	p0 =	sne.s32 s0, $0x0;
	s0 =	rddreg [dreg:$0x2]  }
0x329: {  	s0 =	sadd.s32 @!p0 $0x100000, s0  }
0x32a: {  	[sflag:s0] =	ssyncadd.tile.s32 @!p0 $0x1;
	_ =	shalt  }
.Lfunc_end2:
_tile_overlayer_lowered:
.L_overlay_start_2:
0x32b: {  	(tag) =	ssettag $0x2  }
0x32c: {  	s0 =	rddreg [dreg:$0x0];
	s2 =	stileid.u32  }
0x32d: {  	s1 =	rddreg [dreg:$0x1];
	p0 =	sne.s32 s2, $0x0  }
0x32e: {  	s3 =	rddreg [dreg:$0x2];
	[bflag:$0x3] =	sbarrier.arrive $0xFFFF;
	s2 =	simm.s32 @!p0 $0x1C0A  }
0x32f: {  	[timem:s3], [sflag:s2] =	dma.local @!p0 [hbm:s0], s1  }
0x330: {  	s0 =	simm.s32 @!p0 $0xA  }
0x331: {  	_ =	swait.ge @!p0 [sflag:s0], s1  }
0x332: {  	s1 =	ssub.s32 @!p0 $0x0, s1;
	[sflag:s0] =	ssyncset.done @!p0 $0x0  }
0x333: {  	[sflag:s0] =	ssyncadd.s32 @!p0 s1  }
0x334: {  	[bflag:$0x3] =	sbarrier.arrive $0xFFFF  }
0x335: {  	_ =	shalt  }

</sc_bundles>
